<compile_context>
chip_gen: v7x
topology: tpu7x:2x2x1
jax: 0.10.2.dev20260603
libtpu: 0.0.44.dev20260713+nightly
codegen_flags: <defaults>
</compile_context>

<pallas_src>
import math

import jax
import jax.numpy as jnp
from jax import lax
from jax.experimental import pallas as pl
from jax.experimental.pallas import tpu as pltpu
from jax.experimental.pallas import tpu_sc as plsc

NN, EE, NB, HH, AA = 10000, 320000, 16, 128, 100
NC, NS = 2, 16
NW = NC * NS
EPW = EE // NW
CH = 80
NCHUNK = EPW // CH
NPAD = 10240
RPT = NPAD // NS
RB = 1000
NRB = NN // RB

F32 = jnp.float32


def _dot(a, b):
    return lax.dot_general(a, b, (((1,), (0,)), ((), ())),
                           precision=lax.Precision.HIGHEST,
                           preferred_element_type=F32)


def _silu(x):
    return x * jax.nn.sigmoid(x)



_SC_CACHE = {}


def _sc_mesh():
    if "mesh" not in _SC_CACHE:
        _SC_CACHE["mesh"] = plsc.VectorSubcoreMesh(
            core_axis_name="c", subcore_axis_name="s",
            num_cores=NC, num_subcores=NS)
    return _SC_CACHE["mesh"]


def _prep_body(pos4h, colh, rowh, disth, cnth,
               icol, irow, posv, dbuf, cntv):
    c = lax.axis_index("c")
    s = lax.axis_index("s")
    w = c * NS + s
    zeros16 = jnp.zeros((16,), F32)
    ones16 = jnp.ones((16,), F32)

    pltpu.sync_copy(pos4h, posv)

    def zc(i, carry):
        for k in range(HH // 16):
            cntv[i, pl.ds(k * 16, 16)] = zeros16
        return carry
    lax.fori_loop(0, NPAD // 128, zc, 0)

    ebase = w * EPW

    def gat(iv, comp):
        t = (iv << 2) + comp
        return plsc.load_gather(posv, [t >> 7, t & 127])

    def chunk(g, carry):
        b = ebase + g * CH
        pltpu.sync_copy(colh.at[pl.ds(b, CH)], icol)
        pltpu.sync_copy(rowh.at[pl.ds(b, CH)], irow)
        for k in range(CH // 16):
            sl = pl.ds(k * 16, 16)
            ir = irow[sl]
            ic = icol[sl]
            dx = gat(ir, 0) - gat(ic, 0)
            dy = gat(ir, 1) - gat(ic, 1)
            dz = gat(ir, 2) - gat(ic, 2)
            v = dx * dx + dy * dy + dz * dz
            y = plsc.bitcast(v, jnp.int32)
            y = 0x5F3759DF - (y >> 1)
            r = plsc.bitcast(y, F32)
            for _ in range(3):
                r = r * (1.5 - 0.5 * v * r * r)
            dbuf[sl] = v * r
            plsc.addupdate_scatter(cntv, [ic >> 7, ic & 127], ones16)
        pltpu.sync_copy(dbuf, disth.at[pl.ds(b, CH)])
        return carry
    lax.fori_loop(0, NCHUNK, chunk, 0)
    pltpu.sync_copy(cntv, cnth.at[w])


def _prep_call(*args):
    if "prep" not in _SC_CACHE:
        _SC_CACHE["prep"] = pl.kernel(
            _prep_body,
            out_type=(jax.ShapeDtypeStruct((EE,), F32),
                      jax.ShapeDtypeStruct((NW, NPAD // 128, 128), F32)),
            mesh=_sc_mesh(),
            compiler_params=pltpu.CompilerParams(needs_layout_passes=False),
            scratch_types=[
                pltpu.VMEM((CH,), jnp.int32),
                pltpu.VMEM((CH,), jnp.int32),
                pltpu.VMEM((NPAD * 4 // 128, 128), F32),
                pltpu.VMEM((CH,), F32),
                pltpu.VMEM((NPAD // 128, 128), F32),
            ],
        )
    return _SC_CACHE["prep"](*args)


def _edge_body(pih, pjh, colh, rowh, disth, w1ch, outh,
               icol, irow, dvec, piB, pjB, w1cv, zbuf, S_sh, sem1, sem2):
    c = lax.axis_index("c")
    s = lax.axis_index("s")
    w = c * NS + s
    zeros16 = jnp.zeros((16,), F32)
    pltpu.sync_copy(w1ch, w1cv)

    def zb(i, carry):
        for k in range(HH // 16):
            zbuf[i, pl.ds(k * 16, 16)] = zeros16
        return carry
    lax.fori_loop(0, 128, zb, 0)
    for t in range(RPT // 128):
        pltpu.sync_copy(zbuf, S_sh.at[pl.ds(s * RPT + t * 128, 128)])
    plsc.subcore_barrier()

    ebase = w * EPW

    def chunk(g, carry):
        b = ebase + g * CH
        pltpu.sync_copy(colh.at[pl.ds(b, CH)], icol)
        pltpu.sync_copy(rowh.at[pl.ds(b, CH)], irow)
        pltpu.sync_copy(disth.at[pl.ds(b, CH)], dvec.at[pl.ds(0, CH)])
        cp1 = pltpu.async_copy(pih.at[icol], piB, sem1)
        cp2 = pltpu.async_copy(pjh.at[irow], pjB, sem2)
        cp1.wait()
        cp2.wait()

        def edge(e, cc):
            sv = jnp.full((16,), dvec[pl.ds(e, 16)][0], F32)
            for k in range(HH // 16):
                sl = pl.ds(k * 16, 16)
                a = piB[e, sl] + pjB[e, sl] + sv * w1cv[sl]
                piB[e, sl] = a / (1.0 + jnp.exp(-a))
            return cc
        lax.fori_loop(0, CH, edge, 0)
        pltpu.sync_copy(piB, S_sh.at[icol], add=True)
        return carry
    lax.fori_loop(0, NCHUNK, chunk, 0)
    plsc.subcore_barrier()
    pltpu.sync_copy(S_sh.at[pl.ds(s * RPT, RPT)],
                    outh.at[c, pl.ds(s * RPT, RPT)])


def _edge_call(*args):
    if "edge" not in _SC_CACHE:
        _SC_CACHE["edge"] = pl.kernel(
            _edge_body,
            out_type=jax.ShapeDtypeStruct((NC, NPAD, HH), F32),
            mesh=_sc_mesh(),
            compiler_params=pltpu.CompilerParams(needs_layout_passes=False),
            scratch_types=[
                pltpu.VMEM((CH,), jnp.int32),
                pltpu.VMEM((CH,), jnp.int32),
                pltpu.VMEM((CH + 16,), F32),
                pltpu.VMEM((CH, HH), F32),
                pltpu.VMEM((CH, HH), F32),
                pltpu.VMEM((HH,), F32),
                pltpu.VMEM((128, HH), F32),
                pltpu.VMEM_SHARED((NPAD, HH), F32),
                pltpu.SemaphoreType.DMA,
                pltpu.SemaphoreType.DMA,
            ],
        )
    return _SC_CACHE["edge"](*args)



def _tp_body(ts, cond, tw1, tb1, tw2, tb2, cw1, cb1, cw2, cb2,
             w10, b10, w20, b20, w11, b11, w21, b21, tp0, tp1):
    t = ts[...].astype(F32)
    half = HH // 2
    k = lax.broadcasted_iota(jnp.int32, (1, half), 1).astype(F32)
    freq = jnp.exp(k * (-(math.log(10000.0) / (half - 1))))
    te = t * freq
    te = jnp.concatenate([jnp.sin(te), jnp.cos(te)], axis=-1)
    te = _dot(_silu(_dot(te, tw1[...]) + tb1[...]), tw2[...]) + tb2[...]
    ce = _dot(_silu(_dot(cond[...], cw1[...]) + cb1[...]), cw2[...]) + cb2[...]
    te = te + ce
    tp0[...] = _dot(_silu(_dot(te, w10[...]) + b10[...]), w20[...]) + b20[...]
    tp1[...] = _dot(_silu(_dot(te, w11[...]) + b11[...]), w21[...]) + b21[...]


def _embed_body(xr, br, emb, tp0, w1aT, b1e, w1bT, ho, pio, pjo):
    oh = (xr[...] == lax.broadcasted_iota(jnp.int32, (RB, AA), 1)).astype(F32)
    h = _dot(oh, emb[...])
    ohb = (br[...] == lax.broadcasted_iota(jnp.int32, (RB, NB), 1)).astype(F32)
    h = h + _dot(ohb, tp0[...])
    ho[...] = h
    pio[...] = _dot(h, w1aT[...]) + b1e[...]
    pjo[...] = _dot(h, w1bT[...])


def _make_node_mid(has_tp):
    def body(hr, s0, s1, r1, r2, w2T, b2e, nw1T, nb1, nw2T, nb2,
             lng, lnb, *rest):
        if has_tp:
            tpn, br, w1aT, b1e, w1bT, ho, pio, pjo = rest
        else:
            w1aT, b1e, w1bT, ho, pio, pjo = rest
        h = hr[...]
        S = s0[...] + s1[...]
        agg = _dot(S, w2T[...]) * r1[...] + r2[...] * b2e[...]
        t1 = _silu(_dot(h, nw1T[...]) + nb1[...])
        hm = _dot(t1, nw2T[...]) + nb2[...]
        u = h + hm + agg
        m = u.mean(-1, keepdims=True)
        v = ((u - m) ** 2).mean(-1, keepdims=True)
        hO = (u - m) / jnp.sqrt(v + 1e-5) * lng[...] + lnb[...]
        if has_tp:
            ohb = (br[...] == lax.broadcasted_iota(jnp.int32, (RB, NB), 1)
                   ).astype(F32)
            hO = hO + _dot(ohb, tpn[...])
        ho[...] = hO
        pio[...] = _dot(hO, w1aT[...]) + b1e[...]
        pjo[...] = _dot(hO, w1bT[...])
    return body


def _node_last_body(hr, s0, s1, r1, r2, w2T, b2e, nw1T, nb1, nw2T, nb2,
                    lng, lnb, aw1T, ab1, aw2T, ab2, cw1T, cb1, cw2T, cb2,
                    atom_o, coord_o):
    h = hr[...]
    S = s0[...] + s1[...]
    agg = _dot(S, w2T[...]) * r1[...] + r2[...] * b2e[...]
    t1 = _silu(_dot(h, nw1T[...]) + nb1[...])
    hm = _dot(t1, nw2T[...]) + nb2[...]
    u = h + hm + agg
    m = u.mean(-1, keepdims=True)
    v = ((u - m) ** 2).mean(-1, keepdims=True)
    hO = (u - m) / jnp.sqrt(v + 1e-5) * lng[...] + lnb[...]
    atom_o[...] = _dot(_silu(_dot(hO, aw1T[...]) + ab1[...]), aw2T[...]) + ab2[...]
    coord_o[...] = _dot(_silu(_dot(hO, cw1T[...]) + cb1[...]), cw2T[...]) + cb2[...]



_LAYERS = [(0, 0), (0, 1), (1, 0), (1, 1)]


def _rowspec():
    return pl.BlockSpec((RB, HH), lambda i: (i, 0))


def _colspec():
    return pl.BlockSpec((RB, 1), lambda i: (i, 0))


def _fullspec(a):
    nd = a.ndim
    return pl.BlockSpec(a.shape, lambda i: (0,) * nd)


def kernel(x, pos, edge_index, batch, timesteps, conditions, params):
    P = params
    col = edge_index[1].astype(jnp.int32)
    row = edge_index[0].astype(jnp.int32)
    x2 = x.astype(jnp.int32).reshape(NN, 1)
    bcol = batch.astype(jnp.int32).reshape(NN, 1)
    ts2 = timesteps.astype(jnp.int32).reshape(NB, 1)
    pos4 = jnp.concatenate([pos.astype(F32), jnp.zeros((NN, 1), F32)], axis=1)
    pos4 = jnp.concatenate([pos4, jnp.zeros((NPAD - NN, 4), F32)], axis=0)
    pos4 = pos4.reshape(NPAD * 4 // 128, 128)

    dist, cnt32 = _prep_call(pos4, col, row)
    cnt = cnt32.reshape(NW, NPAD)[:, :NN].sum(0)
    deg = jnp.maximum(cnt, 1.0)
    r1 = (1.0 / deg)[:, None]
    r2 = (cnt / deg)[:, None]

    tp_args = (
        ts2, conditions.astype(F32),
        P['time_w1'].T, P['time_b1'][None], P['time_w2'].T, P['time_b2'][None],
        P['cond_w1'].T, P['cond_b1'][None], P['cond_w2'].T, P['cond_b2'][None],
        P['b0_tp_w1'].T, P['b0_tp_b1'][None], P['b0_tp_w2'].T, P['b0_tp_b2'][None],
        P['b1_tp_w1'].T, P['b1_tp_b1'][None], P['b1_tp_w2'].T, P['b1_tp_b2'][None],
    )
    tp0, tp1 = pl.pallas_call(
        _tp_body,
        out_shape=(jax.ShapeDtypeStruct((NB, HH), F32),
                   jax.ShapeDtypeStruct((NB, HH), F32)),
    )(*tp_args)

    def edge_w(idx):
        bi, li = _LAYERS[idx]
        p = 'b%d_l%d_' % (bi, li)
        W1 = P[p + 'edge_w1']
        return (W1[:, :HH].T, P[p + 'edge_b1'][None], W1[:, HH:2 * HH].T,
                W1[:, 2 * HH])

    w1aT0, b1e0, w1bT0, _ = edge_w(0)
    emb = P['atom_emb']
    h, Pi, Pj = pl.pallas_call(
        _embed_body,
        grid=(NRB,),
        in_specs=[_colspec(), _colspec(), _fullspec(emb), _fullspec(tp0),
                  _fullspec(w1aT0), _fullspec(b1e0), _fullspec(w1bT0)],
        out_specs=[_rowspec()] * 3,
        out_shape=(jax.ShapeDtypeStruct((NN, HH), F32),) * 3,
    )(x2, bcol, emb, tp0, w1aT0, b1e0, w1bT0)

    atom = coord = None
    for idx, (bi, li) in enumerate(_LAYERS):
        p = 'b%d_l%d_' % (bi, li)
        w1c = edge_w(idx)[3]
        S2 = _edge_call(Pi, Pj, col, row, dist, w1c)
        common = [h, S2[0], S2[1], r1, r2,
                  P[p + 'edge_w2'].T, P[p + 'edge_b2'][None],
                  P[p + 'node_w1'].T, P[p + 'node_b1'][None],
                  P[p + 'node_w2'].T, P[p + 'node_b2'][None],
                  P[p + 'ln_g'][None], P[p + 'ln_b'][None]]
        cspecs = [_rowspec(), _rowspec(), _rowspec(), _colspec(), _colspec()] + \
                 [_fullspec(a) for a in common[5:]]
        if idx < 3:
            nbi, nli = _LAYERS[idx + 1]
            has_tp = (nbi == 1 and nli == 0)
            w1aTn, b1en, w1bTn, _ = edge_w(idx + 1)
            args = list(common)
            specs = list(cspecs)
            if has_tp:
                args += [tp1, bcol]
                specs += [_fullspec(tp1), _colspec()]
            args += [w1aTn, b1en, w1bTn]
            specs += [_fullspec(w1aTn), _fullspec(b1en), _fullspec(w1bTn)]
            h, Pi, Pj = pl.pallas_call(
                _make_node_mid(has_tp),
                grid=(NRB,),
                in_specs=specs,
                out_specs=[_rowspec()] * 3,
                out_shape=(jax.ShapeDtypeStruct((NN, HH), F32),) * 3,
            )(*args)
        else:
            head = [P['out_atom_w1'].T, P['out_atom_b1'][None],
                    P['out_atom_w2'].T, P['out_atom_b2'][None],
                    P['out_coord_w1'].T, P['out_coord_b1'][None],
                    P['out_coord_w2'].T, P['out_coord_b2'][None]]
            args = common + head
            specs = cspecs + [_fullspec(a) for a in head]
            atom, coord = pl.pallas_call(
                _node_last_body,
                grid=(NRB,),
                in_specs=specs,
                out_specs=[pl.BlockSpec((RB, AA), lambda i: (i, 0)),
                           pl.BlockSpec((RB, 3), lambda i: (i, 0))],
                out_shape=(jax.ShapeDtypeStruct((NN, AA), F32),
                           jax.ShapeDtypeStruct((NN, 3), F32)),
            )(*args)
    return (atom, coord)

# --- scband reference (transcript-rebuilt; emitter-appended) ---
"""Pipeline reference for scband-crystal-diffusion-model-83571473646096 (READ-ONLY COPY).

The authoritative reference and input builder live on the scoring server;
editing this copy changes nothing except your own understanding.
"""

import jax, jax.numpy as jnp
import numpy as np
import math

N, E, B, H, TD, A = 10000, 320000, 16, 128, 128, 100
NUM_BLOCKS, NUM_LAYERS = 2, 2

def _lin(x, w, b):
    return x @ w.T + b

def _silu(x):
    return x * jax.nn.sigmoid(x)

def _mlp(x, w1, b1, w2, b2):
    return _lin(_silu(_lin(x, w1, b1)), w2, b2)

def _ln(x, g, b):
    m = x.mean(-1, keepdims=True)
    v = ((x - m) ** 2).mean(-1, keepdims=True)
    return (x - m) / jnp.sqrt(v + 1e-5) * g + b

def setup_inputs(seed: int = 0) -> dict:
    key = jax.random.key(seed)
    ks = [jax.random.fold_in(key, i) for i in range(8)]
    x = jax.random.randint(ks[0], (N,), 0, A)
    pos = jax.random.normal(ks[1], (N, 3), dtype=jnp.float32)
    edge_index = jax.random.randint(ks[2], (2, E), 0, N)
    batch = jnp.sort(jax.random.randint(ks[3], (N,), 0, B))
    timesteps = jax.random.randint(ks[4], (B,), 0, 1000)
    conditions = jax.random.normal(ks[5], (B, 3), dtype=jnp.float32)
    params = {}
    cnt = [100]
    def mk(shape):
        cnt[0] += 1
        return jax.random.normal(jax.random.fold_in(key, cnt[0]), shape, dtype=jnp.float32) * 0.05
    params['atom_emb'] = mk((A, H))
    params['time_w1'] = mk((2 * TD, TD)); params['time_b1'] = mk((2 * TD,))
    params['time_w2'] = mk((TD, 2 * TD)); params['time_b2'] = mk((TD,))
    params['cond_w1'] = mk((H, 3)); params['cond_b1'] = mk((H,))
    params['cond_w2'] = mk((TD, H)); params['cond_b2'] = mk((TD,))
    for bi in range(NUM_BLOCKS):
        params['b%d_tp_w1' % bi] = mk((H, TD)); params['b%d_tp_b1' % bi] = mk((H,))
        params['b%d_tp_w2' % bi] = mk((H, H)); params['b%d_tp_b2' % bi] = mk((H,))
        for li in range(NUM_LAYERS):
            p = 'b%d_l%d_' % (bi, li)
            params[p + 'node_w1'] = mk((H, H)); params[p + 'node_b1'] = mk((H,))
            params[p + 'node_w2'] = mk((H, H)); params[p + 'node_b2'] = mk((H,))
            params[p + 'edge_w1'] = mk((H, 2 * H + 1)); params[p + 'edge_b1'] = mk((H,))
            params[p + 'edge_w2'] = mk((H, H)); params[p + 'edge_b2'] = mk((H,))
            params[p + 'ln_g'] = jnp.ones((H,), jnp.float32)
            params[p + 'ln_b'] = jnp.zeros((H,), jnp.float32)
    params['out_atom_w1'] = mk((H, H)); params['out_atom_b1'] = mk((H,))
    params['out_atom_w2'] = mk((A, H)); params['out_atom_b2'] = mk((A,))
    params['out_coord_w1'] = mk((H, H)); params['out_coord_b1'] = mk((H,))
    params['out_coord_w2'] = mk((3, H)); params['out_coord_b2'] = mk((3,))
    return {'x': x, 'pos': pos, 'edge_index': edge_index, 'batch': batch,
            'timesteps': timesteps, 'conditions': conditions, 'params': params}

def reference(x, pos, edge_index, batch, timesteps, conditions, params):
    P = params
    h = P['atom_emb'][x]
    # sinusoidal time embedding
    t = timesteps.astype(jnp.float32)
    half = TD // 2
    freq = jnp.exp(jnp.arange(half, dtype=jnp.float32) * (-(math.log(10000.0) / (half - 1))))
    te = t[:, None] * freq[None, :]
    te = jnp.concatenate([jnp.sin(te), jnp.cos(te)], axis=-1)
    te = _mlp(te, P['time_w1'], P['time_b1'], P['time_w2'], P['time_b2'])
    ce = _mlp(conditions, P['cond_w1'], P['cond_b1'], P['cond_w2'], P['cond_b2'])
    te = te + ce
    row = edge_index[0]  # source (j)
    col = edge_index[1]  # target (i), aggregation index
    n_nodes = h.shape[0]
    ones_e = jnp.ones((edge_index.shape[1],), jnp.float32)
    deg = jax.ops.segment_sum(ones_e, col, num_segments=n_nodes)
    deg = jnp.maximum(deg, 1.0)[:, None]
    for bi in range(NUM_BLOCKS):
        tp = _mlp(te, P['b%d_tp_w1' % bi], P['b%d_tp_b1' % bi], P['b%d_tp_w2' % bi], P['b%d_tp_b2' % bi])
        h = h + tp[batch]
        for li in range(NUM_LAYERS):
            p = 'b%d_l%d_' % (bi, li)
            rel = pos[row] - pos[col]
            dist = jnp.linalg.norm(rel, axis=-1, keepdims=True)
            x_i = h[col]
            x_j = h[row]
            msg_in = jnp.concatenate([x_i, x_j, dist], axis=-1)
            msg = _mlp(msg_in, P[p + 'edge_w1'], P[p + 'edge_b1'], P[p + 'edge_w2'], P[p + 'edge_b2'])
            agg = jax.ops.segment_sum(msg, col, num_segments=n_nodes) / deg
            h_new = _mlp(h, P[p + 'node_w1'], P[p + 'node_b1'], P[p + 'node_w2'], P[p + 'node_b2']) + agg
            h = _ln(h + h_new, P[p + 'ln_g'], P[p + 'ln_b'])
    atom_noise = _mlp(h, P['out_atom_w1'], P['out_atom_b1'], P['out_atom_w2'], P['out_atom_b2'])
    coord_noise = _mlp(h, P['out_coord_w1'], P['out_coord_b1'], P['out_coord_w2'], P['out_coord_b2'])
    return (atom_noise, coord_noise)

if False:  # reference __main__ guard neutralized (emitter)
    out = reference(**setup_inputs())
    print(out[0].shape, out[1].shape)

if __name__ == "__main__":
    import jax
    _d = setup_inputs()
    print(jax.jit(kernel)(*tuple(_d.values())))

</pallas_src>

<mosaic_0001>
#map = affine_map<(d0, d1) -> (0, 0)>
#map1 = affine_map<(d0, d1) -> (0)>
#map2 = affine_map<(d0, d1) -> (0, 0, 0)>
module attributes {stable_mosaic.version = 14 : i64} {
  func.func @_edge_body(%arg0: i32, %arg1: i32, %arg2: memref<10000x128xf32, #tpu.memory_space<hbm>>, %arg3: memref<10000x128xf32, #tpu.memory_space<hbm>>, %arg4: memref<320000xi32, #tpu.memory_space<hbm>>, %arg5: memref<320000xi32, #tpu.memory_space<hbm>>, %arg6: memref<320000xf32, #tpu.memory_space<hbm>>, %arg7: memref<128xf32, #tpu.memory_space<hbm>>, %arg8: memref<2x10240x128xf32, #tpu.memory_space<hbm>>, %arg9: memref<80xi32, #tpu.memory_space<vmem>>, %arg10: memref<80xi32, #tpu.memory_space<vmem>>, %arg11: memref<96xf32, #tpu.memory_space<vmem>>, %arg12: memref<80x128xf32, #tpu.memory_space<vmem>>, %arg13: memref<80x128xf32, #tpu.memory_space<vmem>>, %arg14: memref<128xf32, #tpu.memory_space<vmem>>, %arg15: memref<128x128xf32, #tpu.memory_space<vmem>>, %arg16: memref<10240x128xf32, #tpu.memory_space<vmem_shared>>, %arg17: memref<!tpu.dma_semaphore, #tpu.memory_space<semaphore_mem>>, %arg18: memref<!tpu.dma_semaphore, #tpu.memory_space<semaphore_mem>>) attributes {dimension_semantics = [#tpu.dimension_semantics<core_parallel>, #tpu.dimension_semantics<subcore_parallel>], iteration_bounds = array<i64: 2, 16>, scalar_prefetch = 0 : i64, scratch_operands = 10 : i64, tpu.core_type = #tpu.core_type<sc_vector_subcore>, window_params = [{transform_indices = #map}, {transform_indices = #map}, {transform_indices = #map1}, {transform_indices = #map1}, {transform_indices = #map1}, {transform_indices = #map1}, {transform_indices = #map2}]} {
    %mul3A = arith.constant 16 : i32
    %mul3A_0 = arith.muli %arg0, %mul3A : i32
    %add3A = arith.addi %mul3A_0, %arg1 : i32
    %broadcast_in_dim3A = arith.constant 0.000000e+00 : f32
    %broadcast_in_dim3A_1 = vector.broadcast %broadcast_in_dim3A : f32 to vector<16xf32>
    "tpu.region"() ({
      %run_scoped3A = tpu.sem_alloc : memref<!tpu.dma_semaphore, #tpu.memory_space<semaphore_mem>>
      tpu.enqueue_dma source(%arg7 : memref<128xf32, #tpu.memory_space<hbm>>) target(%arg14 : memref<128xf32, #tpu.memory_space<vmem>>) target_semaphore(%run_scoped3A : memref<!tpu.dma_semaphore, #tpu.memory_space<semaphore_mem>>)
      tpu.wait_dma2 semaphore(%run_scoped3A : memref<!tpu.dma_semaphore, #tpu.memory_space<semaphore_mem>>) src(%arg7 : memref<128xf32, #tpu.memory_space<hbm>>) dst(%arg14 : memref<128xf32, #tpu.memory_space<vmem>>)
      tpu.yield
    }) : () -> ()
    %scan3A = arith.constant 0 : i32
    %scan3A_2 = arith.constant 0 : i32
    %scan3A_3 = arith.constant 128 : i32
    %scan3A_4 = arith.addi %scan3A_2, %scan3A_3 : i32
    %scan3A_5 = arith.constant 1 : i32
    scf.for %scan3A_40 = %scan3A_2 to %scan3A_4 step %scan3A_5  : i32 {
      %swap3A = arith.index_cast %scan3A_40 : i32 to index
      %swap3A_41 = arith.constant 0 : index
      %swap3A_42 = tpu.vector_load %arg15[%swap3A, %swap3A_41] {strides = array<i32>} : memref<128x128xf32, #tpu.memory_space<vmem>>, vector<16xf32>,
      tpu.vector_store %arg15[%swap3A, %swap3A_41], %broadcast_in_dim3A_1 {strides = array<i32>} : memref<128x128xf32, #tpu.memory_space<vmem>>, vector<16xf32>,
      %swap3A_43 = arith.index_cast %scan3A_40 : i32 to index
      %swap3A_44 = arith.constant 16 : index
      %swap3A_45 = tpu.vector_load %arg15[%swap3A_43, %swap3A_44] {strides = array<i32>} : memref<128x128xf32, #tpu.memory_space<vmem>>, vector<16xf32>,
      tpu.vector_store %arg15[%swap3A_43, %swap3A_44], %broadcast_in_dim3A_1 {strides = array<i32>} : memref<128x128xf32, #tpu.memory_space<vmem>>, vector<16xf32>,
      %swap3A_46 = arith.index_cast %scan3A_40 : i32 to index
      %swap3A_47 = arith.constant 32 : index
      %swap3A_48 = tpu.vector_load %arg15[%swap3A_46, %swap3A_47] {strides = array<i32>} : memref<128x128xf32, #tpu.memory_space<vmem>>, vector<16xf32>,
      tpu.vector_store %arg15[%swap3A_46, %swap3A_47], %broadcast_in_dim3A_1 {strides = array<i32>} : memref<128x128xf32, #tpu.memory_space<vmem>>, vector<16xf32>,
      %swap3A_49 = arith.index_cast %scan3A_40 : i32 to index
      %swap3A_50 = arith.constant 48 : index
      %swap3A_51 = tpu.vector_load %arg15[%swap3A_49, %swap3A_50] {strides = array<i32>} : memref<128x128xf32, #tpu.memory_space<vmem>>, vector<16xf32>,
      tpu.vector_store %arg15[%swap3A_49, %swap3A_50], %broadcast_in_dim3A_1 {strides = array<i32>} : memref<128x128xf32, #tpu.memory_space<vmem>>, vector<16xf32>,
      %swap3A_52 = arith.index_cast %scan3A_40 : i32 to index
      %swap3A_53 = arith.constant 64 : index
      %swap3A_54 = tpu.vector_load %arg15[%swap3A_52, %swap3A_53] {strides = array<i32>} : memref<128x128xf32, #tpu.memory_space<vmem>>, vector<16xf32>,
      tpu.vector_store %arg15[%swap3A_52, %swap3A_53], %broadcast_in_dim3A_1 {strides = array<i32>} : memref<128x128xf32, #tpu.memory_space<vmem>>, vector<16xf32>,
      %swap3A_55 = arith.index_cast %scan3A_40 : i32 to index
      %swap3A_56 = arith.constant 80 : index
      %swap3A_57 = tpu.vector_load %arg15[%swap3A_55, %swap3A_56] {strides = array<i32>} : memref<128x128xf32, #tpu.memory_space<vmem>>, vector<16xf32>,
      tpu.vector_store %arg15[%swap3A_55, %swap3A_56], %broadcast_in_dim3A_1 {strides = array<i32>} : memref<128x128xf32, #tpu.memory_space<vmem>>, vector<16xf32>,
      %swap3A_58 = arith.index_cast %scan3A_40 : i32 to index
      %swap3A_59 = arith.constant 96 : index
      %swap3A_60 = tpu.vector_load %arg15[%swap3A_58, %swap3A_59] {strides = array<i32>} : memref<128x128xf32, #tpu.memory_space<vmem>>, vector<16xf32>,
      tpu.vector_store %arg15[%swap3A_58, %swap3A_59], %broadcast_in_dim3A_1 {strides = array<i32>} : memref<128x128xf32, #tpu.memory_space<vmem>>, vector<16xf32>,
      %swap3A_61 = arith.index_cast %scan3A_40 : i32 to index
      %swap3A_62 = arith.constant 112 : index
      %swap3A_63 = tpu.vector_load %arg15[%swap3A_61, %swap3A_62] {strides = array<i32>} : memref<128x128xf32, #tpu.memory_space<vmem>>, vector<16xf32>,
      tpu.vector_store %arg15[%swap3A_61, %swap3A_62], %broadcast_in_dim3A_1 {strides = array<i32>} : memref<128x128xf32, #tpu.memory_space<vmem>>, vector<16xf32>,
    }
    %scan3A_6 = arith.constant 128 : i32
    %mul3A_7 = arith.constant 640 : i32
    %mul3A_8 = arith.muli %arg1, %mul3A_7 : i32
    %add3A_9 = arith.constant 0 : i32
    %add3A_10 = arith.addi %mul3A_8, %add3A_9 : i32
    "tpu.region"() ({
      %run_scoped3A = tpu.sem_alloc : memref<!tpu.dma_semaphore, #tpu.memory_space<semaphore_mem>>
      %dma_start3A = arith.constant 0 : i32
      %dma_start3A_40 = tpu.memref_slice %arg16[%add3A_10, %dma_start3A] : memref<10240x128xf32, #tpu.memory_space<vmem_shared>> -> memref<128x128xf32, #tpu.memory_space<vmem_shared>>
      %dma_start3A_41 = arith.constant 0 : i32
      %dma_start3A_42 = tpu.memref_slice %arg16[%add3A_10, %dma_start3A_41] : memref<10240x128xf32, #tpu.memory_space<vmem_shared>> -> memref<128x128xf32, #tpu.memory_space<vmem_shared>>
      tpu.enqueue_dma source(%arg15 : memref<128x128xf32, #tpu.memory_space<vmem>>) target(%dma_start3A_42 : memref<128x128xf32, #tpu.memory_space<vmem_shared>>) target_semaphore(%run_scoped3A : memref<!tpu.dma_semaphore, #tpu.memory_space<semaphore_mem>>)
      %dma_wait3A = arith.constant 0 : i32
      %dma_wait3A_43 = tpu.memref_slice %arg16[%add3A_10, %dma_wait3A] : memref<10240x128xf32, #tpu.memory_space<vmem_shared>> -> memref<128x128xf32, #tpu.memory_space<vmem_shared>>
      %dma_wait3A_44 = arith.constant 0 : i32
      %dma_wait3A_45 = tpu.memref_slice %arg16[%add3A_10, %dma_wait3A_44] : memref<10240x128xf32, #tpu.memory_space<vmem_shared>> -> memref<128x128xf32, #tpu.memory_space<vmem_shared>>
      tpu.wait_dma2 semaphore(%run_scoped3A : memref<!tpu.dma_semaphore, #tpu.memory_space<semaphore_mem>>) src(%arg15 : memref<128x128xf32, #tpu.memory_space<vmem>>) dst(%dma_wait3A_45 : memref<128x128xf32, #tpu.memory_space<vmem_shared>>)
      tpu.yield
    }) : () -> ()
    %mul3A_11 = arith.constant 640 : i32
    %mul3A_12 = arith.muli %arg1, %mul3A_11 : i32
    %add3A_13 = arith.constant 128 : i32
    %add3A_14 = arith.addi %mul3A_12, %add3A_13 : i32
    "tpu.region"() ({
      %run_scoped3A = tpu.sem_alloc : memref<!tpu.dma_semaphore, #tpu.memory_space<semaphore_mem>>
      %dma_start3A = arith.constant 0 : i32
      %dma_start3A_40 = tpu.memref_slice %arg16[%add3A_14, %dma_start3A] : memref<10240x128xf32, #tpu.memory_space<vmem_shared>> -> memref<128x128xf32, #tpu.memory_space<vmem_shared>>
      %dma_start3A_41 = arith.constant 0 : i32
      %dma_start3A_42 = tpu.memref_slice %arg16[%add3A_14, %dma_start3A_41] : memref<10240x128xf32, #tpu.memory_space<vmem_shared>> -> memref<128x128xf32, #tpu.memory_space<vmem_shared>>
      tpu.enqueue_dma source(%arg15 : memref<128x128xf32, #tpu.memory_space<vmem>>) target(%dma_start3A_42 : memref<128x128xf32, #tpu.memory_space<vmem_shared>>) target_semaphore(%run_scoped3A : memref<!tpu.dma_semaphore, #tpu.memory_space<semaphore_mem>>)
      %dma_wait3A = arith.constant 0 : i32
      %dma_wait3A_43 = tpu.memref_slice %arg16[%add3A_14, %dma_wait3A] : memref<10240x128xf32, #tpu.memory_space<vmem_shared>> -> memref<128x128xf32, #tpu.memory_space<vmem_shared>>
      %dma_wait3A_44 = arith.constant 0 : i32
      %dma_wait3A_45 = tpu.memref_slice %arg16[%add3A_14, %dma_wait3A_44] : memref<10240x128xf32, #tpu.memory_space<vmem_shared>> -> memref<128x128xf32, #tpu.memory_space<vmem_shared>>
      tpu.wait_dma2 semaphore(%run_scoped3A : memref<!tpu.dma_semaphore, #tpu.memory_space<semaphore_mem>>) src(%arg15 : memref<128x128xf32, #tpu.memory_space<vmem>>) dst(%dma_wait3A_45 : memref<128x128xf32, #tpu.memory_space<vmem_shared>>)
      tpu.yield
    }) : () -> ()
    %mul3A_15 = arith.constant 640 : i32
    %mul3A_16 = arith.muli %arg1, %mul3A_15 : i32
    %add3A_17 = arith.constant 256 : i32
    %add3A_18 = arith.addi %mul3A_16, %add3A_17 : i32
    "tpu.region"() ({
      %run_scoped3A = tpu.sem_alloc : memref<!tpu.dma_semaphore, #tpu.memory_space<semaphore_mem>>
      %dma_start3A = arith.constant 0 : i32
      %dma_start3A_40 = tpu.memref_slice %arg16[%add3A_18, %dma_start3A] : memref<10240x128xf32, #tpu.memory_space<vmem_shared>> -> memref<128x128xf32, #tpu.memory_space<vmem_shared>>
      %dma_start3A_41 = arith.constant 0 : i32
      %dma_start3A_42 = tpu.memref_slice %arg16[%add3A_18, %dma_start3A_41] : memref<10240x128xf32, #tpu.memory_space<vmem_shared>> -> memref<128x128xf32, #tpu.memory_space<vmem_shared>>
      tpu.enqueue_dma source(%arg15 : memref<128x128xf32, #tpu.memory_space<vmem>>) target(%dma_start3A_42 : memref<128x128xf32, #tpu.memory_space<vmem_shared>>) target_semaphore(%run_scoped3A : memref<!tpu.dma_semaphore, #tpu.memory_space<semaphore_mem>>)
      %dma_wait3A = arith.constant 0 : i32
      %dma_wait3A_43 = tpu.memref_slice %arg16[%add3A_18, %dma_wait3A] : memref<10240x128xf32, #tpu.memory_space<vmem_shared>> -> memref<128x128xf32, #tpu.memory_space<vmem_shared>>
      %dma_wait3A_44 = arith.constant 0 : i32
      %dma_wait3A_45 = tpu.memref_slice %arg16[%add3A_18, %dma_wait3A_44] : memref<10240x128xf32, #tpu.memory_space<vmem_shared>> -> memref<128x128xf32, #tpu.memory_space<vmem_shared>>
      tpu.wait_dma2 semaphore(%run_scoped3A : memref<!tpu.dma_semaphore, #tpu.memory_space<semaphore_mem>>) src(%arg15 : memref<128x128xf32, #tpu.memory_space<vmem>>) dst(%dma_wait3A_45 : memref<128x128xf32, #tpu.memory_space<vmem_shared>>)
      tpu.yield
    }) : () -> ()
    %mul3A_19 = arith.constant 640 : i32
    %mul3A_20 = arith.muli %arg1, %mul3A_19 : i32
    %add3A_21 = arith.constant 384 : i32
    %add3A_22 = arith.addi %mul3A_20, %add3A_21 : i32
    "tpu.region"() ({
      %run_scoped3A = tpu.sem_alloc : memref<!tpu.dma_semaphore, #tpu.memory_space<semaphore_mem>>
      %dma_start3A = arith.constant 0 : i32
      %dma_start3A_40 = tpu.memref_slice %arg16[%add3A_22, %dma_start3A] : memref<10240x128xf32, #tpu.memory_space<vmem_shared>> -> memref<128x128xf32, #tpu.memory_space<vmem_shared>>
      %dma_start3A_41 = arith.constant 0 : i32
      %dma_start3A_42 = tpu.memref_slice %arg16[%add3A_22, %dma_start3A_41] : memref<10240x128xf32, #tpu.memory_space<vmem_shared>> -> memref<128x128xf32, #tpu.memory_space<vmem_shared>>
      tpu.enqueue_dma source(%arg15 : memref<128x128xf32, #tpu.memory_space<vmem>>) target(%dma_start3A_42 : memref<128x128xf32, #tpu.memory_space<vmem_shared>>) target_semaphore(%run_scoped3A : memref<!tpu.dma_semaphore, #tpu.memory_space<semaphore_mem>>)
      %dma_wait3A = arith.constant 0 : i32
      %dma_wait3A_43 = tpu.memref_slice %arg16[%add3A_22, %dma_wait3A] : memref<10240x128xf32, #tpu.memory_space<vmem_shared>> -> memref<128x128xf32, #tpu.memory_space<vmem_shared>>
      %dma_wait3A_44 = arith.constant 0 : i32
      %dma_wait3A_45 = tpu.memref_slice %arg16[%add3A_22, %dma_wait3A_44] : memref<10240x128xf32, #tpu.memory_space<vmem_shared>> -> memref<128x128xf32, #tpu.memory_space<vmem_shared>>
      tpu.wait_dma2 semaphore(%run_scoped3A : memref<!tpu.dma_semaphore, #tpu.memory_space<semaphore_mem>>) src(%arg15 : memref<128x128xf32, #tpu.memory_space<vmem>>) dst(%dma_wait3A_45 : memref<128x128xf32, #tpu.memory_space<vmem_shared>>)
      tpu.yield
    }) : () -> ()
    %mul3A_23 = arith.constant 640 : i32
    %mul3A_24 = arith.muli %arg1, %mul3A_23 : i32
    %add3A_25 = arith.constant 512 : i32
    %add3A_26 = arith.addi %mul3A_24, %add3A_25 : i32
    "tpu.region"() ({
      %run_scoped3A = tpu.sem_alloc : memref<!tpu.dma_semaphore, #tpu.memory_space<semaphore_mem>>
      %dma_start3A = arith.constant 0 : i32
      %dma_start3A_40 = tpu.memref_slice %arg16[%add3A_26, %dma_start3A] : memref<10240x128xf32, #tpu.memory_space<vmem_shared>> -> memref<128x128xf32, #tpu.memory_space<vmem_shared>>
      %dma_start3A_41 = arith.constant 0 : i32
      %dma_start3A_42 = tpu.memref_slice %arg16[%add3A_26, %dma_start3A_41] : memref<10240x128xf32, #tpu.memory_space<vmem_shared>> -> memref<128x128xf32, #tpu.memory_space<vmem_shared>>
      tpu.enqueue_dma source(%arg15 : memref<128x128xf32, #tpu.memory_space<vmem>>) target(%dma_start3A_42 : memref<128x128xf32, #tpu.memory_space<vmem_shared>>) target_semaphore(%run_scoped3A : memref<!tpu.dma_semaphore, #tpu.memory_space<semaphore_mem>>)
      %dma_wait3A = arith.constant 0 : i32
      %dma_wait3A_43 = tpu.memref_slice %arg16[%add3A_26, %dma_wait3A] : memref<10240x128xf32, #tpu.memory_space<vmem_shared>> -> memref<128x128xf32, #tpu.memory_space<vmem_shared>>
      %dma_wait3A_44 = arith.constant 0 : i32
      %dma_wait3A_45 = tpu.memref_slice %arg16[%add3A_26, %dma_wait3A_44] : memref<10240x128xf32, #tpu.memory_space<vmem_shared>> -> memref<128x128xf32, #tpu.memory_space<vmem_shared>>
      tpu.wait_dma2 semaphore(%run_scoped3A : memref<!tpu.dma_semaphore, #tpu.memory_space<semaphore_mem>>) src(%arg15 : memref<128x128xf32, #tpu.memory_space<vmem>>) dst(%dma_wait3A_45 : memref<128x128xf32, #tpu.memory_space<vmem_shared>>)
      tpu.yield
    }) : () -> ()
    %barrier3A = arith.constant 0 : index
    tpu.barrier barrier_id(%barrier3A)
    %mul3A_27 = arith.constant 10000 : i32
    %mul3A_28 = arith.muli %add3A, %mul3A_27 : i32
    %scan3A_29 = arith.constant 0 : i32
    %scan3A_30 = arith.constant 0 : i32
    %scan3A_31 = arith.constant 125 : i32
    %scan3A_32 = arith.addi %scan3A_30, %scan3A_31 : i32
    %scan3A_33 = arith.constant 1 : i32
    scf.for %scan3A_40 = %scan3A_30 to %scan3A_32 step %scan3A_33  : i32 {
      %mul3A_41 = arith.constant 80 : i32
      %mul3A_42 = arith.muli %scan3A_40, %mul3A_41 : i32
      %add3A_43 = arith.addi %mul3A_28, %mul3A_42 : i32
      "tpu.region"() ({
        %run_scoped3A = tpu.sem_alloc : memref<!tpu.dma_semaphore, #tpu.memory_space<semaphore_mem>>
        %dma_start3A_60 = tpu.memref_slice %arg4[%add3A_43] : memref<320000xi32, #tpu.memory_space<hbm>> -> memref<80xi32, #tpu.memory_space<hbm>>
        %dma_start3A_61 = tpu.memref_slice %arg4[%add3A_43] : memref<320000xi32, #tpu.memory_space<hbm>> -> memref<80xi32, #tpu.memory_space<hbm>>
        tpu.enqueue_dma source(%dma_start3A_61 : memref<80xi32, #tpu.memory_space<hbm>>) target(%arg9 : memref<80xi32, #tpu.memory_space<vmem>>) target_semaphore(%run_scoped3A : memref<!tpu.dma_semaphore, #tpu.memory_space<semaphore_mem>>)
        %dma_wait3A_62 = tpu.memref_slice %arg4[%add3A_43] : memref<320000xi32, #tpu.memory_space<hbm>> -> memref<80xi32, #tpu.memory_space<hbm>>
        %dma_wait3A_63 = tpu.memref_slice %arg4[%add3A_43] : memref<320000xi32, #tpu.memory_space<hbm>> -> memref<80xi32, #tpu.memory_space<hbm>>
        tpu.wait_dma2 semaphore(%run_scoped3A : memref<!tpu.dma_semaphore, #tpu.memory_space<semaphore_mem>>) src(%dma_wait3A_63 : memref<80xi32, #tpu.memory_space<hbm>>) dst(%arg9 : memref<80xi32, #tpu.memory_space<vmem>>)
        tpu.yield
      }) : () -> ()
      "tpu.region"() ({
        %run_scoped3A = tpu.sem_alloc : memref<!tpu.dma_semaphore, #tpu.memory_space<semaphore_mem>>
        %dma_start3A_60 = tpu.memref_slice %arg5[%add3A_43] : memref<320000xi32, #tpu.memory_space<hbm>> -> memref<80xi32, #tpu.memory_space<hbm>>
        %dma_start3A_61 = tpu.memref_slice %arg5[%add3A_43] : memref<320000xi32, #tpu.memory_space<hbm>> -> memref<80xi32, #tpu.memory_space<hbm>>
        tpu.enqueue_dma source(%dma_start3A_61 : memref<80xi32, #tpu.memory_space<hbm>>) target(%arg10 : memref<80xi32, #tpu.memory_space<vmem>>) target_semaphore(%run_scoped3A : memref<!tpu.dma_semaphore, #tpu.memory_space<semaphore_mem>>)
        %dma_wait3A_62 = tpu.memref_slice %arg5[%add3A_43] : memref<320000xi32, #tpu.memory_space<hbm>> -> memref<80xi32, #tpu.memory_space<hbm>>
        %dma_wait3A_63 = tpu.memref_slice %arg5[%add3A_43] : memref<320000xi32, #tpu.memory_space<hbm>> -> memref<80xi32, #tpu.memory_space<hbm>>
        tpu.wait_dma2 semaphore(%run_scoped3A : memref<!tpu.dma_semaphore, #tpu.memory_space<semaphore_mem>>) src(%dma_wait3A_63 : memref<80xi32, #tpu.memory_space<hbm>>) dst(%arg10 : memref<80xi32, #tpu.memory_space<vmem>>)
        tpu.yield
      }) : () -> ()
      "tpu.region"() ({
        %run_scoped3A = tpu.sem_alloc : memref<!tpu.dma_semaphore, #tpu.memory_space<semaphore_mem>>
        %dma_start3A_60 = arith.constant 0 : i32
        %dma_start3A_61 = tpu.memref_slice %arg11[%dma_start3A_60] : memref<96xf32, #tpu.memory_space<vmem>> -> memref<80xf32, #tpu.memory_space<vmem>>
        %dma_start3A_62 = tpu.memref_slice %arg6[%add3A_43] : memref<320000xf32, #tpu.memory_space<hbm>> -> memref<80xf32, #tpu.memory_space<hbm>>
        %dma_start3A_63 = arith.constant 0 : i32
        %dma_start3A_64 = tpu.memref_slice %arg11[%dma_start3A_63] : memref<96xf32, #tpu.memory_space<vmem>> -> memref<80xf32, #tpu.memory_space<vmem>>
        %dma_start3A_65 = tpu.memref_slice %arg6[%add3A_43] : memref<320000xf32, #tpu.memory_space<hbm>> -> memref<80xf32, #tpu.memory_space<hbm>>
        tpu.enqueue_dma source(%dma_start3A_65 : memref<80xf32, #tpu.memory_space<hbm>>) target(%dma_start3A_64 : memref<80xf32, #tpu.memory_space<vmem>>) target_semaphore(%run_scoped3A : memref<!tpu.dma_semaphore, #tpu.memory_space<semaphore_mem>>)
        %dma_wait3A_66 = arith.constant 0 : i32
        %dma_wait3A_67 = tpu.memref_slice %arg11[%dma_wait3A_66] : memref<96xf32, #tpu.memory_space<vmem>> -> memref<80xf32, #tpu.memory_space<vmem>>
        %dma_wait3A_68 = tpu.memref_slice %arg6[%add3A_43] : memref<320000xf32, #tpu.memory_space<hbm>> -> memref<80xf32, #tpu.memory_space<hbm>>
        %dma_wait3A_69 = arith.constant 0 : i32
        %dma_wait3A_70 = tpu.memref_slice %arg11[%dma_wait3A_69] : memref<96xf32, #tpu.memory_space<vmem>> -> memref<80xf32, #tpu.memory_space<vmem>>
        %dma_wait3A_71 = tpu.memref_slice %arg6[%add3A_43] : memref<320000xf32, #tpu.memory_space<hbm>> -> memref<80xf32, #tpu.memory_space<hbm>>
        tpu.wait_dma2 semaphore(%run_scoped3A : memref<!tpu.dma_semaphore, #tpu.memory_space<semaphore_mem>>) src(%dma_wait3A_71 : memref<80xf32, #tpu.memory_space<hbm>>) dst(%dma_wait3A_70 : memref<80xf32, #tpu.memory_space<vmem>>)
        tpu.yield
      }) : () -> ()
      %dma_start3A = arith.constant 0 : i32
      %dma_start3A_44 = arith.constant 0 : i32
      %dma_start3A_45 = tpu.memref_slice %arg2[%dma_start3A, %dma_start3A_44] : memref<10000x128xf32, #tpu.memory_space<hbm>> -> memref<10000x128xf32, #tpu.memory_space<hbm>>
      tpu.enqueue_indirect_dma source(%dma_start3A_45 : memref<10000x128xf32, #tpu.memory_space<hbm>>) target(%arg12 : memref<80x128xf32, #tpu.memory_space<vmem>>) offsets(%arg9 : memref<80xi32, #tpu.memory_space<vmem>>) semaphore(%arg17 : memref<!tpu.dma_semaphore, #tpu.memory_space<semaphore_mem>>)
      %dma_start3A_46 = arith.constant 0 : i32
      %dma_start3A_47 = arith.constant 0 : i32
      %dma_start3A_48 = tpu.memref_slice %arg3[%dma_start3A_46, %dma_start3A_47] : memref<10000x128xf32, #tpu.memory_space<hbm>> -> memref<10000x128xf32, #tpu.memory_space<hbm>>
      tpu.enqueue_indirect_dma source(%dma_start3A_48 : memref<10000x128xf32, #tpu.memory_space<hbm>>) target(%arg13 : memref<80x128xf32, #tpu.memory_space<vmem>>) offsets(%arg10 : memref<80xi32, #tpu.memory_space<vmem>>) semaphore(%arg18 : memref<!tpu.dma_semaphore, #tpu.memory_space<semaphore_mem>>)
      %dma_wait3A = arith.constant 0 : i32
      %dma_wait3A_49 = arith.constant 0 : i32
      %dma_wait3A_50 = tpu.memref_slice %arg2[%dma_wait3A, %dma_wait3A_49] : memref<10000x128xf32, #tpu.memory_space<hbm>> -> memref<10000x128xf32, #tpu.memory_space<hbm>>
      tpu.wait_indirect_dma semaphore(%arg17 : memref<!tpu.dma_semaphore, #tpu.memory_space<semaphore_mem>>) src(%dma_wait3A_50 : memref<10000x128xf32, #tpu.memory_space<hbm>>) dst(%arg12 : memref<80x128xf32, #tpu.memory_space<vmem>>)
      %dma_wait3A_51 = arith.constant 0 : i32
      %dma_wait3A_52 = arith.constant 0 : i32
      %dma_wait3A_53 = tpu.memref_slice %arg3[%dma_wait3A_51, %dma_wait3A_52] : memref<10000x128xf32, #tpu.memory_space<hbm>> -> memref<10000x128xf32, #tpu.memory_space<hbm>>
      tpu.wait_indirect_dma semaphore(%arg18 : memref<!tpu.dma_semaphore, #tpu.memory_space<semaphore_mem>>) src(%dma_wait3A_53 : memref<10000x128xf32, #tpu.memory_space<hbm>>) dst(%arg13 : memref<80x128xf32, #tpu.memory_space<vmem>>)
      %scan3A_54 = arith.constant 0 : i32
      %scan3A_55 = arith.constant 0 : i32
      %scan3A_56 = arith.constant 80 : i32
      %scan3A_57 = arith.addi %scan3A_55, %scan3A_56 : i32
      %scan3A_58 = arith.constant 1 : i32
      scf.for %scan3A_60 = %scan3A_55 to %scan3A_57 step %scan3A_58  : i32 {
        %get3A = arith.index_cast %scan3A_60 : i32 to index
        %get3A_61 = tpu.vector_load %arg11[%get3A] {strides = array<i32>} : memref<96xf32, #tpu.memory_space<vmem>>, vector<16xf32>,
        %slice3A = vector.extract_strided_slice %get3A_61 {offsets = [0], sizes = [1], strides = [1]} : vector<16xf32> to vector<1xf32>
        %squeeze3A = vector.extract %slice3A[0] : f32 from vector<1xf32>
        %broadcast_in_dim3A_62 = vector.broadcast %squeeze3A : f32 to vector<16xf32>
        %get3A_63 = arith.index_cast %scan3A_60 : i32 to index
        %get3A_64 = arith.constant 0 : index
        %get3A_65 = tpu.vector_load %arg12[%get3A_63, %get3A_64] {strides = array<i32>} : memref<80x128xf32, #tpu.memory_space<vmem>>, vector<16xf32>,
        %get3A_66 = arith.index_cast %scan3A_60 : i32 to index
        %get3A_67 = arith.constant 0 : index
        %get3A_68 = tpu.vector_load %arg13[%get3A_66, %get3A_67] {strides = array<i32>} : memref<80x128xf32, #tpu.memory_space<vmem>>, vector<16xf32>,
        %add3A_69 = arith.addf %get3A_65, %get3A_68 : vector<16xf32>
        %get3A_70 = arith.constant 0 : index
        %get3A_71 = tpu.vector_load %arg14[%get3A_70] {strides = array<i32>} : memref<128xf32, #tpu.memory_space<vmem>>, vector<16xf32>,
        %mul3A_72 = arith.mulf %broadcast_in_dim3A_62, %get3A_71 : vector<16xf32>
        %add3A_73 = arith.addf %add3A_69, %mul3A_72 : vector<16xf32>
        %neg3A = arith.constant 0.000000e+00 : f32
        %neg3A_74 = vector.broadcast %neg3A : f32 to vector<16xf32>
        %neg3A_75 = arith.subf %neg3A_74, %add3A_73 : vector<16xf32>
        %exp3A = math.exp %neg3A_75 : vector<16xf32>
        %add3A_76 = arith.constant 1.000000e+00 : f32
        %add3A_77 = vector.broadcast %add3A_76 : f32 to vector<16xf32>
        %add3A_78 = arith.addf %add3A_77, %exp3A : vector<16xf32>
        %div3A = arith.divf %add3A_73, %add3A_78 : vector<16xf32>
        %swap3A = arith.index_cast %scan3A_60 : i32 to index
        %swap3A_79 = arith.constant 0 : index
        %swap3A_80 = tpu.vector_load %arg12[%swap3A, %swap3A_79] {strides = array<i32>} : memref<80x128xf32, #tpu.memory_space<vmem>>, vector<16xf32>,
        tpu.vector_store %arg12[%swap3A, %swap3A_79], %div3A {strides = array<i32>} : memref<80x128xf32, #tpu.memory_space<vmem>>, vector<16xf32>,
        %get3A_81 = arith.index_cast %scan3A_60 : i32 to index
        %get3A_82 = arith.constant 16 : index
        %get3A_83 = tpu.vector_load %arg12[%get3A_81, %get3A_82] {strides = array<i32>} : memref<80x128xf32, #tpu.memory_space<vmem>>, vector<16xf32>,
        %get3A_84 = arith.index_cast %scan3A_60 : i32 to index
        %get3A_85 = arith.constant 16 : index
        %get3A_86 = tpu.vector_load %arg13[%get3A_84, %get3A_85] {strides = array<i32>} : memref<80x128xf32, #tpu.memory_space<vmem>>, vector<16xf32>,
        %add3A_87 = arith.addf %get3A_83, %get3A_86 : vector<16xf32>
        %get3A_88 = arith.constant 16 : index
        %get3A_89 = tpu.vector_load %arg14[%get3A_88] {strides = array<i32>} : memref<128xf32, #tpu.memory_space<vmem>>, vector<16xf32>,
        %mul3A_90 = arith.mulf %broadcast_in_dim3A_62, %get3A_89 : vector<16xf32>
        %add3A_91 = arith.addf %add3A_87, %mul3A_90 : vector<16xf32>
        %neg3A_92 = arith.constant 0.000000e+00 : f32
        %neg3A_93 = vector.broadcast %neg3A_92 : f32 to vector<16xf32>
        %neg3A_94 = arith.subf %neg3A_93, %add3A_91 : vector<16xf32>
        %exp3A_95 = math.exp %neg3A_94 : vector<16xf32>
        %add3A_96 = arith.constant 1.000000e+00 : f32
        %add3A_97 = vector.broadcast %add3A_96 : f32 to vector<16xf32>
        %add3A_98 = arith.addf %add3A_97, %exp3A_95 : vector<16xf32>
        %div3A_99 = arith.divf %add3A_91, %add3A_98 : vector<16xf32>
        %swap3A_100 = arith.index_cast %scan3A_60 : i32 to index
        %swap3A_101 = arith.constant 16 : index
        %swap3A_102 = tpu.vector_load %arg12[%swap3A_100, %swap3A_101] {strides = array<i32>} : memref<80x128xf32, #tpu.memory_space<vmem>>, vector<16xf32>,
        tpu.vector_store %arg12[%swap3A_100, %swap3A_101], %div3A_99 {strides = array<i32>} : memref<80x128xf32, #tpu.memory_space<vmem>>, vector<16xf32>,
        %get3A_103 = arith.index_cast %scan3A_60 : i32 to index
        %get3A_104 = arith.constant 32 : index
        %get3A_105 = tpu.vector_load %arg12[%get3A_103, %get3A_104] {strides = array<i32>} : memref<80x128xf32, #tpu.memory_space<vmem>>, vector<16xf32>,
        %get3A_106 = arith.index_cast %scan3A_60 : i32 to index
        %get3A_107 = arith.constant 32 : index
        %get3A_108 = tpu.vector_load %arg13[%get3A_106, %get3A_107] {strides = array<i32>} : memref<80x128xf32, #tpu.memory_space<vmem>>, vector<16xf32>,
        %add3A_109 = arith.addf %get3A_105, %get3A_108 : vector<16xf32>
        %get3A_110 = arith.constant 32 : index
        %get3A_111 = tpu.vector_load %arg14[%get3A_110] {strides = array<i32>} : memref<128xf32, #tpu.memory_space<vmem>>, vector<16xf32>,
        %mul3A_112 = arith.mulf %broadcast_in_dim3A_62, %get3A_111 : vector<16xf32>
        %add3A_113 = arith.addf %add3A_109, %mul3A_112 : vector<16xf32>
        %neg3A_114 = arith.constant 0.000000e+00 : f32
        %neg3A_115 = vector.broadcast %neg3A_114 : f32 to vector<16xf32>
        %neg3A_116 = arith.subf %neg3A_115, %add3A_113 : vector<16xf32>
        %exp3A_117 = math.exp %neg3A_116 : vector<16xf32>
        %add3A_118 = arith.constant 1.000000e+00 : f32
        %add3A_119 = vector.broadcast %add3A_118 : f32 to vector<16xf32>
        %add3A_120 = arith.addf %add3A_119, %exp3A_117 : vector<16xf32>
        %div3A_121 = arith.divf %add3A_113, %add3A_120 : vector<16xf32>
        %swap3A_122 = arith.index_cast %scan3A_60 : i32 to index
        %swap3A_123 = arith.constant 32 : index
        %swap3A_124 = tpu.vector_load %arg12[%swap3A_122, %swap3A_123] {strides = array<i32>} : memref<80x128xf32, #tpu.memory_space<vmem>>, vector<16xf32>,
        tpu.vector_store %arg12[%swap3A_122, %swap3A_123], %div3A_121 {strides = array<i32>} : memref<80x128xf32, #tpu.memory_space<vmem>>, vector<16xf32>,
        %get3A_125 = arith.index_cast %scan3A_60 : i32 to index
        %get3A_126 = arith.constant 48 : index
        %get3A_127 = tpu.vector_load %arg12[%get3A_125, %get3A_126] {strides = array<i32>} : memref<80x128xf32, #tpu.memory_space<vmem>>, vector<16xf32>,
        %get3A_128 = arith.index_cast %scan3A_60 : i32 to index
        %get3A_129 = arith.constant 48 : index
        %get3A_130 = tpu.vector_load %arg13[%get3A_128, %get3A_129] {strides = array<i32>} : memref<80x128xf32, #tpu.memory_space<vmem>>, vector<16xf32>,
        %add3A_131 = arith.addf %get3A_127, %get3A_130 : vector<16xf32>
        %get3A_132 = arith.constant 48 : index
        %get3A_133 = tpu.vector_load %arg14[%get3A_132] {strides = array<i32>} : memref<128xf32, #tpu.memory_space<vmem>>, vector<16xf32>,
        %mul3A_134 = arith.mulf %broadcast_in_dim3A_62, %get3A_133 : vector<16xf32>
        %add3A_135 = arith.addf %add3A_131, %mul3A_134 : vector<16xf32>
        %neg3A_136 = arith.constant 0.000000e+00 : f32
        %neg3A_137 = vector.broadcast %neg3A_136 : f32 to vector<16xf32>
        %neg3A_138 = arith.subf %neg3A_137, %add3A_135 : vector<16xf32>
        %exp3A_139 = math.exp %neg3A_138 : vector<16xf32>
        %add3A_140 = arith.constant 1.000000e+00 : f32
        %add3A_141 = vector.broadcast %add3A_140 : f32 to vector<16xf32>
        %add3A_142 = arith.addf %add3A_141, %exp3A_139 : vector<16xf32>
        %div3A_143 = arith.divf %add3A_135, %add3A_142 : vector<16xf32>
        %swap3A_144 = arith.index_cast %scan3A_60 : i32 to index
        %swap3A_145 = arith.constant 48 : index
        %swap3A_146 = tpu.vector_load %arg12[%swap3A_144, %swap3A_145] {strides = array<i32>} : memref<80x128xf32, #tpu.memory_space<vmem>>, vector<16xf32>,
        tpu.vector_store %arg12[%swap3A_144, %swap3A_145], %div3A_143 {strides = array<i32>} : memref<80x128xf32, #tpu.memory_space<vmem>>, vector<16xf32>,
        %get3A_147 = arith.index_cast %scan3A_60 : i32 to index
        %get3A_148 = arith.constant 64 : index
        %get3A_149 = tpu.vector_load %arg12[%get3A_147, %get3A_148] {strides = array<i32>} : memref<80x128xf32, #tpu.memory_space<vmem>>, vector<16xf32>,
        %get3A_150 = arith.index_cast %scan3A_60 : i32 to index
        %get3A_151 = arith.constant 64 : index
        %get3A_152 = tpu.vector_load %arg13[%get3A_150, %get3A_151] {strides = array<i32>} : memref<80x128xf32, #tpu.memory_space<vmem>>, vector<16xf32>,
        %add3A_153 = arith.addf %get3A_149, %get3A_152 : vector<16xf32>
        %get3A_154 = arith.constant 64 : index
        %get3A_155 = tpu.vector_load %arg14[%get3A_154] {strides = array<i32>} : memref<128xf32, #tpu.memory_space<vmem>>, vector<16xf32>,
        %mul3A_156 = arith.mulf %broadcast_in_dim3A_62, %get3A_155 : vector<16xf32>
        %add3A_157 = arith.addf %add3A_153, %mul3A_156 : vector<16xf32>
        %neg3A_158 = arith.constant 0.000000e+00 : f32
        %neg3A_159 = vector.broadcast %neg3A_158 : f32 to vector<16xf32>
        %neg3A_160 = arith.subf %neg3A_159, %add3A_157 : vector<16xf32>
        %exp3A_161 = math.exp %neg3A_160 : vector<16xf32>
        %add3A_162 = arith.constant 1.000000e+00 : f32
        %add3A_163 = vector.broadcast %add3A_162 : f32 to vector<16xf32>
        %add3A_164 = arith.addf %add3A_163, %exp3A_161 : vector<16xf32>
        %div3A_165 = arith.divf %add3A_157, %add3A_164 : vector<16xf32>
        %swap3A_166 = arith.index_cast %scan3A_60 : i32 to index
        %swap3A_167 = arith.constant 64 : index
        %swap3A_168 = tpu.vector_load %arg12[%swap3A_166, %swap3A_167] {strides = array<i32>} : memref<80x128xf32, #tpu.memory_space<vmem>>, vector<16xf32>,
        tpu.vector_store %arg12[%swap3A_166, %swap3A_167], %div3A_165 {strides = array<i32>} : memref<80x128xf32, #tpu.memory_space<vmem>>, vector<16xf32>,
        %get3A_169 = arith.index_cast %scan3A_60 : i32 to index
        %get3A_170 = arith.constant 80 : index
        %get3A_171 = tpu.vector_load %arg12[%get3A_169, %get3A_170] {strides = array<i32>} : memref<80x128xf32, #tpu.memory_space<vmem>>, vector<16xf32>,
        %get3A_172 = arith.index_cast %scan3A_60 : i32 to index
        %get3A_173 = arith.constant 80 : index
        %get3A_174 = tpu.vector_load %arg13[%get3A_172, %get3A_173] {strides = array<i32>} : memref<80x128xf32, #tpu.memory_space<vmem>>, vector<16xf32>,
        %add3A_175 = arith.addf %get3A_171, %get3A_174 : vector<16xf32>
        %get3A_176 = arith.constant 80 : index
        %get3A_177 = tpu.vector_load %arg14[%get3A_176] {strides = array<i32>} : memref<128xf32, #tpu.memory_space<vmem>>, vector<16xf32>,
        %mul3A_178 = arith.mulf %broadcast_in_dim3A_62, %get3A_177 : vector<16xf32>
        %add3A_179 = arith.addf %add3A_175, %mul3A_178 : vector<16xf32>
        %neg3A_180 = arith.constant 0.000000e+00 : f32
        %neg3A_181 = vector.broadcast %neg3A_180 : f32 to vector<16xf32>
        %neg3A_182 = arith.subf %neg3A_181, %add3A_179 : vector<16xf32>
        %exp3A_183 = math.exp %neg3A_182 : vector<16xf32>
        %add3A_184 = arith.constant 1.000000e+00 : f32
        %add3A_185 = vector.broadcast %add3A_184 : f32 to vector<16xf32>
        %add3A_186 = arith.addf %add3A_185, %exp3A_183 : vector<16xf32>
        %div3A_187 = arith.divf %add3A_179, %add3A_186 : vector<16xf32>
        %swap3A_188 = arith.index_cast %scan3A_60 : i32 to index
        %swap3A_189 = arith.constant 80 : index
        %swap3A_190 = tpu.vector_load %arg12[%swap3A_188, %swap3A_189] {strides = array<i32>} : memref<80x128xf32, #tpu.memory_space<vmem>>, vector<16xf32>,
        tpu.vector_store %arg12[%swap3A_188, %swap3A_189], %div3A_187 {strides = array<i32>} : memref<80x128xf32, #tpu.memory_space<vmem>>, vector<16xf32>,
        %get3A_191 = arith.index_cast %scan3A_60 : i32 to index
        %get3A_192 = arith.constant 96 : index
        %get3A_193 = tpu.vector_load %arg12[%get3A_191, %get3A_192] {strides = array<i32>} : memref<80x128xf32, #tpu.memory_space<vmem>>, vector<16xf32>,
        %get3A_194 = arith.index_cast %scan3A_60 : i32 to index
        %get3A_195 = arith.constant 96 : index
        %get3A_196 = tpu.vector_load %arg13[%get3A_194, %get3A_195] {strides = array<i32>} : memref<80x128xf32, #tpu.memory_space<vmem>>, vector<16xf32>,
        %add3A_197 = arith.addf %get3A_193, %get3A_196 : vector<16xf32>
        %get3A_198 = arith.constant 96 : index
        %get3A_199 = tpu.vector_load %arg14[%get3A_198] {strides = array<i32>} : memref<128xf32, #tpu.memory_space<vmem>>, vector<16xf32>,
        %mul3A_200 = arith.mulf %broadcast_in_dim3A_62, %get3A_199 : vector<16xf32>
        %add3A_201 = arith.addf %add3A_197, %mul3A_200 : vector<16xf32>
        %neg3A_202 = arith.constant 0.000000e+00 : f32
        %neg3A_203 = vector.broadcast %neg3A_202 : f32 to vector<16xf32>
        %neg3A_204 = arith.subf %neg3A_203, %add3A_201 : vector<16xf32>
        %exp3A_205 = math.exp %neg3A_204 : vector<16xf32>
        %add3A_206 = arith.constant 1.000000e+00 : f32
        %add3A_207 = vector.broadcast %add3A_206 : f32 to vector<16xf32>
        %add3A_208 = arith.addf %add3A_207, %exp3A_205 : vector<16xf32>
        %div3A_209 = arith.divf %add3A_201, %add3A_208 : vector<16xf32>
        %swap3A_210 = arith.index_cast %scan3A_60 : i32 to index
        %swap3A_211 = arith.constant 96 : index
        %swap3A_212 = tpu.vector_load %arg12[%swap3A_210, %swap3A_211] {strides = array<i32>} : memref<80x128xf32, #tpu.memory_space<vmem>>, vector<16xf32>,
        tpu.vector_store %arg12[%swap3A_210, %swap3A_211], %div3A_209 {strides = array<i32>} : memref<80x128xf32, #tpu.memory_space<vmem>>, vector<16xf32>,
        %get3A_213 = arith.index_cast %scan3A_60 : i32 to index
        %get3A_214 = arith.constant 112 : index
        %get3A_215 = tpu.vector_load %arg12[%get3A_213, %get3A_214] {strides = array<i32>} : memref<80x128xf32, #tpu.memory_space<vmem>>, vector<16xf32>,
        %get3A_216 = arith.index_cast %scan3A_60 : i32 to index
        %get3A_217 = arith.constant 112 : index
        %get3A_218 = tpu.vector_load %arg13[%get3A_216, %get3A_217] {strides = array<i32>} : memref<80x128xf32, #tpu.memory_space<vmem>>, vector<16xf32>,
        %add3A_219 = arith.addf %get3A_215, %get3A_218 : vector<16xf32>
        %get3A_220 = arith.constant 112 : index
        %get3A_221 = tpu.vector_load %arg14[%get3A_220] {strides = array<i32>} : memref<128xf32, #tpu.memory_space<vmem>>, vector<16xf32>,
        %mul3A_222 = arith.mulf %broadcast_in_dim3A_62, %get3A_221 : vector<16xf32>
        %add3A_223 = arith.addf %add3A_219, %mul3A_222 : vector<16xf32>
        %neg3A_224 = arith.constant 0.000000e+00 : f32
        %neg3A_225 = vector.broadcast %neg3A_224 : f32 to vector<16xf32>
        %neg3A_226 = arith.subf %neg3A_225, %add3A_223 : vector<16xf32>
        %exp3A_227 = math.exp %neg3A_226 : vector<16xf32>
        %add3A_228 = arith.constant 1.000000e+00 : f32
        %add3A_229 = vector.broadcast %add3A_228 : f32 to vector<16xf32>
        %add3A_230 = arith.addf %add3A_229, %exp3A_227 : vector<16xf32>
        %div3A_231 = arith.divf %add3A_223, %add3A_230 : vector<16xf32>
        %swap3A_232 = arith.index_cast %scan3A_60 : i32 to index
        %swap3A_233 = arith.constant 112 : index
        %swap3A_234 = tpu.vector_load %arg12[%swap3A_232, %swap3A_233] {strides = array<i32>} : memref<80x128xf32, #tpu.memory_space<vmem>>, vector<16xf32>,
        tpu.vector_store %arg12[%swap3A_232, %swap3A_233], %div3A_231 {strides = array<i32>} : memref<80x128xf32, #tpu.memory_space<vmem>>, vector<16xf32>,
      }
      %scan3A_59 = arith.constant 80 : i32
      "tpu.region"() ({
        %run_scoped3A = tpu.sem_alloc : memref<!tpu.dma_semaphore, #tpu.memory_space<semaphore_mem>>
        %dma_start3A_60 = arith.constant 0 : i32
        %dma_start3A_61 = arith.constant 0 : i32
        %dma_start3A_62 = tpu.memref_slice %arg16[%dma_start3A_60, %dma_start3A_61] : memref<10240x128xf32, #tpu.memory_space<vmem_shared>> -> memref<10240x128xf32, #tpu.memory_space<vmem_shared>>
        tpu.enqueue_indirect_dma source(%arg12 : memref<80x128xf32, #tpu.memory_space<vmem>>) target(%dma_start3A_62 : memref<10240x128xf32, #tpu.memory_space<vmem_shared>>) offsets(%arg9 : memref<80xi32, #tpu.memory_space<vmem>>) semaphore(%run_scoped3A : memref<!tpu.dma_semaphore, #tpu.memory_space<semaphore_mem>>) {add = true}
        %dma_wait3A_63 = arith.constant 0 : i32
        %dma_wait3A_64 = arith.constant 0 : i32
        %dma_wait3A_65 = tpu.memref_slice %arg16[%dma_wait3A_63, %dma_wait3A_64] : memref<10240x128xf32, #tpu.memory_space<vmem_shared>> -> memref<10240x128xf32, #tpu.memory_space<vmem_shared>>
        tpu.wait_indirect_dma semaphore(%run_scoped3A : memref<!tpu.dma_semaphore, #tpu.memory_space<semaphore_mem>>) src(%arg12 : memref<80x128xf32, #tpu.memory_space<vmem>>) dst(%dma_wait3A_65 : memref<10240x128xf32, #tpu.memory_space<vmem_shared>>)
        tpu.yield
      }) : () -> ()
    }
    %scan3A_34 = arith.constant 125 : i32
    %barrier3A_35 = arith.constant 0 : index
    tpu.barrier barrier_id(%barrier3A_35)
    %mul3A_36 = arith.constant 640 : i32
    %mul3A_37 = arith.muli %arg1, %mul3A_36 : i32
    %mul3A_38 = arith.constant 640 : i32
    %mul3A_39 = arith.muli %arg1, %mul3A_38 : i32
    "tpu.region"() ({
      %run_scoped3A = tpu.sem_alloc : memref<!tpu.dma_semaphore, #tpu.memory_space<semaphore_mem>>
      %dma_start3A = arith.constant 0 : i32
      %dma_start3A_40 = tpu.memref_slice %arg8[%arg0, %mul3A_39, %dma_start3A] : memref<2x10240x128xf32, #tpu.memory_space<hbm>> -> memref<1x640x128xf32, #tpu.memory_space<hbm>>
      %dma_start3A_41 = tpu.memref_squeeze %dma_start3A_40 : memref<1x640x128xf32, #tpu.memory_space<hbm>> -> memref<640x128xf32, #tpu.memory_space<hbm>>
      %dma_start3A_42 = arith.constant 0 : i32
      %dma_start3A_43 = tpu.memref_slice %arg16[%mul3A_37, %dma_start3A_42] : memref<10240x128xf32, #tpu.memory_space<vmem_shared>> -> memref<640x128xf32, #tpu.memory_space<vmem_shared>>
      tpu.enqueue_dma source(%dma_start3A_43 : memref<640x128xf32, #tpu.memory_space<vmem_shared>>) target(%dma_start3A_41 : memref<640x128xf32, #tpu.memory_space<hbm>>) target_semaphore(%run_scoped3A : memref<!tpu.dma_semaphore, #tpu.memory_space<semaphore_mem>>)
      %dma_wait3A = arith.constant 0 : i32
      %dma_wait3A_44 = tpu.memref_slice %arg8[%arg0, %mul3A_39, %dma_wait3A] : memref<2x10240x128xf32, #tpu.memory_space<hbm>> -> memref<1x640x128xf32, #tpu.memory_space<hbm>>
      %dma_wait3A_45 = tpu.memref_squeeze %dma_wait3A_44 : memref<1x640x128xf32, #tpu.memory_space<hbm>> -> memref<640x128xf32, #tpu.memory_space<hbm>>
      %dma_wait3A_46 = arith.constant 0 : i32
      %dma_wait3A_47 = tpu.memref_slice %arg16[%mul3A_37, %dma_wait3A_46] : memref<10240x128xf32, #tpu.memory_space<vmem_shared>> -> memref<640x128xf32, #tpu.memory_space<vmem_shared>>
      tpu.wait_dma2 semaphore(%run_scoped3A : memref<!tpu.dma_semaphore, #tpu.memory_space<semaphore_mem>>) src(%dma_wait3A_47 : memref<640x128xf32, #tpu.memory_space<vmem_shared>>) dst(%dma_wait3A_45 : memref<640x128xf32, #tpu.memory_space<hbm>>)
      tpu.yield
    }) : () -> ()
    return
  }
}

#map = affine_map<(d0, d1) -> (0, 0)>
#map1 = affine_map<(d0, d1) -> (0)>
#map2 = affine_map<(d0, d1) -> (0, 0, 0)>
module attributes {stable_mosaic.version = 14 : i64} {
  func.func @_prep_body(%arg0: i32, %arg1: i32, %arg2: memref<320x128xf32, #tpu.memory_space<hbm>>, %arg3: memref<320000xi32, #tpu.memory_space<hbm>>, %arg4: memref<320000xi32, #tpu.memory_space<hbm>>, %arg5: memref<320000xf32, #tpu.memory_space<hbm>>, %arg6: memref<32x80x128xf32, #tpu.memory_space<hbm>>, %arg7: memref<80xi32, #tpu.memory_space<vmem>>, %arg8: memref<80xi32, #tpu.memory_space<vmem>>, %arg9: memref<320x128xf32, #tpu.memory_space<vmem>>, %arg10: memref<80xf32, #tpu.memory_space<vmem>>, %arg11: memref<80x128xf32, #tpu.memory_space<vmem>>) attributes {dimension_semantics = [#tpu.dimension_semantics<core_parallel>, #tpu.dimension_semantics<subcore_parallel>], iteration_bounds = array<i64: 2, 16>, scalar_prefetch = 0 : i64, scratch_operands = 5 : i64, tpu.core_type = #tpu.core_type<sc_vector_subcore>, window_params = [{transform_indices = #map}, {transform_indices = #map1}, {transform_indices = #map1}, {transform_indices = #map1}, {transform_indices = #map2}]} {
    %mul3A = arith.constant 16 : i32
    %mul3A_0 = arith.muli %arg0, %mul3A : i32
    %add3A = arith.addi %mul3A_0, %arg1 : i32
    %broadcast_in_dim3A = arith.constant 0.000000e+00 : f32
    %broadcast_in_dim3A_1 = vector.broadcast %broadcast_in_dim3A : f32 to vector<16xf32>
    %broadcast_in_dim3A_2 = arith.constant 1.000000e+00 : f32
    %broadcast_in_dim3A_3 = vector.broadcast %broadcast_in_dim3A_2 : f32 to vector<16xf32>
    "tpu.region"() ({
      %run_scoped3A = tpu.sem_alloc : memref<!tpu.dma_semaphore, #tpu.memory_space<semaphore_mem>>
      tpu.enqueue_dma source(%arg2 : memref<320x128xf32, #tpu.memory_space<hbm>>) target(%arg9 : memref<320x128xf32, #tpu.memory_space<vmem>>) target_semaphore(%run_scoped3A : memref<!tpu.dma_semaphore, #tpu.memory_space<semaphore_mem>>)
      tpu.wait_dma2 semaphore(%run_scoped3A : memref<!tpu.dma_semaphore, #tpu.memory_space<semaphore_mem>>) src(%arg2 : memref<320x128xf32, #tpu.memory_space<hbm>>) dst(%arg9 : memref<320x128xf32, #tpu.memory_space<vmem>>)
      tpu.yield
    }) : () -> ()
    %scan3A = arith.constant 0 : i32
    %scan3A_4 = arith.constant 0 : i32
    %scan3A_5 = arith.constant 80 : i32
    %scan3A_6 = arith.addi %scan3A_4, %scan3A_5 : i32
    %scan3A_7 = arith.constant 1 : i32
    scf.for %scan3A_17 = %scan3A_4 to %scan3A_6 step %scan3A_7  : i32 {
      %swap3A = arith.index_cast %scan3A_17 : i32 to index
      %swap3A_18 = arith.constant 0 : index
      %swap3A_19 = tpu.vector_load %arg11[%swap3A, %swap3A_18] {strides = array<i32>} : memref<80x128xf32, #tpu.memory_space<vmem>>, vector<16xf32>,
      tpu.vector_store %arg11[%swap3A, %swap3A_18], %broadcast_in_dim3A_1 {strides = array<i32>} : memref<80x128xf32, #tpu.memory_space<vmem>>, vector<16xf32>,
      %swap3A_20 = arith.index_cast %scan3A_17 : i32 to index
      %swap3A_21 = arith.constant 16 : index
      %swap3A_22 = tpu.vector_load %arg11[%swap3A_20, %swap3A_21] {strides = array<i32>} : memref<80x128xf32, #tpu.memory_space<vmem>>, vector<16xf32>,
      tpu.vector_store %arg11[%swap3A_20, %swap3A_21], %broadcast_in_dim3A_1 {strides = array<i32>} : memref<80x128xf32, #tpu.memory_space<vmem>>, vector<16xf32>,
      %swap3A_23 = arith.index_cast %scan3A_17 : i32 to index
      %swap3A_24 = arith.constant 32 : index
      %swap3A_25 = tpu.vector_load %arg11[%swap3A_23, %swap3A_24] {strides = array<i32>} : memref<80x128xf32, #tpu.memory_space<vmem>>, vector<16xf32>,
      tpu.vector_store %arg11[%swap3A_23, %swap3A_24], %broadcast_in_dim3A_1 {strides = array<i32>} : memref<80x128xf32, #tpu.memory_space<vmem>>, vector<16xf32>,
      %swap3A_26 = arith.index_cast %scan3A_17 : i32 to index
      %swap3A_27 = arith.constant 48 : index
      %swap3A_28 = tpu.vector_load %arg11[%swap3A_26, %swap3A_27] {strides = array<i32>} : memref<80x128xf32, #tpu.memory_space<vmem>>, vector<16xf32>,
      tpu.vector_store %arg11[%swap3A_26, %swap3A_27], %broadcast_in_dim3A_1 {strides = array<i32>} : memref<80x128xf32, #tpu.memory_space<vmem>>, vector<16xf32>,
      %swap3A_29 = arith.index_cast %scan3A_17 : i32 to index
      %swap3A_30 = arith.constant 64 : index
      %swap3A_31 = tpu.vector_load %arg11[%swap3A_29, %swap3A_30] {strides = array<i32>} : memref<80x128xf32, #tpu.memory_space<vmem>>, vector<16xf32>,
      tpu.vector_store %arg11[%swap3A_29, %swap3A_30], %broadcast_in_dim3A_1 {strides = array<i32>} : memref<80x128xf32, #tpu.memory_space<vmem>>, vector<16xf32>,
      %swap3A_32 = arith.index_cast %scan3A_17 : i32 to index
      %swap3A_33 = arith.constant 80 : index
      %swap3A_34 = tpu.vector_load %arg11[%swap3A_32, %swap3A_33] {strides = array<i32>} : memref<80x128xf32, #tpu.memory_space<vmem>>, vector<16xf32>,
      tpu.vector_store %arg11[%swap3A_32, %swap3A_33], %broadcast_in_dim3A_1 {strides = array<i32>} : memref<80x128xf32, #tpu.memory_space<vmem>>, vector<16xf32>,
      %swap3A_35 = arith.index_cast %scan3A_17 : i32 to index
      %swap3A_36 = arith.constant 96 : index
      %swap3A_37 = tpu.vector_load %arg11[%swap3A_35, %swap3A_36] {strides = array<i32>} : memref<80x128xf32, #tpu.memory_space<vmem>>, vector<16xf32>,
      tpu.vector_store %arg11[%swap3A_35, %swap3A_36], %broadcast_in_dim3A_1 {strides = array<i32>} : memref<80x128xf32, #tpu.memory_space<vmem>>, vector<16xf32>,
      %swap3A_38 = arith.index_cast %scan3A_17 : i32 to index
      %swap3A_39 = arith.constant 112 : index
      %swap3A_40 = tpu.vector_load %arg11[%swap3A_38, %swap3A_39] {strides = array<i32>} : memref<80x128xf32, #tpu.memory_space<vmem>>, vector<16xf32>,
      tpu.vector_store %arg11[%swap3A_38, %swap3A_39], %broadcast_in_dim3A_1 {strides = array<i32>} : memref<80x128xf32, #tpu.memory_space<vmem>>, vector<16xf32>,
    }
    %scan3A_8 = arith.constant 80 : i32
    %mul3A_9 = arith.constant 10000 : i32
    %mul3A_10 = arith.muli %add3A, %mul3A_9 : i32
    %scan3A_11 = arith.constant 0 : i32
    %scan3A_12 = arith.constant 0 : i32
    %scan3A_13 = arith.constant 125 : i32
    %scan3A_14 = arith.addi %scan3A_12, %scan3A_13 : i32
    %scan3A_15 = arith.constant 1 : i32
    scf.for %scan3A_17 = %scan3A_12 to %scan3A_14 step %scan3A_15  : i32 {
      %mul3A_18 = arith.constant 80 : i32
      %mul3A_19 = arith.muli %scan3A_17, %mul3A_18 : i32
      %add3A_20 = arith.addi %mul3A_10, %mul3A_19 : i32
      "tpu.region"() ({
        %run_scoped3A = tpu.sem_alloc : memref<!tpu.dma_semaphore, #tpu.memory_space<semaphore_mem>>
        %dma_start3A = tpu.memref_slice %arg3[%add3A_20] : memref<320000xi32, #tpu.memory_space<hbm>> -> memref<80xi32, #tpu.memory_space<hbm>>
        %dma_start3A_683 = tpu.memref_slice %arg3[%add3A_20] : memref<320000xi32, #tpu.memory_space<hbm>> -> memref<80xi32, #tpu.memory_space<hbm>>
        tpu.enqueue_dma source(%dma_start3A_683 : memref<80xi32, #tpu.memory_space<hbm>>) target(%arg7 : memref<80xi32, #tpu.memory_space<vmem>>) target_semaphore(%run_scoped3A : memref<!tpu.dma_semaphore, #tpu.memory_space<semaphore_mem>>)
        %dma_wait3A = tpu.memref_slice %arg3[%add3A_20] : memref<320000xi32, #tpu.memory_space<hbm>> -> memref<80xi32, #tpu.memory_space<hbm>>
        %dma_wait3A_684 = tpu.memref_slice %arg3[%add3A_20] : memref<320000xi32, #tpu.memory_space<hbm>> -> memref<80xi32, #tpu.memory_space<hbm>>
        tpu.wait_dma2 semaphore(%run_scoped3A : memref<!tpu.dma_semaphore, #tpu.memory_space<semaphore_mem>>) src(%dma_wait3A_684 : memref<80xi32, #tpu.memory_space<hbm>>) dst(%arg7 : memref<80xi32, #tpu.memory_space<vmem>>)
        tpu.yield
      }) : () -> ()
      "tpu.region"() ({
        %run_scoped3A = tpu.sem_alloc : memref<!tpu.dma_semaphore, #tpu.memory_space<semaphore_mem>>
        %dma_start3A = tpu.memref_slice %arg4[%add3A_20] : memref<320000xi32, #tpu.memory_space<hbm>> -> memref<80xi32, #tpu.memory_space<hbm>>
        %dma_start3A_683 = tpu.memref_slice %arg4[%add3A_20] : memref<320000xi32, #tpu.memory_space<hbm>> -> memref<80xi32, #tpu.memory_space<hbm>>
        tpu.enqueue_dma source(%dma_start3A_683 : memref<80xi32, #tpu.memory_space<hbm>>) target(%arg8 : memref<80xi32, #tpu.memory_space<vmem>>) target_semaphore(%run_scoped3A : memref<!tpu.dma_semaphore, #tpu.memory_space<semaphore_mem>>)
        %dma_wait3A = tpu.memref_slice %arg4[%add3A_20] : memref<320000xi32, #tpu.memory_space<hbm>> -> memref<80xi32, #tpu.memory_space<hbm>>
        %dma_wait3A_684 = tpu.memref_slice %arg4[%add3A_20] : memref<320000xi32, #tpu.memory_space<hbm>> -> memref<80xi32, #tpu.memory_space<hbm>>
        tpu.wait_dma2 semaphore(%run_scoped3A : memref<!tpu.dma_semaphore, #tpu.memory_space<semaphore_mem>>) src(%dma_wait3A_684 : memref<80xi32, #tpu.memory_space<hbm>>) dst(%arg8 : memref<80xi32, #tpu.memory_space<vmem>>)
        tpu.yield
      }) : () -> ()
      %get3A = arith.constant 0 : index
      %get3A_21 = tpu.vector_load %arg8[%get3A] {strides = array<i32>} : memref<80xi32, #tpu.memory_space<vmem>>, vector<16xi32>,
      %get3A_22 = arith.constant 0 : index
      %get3A_23 = tpu.vector_load %arg7[%get3A_22] {strides = array<i32>} : memref<80xi32, #tpu.memory_space<vmem>>, vector<16xi32>,
      %shift_left3A = arith.constant 2 : i32
      %shift_left3A_24 = vector.broadcast %shift_left3A : i32 to vector<16xi32>
      %shift_left3A_25 = arith.shli %get3A_21, %shift_left3A_24 : vector<16xi32>
      %add3A_26 = arith.constant 0 : i32
      %add3A_27 = vector.broadcast %add3A_26 : i32 to vector<16xi32>
      %add3A_28 = arith.addi %shift_left3A_25, %add3A_27 : vector<16xi32>
      %shift_right_arithmetic3A = arith.constant 7 : i32
      %shift_right_arithmetic3A_29 = vector.broadcast %shift_right_arithmetic3A : i32 to vector<16xi32>
      %shift_right_arithmetic3A_30 = arith.shrsi %add3A_28, %shift_right_arithmetic3A_29 : vector<16xi32>
      %and3A = arith.constant 127 : i32
      %and3A_31 = vector.broadcast %and3A : i32 to vector<16xi32>
      %and3A_32 = arith.andi %add3A_28, %and3A_31 : vector<16xi32>
      %gather3A = tpu.vector_load_idx %arg9[%shift_right_arithmetic3A_30, %and3A_32] : memref<320x128xf32, #tpu.memory_space<vmem>>[vector<16xi32>, vector<16xi32>], vector<16xf32>,
      %shift_left3A_33 = arith.constant 2 : i32
      %shift_left3A_34 = vector.broadcast %shift_left3A_33 : i32 to vector<16xi32>
      %shift_left3A_35 = arith.shli %get3A_23, %shift_left3A_34 : vector<16xi32>
      %add3A_36 = arith.constant 0 : i32
      %add3A_37 = vector.broadcast %add3A_36 : i32 to vector<16xi32>
      %add3A_38 = arith.addi %shift_left3A_35, %add3A_37 : vector<16xi32>
      %shift_right_arithmetic3A_39 = arith.constant 7 : i32
      %shift_right_arithmetic3A_40 = vector.broadcast %shift_right_arithmetic3A_39 : i32 to vector<16xi32>
      %shift_right_arithmetic3A_41 = arith.shrsi %add3A_38, %shift_right_arithmetic3A_40 : vector<16xi32>
      %and3A_42 = arith.constant 127 : i32
      %and3A_43 = vector.broadcast %and3A_42 : i32 to vector<16xi32>
      %and3A_44 = arith.andi %add3A_38, %and3A_43 : vector<16xi32>
      %gather3A_45 = tpu.vector_load_idx %arg9[%shift_right_arithmetic3A_41, %and3A_44] : memref<320x128xf32, #tpu.memory_space<vmem>>[vector<16xi32>, vector<16xi32>], vector<16xf32>,
      %sub3A = arith.subf %gather3A, %gather3A_45 : vector<16xf32>
      %shift_left3A_46 = arith.constant 2 : i32
      %shift_left3A_47 = vector.broadcast %shift_left3A_46 : i32 to vector<16xi32>
      %shift_left3A_48 = arith.shli %get3A_21, %shift_left3A_47 : vector<16xi32>
      %add3A_49 = arith.constant 1 : i32
      %add3A_50 = vector.broadcast %add3A_49 : i32 to vector<16xi32>
      %add3A_51 = arith.addi %shift_left3A_48, %add3A_50 : vector<16xi32>
      %shift_right_arithmetic3A_52 = arith.constant 7 : i32
      %shift_right_arithmetic3A_53 = vector.broadcast %shift_right_arithmetic3A_52 : i32 to vector<16xi32>
      %shift_right_arithmetic3A_54 = arith.shrsi %add3A_51, %shift_right_arithmetic3A_53 : vector<16xi32>
      %and3A_55 = arith.constant 127 : i32
      %and3A_56 = vector.broadcast %and3A_55 : i32 to vector<16xi32>
      %and3A_57 = arith.andi %add3A_51, %and3A_56 : vector<16xi32>
      %gather3A_58 = tpu.vector_load_idx %arg9[%shift_right_arithmetic3A_54, %and3A_57] : memref<320x128xf32, #tpu.memory_space<vmem>>[vector<16xi32>, vector<16xi32>], vector<16xf32>,
      %shift_left3A_59 = arith.constant 2 : i32
      %shift_left3A_60 = vector.broadcast %shift_left3A_59 : i32 to vector<16xi32>
      %shift_left3A_61 = arith.shli %get3A_23, %shift_left3A_60 : vector<16xi32>
      %add3A_62 = arith.constant 1 : i32
      %add3A_63 = vector.broadcast %add3A_62 : i32 to vector<16xi32>
      %add3A_64 = arith.addi %shift_left3A_61, %add3A_63 : vector<16xi32>
      %shift_right_arithmetic3A_65 = arith.constant 7 : i32
      %shift_right_arithmetic3A_66 = vector.broadcast %shift_right_arithmetic3A_65 : i32 to vector<16xi32>
      %shift_right_arithmetic3A_67 = arith.shrsi %add3A_64, %shift_right_arithmetic3A_66 : vector<16xi32>
      %and3A_68 = arith.constant 127 : i32
      %and3A_69 = vector.broadcast %and3A_68 : i32 to vector<16xi32>
      %and3A_70 = arith.andi %add3A_64, %and3A_69 : vector<16xi32>
      %gather3A_71 = tpu.vector_load_idx %arg9[%shift_right_arithmetic3A_67, %and3A_70] : memref<320x128xf32, #tpu.memory_space<vmem>>[vector<16xi32>, vector<16xi32>], vector<16xf32>,
      %sub3A_72 = arith.subf %gather3A_58, %gather3A_71 : vector<16xf32>
      %shift_left3A_73 = arith.constant 2 : i32
      %shift_left3A_74 = vector.broadcast %shift_left3A_73 : i32 to vector<16xi32>
      %shift_left3A_75 = arith.shli %get3A_21, %shift_left3A_74 : vector<16xi32>
      %add3A_76 = arith.constant 2 : i32
      %add3A_77 = vector.broadcast %add3A_76 : i32 to vector<16xi32>
      %add3A_78 = arith.addi %shift_left3A_75, %add3A_77 : vector<16xi32>
      %shift_right_arithmetic3A_79 = arith.constant 7 : i32
      %shift_right_arithmetic3A_80 = vector.broadcast %shift_right_arithmetic3A_79 : i32 to vector<16xi32>
      %shift_right_arithmetic3A_81 = arith.shrsi %add3A_78, %shift_right_arithmetic3A_80 : vector<16xi32>
      %and3A_82 = arith.constant 127 : i32
      %and3A_83 = vector.broadcast %and3A_82 : i32 to vector<16xi32>
      %and3A_84 = arith.andi %add3A_78, %and3A_83 : vector<16xi32>
      %gather3A_85 = tpu.vector_load_idx %arg9[%shift_right_arithmetic3A_81, %and3A_84] : memref<320x128xf32, #tpu.memory_space<vmem>>[vector<16xi32>, vector<16xi32>], vector<16xf32>,
      %shift_left3A_86 = arith.constant 2 : i32
      %shift_left3A_87 = vector.broadcast %shift_left3A_86 : i32 to vector<16xi32>
      %shift_left3A_88 = arith.shli %get3A_23, %shift_left3A_87 : vector<16xi32>
      %add3A_89 = arith.constant 2 : i32
      %add3A_90 = vector.broadcast %add3A_89 : i32 to vector<16xi32>
      %add3A_91 = arith.addi %shift_left3A_88, %add3A_90 : vector<16xi32>
      %shift_right_arithmetic3A_92 = arith.constant 7 : i32
      %shift_right_arithmetic3A_93 = vector.broadcast %shift_right_arithmetic3A_92 : i32 to vector<16xi32>
      %shift_right_arithmetic3A_94 = arith.shrsi %add3A_91, %shift_right_arithmetic3A_93 : vector<16xi32>
      %and3A_95 = arith.constant 127 : i32
      %and3A_96 = vector.broadcast %and3A_95 : i32 to vector<16xi32>
      %and3A_97 = arith.andi %add3A_91, %and3A_96 : vector<16xi32>
      %gather3A_98 = tpu.vector_load_idx %arg9[%shift_right_arithmetic3A_94, %and3A_97] : memref<320x128xf32, #tpu.memory_space<vmem>>[vector<16xi32>, vector<16xi32>], vector<16xf32>,
      %sub3A_99 = arith.subf %gather3A_85, %gather3A_98 : vector<16xf32>
      %mul3A_100 = arith.mulf %sub3A, %sub3A : vector<16xf32>
      %mul3A_101 = arith.mulf %sub3A_72, %sub3A_72 : vector<16xf32>
      %add3A_102 = arith.addf %mul3A_100, %mul3A_101 : vector<16xf32>
      %mul3A_103 = arith.mulf %sub3A_99, %sub3A_99 : vector<16xf32>
      %add3A_104 = arith.addf %add3A_102, %mul3A_103 : vector<16xf32>
      %bitcast3A = vector.bitcast %add3A_104 : vector<16xf32> to vector<16xi32>
      %shift_right_arithmetic3A_105 = arith.constant 1 : i32
      %shift_right_arithmetic3A_106 = vector.broadcast %shift_right_arithmetic3A_105 : i32 to vector<16xi32>
      %shift_right_arithmetic3A_107 = arith.shrsi %bitcast3A, %shift_right_arithmetic3A_106 : vector<16xi32>
      %sub3A_108 = arith.constant 1597463007 : i32
      %sub3A_109 = vector.broadcast %sub3A_108 : i32 to vector<16xi32>
      %sub3A_110 = arith.subi %sub3A_109, %shift_right_arithmetic3A_107 : vector<16xi32>
      %bitcast3A_111 = vector.bitcast %sub3A_110 : vector<16xi32> to vector<16xf32>
      %mul3A_112 = arith.constant 5.000000e-01 : f32
      %mul3A_113 = vector.broadcast %mul3A_112 : f32 to vector<16xf32>
      %mul3A_114 = arith.mulf %mul3A_113, %add3A_104 : vector<16xf32>
      %mul3A_115 = arith.mulf %mul3A_114, %bitcast3A_111 : vector<16xf32>
      %mul3A_116 = arith.mulf %mul3A_115, %bitcast3A_111 : vector<16xf32>
      %sub3A_117 = arith.constant 1.500000e+00 : f32
      %sub3A_118 = vector.broadcast %sub3A_117 : f32 to vector<16xf32>
      %sub3A_119 = arith.subf %sub3A_118, %mul3A_116 : vector<16xf32>
      %mul3A_120 = arith.mulf %bitcast3A_111, %sub3A_119 : vector<16xf32>
      %mul3A_121 = arith.constant 5.000000e-01 : f32
      %mul3A_122 = vector.broadcast %mul3A_121 : f32 to vector<16xf32>
      %mul3A_123 = arith.mulf %mul3A_122, %add3A_104 : vector<16xf32>
      %mul3A_124 = arith.mulf %mul3A_123, %mul3A_120 : vector<16xf32>
      %mul3A_125 = arith.mulf %mul3A_124, %mul3A_120 : vector<16xf32>
      %sub3A_126 = arith.constant 1.500000e+00 : f32
      %sub3A_127 = vector.broadcast %sub3A_126 : f32 to vector<16xf32>
      %sub3A_128 = arith.subf %sub3A_127, %mul3A_125 : vector<16xf32>
      %mul3A_129 = arith.mulf %mul3A_120, %sub3A_128 : vector<16xf32>
      %mul3A_130 = arith.constant 5.000000e-01 : f32
      %mul3A_131 = vector.broadcast %mul3A_130 : f32 to vector<16xf32>
      %mul3A_132 = arith.mulf %mul3A_131, %add3A_104 : vector<16xf32>
      %mul3A_133 = arith.mulf %mul3A_132, %mul3A_129 : vector<16xf32>
      %mul3A_134 = arith.mulf %mul3A_133, %mul3A_129 : vector<16xf32>
      %sub3A_135 = arith.constant 1.500000e+00 : f32
      %sub3A_136 = vector.broadcast %sub3A_135 : f32 to vector<16xf32>
      %sub3A_137 = arith.subf %sub3A_136, %mul3A_134 : vector<16xf32>
      %mul3A_138 = arith.mulf %mul3A_129, %sub3A_137 : vector<16xf32>
      %mul3A_139 = arith.mulf %add3A_104, %mul3A_138 : vector<16xf32>
      %swap3A = arith.constant 0 : index
      %swap3A_140 = tpu.vector_load %arg10[%swap3A] {strides = array<i32>} : memref<80xf32, #tpu.memory_space<vmem>>, vector<16xf32>,
      tpu.vector_store %arg10[%swap3A], %mul3A_139 {strides = array<i32>} : memref<80xf32, #tpu.memory_space<vmem>>, vector<16xf32>,
      %shift_right_arithmetic3A_141 = arith.constant 7 : i32
      %shift_right_arithmetic3A_142 = vector.broadcast %shift_right_arithmetic3A_141 : i32 to vector<16xi32>
      %shift_right_arithmetic3A_143 = arith.shrsi %get3A_23, %shift_right_arithmetic3A_142 : vector<16xi32>
      %and3A_144 = arith.constant 127 : i32
      %and3A_145 = vector.broadcast %and3A_144 : i32 to vector<16xi32>
      %and3A_146 = arith.andi %get3A_23, %and3A_145 : vector<16xi32>
      tpu.vector_store_idx %arg11[%shift_right_arithmetic3A_143, %and3A_146], %broadcast_in_dim3A_3 {add = true} : memref<80x128xf32, #tpu.memory_space<vmem>>[vector<16xi32>, vector<16xi32>], vector<16xf32>,
      %get3A_147 = arith.constant 16 : index
      %get3A_148 = tpu.vector_load %arg8[%get3A_147] {strides = array<i32>} : memref<80xi32, #tpu.memory_space<vmem>>, vector<16xi32>,
      %get3A_149 = arith.constant 16 : index
      %get3A_150 = tpu.vector_load %arg7[%get3A_149] {strides = array<i32>} : memref<80xi32, #tpu.memory_space<vmem>>, vector<16xi32>,
      %shift_left3A_151 = arith.constant 2 : i32
      %shift_left3A_152 = vector.broadcast %shift_left3A_151 : i32 to vector<16xi32>
      %shift_left3A_153 = arith.shli %get3A_148, %shift_left3A_152 : vector<16xi32>
      %add3A_154 = arith.constant 0 : i32
      %add3A_155 = vector.broadcast %add3A_154 : i32 to vector<16xi32>
      %add3A_156 = arith.addi %shift_left3A_153, %add3A_155 : vector<16xi32>
      %shift_right_arithmetic3A_157 = arith.constant 7 : i32
      %shift_right_arithmetic3A_158 = vector.broadcast %shift_right_arithmetic3A_157 : i32 to vector<16xi32>
      %shift_right_arithmetic3A_159 = arith.shrsi %add3A_156, %shift_right_arithmetic3A_158 : vector<16xi32>
      %and3A_160 = arith.constant 127 : i32
      %and3A_161 = vector.broadcast %and3A_160 : i32 to vector<16xi32>
      %and3A_162 = arith.andi %add3A_156, %and3A_161 : vector<16xi32>
      %gather3A_163 = tpu.vector_load_idx %arg9[%shift_right_arithmetic3A_159, %and3A_162] : memref<320x128xf32, #tpu.memory_space<vmem>>[vector<16xi32>, vector<16xi32>], vector<16xf32>,
      %shift_left3A_164 = arith.constant 2 : i32
      %shift_left3A_165 = vector.broadcast %shift_left3A_164 : i32 to vector<16xi32>
      %shift_left3A_166 = arith.shli %get3A_150, %shift_left3A_165 : vector<16xi32>
      %add3A_167 = arith.constant 0 : i32
      %add3A_168 = vector.broadcast %add3A_167 : i32 to vector<16xi32>
      %add3A_169 = arith.addi %shift_left3A_166, %add3A_168 : vector<16xi32>
      %shift_right_arithmetic3A_170 = arith.constant 7 : i32
      %shift_right_arithmetic3A_171 = vector.broadcast %shift_right_arithmetic3A_170 : i32 to vector<16xi32>
      %shift_right_arithmetic3A_172 = arith.shrsi %add3A_169, %shift_right_arithmetic3A_171 : vector<16xi32>
      %and3A_173 = arith.constant 127 : i32
      %and3A_174 = vector.broadcast %and3A_173 : i32 to vector<16xi32>
      %and3A_175 = arith.andi %add3A_169, %and3A_174 : vector<16xi32>
      %gather3A_176 = tpu.vector_load_idx %arg9[%shift_right_arithmetic3A_172, %and3A_175] : memref<320x128xf32, #tpu.memory_space<vmem>>[vector<16xi32>, vector<16xi32>], vector<16xf32>,
      %sub3A_177 = arith.subf %gather3A_163, %gather3A_176 : vector<16xf32>
      %shift_left3A_178 = arith.constant 2 : i32
      %shift_left3A_179 = vector.broadcast %shift_left3A_178 : i32 to vector<16xi32>
      %shift_left3A_180 = arith.shli %get3A_148, %shift_left3A_179 : vector<16xi32>
      %add3A_181 = arith.constant 1 : i32
      %add3A_182 = vector.broadcast %add3A_181 : i32 to vector<16xi32>
      %add3A_183 = arith.addi %shift_left3A_180, %add3A_182 : vector<16xi32>
      %shift_right_arithmetic3A_184 = arith.constant 7 : i32
      %shift_right_arithmetic3A_185 = vector.broadcast %shift_right_arithmetic3A_184 : i32 to vector<16xi32>
      %shift_right_arithmetic3A_186 = arith.shrsi %add3A_183, %shift_right_arithmetic3A_185 : vector<16xi32>
      %and3A_187 = arith.constant 127 : i32
      %and3A_188 = vector.broadcast %and3A_187 : i32 to vector<16xi32>
      %and3A_189 = arith.andi %add3A_183, %and3A_188 : vector<16xi32>
      %gather3A_190 = tpu.vector_load_idx %arg9[%shift_right_arithmetic3A_186, %and3A_189] : memref<320x128xf32, #tpu.memory_space<vmem>>[vector<16xi32>, vector<16xi32>], vector<16xf32>,
      %shift_left3A_191 = arith.constant 2 : i32
      %shift_left3A_192 = vector.broadcast %shift_left3A_191 : i32 to vector<16xi32>
      %shift_left3A_193 = arith.shli %get3A_150, %shift_left3A_192 : vector<16xi32>
      %add3A_194 = arith.constant 1 : i32
      %add3A_195 = vector.broadcast %add3A_194 : i32 to vector<16xi32>
      %add3A_196 = arith.addi %shift_left3A_193, %add3A_195 : vector<16xi32>
      %shift_right_arithmetic3A_197 = arith.constant 7 : i32
      %shift_right_arithmetic3A_198 = vector.broadcast %shift_right_arithmetic3A_197 : i32 to vector<16xi32>
      %shift_right_arithmetic3A_199 = arith.shrsi %add3A_196, %shift_right_arithmetic3A_198 : vector<16xi32>
      %and3A_200 = arith.constant 127 : i32
      %and3A_201 = vector.broadcast %and3A_200 : i32 to vector<16xi32>
      %and3A_202 = arith.andi %add3A_196, %and3A_201 : vector<16xi32>
      %gather3A_203 = tpu.vector_load_idx %arg9[%shift_right_arithmetic3A_199, %and3A_202] : memref<320x128xf32, #tpu.memory_space<vmem>>[vector<16xi32>, vector<16xi32>], vector<16xf32>,
      %sub3A_204 = arith.subf %gather3A_190, %gather3A_203 : vector<16xf32>
      %shift_left3A_205 = arith.constant 2 : i32
      %shift_left3A_206 = vector.broadcast %shift_left3A_205 : i32 to vector<16xi32>
      %shift_left3A_207 = arith.shli %get3A_148, %shift_left3A_206 : vector<16xi32>
      %add3A_208 = arith.constant 2 : i32
      %add3A_209 = vector.broadcast %add3A_208 : i32 to vector<16xi32>
      %add3A_210 = arith.addi %shift_left3A_207, %add3A_209 : vector<16xi32>
      %shift_right_arithmetic3A_211 = arith.constant 7 : i32
      %shift_right_arithmetic3A_212 = vector.broadcast %shift_right_arithmetic3A_211 : i32 to vector<16xi32>
      %shift_right_arithmetic3A_213 = arith.shrsi %add3A_210, %shift_right_arithmetic3A_212 : vector<16xi32>
      %and3A_214 = arith.constant 127 : i32
      %and3A_215 = vector.broadcast %and3A_214 : i32 to vector<16xi32>
      %and3A_216 = arith.andi %add3A_210, %and3A_215 : vector<16xi32>
      %gather3A_217 = tpu.vector_load_idx %arg9[%shift_right_arithmetic3A_213, %and3A_216] : memref<320x128xf32, #tpu.memory_space<vmem>>[vector<16xi32>, vector<16xi32>], vector<16xf32>,
      %shift_left3A_218 = arith.constant 2 : i32
      %shift_left3A_219 = vector.broadcast %shift_left3A_218 : i32 to vector<16xi32>
      %shift_left3A_220 = arith.shli %get3A_150, %shift_left3A_219 : vector<16xi32>
      %add3A_221 = arith.constant 2 : i32
      %add3A_222 = vector.broadcast %add3A_221 : i32 to vector<16xi32>
      %add3A_223 = arith.addi %shift_left3A_220, %add3A_222 : vector<16xi32>
      %shift_right_arithmetic3A_224 = arith.constant 7 : i32
      %shift_right_arithmetic3A_225 = vector.broadcast %shift_right_arithmetic3A_224 : i32 to vector<16xi32>
      %shift_right_arithmetic3A_226 = arith.shrsi %add3A_223, %shift_right_arithmetic3A_225 : vector<16xi32>
      %and3A_227 = arith.constant 127 : i32
      %and3A_228 = vector.broadcast %and3A_227 : i32 to vector<16xi32>
      %and3A_229 = arith.andi %add3A_223, %and3A_228 : vector<16xi32>
      %gather3A_230 = tpu.vector_load_idx %arg9[%shift_right_arithmetic3A_226, %and3A_229] : memref<320x128xf32, #tpu.memory_space<vmem>>[vector<16xi32>, vector<16xi32>], vector<16xf32>,
      %sub3A_231 = arith.subf %gather3A_217, %gather3A_230 : vector<16xf32>
      %mul3A_232 = arith.mulf %sub3A_177, %sub3A_177 : vector<16xf32>
      %mul3A_233 = arith.mulf %sub3A_204, %sub3A_204 : vector<16xf32>
      %add3A_234 = arith.addf %mul3A_232, %mul3A_233 : vector<16xf32>
      %mul3A_235 = arith.mulf %sub3A_231, %sub3A_231 : vector<16xf32>
      %add3A_236 = arith.addf %add3A_234, %mul3A_235 : vector<16xf32>
      %bitcast3A_237 = vector.bitcast %add3A_236 : vector<16xf32> to vector<16xi32>
      %shift_right_arithmetic3A_238 = arith.constant 1 : i32
      %shift_right_arithmetic3A_239 = vector.broadcast %shift_right_arithmetic3A_238 : i32 to vector<16xi32>
      %shift_right_arithmetic3A_240 = arith.shrsi %bitcast3A_237, %shift_right_arithmetic3A_239 : vector<16xi32>
      %sub3A_241 = arith.constant 1597463007 : i32
      %sub3A_242 = vector.broadcast %sub3A_241 : i32 to vector<16xi32>
      %sub3A_243 = arith.subi %sub3A_242, %shift_right_arithmetic3A_240 : vector<16xi32>
      %bitcast3A_244 = vector.bitcast %sub3A_243 : vector<16xi32> to vector<16xf32>
      %mul3A_245 = arith.constant 5.000000e-01 : f32
      %mul3A_246 = vector.broadcast %mul3A_245 : f32 to vector<16xf32>
      %mul3A_247 = arith.mulf %mul3A_246, %add3A_236 : vector<16xf32>
      %mul3A_248 = arith.mulf %mul3A_247, %bitcast3A_244 : vector<16xf32>
      %mul3A_249 = arith.mulf %mul3A_248, %bitcast3A_244 : vector<16xf32>
      %sub3A_250 = arith.constant 1.500000e+00 : f32
      %sub3A_251 = vector.broadcast %sub3A_250 : f32 to vector<16xf32>
      %sub3A_252 = arith.subf %sub3A_251, %mul3A_249 : vector<16xf32>
      %mul3A_253 = arith.mulf %bitcast3A_244, %sub3A_252 : vector<16xf32>
      %mul3A_254 = arith.constant 5.000000e-01 : f32
      %mul3A_255 = vector.broadcast %mul3A_254 : f32 to vector<16xf32>
      %mul3A_256 = arith.mulf %mul3A_255, %add3A_236 : vector<16xf32>
      %mul3A_257 = arith.mulf %mul3A_256, %mul3A_253 : vector<16xf32>
      %mul3A_258 = arith.mulf %mul3A_257, %mul3A_253 : vector<16xf32>
      %sub3A_259 = arith.constant 1.500000e+00 : f32
      %sub3A_260 = vector.broadcast %sub3A_259 : f32 to vector<16xf32>
      %sub3A_261 = arith.subf %sub3A_260, %mul3A_258 : vector<16xf32>
      %mul3A_262 = arith.mulf %mul3A_253, %sub3A_261 : vector<16xf32>
      %mul3A_263 = arith.constant 5.000000e-01 : f32
      %mul3A_264 = vector.broadcast %mul3A_263 : f32 to vector<16xf32>
      %mul3A_265 = arith.mulf %mul3A_264, %add3A_236 : vector<16xf32>
      %mul3A_266 = arith.mulf %mul3A_265, %mul3A_262 : vector<16xf32>
      %mul3A_267 = arith.mulf %mul3A_266, %mul3A_262 : vector<16xf32>
      %sub3A_268 = arith.constant 1.500000e+00 : f32
      %sub3A_269 = vector.broadcast %sub3A_268 : f32 to vector<16xf32>
      %sub3A_270 = arith.subf %sub3A_269, %mul3A_267 : vector<16xf32>
      %mul3A_271 = arith.mulf %mul3A_262, %sub3A_270 : vector<16xf32>
      %mul3A_272 = arith.mulf %add3A_236, %mul3A_271 : vector<16xf32>
      %swap3A_273 = arith.constant 16 : index
      %swap3A_274 = tpu.vector_load %arg10[%swap3A_273] {strides = array<i32>} : memref<80xf32, #tpu.memory_space<vmem>>, vector<16xf32>,
      tpu.vector_store %arg10[%swap3A_273], %mul3A_272 {strides = array<i32>} : memref<80xf32, #tpu.memory_space<vmem>>, vector<16xf32>,
      %shift_right_arithmetic3A_275 = arith.constant 7 : i32
      %shift_right_arithmetic3A_276 = vector.broadcast %shift_right_arithmetic3A_275 : i32 to vector<16xi32>
      %shift_right_arithmetic3A_277 = arith.shrsi %get3A_150, %shift_right_arithmetic3A_276 : vector<16xi32>
      %and3A_278 = arith.constant 127 : i32
      %and3A_279 = vector.broadcast %and3A_278 : i32 to vector<16xi32>
      %and3A_280 = arith.andi %get3A_150, %and3A_279 : vector<16xi32>
      tpu.vector_store_idx %arg11[%shift_right_arithmetic3A_277, %and3A_280], %broadcast_in_dim3A_3 {add = true} : memref<80x128xf32, #tpu.memory_space<vmem>>[vector<16xi32>, vector<16xi32>], vector<16xf32>,
      %get3A_281 = arith.constant 32 : index
      %get3A_282 = tpu.vector_load %arg8[%get3A_281] {strides = array<i32>} : memref<80xi32, #tpu.memory_space<vmem>>, vector<16xi32>,
      %get3A_283 = arith.constant 32 : index
      %get3A_284 = tpu.vector_load %arg7[%get3A_283] {strides = array<i32>} : memref<80xi32, #tpu.memory_space<vmem>>, vector<16xi32>,
      %shift_left3A_285 = arith.constant 2 : i32
      %shift_left3A_286 = vector.broadcast %shift_left3A_285 : i32 to vector<16xi32>
      %shift_left3A_287 = arith.shli %get3A_282, %shift_left3A_286 : vector<16xi32>
      %add3A_288 = arith.constant 0 : i32
      %add3A_289 = vector.broadcast %add3A_288 : i32 to vector<16xi32>
      %add3A_290 = arith.addi %shift_left3A_287, %add3A_289 : vector<16xi32>
      %shift_right_arithmetic3A_291 = arith.constant 7 : i32
      %shift_right_arithmetic3A_292 = vector.broadcast %shift_right_arithmetic3A_291 : i32 to vector<16xi32>
      %shift_right_arithmetic3A_293 = arith.shrsi %add3A_290, %shift_right_arithmetic3A_292 : vector<16xi32>
      %and3A_294 = arith.constant 127 : i32
      %and3A_295 = vector.broadcast %and3A_294 : i32 to vector<16xi32>
      %and3A_296 = arith.andi %add3A_290, %and3A_295 : vector<16xi32>
      %gather3A_297 = tpu.vector_load_idx %arg9[%shift_right_arithmetic3A_293, %and3A_296] : memref<320x128xf32, #tpu.memory_space<vmem>>[vector<16xi32>, vector<16xi32>], vector<16xf32>,
      %shift_left3A_298 = arith.constant 2 : i32
      %shift_left3A_299 = vector.broadcast %shift_left3A_298 : i32 to vector<16xi32>
      %shift_left3A_300 = arith.shli %get3A_284, %shift_left3A_299 : vector<16xi32>
      %add3A_301 = arith.constant 0 : i32
      %add3A_302 = vector.broadcast %add3A_301 : i32 to vector<16xi32>
      %add3A_303 = arith.addi %shift_left3A_300, %add3A_302 : vector<16xi32>
      %shift_right_arithmetic3A_304 = arith.constant 7 : i32
      %shift_right_arithmetic3A_305 = vector.broadcast %shift_right_arithmetic3A_304 : i32 to vector<16xi32>
      %shift_right_arithmetic3A_306 = arith.shrsi %add3A_303, %shift_right_arithmetic3A_305 : vector<16xi32>
      %and3A_307 = arith.constant 127 : i32
      %and3A_308 = vector.broadcast %and3A_307 : i32 to vector<16xi32>
      %and3A_309 = arith.andi %add3A_303, %and3A_308 : vector<16xi32>
      %gather3A_310 = tpu.vector_load_idx %arg9[%shift_right_arithmetic3A_306, %and3A_309] : memref<320x128xf32, #tpu.memory_space<vmem>>[vector<16xi32>, vector<16xi32>], vector<16xf32>,
      %sub3A_311 = arith.subf %gather3A_297, %gather3A_310 : vector<16xf32>
      %shift_left3A_312 = arith.constant 2 : i32
      %shift_left3A_313 = vector.broadcast %shift_left3A_312 : i32 to vector<16xi32>
      %shift_left3A_314 = arith.shli %get3A_282, %shift_left3A_313 : vector<16xi32>
      %add3A_315 = arith.constant 1 : i32
      %add3A_316 = vector.broadcast %add3A_315 : i32 to vector<16xi32>
      %add3A_317 = arith.addi %shift_left3A_314, %add3A_316 : vector<16xi32>
      %shift_right_arithmetic3A_318 = arith.constant 7 : i32
      %shift_right_arithmetic3A_319 = vector.broadcast %shift_right_arithmetic3A_318 : i32 to vector<16xi32>
      %shift_right_arithmetic3A_320 = arith.shrsi %add3A_317, %shift_right_arithmetic3A_319 : vector<16xi32>
      %and3A_321 = arith.constant 127 : i32
      %and3A_322 = vector.broadcast %and3A_321 : i32 to vector<16xi32>
      %and3A_323 = arith.andi %add3A_317, %and3A_322 : vector<16xi32>
      %gather3A_324 = tpu.vector_load_idx %arg9[%shift_right_arithmetic3A_320, %and3A_323] : memref<320x128xf32, #tpu.memory_space<vmem>>[vector<16xi32>, vector<16xi32>], vector<16xf32>,
      %shift_left3A_325 = arith.constant 2 : i32
      %shift_left3A_326 = vector.broadcast %shift_left3A_325 : i32 to vector<16xi32>
      %shift_left3A_327 = arith.shli %get3A_284, %shift_left3A_326 : vector<16xi32>
      %add3A_328 = arith.constant 1 : i32
      %add3A_329 = vector.broadcast %add3A_328 : i32 to vector<16xi32>
      %add3A_330 = arith.addi %shift_left3A_327, %add3A_329 : vector<16xi32>
      %shift_right_arithmetic3A_331 = arith.constant 7 : i32
      %shift_right_arithmetic3A_332 = vector.broadcast %shift_right_arithmetic3A_331 : i32 to vector<16xi32>
      %shift_right_arithmetic3A_333 = arith.shrsi %add3A_330, %shift_right_arithmetic3A_332 : vector<16xi32>
      %and3A_334 = arith.constant 127 : i32
      %and3A_335 = vector.broadcast %and3A_334 : i32 to vector<16xi32>
      %and3A_336 = arith.andi %add3A_330, %and3A_335 : vector<16xi32>
      %gather3A_337 = tpu.vector_load_idx %arg9[%shift_right_arithmetic3A_333, %and3A_336] : memref<320x128xf32, #tpu.memory_space<vmem>>[vector<16xi32>, vector<16xi32>], vector<16xf32>,
      %sub3A_338 = arith.subf %gather3A_324, %gather3A_337 : vector<16xf32>
      %shift_left3A_339 = arith.constant 2 : i32
      %shift_left3A_340 = vector.broadcast %shift_left3A_339 : i32 to vector<16xi32>
      %shift_left3A_341 = arith.shli %get3A_282, %shift_left3A_340 : vector<16xi32>
      %add3A_342 = arith.constant 2 : i32
      %add3A_343 = vector.broadcast %add3A_342 : i32 to vector<16xi32>
      %add3A_344 = arith.addi %shift_left3A_341, %add3A_343 : vector<16xi32>
      %shift_right_arithmetic3A_345 = arith.constant 7 : i32
      %shift_right_arithmetic3A_346 = vector.broadcast %shift_right_arithmetic3A_345 : i32 to vector<16xi32>
      %shift_right_arithmetic3A_347 = arith.shrsi %add3A_344, %shift_right_arithmetic3A_346 : vector<16xi32>
      %and3A_348 = arith.constant 127 : i32
      %and3A_349 = vector.broadcast %and3A_348 : i32 to vector<16xi32>
      %and3A_350 = arith.andi %add3A_344, %and3A_349 : vector<16xi32>
      %gather3A_351 = tpu.vector_load_idx %arg9[%shift_right_arithmetic3A_347, %and3A_350] : memref<320x128xf32, #tpu.memory_space<vmem>>[vector<16xi32>, vector<16xi32>], vector<16xf32>,
      %shift_left3A_352 = arith.constant 2 : i32
      %shift_left3A_353 = vector.broadcast %shift_left3A_352 : i32 to vector<16xi32>
      %shift_left3A_354 = arith.shli %get3A_284, %shift_left3A_353 : vector<16xi32>
      %add3A_355 = arith.constant 2 : i32
      %add3A_356 = vector.broadcast %add3A_355 : i32 to vector<16xi32>
      %add3A_357 = arith.addi %shift_left3A_354, %add3A_356 : vector<16xi32>
      %shift_right_arithmetic3A_358 = arith.constant 7 : i32
      %shift_right_arithmetic3A_359 = vector.broadcast %shift_right_arithmetic3A_358 : i32 to vector<16xi32>
      %shift_right_arithmetic3A_360 = arith.shrsi %add3A_357, %shift_right_arithmetic3A_359 : vector<16xi32>
      %and3A_361 = arith.constant 127 : i32
      %and3A_362 = vector.broadcast %and3A_361 : i32 to vector<16xi32>
      %and3A_363 = arith.andi %add3A_357, %and3A_362 : vector<16xi32>
      %gather3A_364 = tpu.vector_load_idx %arg9[%shift_right_arithmetic3A_360, %and3A_363] : memref<320x128xf32, #tpu.memory_space<vmem>>[vector<16xi32>, vector<16xi32>], vector<16xf32>,
      %sub3A_365 = arith.subf %gather3A_351, %gather3A_364 : vector<16xf32>
      %mul3A_366 = arith.mulf %sub3A_311, %sub3A_311 : vector<16xf32>
      %mul3A_367 = arith.mulf %sub3A_338, %sub3A_338 : vector<16xf32>
      %add3A_368 = arith.addf %mul3A_366, %mul3A_367 : vector<16xf32>
      %mul3A_369 = arith.mulf %sub3A_365, %sub3A_365 : vector<16xf32>
      %add3A_370 = arith.addf %add3A_368, %mul3A_369 : vector<16xf32>
      %bitcast3A_371 = vector.bitcast %add3A_370 : vector<16xf32> to vector<16xi32>
      %shift_right_arithmetic3A_372 = arith.constant 1 : i32
      %shift_right_arithmetic3A_373 = vector.broadcast %shift_right_arithmetic3A_372 : i32 to vector<16xi32>
      %shift_right_arithmetic3A_374 = arith.shrsi %bitcast3A_371, %shift_right_arithmetic3A_373 : vector<16xi32>
      %sub3A_375 = arith.constant 1597463007 : i32
      %sub3A_376 = vector.broadcast %sub3A_375 : i32 to vector<16xi32>
      %sub3A_377 = arith.subi %sub3A_376, %shift_right_arithmetic3A_374 : vector<16xi32>
      %bitcast3A_378 = vector.bitcast %sub3A_377 : vector<16xi32> to vector<16xf32>
      %mul3A_379 = arith.constant 5.000000e-01 : f32
      %mul3A_380 = vector.broadcast %mul3A_379 : f32 to vector<16xf32>
      %mul3A_381 = arith.mulf %mul3A_380, %add3A_370 : vector<16xf32>
      %mul3A_382 = arith.mulf %mul3A_381, %bitcast3A_378 : vector<16xf32>
      %mul3A_383 = arith.mulf %mul3A_382, %bitcast3A_378 : vector<16xf32>
      %sub3A_384 = arith.constant 1.500000e+00 : f32
      %sub3A_385 = vector.broadcast %sub3A_384 : f32 to vector<16xf32>
      %sub3A_386 = arith.subf %sub3A_385, %mul3A_383 : vector<16xf32>
      %mul3A_387 = arith.mulf %bitcast3A_378, %sub3A_386 : vector<16xf32>
      %mul3A_388 = arith.constant 5.000000e-01 : f32
      %mul3A_389 = vector.broadcast %mul3A_388 : f32 to vector<16xf32>
      %mul3A_390 = arith.mulf %mul3A_389, %add3A_370 : vector<16xf32>
      %mul3A_391 = arith.mulf %mul3A_390, %mul3A_387 : vector<16xf32>
      %mul3A_392 = arith.mulf %mul3A_391, %mul3A_387 : vector<16xf32>
      %sub3A_393 = arith.constant 1.500000e+00 : f32
      %sub3A_394 = vector.broadcast %sub3A_393 : f32 to vector<16xf32>
      %sub3A_395 = arith.subf %sub3A_394, %mul3A_392 : vector<16xf32>
      %mul3A_396 = arith.mulf %mul3A_387, %sub3A_395 : vector<16xf32>
      %mul3A_397 = arith.constant 5.000000e-01 : f32
      %mul3A_398 = vector.broadcast %mul3A_397 : f32 to vector<16xf32>
      %mul3A_399 = arith.mulf %mul3A_398, %add3A_370 : vector<16xf32>
      %mul3A_400 = arith.mulf %mul3A_399, %mul3A_396 : vector<16xf32>
      %mul3A_401 = arith.mulf %mul3A_400, %mul3A_396 : vector<16xf32>
      %sub3A_402 = arith.constant 1.500000e+00 : f32
      %sub3A_403 = vector.broadcast %sub3A_402 : f32 to vector<16xf32>
      %sub3A_404 = arith.subf %sub3A_403, %mul3A_401 : vector<16xf32>
      %mul3A_405 = arith.mulf %mul3A_396, %sub3A_404 : vector<16xf32>
      %mul3A_406 = arith.mulf %add3A_370, %mul3A_405 : vector<16xf32>
      %swap3A_407 = arith.constant 32 : index
      %swap3A_408 = tpu.vector_load %arg10[%swap3A_407] {strides = array<i32>} : memref<80xf32, #tpu.memory_space<vmem>>, vector<16xf32>,
      tpu.vector_store %arg10[%swap3A_407], %mul3A_406 {strides = array<i32>} : memref<80xf32, #tpu.memory_space<vmem>>, vector<16xf32>,
      %shift_right_arithmetic3A_409 = arith.constant 7 : i32
      %shift_right_arithmetic3A_410 = vector.broadcast %shift_right_arithmetic3A_409 : i32 to vector<16xi32>
      %shift_right_arithmetic3A_411 = arith.shrsi %get3A_284, %shift_right_arithmetic3A_410 : vector<16xi32>
      %and3A_412 = arith.constant 127 : i32
      %and3A_413 = vector.broadcast %and3A_412 : i32 to vector<16xi32>
      %and3A_414 = arith.andi %get3A_284, %and3A_413 : vector<16xi32>
      tpu.vector_store_idx %arg11[%shift_right_arithmetic3A_411, %and3A_414], %broadcast_in_dim3A_3 {add = true} : memref<80x128xf32, #tpu.memory_space<vmem>>[vector<16xi32>, vector<16xi32>], vector<16xf32>,
      %get3A_415 = arith.constant 48 : index
      %get3A_416 = tpu.vector_load %arg8[%get3A_415] {strides = array<i32>} : memref<80xi32, #tpu.memory_space<vmem>>, vector<16xi32>,
      %get3A_417 = arith.constant 48 : index
      %get3A_418 = tpu.vector_load %arg7[%get3A_417] {strides = array<i32>} : memref<80xi32, #tpu.memory_space<vmem>>, vector<16xi32>,
      %shift_left3A_419 = arith.constant 2 : i32
      %shift_left3A_420 = vector.broadcast %shift_left3A_419 : i32 to vector<16xi32>
      %shift_left3A_421 = arith.shli %get3A_416, %shift_left3A_420 : vector<16xi32>
      %add3A_422 = arith.constant 0 : i32
      %add3A_423 = vector.broadcast %add3A_422 : i32 to vector<16xi32>
      %add3A_424 = arith.addi %shift_left3A_421, %add3A_423 : vector<16xi32>
      %shift_right_arithmetic3A_425 = arith.constant 7 : i32
      %shift_right_arithmetic3A_426 = vector.broadcast %shift_right_arithmetic3A_425 : i32 to vector<16xi32>
      %shift_right_arithmetic3A_427 = arith.shrsi %add3A_424, %shift_right_arithmetic3A_426 : vector<16xi32>
      %and3A_428 = arith.constant 127 : i32
      %and3A_429 = vector.broadcast %and3A_428 : i32 to vector<16xi32>
      %and3A_430 = arith.andi %add3A_424, %and3A_429 : vector<16xi32>
      %gather3A_431 = tpu.vector_load_idx %arg9[%shift_right_arithmetic3A_427, %and3A_430] : memref<320x128xf32, #tpu.memory_space<vmem>>[vector<16xi32>, vector<16xi32>], vector<16xf32>,
      %shift_left3A_432 = arith.constant 2 : i32
      %shift_left3A_433 = vector.broadcast %shift_left3A_432 : i32 to vector<16xi32>
      %shift_left3A_434 = arith.shli %get3A_418, %shift_left3A_433 : vector<16xi32>
      %add3A_435 = arith.constant 0 : i32
      %add3A_436 = vector.broadcast %add3A_435 : i32 to vector<16xi32>
      %add3A_437 = arith.addi %shift_left3A_434, %add3A_436 : vector<16xi32>
      %shift_right_arithmetic3A_438 = arith.constant 7 : i32
      %shift_right_arithmetic3A_439 = vector.broadcast %shift_right_arithmetic3A_438 : i32 to vector<16xi32>
      %shift_right_arithmetic3A_440 = arith.shrsi %add3A_437, %shift_right_arithmetic3A_439 : vector<16xi32>
      %and3A_441 = arith.constant 127 : i32
      %and3A_442 = vector.broadcast %and3A_441 : i32 to vector<16xi32>
      %and3A_443 = arith.andi %add3A_437, %and3A_442 : vector<16xi32>
      %gather3A_444 = tpu.vector_load_idx %arg9[%shift_right_arithmetic3A_440, %and3A_443] : memref<320x128xf32, #tpu.memory_space<vmem>>[vector<16xi32>, vector<16xi32>], vector<16xf32>,
      %sub3A_445 = arith.subf %gather3A_431, %gather3A_444 : vector<16xf32>
      %shift_left3A_446 = arith.constant 2 : i32
      %shift_left3A_447 = vector.broadcast %shift_left3A_446 : i32 to vector<16xi32>
      %shift_left3A_448 = arith.shli %get3A_416, %shift_left3A_447 : vector<16xi32>
      %add3A_449 = arith.constant 1 : i32
      %add3A_450 = vector.broadcast %add3A_449 : i32 to vector<16xi32>
      %add3A_451 = arith.addi %shift_left3A_448, %add3A_450 : vector<16xi32>
      %shift_right_arithmetic3A_452 = arith.constant 7 : i32
      %shift_right_arithmetic3A_453 = vector.broadcast %shift_right_arithmetic3A_452 : i32 to vector<16xi32>
      %shift_right_arithmetic3A_454 = arith.shrsi %add3A_451, %shift_right_arithmetic3A_453 : vector<16xi32>
      %and3A_455 = arith.constant 127 : i32
      %and3A_456 = vector.broadcast %and3A_455 : i32 to vector<16xi32>
      %and3A_457 = arith.andi %add3A_451, %and3A_456 : vector<16xi32>
      %gather3A_458 = tpu.vector_load_idx %arg9[%shift_right_arithmetic3A_454, %and3A_457] : memref<320x128xf32, #tpu.memory_space<vmem>>[vector<16xi32>, vector<16xi32>], vector<16xf32>,
      %shift_left3A_459 = arith.constant 2 : i32
      %shift_left3A_460 = vector.broadcast %shift_left3A_459 : i32 to vector<16xi32>
      %shift_left3A_461 = arith.shli %get3A_418, %shift_left3A_460 : vector<16xi32>
      %add3A_462 = arith.constant 1 : i32
      %add3A_463 = vector.broadcast %add3A_462 : i32 to vector<16xi32>
      %add3A_464 = arith.addi %shift_left3A_461, %add3A_463 : vector<16xi32>
      %shift_right_arithmetic3A_465 = arith.constant 7 : i32
      %shift_right_arithmetic3A_466 = vector.broadcast %shift_right_arithmetic3A_465 : i32 to vector<16xi32>
      %shift_right_arithmetic3A_467 = arith.shrsi %add3A_464, %shift_right_arithmetic3A_466 : vector<16xi32>
      %and3A_468 = arith.constant 127 : i32
      %and3A_469 = vector.broadcast %and3A_468 : i32 to vector<16xi32>
      %and3A_470 = arith.andi %add3A_464, %and3A_469 : vector<16xi32>
      %gather3A_471 = tpu.vector_load_idx %arg9[%shift_right_arithmetic3A_467, %and3A_470] : memref<320x128xf32, #tpu.memory_space<vmem>>[vector<16xi32>, vector<16xi32>], vector<16xf32>,
      %sub3A_472 = arith.subf %gather3A_458, %gather3A_471 : vector<16xf32>
      %shift_left3A_473 = arith.constant 2 : i32
      %shift_left3A_474 = vector.broadcast %shift_left3A_473 : i32 to vector<16xi32>
      %shift_left3A_475 = arith.shli %get3A_416, %shift_left3A_474 : vector<16xi32>
      %add3A_476 = arith.constant 2 : i32
      %add3A_477 = vector.broadcast %add3A_476 : i32 to vector<16xi32>
      %add3A_478 = arith.addi %shift_left3A_475, %add3A_477 : vector<16xi32>
      %shift_right_arithmetic3A_479 = arith.constant 7 : i32
      %shift_right_arithmetic3A_480 = vector.broadcast %shift_right_arithmetic3A_479 : i32 to vector<16xi32>
      %shift_right_arithmetic3A_481 = arith.shrsi %add3A_478, %shift_right_arithmetic3A_480 : vector<16xi32>
      %and3A_482 = arith.constant 127 : i32
      %and3A_483 = vector.broadcast %and3A_482 : i32 to vector<16xi32>
      %and3A_484 = arith.andi %add3A_478, %and3A_483 : vector<16xi32>
      %gather3A_485 = tpu.vector_load_idx %arg9[%shift_right_arithmetic3A_481, %and3A_484] : memref<320x128xf32, #tpu.memory_space<vmem>>[vector<16xi32>, vector<16xi32>], vector<16xf32>,
      %shift_left3A_486 = arith.constant 2 : i32
      %shift_left3A_487 = vector.broadcast %shift_left3A_486 : i32 to vector<16xi32>
      %shift_left3A_488 = arith.shli %get3A_418, %shift_left3A_487 : vector<16xi32>
      %add3A_489 = arith.constant 2 : i32
      %add3A_490 = vector.broadcast %add3A_489 : i32 to vector<16xi32>
      %add3A_491 = arith.addi %shift_left3A_488, %add3A_490 : vector<16xi32>
      %shift_right_arithmetic3A_492 = arith.constant 7 : i32
      %shift_right_arithmetic3A_493 = vector.broadcast %shift_right_arithmetic3A_492 : i32 to vector<16xi32>
      %shift_right_arithmetic3A_494 = arith.shrsi %add3A_491, %shift_right_arithmetic3A_493 : vector<16xi32>
      %and3A_495 = arith.constant 127 : i32
      %and3A_496 = vector.broadcast %and3A_495 : i32 to vector<16xi32>
      %and3A_497 = arith.andi %add3A_491, %and3A_496 : vector<16xi32>
      %gather3A_498 = tpu.vector_load_idx %arg9[%shift_right_arithmetic3A_494, %and3A_497] : memref<320x128xf32, #tpu.memory_space<vmem>>[vector<16xi32>, vector<16xi32>], vector<16xf32>,
      %sub3A_499 = arith.subf %gather3A_485, %gather3A_498 : vector<16xf32>
      %mul3A_500 = arith.mulf %sub3A_445, %sub3A_445 : vector<16xf32>
      %mul3A_501 = arith.mulf %sub3A_472, %sub3A_472 : vector<16xf32>
      %add3A_502 = arith.addf %mul3A_500, %mul3A_501 : vector<16xf32>
      %mul3A_503 = arith.mulf %sub3A_499, %sub3A_499 : vector<16xf32>
      %add3A_504 = arith.addf %add3A_502, %mul3A_503 : vector<16xf32>
      %bitcast3A_505 = vector.bitcast %add3A_504 : vector<16xf32> to vector<16xi32>
      %shift_right_arithmetic3A_506 = arith.constant 1 : i32
      %shift_right_arithmetic3A_507 = vector.broadcast %shift_right_arithmetic3A_506 : i32 to vector<16xi32>
      %shift_right_arithmetic3A_508 = arith.shrsi %bitcast3A_505, %shift_right_arithmetic3A_507 : vector<16xi32>
      %sub3A_509 = arith.constant 1597463007 : i32
      %sub3A_510 = vector.broadcast %sub3A_509 : i32 to vector<16xi32>
      %sub3A_511 = arith.subi %sub3A_510, %shift_right_arithmetic3A_508 : vector<16xi32>
      %bitcast3A_512 = vector.bitcast %sub3A_511 : vector<16xi32> to vector<16xf32>
      %mul3A_513 = arith.constant 5.000000e-01 : f32
      %mul3A_514 = vector.broadcast %mul3A_513 : f32 to vector<16xf32>
      %mul3A_515 = arith.mulf %mul3A_514, %add3A_504 : vector<16xf32>
      %mul3A_516 = arith.mulf %mul3A_515, %bitcast3A_512 : vector<16xf32>
      %mul3A_517 = arith.mulf %mul3A_516, %bitcast3A_512 : vector<16xf32>
      %sub3A_518 = arith.constant 1.500000e+00 : f32
      %sub3A_519 = vector.broadcast %sub3A_518 : f32 to vector<16xf32>
      %sub3A_520 = arith.subf %sub3A_519, %mul3A_517 : vector<16xf32>
      %mul3A_521 = arith.mulf %bitcast3A_512, %sub3A_520 : vector<16xf32>
      %mul3A_522 = arith.constant 5.000000e-01 : f32
      %mul3A_523 = vector.broadcast %mul3A_522 : f32 to vector<16xf32>
      %mul3A_524 = arith.mulf %mul3A_523, %add3A_504 : vector<16xf32>
      %mul3A_525 = arith.mulf %mul3A_524, %mul3A_521 : vector<16xf32>
      %mul3A_526 = arith.mulf %mul3A_525, %mul3A_521 : vector<16xf32>
      %sub3A_527 = arith.constant 1.500000e+00 : f32
      %sub3A_528 = vector.broadcast %sub3A_527 : f32 to vector<16xf32>
      %sub3A_529 = arith.subf %sub3A_528, %mul3A_526 : vector<16xf32>
      %mul3A_530 = arith.mulf %mul3A_521, %sub3A_529 : vector<16xf32>
      %mul3A_531 = arith.constant 5.000000e-01 : f32
      %mul3A_532 = vector.broadcast %mul3A_531 : f32 to vector<16xf32>
      %mul3A_533 = arith.mulf %mul3A_532, %add3A_504 : vector<16xf32>
      %mul3A_534 = arith.mulf %mul3A_533, %mul3A_530 : vector<16xf32>
      %mul3A_535 = arith.mulf %mul3A_534, %mul3A_530 : vector<16xf32>
      %sub3A_536 = arith.constant 1.500000e+00 : f32
      %sub3A_537 = vector.broadcast %sub3A_536 : f32 to vector<16xf32>
      %sub3A_538 = arith.subf %sub3A_537, %mul3A_535 : vector<16xf32>
      %mul3A_539 = arith.mulf %mul3A_530, %sub3A_538 : vector<16xf32>
      %mul3A_540 = arith.mulf %add3A_504, %mul3A_539 : vector<16xf32>
      %swap3A_541 = arith.constant 48 : index
      %swap3A_542 = tpu.vector_load %arg10[%swap3A_541] {strides = array<i32>} : memref<80xf32, #tpu.memory_space<vmem>>, vector<16xf32>,
      tpu.vector_store %arg10[%swap3A_541], %mul3A_540 {strides = array<i32>} : memref<80xf32, #tpu.memory_space<vmem>>, vector<16xf32>,
      %shift_right_arithmetic3A_543 = arith.constant 7 : i32
      %shift_right_arithmetic3A_544 = vector.broadcast %shift_right_arithmetic3A_543 : i32 to vector<16xi32>
      %shift_right_arithmetic3A_545 = arith.shrsi %get3A_418, %shift_right_arithmetic3A_544 : vector<16xi32>
      %and3A_546 = arith.constant 127 : i32
      %and3A_547 = vector.broadcast %and3A_546 : i32 to vector<16xi32>
      %and3A_548 = arith.andi %get3A_418, %and3A_547 : vector<16xi32>
      tpu.vector_store_idx %arg11[%shift_right_arithmetic3A_545, %and3A_548], %broadcast_in_dim3A_3 {add = true} : memref<80x128xf32, #tpu.memory_space<vmem>>[vector<16xi32>, vector<16xi32>], vector<16xf32>,
      %get3A_549 = arith.constant 64 : index
      %get3A_550 = tpu.vector_load %arg8[%get3A_549] {strides = array<i32>} : memref<80xi32, #tpu.memory_space<vmem>>, vector<16xi32>,
      %get3A_551 = arith.constant 64 : index
      %get3A_552 = tpu.vector_load %arg7[%get3A_551] {strides = array<i32>} : memref<80xi32, #tpu.memory_space<vmem>>, vector<16xi32>,
      %shift_left3A_553 = arith.constant 2 : i32
      %shift_left3A_554 = vector.broadcast %shift_left3A_553 : i32 to vector<16xi32>
      %shift_left3A_555 = arith.shli %get3A_550, %shift_left3A_554 : vector<16xi32>
      %add3A_556 = arith.constant 0 : i32
      %add3A_557 = vector.broadcast %add3A_556 : i32 to vector<16xi32>
      %add3A_558 = arith.addi %shift_left3A_555, %add3A_557 : vector<16xi32>
      %shift_right_arithmetic3A_559 = arith.constant 7 : i32
      %shift_right_arithmetic3A_560 = vector.broadcast %shift_right_arithmetic3A_559 : i32 to vector<16xi32>
      %shift_right_arithmetic3A_561 = arith.shrsi %add3A_558, %shift_right_arithmetic3A_560 : vector<16xi32>
      %and3A_562 = arith.constant 127 : i32
      %and3A_563 = vector.broadcast %and3A_562 : i32 to vector<16xi32>
      %and3A_564 = arith.andi %add3A_558, %and3A_563 : vector<16xi32>
      %gather3A_565 = tpu.vector_load_idx %arg9[%shift_right_arithmetic3A_561, %and3A_564] : memref<320x128xf32, #tpu.memory_space<vmem>>[vector<16xi32>, vector<16xi32>], vector<16xf32>,
      %shift_left3A_566 = arith.constant 2 : i32
      %shift_left3A_567 = vector.broadcast %shift_left3A_566 : i32 to vector<16xi32>
      %shift_left3A_568 = arith.shli %get3A_552, %shift_left3A_567 : vector<16xi32>
      %add3A_569 = arith.constant 0 : i32
      %add3A_570 = vector.broadcast %add3A_569 : i32 to vector<16xi32>
      %add3A_571 = arith.addi %shift_left3A_568, %add3A_570 : vector<16xi32>
      %shift_right_arithmetic3A_572 = arith.constant 7 : i32
      %shift_right_arithmetic3A_573 = vector.broadcast %shift_right_arithmetic3A_572 : i32 to vector<16xi32>
      %shift_right_arithmetic3A_574 = arith.shrsi %add3A_571, %shift_right_arithmetic3A_573 : vector<16xi32>
      %and3A_575 = arith.constant 127 : i32
      %and3A_576 = vector.broadcast %and3A_575 : i32 to vector<16xi32>
      %and3A_577 = arith.andi %add3A_571, %and3A_576 : vector<16xi32>
      %gather3A_578 = tpu.vector_load_idx %arg9[%shift_right_arithmetic3A_574, %and3A_577] : memref<320x128xf32, #tpu.memory_space<vmem>>[vector<16xi32>, vector<16xi32>], vector<16xf32>,
      %sub3A_579 = arith.subf %gather3A_565, %gather3A_578 : vector<16xf32>
      %shift_left3A_580 = arith.constant 2 : i32
      %shift_left3A_581 = vector.broadcast %shift_left3A_580 : i32 to vector<16xi32>
      %shift_left3A_582 = arith.shli %get3A_550, %shift_left3A_581 : vector<16xi32>
      %add3A_583 = arith.constant 1 : i32
      %add3A_584 = vector.broadcast %add3A_583 : i32 to vector<16xi32>
      %add3A_585 = arith.addi %shift_left3A_582, %add3A_584 : vector<16xi32>
      %shift_right_arithmetic3A_586 = arith.constant 7 : i32
      %shift_right_arithmetic3A_587 = vector.broadcast %shift_right_arithmetic3A_586 : i32 to vector<16xi32>
      %shift_right_arithmetic3A_588 = arith.shrsi %add3A_585, %shift_right_arithmetic3A_587 : vector<16xi32>
      %and3A_589 = arith.constant 127 : i32
      %and3A_590 = vector.broadcast %and3A_589 : i32 to vector<16xi32>
      %and3A_591 = arith.andi %add3A_585, %and3A_590 : vector<16xi32>
      %gather3A_592 = tpu.vector_load_idx %arg9[%shift_right_arithmetic3A_588, %and3A_591] : memref<320x128xf32, #tpu.memory_space<vmem>>[vector<16xi32>, vector<16xi32>], vector<16xf32>,
      %shift_left3A_593 = arith.constant 2 : i32
      %shift_left3A_594 = vector.broadcast %shift_left3A_593 : i32 to vector<16xi32>
      %shift_left3A_595 = arith.shli %get3A_552, %shift_left3A_594 : vector<16xi32>
      %add3A_596 = arith.constant 1 : i32
      %add3A_597 = vector.broadcast %add3A_596 : i32 to vector<16xi32>
      %add3A_598 = arith.addi %shift_left3A_595, %add3A_597 : vector<16xi32>
      %shift_right_arithmetic3A_599 = arith.constant 7 : i32
      %shift_right_arithmetic3A_600 = vector.broadcast %shift_right_arithmetic3A_599 : i32 to vector<16xi32>
      %shift_right_arithmetic3A_601 = arith.shrsi %add3A_598, %shift_right_arithmetic3A_600 : vector<16xi32>
      %and3A_602 = arith.constant 127 : i32
      %and3A_603 = vector.broadcast %and3A_602 : i32 to vector<16xi32>
      %and3A_604 = arith.andi %add3A_598, %and3A_603 : vector<16xi32>
      %gather3A_605 = tpu.vector_load_idx %arg9[%shift_right_arithmetic3A_601, %and3A_604] : memref<320x128xf32, #tpu.memory_space<vmem>>[vector<16xi32>, vector<16xi32>], vector<16xf32>,
      %sub3A_606 = arith.subf %gather3A_592, %gather3A_605 : vector<16xf32>
      %shift_left3A_607 = arith.constant 2 : i32
      %shift_left3A_608 = vector.broadcast %shift_left3A_607 : i32 to vector<16xi32>
      %shift_left3A_609 = arith.shli %get3A_550, %shift_left3A_608 : vector<16xi32>
      %add3A_610 = arith.constant 2 : i32
      %add3A_611 = vector.broadcast %add3A_610 : i32 to vector<16xi32>
      %add3A_612 = arith.addi %shift_left3A_609, %add3A_611 : vector<16xi32>
      %shift_right_arithmetic3A_613 = arith.constant 7 : i32
      %shift_right_arithmetic3A_614 = vector.broadcast %shift_right_arithmetic3A_613 : i32 to vector<16xi32>
      %shift_right_arithmetic3A_615 = arith.shrsi %add3A_612, %shift_right_arithmetic3A_614 : vector<16xi32>
      %and3A_616 = arith.constant 127 : i32
      %and3A_617 = vector.broadcast %and3A_616 : i32 to vector<16xi32>
      %and3A_618 = arith.andi %add3A_612, %and3A_617 : vector<16xi32>
      %gather3A_619 = tpu.vector_load_idx %arg9[%shift_right_arithmetic3A_615, %and3A_618] : memref<320x128xf32, #tpu.memory_space<vmem>>[vector<16xi32>, vector<16xi32>], vector<16xf32>,
      %shift_left3A_620 = arith.constant 2 : i32
      %shift_left3A_621 = vector.broadcast %shift_left3A_620 : i32 to vector<16xi32>
      %shift_left3A_622 = arith.shli %get3A_552, %shift_left3A_621 : vector<16xi32>
      %add3A_623 = arith.constant 2 : i32
      %add3A_624 = vector.broadcast %add3A_623 : i32 to vector<16xi32>
      %add3A_625 = arith.addi %shift_left3A_622, %add3A_624 : vector<16xi32>
      %shift_right_arithmetic3A_626 = arith.constant 7 : i32
      %shift_right_arithmetic3A_627 = vector.broadcast %shift_right_arithmetic3A_626 : i32 to vector<16xi32>
      %shift_right_arithmetic3A_628 = arith.shrsi %add3A_625, %shift_right_arithmetic3A_627 : vector<16xi32>
      %and3A_629 = arith.constant 127 : i32
      %and3A_630 = vector.broadcast %and3A_629 : i32 to vector<16xi32>
      %and3A_631 = arith.andi %add3A_625, %and3A_630 : vector<16xi32>
      %gather3A_632 = tpu.vector_load_idx %arg9[%shift_right_arithmetic3A_628, %and3A_631] : memref<320x128xf32, #tpu.memory_space<vmem>>[vector<16xi32>, vector<16xi32>], vector<16xf32>,
      %sub3A_633 = arith.subf %gather3A_619, %gather3A_632 : vector<16xf32>
      %mul3A_634 = arith.mulf %sub3A_579, %sub3A_579 : vector<16xf32>
      %mul3A_635 = arith.mulf %sub3A_606, %sub3A_606 : vector<16xf32>
      %add3A_636 = arith.addf %mul3A_634, %mul3A_635 : vector<16xf32>
      %mul3A_637 = arith.mulf %sub3A_633, %sub3A_633 : vector<16xf32>
      %add3A_638 = arith.addf %add3A_636, %mul3A_637 : vector<16xf32>
      %bitcast3A_639 = vector.bitcast %add3A_638 : vector<16xf32> to vector<16xi32>
      %shift_right_arithmetic3A_640 = arith.constant 1 : i32
      %shift_right_arithmetic3A_641 = vector.broadcast %shift_right_arithmetic3A_640 : i32 to vector<16xi32>
      %shift_right_arithmetic3A_642 = arith.shrsi %bitcast3A_639, %shift_right_arithmetic3A_641 : vector<16xi32>
      %sub3A_643 = arith.constant 1597463007 : i32
      %sub3A_644 = vector.broadcast %sub3A_643 : i32 to vector<16xi32>
      %sub3A_645 = arith.subi %sub3A_644, %shift_right_arithmetic3A_642 : vector<16xi32>
      %bitcast3A_646 = vector.bitcast %sub3A_645 : vector<16xi32> to vector<16xf32>
      %mul3A_647 = arith.constant 5.000000e-01 : f32
      %mul3A_648 = vector.broadcast %mul3A_647 : f32 to vector<16xf32>
      %mul3A_649 = arith.mulf %mul3A_648, %add3A_638 : vector<16xf32>
      %mul3A_650 = arith.mulf %mul3A_649, %bitcast3A_646 : vector<16xf32>
      %mul3A_651 = arith.mulf %mul3A_650, %bitcast3A_646 : vector<16xf32>
      %sub3A_652 = arith.constant 1.500000e+00 : f32
      %sub3A_653 = vector.broadcast %sub3A_652 : f32 to vector<16xf32>
      %sub3A_654 = arith.subf %sub3A_653, %mul3A_651 : vector<16xf32>
      %mul3A_655 = arith.mulf %bitcast3A_646, %sub3A_654 : vector<16xf32>
      %mul3A_656 = arith.constant 5.000000e-01 : f32
      %mul3A_657 = vector.broadcast %mul3A_656 : f32 to vector<16xf32>
      %mul3A_658 = arith.mulf %mul3A_657, %add3A_638 : vector<16xf32>
      %mul3A_659 = arith.mulf %mul3A_658, %mul3A_655 : vector<16xf32>
      %mul3A_660 = arith.mulf %mul3A_659, %mul3A_655 : vector<16xf32>
      %sub3A_661 = arith.constant 1.500000e+00 : f32
      %sub3A_662 = vector.broadcast %sub3A_661 : f32 to vector<16xf32>
      %sub3A_663 = arith.subf %sub3A_662, %mul3A_660 : vector<16xf32>
      %mul3A_664 = arith.mulf %mul3A_655, %sub3A_663 : vector<16xf32>
      %mul3A_665 = arith.constant 5.000000e-01 : f32
      %mul3A_666 = vector.broadcast %mul3A_665 : f32 to vector<16xf32>
      %mul3A_667 = arith.mulf %mul3A_666, %add3A_638 : vector<16xf32>
      %mul3A_668 = arith.mulf %mul3A_667, %mul3A_664 : vector<16xf32>
      %mul3A_669 = arith.mulf %mul3A_668, %mul3A_664 : vector<16xf32>
      %sub3A_670 = arith.constant 1.500000e+00 : f32
      %sub3A_671 = vector.broadcast %sub3A_670 : f32 to vector<16xf32>
      %sub3A_672 = arith.subf %sub3A_671, %mul3A_669 : vector<16xf32>
      %mul3A_673 = arith.mulf %mul3A_664, %sub3A_672 : vector<16xf32>
      %mul3A_674 = arith.mulf %add3A_638, %mul3A_673 : vector<16xf32>
      %swap3A_675 = arith.constant 64 : index
      %swap3A_676 = tpu.vector_load %arg10[%swap3A_675] {strides = array<i32>} : memref<80xf32, #tpu.memory_space<vmem>>, vector<16xf32>,
      tpu.vector_store %arg10[%swap3A_675], %mul3A_674 {strides = array<i32>} : memref<80xf32, #tpu.memory_space<vmem>>, vector<16xf32>,
      %shift_right_arithmetic3A_677 = arith.constant 7 : i32
      %shift_right_arithmetic3A_678 = vector.broadcast %shift_right_arithmetic3A_677 : i32 to vector<16xi32>
      %shift_right_arithmetic3A_679 = arith.shrsi %get3A_552, %shift_right_arithmetic3A_678 : vector<16xi32>
      %and3A_680 = arith.constant 127 : i32
      %and3A_681 = vector.broadcast %and3A_680 : i32 to vector<16xi32>
      %and3A_682 = arith.andi %get3A_552, %and3A_681 : vector<16xi32>
      tpu.vector_store_idx %arg11[%shift_right_arithmetic3A_679, %and3A_682], %broadcast_in_dim3A_3 {add = true} : memref<80x128xf32, #tpu.memory_space<vmem>>[vector<16xi32>, vector<16xi32>], vector<16xf32>,
      "tpu.region"() ({
        %run_scoped3A = tpu.sem_alloc : memref<!tpu.dma_semaphore, #tpu.memory_space<semaphore_mem>>
        %dma_start3A = tpu.memref_slice %arg5[%add3A_20] : memref<320000xf32, #tpu.memory_space<hbm>> -> memref<80xf32, #tpu.memory_space<hbm>>
        %dma_start3A_683 = tpu.memref_slice %arg5[%add3A_20] : memref<320000xf32, #tpu.memory_space<hbm>> -> memref<80xf32, #tpu.memory_space<hbm>>
        tpu.enqueue_dma source(%arg10 : memref<80xf32, #tpu.memory_space<vmem>>) target(%dma_start3A_683 : memref<80xf32, #tpu.memory_space<hbm>>) target_semaphore(%run_scoped3A : memref<!tpu.dma_semaphore, #tpu.memory_space<semaphore_mem>>)
        %dma_wait3A = tpu.memref_slice %arg5[%add3A_20] : memref<320000xf32, #tpu.memory_space<hbm>> -> memref<80xf32, #tpu.memory_space<hbm>>
        %dma_wait3A_684 = tpu.memref_slice %arg5[%add3A_20] : memref<320000xf32, #tpu.memory_space<hbm>> -> memref<80xf32, #tpu.memory_space<hbm>>
        tpu.wait_dma2 semaphore(%run_scoped3A : memref<!tpu.dma_semaphore, #tpu.memory_space<semaphore_mem>>) src(%arg10 : memref<80xf32, #tpu.memory_space<vmem>>) dst(%dma_wait3A_684 : memref<80xf32, #tpu.memory_space<hbm>>)
        tpu.yield
      }) : () -> ()
    }
    %scan3A_16 = arith.constant 125 : i32
    "tpu.region"() ({
      %run_scoped3A = tpu.sem_alloc : memref<!tpu.dma_semaphore, #tpu.memory_space<semaphore_mem>>
      %dma_start3A = arith.constant 0 : i32
      %dma_start3A_17 = arith.constant 0 : i32
      %dma_start3A_18 = tpu.memref_slice %arg6[%add3A, %dma_start3A, %dma_start3A_17] : memref<32x80x128xf32, #tpu.memory_space<hbm>> -> memref<1x80x128xf32, #tpu.memory_space<hbm>>
      %dma_start3A_19 = tpu.memref_squeeze %dma_start3A_18 : memref<1x80x128xf32, #tpu.memory_space<hbm>> -> memref<80x128xf32, #tpu.memory_space<hbm>>
      %dma_start3A_20 = arith.constant 0 : i32
      %dma_start3A_21 = arith.constant 0 : i32
      %dma_start3A_22 = tpu.memref_slice %arg6[%add3A, %dma_start3A_20, %dma_start3A_21] : memref<32x80x128xf32, #tpu.memory_space<hbm>> -> memref<1x80x128xf32, #tpu.memory_space<hbm>>
      %dma_start3A_23 = tpu.memref_squeeze %dma_start3A_22 : memref<1x80x128xf32, #tpu.memory_space<hbm>> -> memref<80x128xf32, #tpu.memory_space<hbm>>
      tpu.enqueue_dma source(%arg11 : memref<80x128xf32, #tpu.memory_space<vmem>>) target(%dma_start3A_23 : memref<80x128xf32, #tpu.memory_space<hbm>>) target_semaphore(%run_scoped3A : memref<!tpu.dma_semaphore, #tpu.memory_space<semaphore_mem>>)
      %dma_wait3A = arith.constant 0 : i32
      %dma_wait3A_24 = arith.constant 0 : i32
      %dma_wait3A_25 = tpu.memref_slice %arg6[%add3A, %dma_wait3A, %dma_wait3A_24] : memref<32x80x128xf32, #tpu.memory_space<hbm>> -> memref<1x80x128xf32, #tpu.memory_space<hbm>>
      %dma_wait3A_26 = tpu.memref_squeeze %dma_wait3A_25 : memref<1x80x128xf32, #tpu.memory_space<hbm>> -> memref<80x128xf32, #tpu.memory_space<hbm>>
      %dma_wait3A_27 = arith.constant 0 : i32
      %dma_wait3A_28 = arith.constant 0 : i32
      %dma_wait3A_29 = tpu.memref_slice %arg6[%add3A, %dma_wait3A_27, %dma_wait3A_28] : memref<32x80x128xf32, #tpu.memory_space<hbm>> -> memref<1x80x128xf32, #tpu.memory_space<hbm>>
      %dma_wait3A_30 = tpu.memref_squeeze %dma_wait3A_29 : memref<1x80x128xf32, #tpu.memory_space<hbm>> -> memref<80x128xf32, #tpu.memory_space<hbm>>
      tpu.wait_dma2 semaphore(%run_scoped3A : memref<!tpu.dma_semaphore, #tpu.memory_space<semaphore_mem>>) src(%arg11 : memref<80x128xf32, #tpu.memory_space<vmem>>) dst(%dma_wait3A_30 : memref<80x128xf32, #tpu.memory_space<hbm>>)
      tpu.yield
    }) : () -> ()
    return
  }
}

#map = affine_map<(d0, d1) -> (0, 0)>
#map1 = affine_map<(d0, d1) -> (0)>
#map2 = affine_map<(d0, d1) -> (0, 0, 0)>
module attributes {stable_mosaic.version = 14 : i64} {
  func.func @_edge_body(%arg0: i32, %arg1: i32, %arg2: memref<10000x128xf32, #tpu.memory_space<hbm>>, %arg3: memref<10000x128xf32, #tpu.memory_space<hbm>>, %arg4: memref<320000xi32, #tpu.memory_space<hbm>>, %arg5: memref<320000xi32, #tpu.memory_space<hbm>>, %arg6: memref<320000xf32, #tpu.memory_space<hbm>>, %arg7: memref<128xf32, #tpu.memory_space<hbm>>, %arg8: memref<2x10240x128xf32, #tpu.memory_space<hbm>>, %arg9: memref<80xi32, #tpu.memory_space<vmem>>, %arg10: memref<80xi32, #tpu.memory_space<vmem>>, %arg11: memref<96xf32, #tpu.memory_space<vmem>>, %arg12: memref<80x128xf32, #tpu.memory_space<vmem>>, %arg13: memref<80x128xf32, #tpu.memory_space<vmem>>, %arg14: memref<128xf32, #tpu.memory_space<vmem>>, %arg15: memref<128x128xf32, #tpu.memory_space<vmem>>, %arg16: memref<10240x128xf32, #tpu.memory_space<vmem_shared>>, %arg17: memref<!tpu.dma_semaphore, #tpu.memory_space<semaphore_mem>>, %arg18: memref<!tpu.dma_semaphore, #tpu.memory_space<semaphore_mem>>) attributes {dimension_semantics = [#tpu.dimension_semantics<core_parallel>, #tpu.dimension_semantics<subcore_parallel>], iteration_bounds = array<i64: 2, 16>, scalar_prefetch = 0 : i64, scratch_operands = 10 : i64, tpu.core_type = #tpu.core_type<sc_vector_subcore>, window_params = [{transform_indices = #map}, {transform_indices = #map}, {transform_indices = #map1}, {transform_indices = #map1}, {transform_indices = #map1}, {transform_indices = #map1}, {transform_indices = #map2}]} {
    %mul3A = arith.constant 16 : i32
    %mul3A_0 = arith.muli %arg0, %mul3A : i32
    %add3A = arith.addi %mul3A_0, %arg1 : i32
    %broadcast_in_dim3A = arith.constant 0.000000e+00 : f32
    %broadcast_in_dim3A_1 = vector.broadcast %broadcast_in_dim3A : f32 to vector<16xf32>
    "tpu.region"() ({
      %run_scoped3A = tpu.sem_alloc : memref<!tpu.dma_semaphore, #tpu.memory_space<semaphore_mem>>
      tpu.enqueue_dma source(%arg7 : memref<128xf32, #tpu.memory_space<hbm>>) target(%arg14 : memref<128xf32, #tpu.memory_space<vmem>>) target_semaphore(%run_scoped3A : memref<!tpu.dma_semaphore, #tpu.memory_space<semaphore_mem>>)
      tpu.wait_dma2 semaphore(%run_scoped3A : memref<!tpu.dma_semaphore, #tpu.memory_space<semaphore_mem>>) src(%arg7 : memref<128xf32, #tpu.memory_space<hbm>>) dst(%arg14 : memref<128xf32, #tpu.memory_space<vmem>>)
      tpu.yield
    }) : () -> ()
    %scan3A = arith.constant 0 : i32
    %scan3A_2 = arith.constant 0 : i32
    %scan3A_3 = arith.constant 128 : i32
    %scan3A_4 = arith.addi %scan3A_2, %scan3A_3 : i32
    %scan3A_5 = arith.constant 1 : i32
    scf.for %scan3A_40 = %scan3A_2 to %scan3A_4 step %scan3A_5  : i32 {
      %swap3A = arith.index_cast %scan3A_40 : i32 to index
      %swap3A_41 = arith.constant 0 : index
      %swap3A_42 = tpu.vector_load %arg15[%swap3A, %swap3A_41] {strides = array<i32>} : memref<128x128xf32, #tpu.memory_space<vmem>>, vector<16xf32>,
      tpu.vector_store %arg15[%swap3A, %swap3A_41], %broadcast_in_dim3A_1 {strides = array<i32>} : memref<128x128xf32, #tpu.memory_space<vmem>>, vector<16xf32>,
      %swap3A_43 = arith.index_cast %scan3A_40 : i32 to index
      %swap3A_44 = arith.constant 16 : index
      %swap3A_45 = tpu.vector_load %arg15[%swap3A_43, %swap3A_44] {strides = array<i32>} : memref<128x128xf32, #tpu.memory_space<vmem>>, vector<16xf32>,
      tpu.vector_store %arg15[%swap3A_43, %swap3A_44], %broadcast_in_dim3A_1 {strides = array<i32>} : memref<128x128xf32, #tpu.memory_space<vmem>>, vector<16xf32>,
      %swap3A_46 = arith.index_cast %scan3A_40 : i32 to index
      %swap3A_47 = arith.constant 32 : index
      %swap3A_48 = tpu.vector_load %arg15[%swap3A_46, %swap3A_47] {strides = array<i32>} : memref<128x128xf32, #tpu.memory_space<vmem>>, vector<16xf32>,
      tpu.vector_store %arg15[%swap3A_46, %swap3A_47], %broadcast_in_dim3A_1 {strides = array<i32>} : memref<128x128xf32, #tpu.memory_space<vmem>>, vector<16xf32>,
      %swap3A_49 = arith.index_cast %scan3A_40 : i32 to index
      %swap3A_50 = arith.constant 48 : index
      %swap3A_51 = tpu.vector_load %arg15[%swap3A_49, %swap3A_50] {strides = array<i32>} : memref<128x128xf32, #tpu.memory_space<vmem>>, vector<16xf32>,
      tpu.vector_store %arg15[%swap3A_49, %swap3A_50], %broadcast_in_dim3A_1 {strides = array<i32>} : memref<128x128xf32, #tpu.memory_space<vmem>>, vector<16xf32>,
      %swap3A_52 = arith.index_cast %scan3A_40 : i32 to index
      %swap3A_53 = arith.constant 64 : index
      %swap3A_54 = tpu.vector_load %arg15[%swap3A_52, %swap3A_53] {strides = array<i32>} : memref<128x128xf32, #tpu.memory_space<vmem>>, vector<16xf32>,
      tpu.vector_store %arg15[%swap3A_52, %swap3A_53], %broadcast_in_dim3A_1 {strides = array<i32>} : memref<128x128xf32, #tpu.memory_space<vmem>>, vector<16xf32>,
      %swap3A_55 = arith.index_cast %scan3A_40 : i32 to index
      %swap3A_56 = arith.constant 80 : index
      %swap3A_57 = tpu.vector_load %arg15[%swap3A_55, %swap3A_56] {strides = array<i32>} : memref<128x128xf32, #tpu.memory_space<vmem>>, vector<16xf32>,
      tpu.vector_store %arg15[%swap3A_55, %swap3A_56], %broadcast_in_dim3A_1 {strides = array<i32>} : memref<128x128xf32, #tpu.memory_space<vmem>>, vector<16xf32>,
      %swap3A_58 = arith.index_cast %scan3A_40 : i32 to index
      %swap3A_59 = arith.constant 96 : index
      %swap3A_60 = tpu.vector_load %arg15[%swap3A_58, %swap3A_59] {strides = array<i32>} : memref<128x128xf32, #tpu.memory_space<vmem>>, vector<16xf32>,
      tpu.vector_store %arg15[%swap3A_58, %swap3A_59], %broadcast_in_dim3A_1 {strides = array<i32>} : memref<128x128xf32, #tpu.memory_space<vmem>>, vector<16xf32>,
      %swap3A_61 = arith.index_cast %scan3A_40 : i32 to index
      %swap3A_62 = arith.constant 112 : index
      %swap3A_63 = tpu.vector_load %arg15[%swap3A_61, %swap3A_62] {strides = array<i32>} : memref<128x128xf32, #tpu.memory_space<vmem>>, vector<16xf32>,
      tpu.vector_store %arg15[%swap3A_61, %swap3A_62], %broadcast_in_dim3A_1 {strides = array<i32>} : memref<128x128xf32, #tpu.memory_space<vmem>>, vector<16xf32>,
    }
    %scan3A_6 = arith.constant 128 : i32
    %mul3A_7 = arith.constant 640 : i32
    %mul3A_8 = arith.muli %arg1, %mul3A_7 : i32
    %add3A_9 = arith.constant 0 : i32
    %add3A_10 = arith.addi %mul3A_8, %add3A_9 : i32
    "tpu.region"() ({
      %run_scoped3A = tpu.sem_alloc : memref<!tpu.dma_semaphore, #tpu.memory_space<semaphore_mem>>
      %dma_start3A = arith.constant 0 : i32
      %dma_start3A_40 = tpu.memref_slice %arg16[%add3A_10, %dma_start3A] : memref<10240x128xf32, #tpu.memory_space<vmem_shared>> -> memref<128x128xf32, #tpu.memory_space<vmem_shared>>
      %dma_start3A_41 = arith.constant 0 : i32
      %dma_start3A_42 = tpu.memref_slice %arg16[%add3A_10, %dma_start3A_41] : memref<10240x128xf32, #tpu.memory_space<vmem_shared>> -> memref<128x128xf32, #tpu.memory_space<vmem_shared>>
      tpu.enqueue_dma source(%arg15 : memref<128x128xf32, #tpu.memory_space<vmem>>) target(%dma_start3A_42 : memref<128x128xf32, #tpu.memory_space<vmem_shared>>) target_semaphore(%run_scoped3A : memref<!tpu.dma_semaphore, #tpu.memory_space<semaphore_mem>>)
      %dma_wait3A = arith.constant 0 : i32
      %dma_wait3A_43 = tpu.memref_slice %arg16[%add3A_10, %dma_wait3A] : memref<10240x128xf32, #tpu.memory_space<vmem_shared>> -> memref<128x128xf32, #tpu.memory_space<vmem_shared>>
      %dma_wait3A_44 = arith.constant 0 : i32
      %dma_wait3A_45 = tpu.memref_slice %arg16[%add3A_10, %dma_wait3A_44] : memref<10240x128xf32, #tpu.memory_space<vmem_shared>> -> memref<128x128xf32, #tpu.memory_space<vmem_shared>>
      tpu.wait_dma2 semaphore(%run_scoped3A : memref<!tpu.dma_semaphore, #tpu.memory_space<semaphore_mem>>) src(%arg15 : memref<128x128xf32, #tpu.memory_space<vmem>>) dst(%dma_wait3A_45 : memref<128x128xf32, #tpu.memory_space<vmem_shared>>)
      tpu.yield
    }) : () -> ()
    %mul3A_11 = arith.constant 640 : i32
    %mul3A_12 = arith.muli %arg1, %mul3A_11 : i32
    %add3A_13 = arith.constant 128 : i32
    %add3A_14 = arith.addi %mul3A_12, %add3A_13 : i32
    "tpu.region"() ({
      %run_scoped3A = tpu.sem_alloc : memref<!tpu.dma_semaphore, #tpu.memory_space<semaphore_mem>>
      %dma_start3A = arith.constant 0 : i32
      %dma_start3A_40 = tpu.memref_slice %arg16[%add3A_14, %dma_start3A] : memref<10240x128xf32, #tpu.memory_space<vmem_shared>> -> memref<128x128xf32, #tpu.memory_space<vmem_shared>>
      %dma_start3A_41 = arith.constant 0 : i32
      %dma_start3A_42 = tpu.memref_slice %arg16[%add3A_14, %dma_start3A_41] : memref<10240x128xf32, #tpu.memory_space<vmem_shared>> -> memref<128x128xf32, #tpu.memory_space<vmem_shared>>
      tpu.enqueue_dma source(%arg15 : memref<128x128xf32, #tpu.memory_space<vmem>>) target(%dma_start3A_42 : memref<128x128xf32, #tpu.memory_space<vmem_shared>>) target_semaphore(%run_scoped3A : memref<!tpu.dma_semaphore, #tpu.memory_space<semaphore_mem>>)
      %dma_wait3A = arith.constant 0 : i32
      %dma_wait3A_43 = tpu.memref_slice %arg16[%add3A_14, %dma_wait3A] : memref<10240x128xf32, #tpu.memory_space<vmem_shared>> -> memref<128x128xf32, #tpu.memory_space<vmem_shared>>
      %dma_wait3A_44 = arith.constant 0 : i32
      %dma_wait3A_45 = tpu.memref_slice %arg16[%add3A_14, %dma_wait3A_44] : memref<10240x128xf32, #tpu.memory_space<vmem_shared>> -> memref<128x128xf32, #tpu.memory_space<vmem_shared>>
      tpu.wait_dma2 semaphore(%run_scoped3A : memref<!tpu.dma_semaphore, #tpu.memory_space<semaphore_mem>>) src(%arg15 : memref<128x128xf32, #tpu.memory_space<vmem>>) dst(%dma_wait3A_45 : memref<128x128xf32, #tpu.memory_space<vmem_shared>>)
      tpu.yield
    }) : () -> ()
    %mul3A_15 = arith.constant 640 : i32
    %mul3A_16 = arith.muli %arg1, %mul3A_15 : i32
    %add3A_17 = arith.constant 256 : i32
    %add3A_18 = arith.addi %mul3A_16, %add3A_17 : i32
    "tpu.region"() ({
      %run_scoped3A = tpu.sem_alloc : memref<!tpu.dma_semaphore, #tpu.memory_space<semaphore_mem>>
      %dma_start3A = arith.constant 0 : i32
      %dma_start3A_40 = tpu.memref_slice %arg16[%add3A_18, %dma_start3A] : memref<10240x128xf32, #tpu.memory_space<vmem_shared>> -> memref<128x128xf32, #tpu.memory_space<vmem_shared>>
      %dma_start3A_41 = arith.constant 0 : i32
      %dma_start3A_42 = tpu.memref_slice %arg16[%add3A_18, %dma_start3A_41] : memref<10240x128xf32, #tpu.memory_space<vmem_shared>> -> memref<128x128xf32, #tpu.memory_space<vmem_shared>>
      tpu.enqueue_dma source(%arg15 : memref<128x128xf32, #tpu.memory_space<vmem>>) target(%dma_start3A_42 : memref<128x128xf32, #tpu.memory_space<vmem_shared>>) target_semaphore(%run_scoped3A : memref<!tpu.dma_semaphore, #tpu.memory_space<semaphore_mem>>)
      %dma_wait3A = arith.constant 0 : i32
      %dma_wait3A_43 = tpu.memref_slice %arg16[%add3A_18, %dma_wait3A] : memref<10240x128xf32, #tpu.memory_space<vmem_shared>> -> memref<128x128xf32, #tpu.memory_space<vmem_shared>>
      %dma_wait3A_44 = arith.constant 0 : i32
      %dma_wait3A_45 = tpu.memref_slice %arg16[%add3A_18, %dma_wait3A_44] : memref<10240x128xf32, #tpu.memory_space<vmem_shared>> -> memref<128x128xf32, #tpu.memory_space<vmem_shared>>
      tpu.wait_dma2 semaphore(%run_scoped3A : memref<!tpu.dma_semaphore, #tpu.memory_space<semaphore_mem>>) src(%arg15 : memref<128x128xf32, #tpu.memory_space<vmem>>) dst(%dma_wait3A_45 : memref<128x128xf32, #tpu.memory_space<vmem_shared>>)
      tpu.yield
    }) : () -> ()
    %mul3A_19 = arith.constant 640 : i32
    %mul3A_20 = arith.muli %arg1, %mul3A_19 : i32
    %add3A_21 = arith.constant 384 : i32
    %add3A_22 = arith.addi %mul3A_20, %add3A_21 : i32
    "tpu.region"() ({
      %run_scoped3A = tpu.sem_alloc : memref<!tpu.dma_semaphore, #tpu.memory_space<semaphore_mem>>
      %dma_start3A = arith.constant 0 : i32
      %dma_start3A_40 = tpu.memref_slice %arg16[%add3A_22, %dma_start3A] : memref<10240x128xf32, #tpu.memory_space<vmem_shared>> -> memref<128x128xf32, #tpu.memory_space<vmem_shared>>
      %dma_start3A_41 = arith.constant 0 : i32
      %dma_start3A_42 = tpu.memref_slice %arg16[%add3A_22, %dma_start3A_41] : memref<10240x128xf32, #tpu.memory_space<vmem_shared>> -> memref<128x128xf32, #tpu.memory_space<vmem_shared>>
      tpu.enqueue_dma source(%arg15 : memref<128x128xf32, #tpu.memory_space<vmem>>) target(%dma_start3A_42 : memref<128x128xf32, #tpu.memory_space<vmem_shared>>) target_semaphore(%run_scoped3A : memref<!tpu.dma_semaphore, #tpu.memory_space<semaphore_mem>>)
      %dma_wait3A = arith.constant 0 : i32
      %dma_wait3A_43 = tpu.memref_slice %arg16[%add3A_22, %dma_wait3A] : memref<10240x128xf32, #tpu.memory_space<vmem_shared>> -> memref<128x128xf32, #tpu.memory_space<vmem_shared>>
      %dma_wait3A_44 = arith.constant 0 : i32
      %dma_wait3A_45 = tpu.memref_slice %arg16[%add3A_22, %dma_wait3A_44] : memref<10240x128xf32, #tpu.memory_space<vmem_shared>> -> memref<128x128xf32, #tpu.memory_space<vmem_shared>>
      tpu.wait_dma2 semaphore(%run_scoped3A : memref<!tpu.dma_semaphore, #tpu.memory_space<semaphore_mem>>) src(%arg15 : memref<128x128xf32, #tpu.memory_space<vmem>>) dst(%dma_wait3A_45 : memref<128x128xf32, #tpu.memory_space<vmem_shared>>)
      tpu.yield
    }) : () -> ()
    %mul3A_23 = arith.constant 640 : i32
    %mul3A_24 = arith.muli %arg1, %mul3A_23 : i32
    %add3A_25 = arith.constant 512 : i32
    %add3A_26 = arith.addi %mul3A_24, %add3A_25 : i32
    "tpu.region"() ({
      %run_scoped3A = tpu.sem_alloc : memref<!tpu.dma_semaphore, #tpu.memory_space<semaphore_mem>>
      %dma_start3A = arith.constant 0 : i32
      %dma_start3A_40 = tpu.memref_slice %arg16[%add3A_26, %dma_start3A] : memref<10240x128xf32, #tpu.memory_space<vmem_shared>> -> memref<128x128xf32, #tpu.memory_space<vmem_shared>>
      %dma_start3A_41 = arith.constant 0 : i32
      %dma_start3A_42 = tpu.memref_slice %arg16[%add3A_26, %dma_start3A_41] : memref<10240x128xf32, #tpu.memory_space<vmem_shared>> -> memref<128x128xf32, #tpu.memory_space<vmem_shared>>
      tpu.enqueue_dma source(%arg15 : memref<128x128xf32, #tpu.memory_space<vmem>>) target(%dma_start3A_42 : memref<128x128xf32, #tpu.memory_space<vmem_shared>>) target_semaphore(%run_scoped3A : memref<!tpu.dma_semaphore, #tpu.memory_space<semaphore_mem>>)
      %dma_wait3A = arith.constant 0 : i32
      %dma_wait3A_43 = tpu.memref_slice %arg16[%add3A_26, %dma_wait3A] : memref<10240x128xf32, #tpu.memory_space<vmem_shared>> -> memref<128x128xf32, #tpu.memory_space<vmem_shared>>
      %dma_wait3A_44 = arith.constant 0 : i32
      %dma_wait3A_45 = tpu.memref_slice %arg16[%add3A_26, %dma_wait3A_44] : memref<10240x128xf32, #tpu.memory_space<vmem_shared>> -> memref<128x128xf32, #tpu.memory_space<vmem_shared>>
      tpu.wait_dma2 semaphore(%run_scoped3A : memref<!tpu.dma_semaphore, #tpu.memory_space<semaphore_mem>>) src(%arg15 : memref<128x128xf32, #tpu.memory_space<vmem>>) dst(%dma_wait3A_45 : memref<128x128xf32, #tpu.memory_space<vmem_shared>>)
      tpu.yield
    }) : () -> ()
    %barrier3A = arith.constant 0 : index
    tpu.barrier barrier_id(%barrier3A)
    %mul3A_27 = arith.constant 10000 : i32
    %mul3A_28 = arith.muli %add3A, %mul3A_27 : i32
    %scan3A_29 = arith.constant 0 : i32
    %scan3A_30 = arith.constant 0 : i32
    %scan3A_31 = arith.constant 125 : i32
    %scan3A_32 = arith.addi %scan3A_30, %scan3A_31 : i32
    %scan3A_33 = arith.constant 1 : i32
    scf.for %scan3A_40 = %scan3A_30 to %scan3A_32 step %scan3A_33  : i32 {
      %mul3A_41 = arith.constant 80 : i32
      %mul3A_42 = arith.muli %scan3A_40, %mul3A_41 : i32
      %add3A_43 = arith.addi %mul3A_28, %mul3A_42 : i32
      "tpu.region"() ({
        %run_scoped3A = tpu.sem_alloc : memref<!tpu.dma_semaphore, #tpu.memory_space<semaphore_mem>>
        %dma_start3A_60 = tpu.memref_slice %arg4[%add3A_43] : memref<320000xi32, #tpu.memory_space<hbm>> -> memref<80xi32, #tpu.memory_space<hbm>>
        %dma_start3A_61 = tpu.memref_slice %arg4[%add3A_43] : memref<320000xi32, #tpu.memory_space<hbm>> -> memref<80xi32, #tpu.memory_space<hbm>>
        tpu.enqueue_dma source(%dma_start3A_61 : memref<80xi32, #tpu.memory_space<hbm>>) target(%arg9 : memref<80xi32, #tpu.memory_space<vmem>>) target_semaphore(%run_scoped3A : memref<!tpu.dma_semaphore, #tpu.memory_space<semaphore_mem>>)
        %dma_wait3A_62 = tpu.memref_slice %arg4[%add3A_43] : memref<320000xi32, #tpu.memory_space<hbm>> -> memref<80xi32, #tpu.memory_space<hbm>>
        %dma_wait3A_63 = tpu.memref_slice %arg4[%add3A_43] : memref<320000xi32, #tpu.memory_space<hbm>> -> memref<80xi32, #tpu.memory_space<hbm>>
        tpu.wait_dma2 semaphore(%run_scoped3A : memref<!tpu.dma_semaphore, #tpu.memory_space<semaphore_mem>>) src(%dma_wait3A_63 : memref<80xi32, #tpu.memory_space<hbm>>) dst(%arg9 : memref<80xi32, #tpu.memory_space<vmem>>)
        tpu.yield
      }) : () -> ()
      "tpu.region"() ({
        %run_scoped3A = tpu.sem_alloc : memref<!tpu.dma_semaphore, #tpu.memory_space<semaphore_mem>>
        %dma_start3A_60 = tpu.memref_slice %arg5[%add3A_43] : memref<320000xi32, #tpu.memory_space<hbm>> -> memref<80xi32, #tpu.memory_space<hbm>>
        %dma_start3A_61 = tpu.memref_slice %arg5[%add3A_43] : memref<320000xi32, #tpu.memory_space<hbm>> -> memref<80xi32, #tpu.memory_space<hbm>>
        tpu.enqueue_dma source(%dma_start3A_61 : memref<80xi32, #tpu.memory_space<hbm>>) target(%arg10 : memref<80xi32, #tpu.memory_space<vmem>>) target_semaphore(%run_scoped3A : memref<!tpu.dma_semaphore, #tpu.memory_space<semaphore_mem>>)
        %dma_wait3A_62 = tpu.memref_slice %arg5[%add3A_43] : memref<320000xi32, #tpu.memory_space<hbm>> -> memref<80xi32, #tpu.memory_space<hbm>>
        %dma_wait3A_63 = tpu.memref_slice %arg5[%add3A_43] : memref<320000xi32, #tpu.memory_space<hbm>> -> memref<80xi32, #tpu.memory_space<hbm>>
        tpu.wait_dma2 semaphore(%run_scoped3A : memref<!tpu.dma_semaphore, #tpu.memory_space<semaphore_mem>>) src(%dma_wait3A_63 : memref<80xi32, #tpu.memory_space<hbm>>) dst(%arg10 : memref<80xi32, #tpu.memory_space<vmem>>)
        tpu.yield
      }) : () -> ()
      "tpu.region"() ({
        %run_scoped3A = tpu.sem_alloc : memref<!tpu.dma_semaphore, #tpu.memory_space<semaphore_mem>>
        %dma_start3A_60 = arith.constant 0 : i32
        %dma_start3A_61 = tpu.memref_slice %arg11[%dma_start3A_60] : memref<96xf32, #tpu.memory_space<vmem>> -> memref<80xf32, #tpu.memory_space<vmem>>
        %dma_start3A_62 = tpu.memref_slice %arg6[%add3A_43] : memref<320000xf32, #tpu.memory_space<hbm>> -> memref<80xf32, #tpu.memory_space<hbm>>
        %dma_start3A_63 = arith.constant 0 : i32
        %dma_start3A_64 = tpu.memref_slice %arg11[%dma_start3A_63] : memref<96xf32, #tpu.memory_space<vmem>> -> memref<80xf32, #tpu.memory_space<vmem>>
        %dma_start3A_65 = tpu.memref_slice %arg6[%add3A_43] : memref<320000xf32, #tpu.memory_space<hbm>> -> memref<80xf32, #tpu.memory_space<hbm>>
        tpu.enqueue_dma source(%dma_start3A_65 : memref<80xf32, #tpu.memory_space<hbm>>) target(%dma_start3A_64 : memref<80xf32, #tpu.memory_space<vmem>>) target_semaphore(%run_scoped3A : memref<!tpu.dma_semaphore, #tpu.memory_space<semaphore_mem>>)
        %dma_wait3A_66 = arith.constant 0 : i32
        %dma_wait3A_67 = tpu.memref_slice %arg11[%dma_wait3A_66] : memref<96xf32, #tpu.memory_space<vmem>> -> memref<80xf32, #tpu.memory_space<vmem>>
        %dma_wait3A_68 = tpu.memref_slice %arg6[%add3A_43] : memref<320000xf32, #tpu.memory_space<hbm>> -> memref<80xf32, #tpu.memory_space<hbm>>
        %dma_wait3A_69 = arith.constant 0 : i32
        %dma_wait3A_70 = tpu.memref_slice %arg11[%dma_wait3A_69] : memref<96xf32, #tpu.memory_space<vmem>> -> memref<80xf32, #tpu.memory_space<vmem>>
        %dma_wait3A_71 = tpu.memref_slice %arg6[%add3A_43] : memref<320000xf32, #tpu.memory_space<hbm>> -> memref<80xf32, #tpu.memory_space<hbm>>
        tpu.wait_dma2 semaphore(%run_scoped3A : memref<!tpu.dma_semaphore, #tpu.memory_space<semaphore_mem>>) src(%dma_wait3A_71 : memref<80xf32, #tpu.memory_space<hbm>>) dst(%dma_wait3A_70 : memref<80xf32, #tpu.memory_space<vmem>>)
        tpu.yield
      }) : () -> ()
      %dma_start3A = arith.constant 0 : i32
      %dma_start3A_44 = arith.constant 0 : i32
      %dma_start3A_45 = tpu.memref_slice %arg2[%dma_start3A, %dma_start3A_44] : memref<10000x128xf32, #tpu.memory_space<hbm>> -> memref<10000x128xf32, #tpu.memory_space<hbm>>
      tpu.enqueue_indirect_dma source(%dma_start3A_45 : memref<10000x128xf32, #tpu.memory_space<hbm>>) target(%arg12 : memref<80x128xf32, #tpu.memory_space<vmem>>) offsets(%arg9 : memref<80xi32, #tpu.memory_space<vmem>>) semaphore(%arg17 : memref<!tpu.dma_semaphore, #tpu.memory_space<semaphore_mem>>)
      %dma_start3A_46 = arith.constant 0 : i32
      %dma_start3A_47 = arith.constant 0 : i32
      %dma_start3A_48 = tpu.memref_slice %arg3[%dma_start3A_46, %dma_start3A_47] : memref<10000x128xf32, #tpu.memory_space<hbm>> -> memref<10000x128xf32, #tpu.memory_space<hbm>>
      tpu.enqueue_indirect_dma source(%dma_start3A_48 : memref<10000x128xf32, #tpu.memory_space<hbm>>) target(%arg13 : memref<80x128xf32, #tpu.memory_space<vmem>>) offsets(%arg10 : memref<80xi32, #tpu.memory_space<vmem>>) semaphore(%arg18 : memref<!tpu.dma_semaphore, #tpu.memory_space<semaphore_mem>>)
      %dma_wait3A = arith.constant 0 : i32
      %dma_wait3A_49 = arith.constant 0 : i32
      %dma_wait3A_50 = tpu.memref_slice %arg2[%dma_wait3A, %dma_wait3A_49] : memref<10000x128xf32, #tpu.memory_space<hbm>> -> memref<10000x128xf32, #tpu.memory_space<hbm>>
      tpu.wait_indirect_dma semaphore(%arg17 : memref<!tpu.dma_semaphore, #tpu.memory_space<semaphore_mem>>) src(%dma_wait3A_50 : memref<10000x128xf32, #tpu.memory_space<hbm>>) dst(%arg12 : memref<80x128xf32, #tpu.memory_space<vmem>>)
      %dma_wait3A_51 = arith.constant 0 : i32
      %dma_wait3A_52 = arith.constant 0 : i32
      %dma_wait3A_53 = tpu.memref_slice %arg3[%dma_wait3A_51, %dma_wait3A_52] : memref<10000x128xf32, #tpu.memory_space<hbm>> -> memref<10000x128xf32, #tpu.memory_space<hbm>>
      tpu.wait_indirect_dma semaphore(%arg18 : memref<!tpu.dma_semaphore, #tpu.memory_space<semaphore_mem>>) src(%dma_wait3A_53 : memref<10000x128xf32, #tpu.memory_space<hbm>>) dst(%arg13 : memref<80x128xf32, #tpu.memory_space<vmem>>)
      %scan3A_54 = arith.constant 0 : i32
      %scan3A_55 = arith.constant 0 : i32
      %scan3A_56 = arith.constant 80 : i32
      %scan3A_57 = arith.addi %scan3A_55, %scan3A_56 : i32
      %scan3A_58 = arith.constant 1 : i32
      scf.for %scan3A_60 = %scan3A_55 to %scan3A_57 step %scan3A_58  : i32 {
        %get3A = arith.index_cast %scan3A_60 : i32 to index
        %get3A_61 = tpu.vector_load %arg11[%get3A] {strides = array<i32>} : memref<96xf32, #tpu.memory_space<vmem>>, vector<16xf32>,
        %slice3A = vector.extract_strided_slice %get3A_61 {offsets = [0], sizes = [1], strides = [1]} : vector<16xf32> to vector<1xf32>
        %squeeze3A = vector.extract %slice3A[0] : f32 from vector<1xf32>
        %broadcast_in_dim3A_62 = vector.broadcast %squeeze3A : f32 to vector<16xf32>
        %get3A_63 = arith.index_cast %scan3A_60 : i32 to index
        %get3A_64 = arith.constant 0 : index
        %get3A_65 = tpu.vector_load %arg12[%get3A_63, %get3A_64] {strides = array<i32>} : memref<80x128xf32, #tpu.memory_space<vmem>>, vector<16xf32>,
        %get3A_66 = arith.index_cast %scan3A_60 : i32 to index
        %get3A_67 = arith.constant 0 : index
        %get3A_68 = tpu.vector_load %arg13[%get3A_66, %get3A_67] {strides = array<i32>} : memref<80x128xf32, #tpu.memory_space<vmem>>, vector<16xf32>,
        %add3A_69 = arith.addf %get3A_65, %get3A_68 : vector<16xf32>
        %get3A_70 = arith.constant 0 : index
        %get3A_71 = tpu.vector_load %arg14[%get3A_70] {strides = array<i32>} : memref<128xf32, #tpu.memory_space<vmem>>, vector<16xf32>,
        %mul3A_72 = arith.mulf %broadcast_in_dim3A_62, %get3A_71 : vector<16xf32>
        %add3A_73 = arith.addf %add3A_69, %mul3A_72 : vector<16xf32>
        %neg3A = arith.constant 0.000000e+00 : f32
        %neg3A_74 = vector.broadcast %neg3A : f32 to vector<16xf32>
        %neg3A_75 = arith.subf %neg3A_74, %add3A_73 : vector<16xf32>
        %exp3A = math.exp %neg3A_75 : vector<16xf32>
        %add3A_76 = arith.constant 1.000000e+00 : f32
        %add3A_77 = vector.broadcast %add3A_76 : f32 to vector<16xf32>
        %add3A_78 = arith.addf %add3A_77, %exp3A : vector<16xf32>
        %div3A = arith.divf %add3A_73, %add3A_78 : vector<16xf32>
        %swap3A = arith.index_cast %scan3A_60 : i32 to index
        %swap3A_79 = arith.constant 0 : index
        %swap3A_80 = tpu.vector_load %arg12[%swap3A, %swap3A_79] {strides = array<i32>} : memref<80x128xf32, #tpu.memory_space<vmem>>, vector<16xf32>,
        tpu.vector_store %arg12[%swap3A, %swap3A_79], %div3A {strides = array<i32>} : memref<80x128xf32, #tpu.memory_space<vmem>>, vector<16xf32>,
        %get3A_81 = arith.index_cast %scan3A_60 : i32 to index
        %get3A_82 = arith.constant 16 : index
        %get3A_83 = tpu.vector_load %arg12[%get3A_81, %get3A_82] {strides = array<i32>} : memref<80x128xf32, #tpu.memory_space<vmem>>, vector<16xf32>,
        %get3A_84 = arith.index_cast %scan3A_60 : i32 to index
        %get3A_85 = arith.constant 16 : index
        %get3A_86 = tpu.vector_load %arg13[%get3A_84, %get3A_85] {strides = array<i32>} : memref<80x128xf32, #tpu.memory_space<vmem>>, vector<16xf32>,
        %add3A_87 = arith.addf %get3A_83, %get3A_86 : vector<16xf32>
        %get3A_88 = arith.constant 16 : index
        %get3A_89 = tpu.vector_load %arg14[%get3A_88] {strides = array<i32>} : memref<128xf32, #tpu.memory_space<vmem>>, vector<16xf32>,
        %mul3A_90 = arith.mulf %broadcast_in_dim3A_62, %get3A_89 : vector<16xf32>
        %add3A_91 = arith.addf %add3A_87, %mul3A_90 : vector<16xf32>
        %neg3A_92 = arith.constant 0.000000e+00 : f32
        %neg3A_93 = vector.broadcast %neg3A_92 : f32 to vector<16xf32>
        %neg3A_94 = arith.subf %neg3A_93, %add3A_91 : vector<16xf32>
        %exp3A_95 = math.exp %neg3A_94 : vector<16xf32>
        %add3A_96 = arith.constant 1.000000e+00 : f32
        %add3A_97 = vector.broadcast %add3A_96 : f32 to vector<16xf32>
        %add3A_98 = arith.addf %add3A_97, %exp3A_95 : vector<16xf32>
        %div3A_99 = arith.divf %add3A_91, %add3A_98 : vector<16xf32>
        %swap3A_100 = arith.index_cast %scan3A_60 : i32 to index
        %swap3A_101 = arith.constant 16 : index
        %swap3A_102 = tpu.vector_load %arg12[%swap3A_100, %swap3A_101] {strides = array<i32>} : memref<80x128xf32, #tpu.memory_space<vmem>>, vector<16xf32>,
        tpu.vector_store %arg12[%swap3A_100, %swap3A_101], %div3A_99 {strides = array<i32>} : memref<80x128xf32, #tpu.memory_space<vmem>>, vector<16xf32>,
        %get3A_103 = arith.index_cast %scan3A_60 : i32 to index
        %get3A_104 = arith.constant 32 : index
        %get3A_105 = tpu.vector_load %arg12[%get3A_103, %get3A_104] {strides = array<i32>} : memref<80x128xf32, #tpu.memory_space<vmem>>, vector<16xf32>,
        %get3A_106 = arith.index_cast %scan3A_60 : i32 to index
        %get3A_107 = arith.constant 32 : index
        %get3A_108 = tpu.vector_load %arg13[%get3A_106, %get3A_107] {strides = array<i32>} : memref<80x128xf32, #tpu.memory_space<vmem>>, vector<16xf32>,
        %add3A_109 = arith.addf %get3A_105, %get3A_108 : vector<16xf32>
        %get3A_110 = arith.constant 32 : index
        %get3A_111 = tpu.vector_load %arg14[%get3A_110] {strides = array<i32>} : memref<128xf32, #tpu.memory_space<vmem>>, vector<16xf32>,
        %mul3A_112 = arith.mulf %broadcast_in_dim3A_62, %get3A_111 : vector<16xf32>
        %add3A_113 = arith.addf %add3A_109, %mul3A_112 : vector<16xf32>
        %neg3A_114 = arith.constant 0.000000e+00 : f32
        %neg3A_115 = vector.broadcast %neg3A_114 : f32 to vector<16xf32>
        %neg3A_116 = arith.subf %neg3A_115, %add3A_113 : vector<16xf32>
        %exp3A_117 = math.exp %neg3A_116 : vector<16xf32>
        %add3A_118 = arith.constant 1.000000e+00 : f32
        %add3A_119 = vector.broadcast %add3A_118 : f32 to vector<16xf32>
        %add3A_120 = arith.addf %add3A_119, %exp3A_117 : vector<16xf32>
        %div3A_121 = arith.divf %add3A_113, %add3A_120 : vector<16xf32>
        %swap3A_122 = arith.index_cast %scan3A_60 : i32 to index
        %swap3A_123 = arith.constant 32 : index
        %swap3A_124 = tpu.vector_load %arg12[%swap3A_122, %swap3A_123] {strides = array<i32>} : memref<80x128xf32, #tpu.memory_space<vmem>>, vector<16xf32>,
        tpu.vector_store %arg12[%swap3A_122, %swap3A_123], %div3A_121 {strides = array<i32>} : memref<80x128xf32, #tpu.memory_space<vmem>>, vector<16xf32>,
        %get3A_125 = arith.index_cast %scan3A_60 : i32 to index
        %get3A_126 = arith.constant 48 : index
        %get3A_127 = tpu.vector_load %arg12[%get3A_125, %get3A_126] {strides = array<i32>} : memref<80x128xf32, #tpu.memory_space<vmem>>, vector<16xf32>,
        %get3A_128 = arith.index_cast %scan3A_60 : i32 to index
        %get3A_129 = arith.constant 48 : index
        %get3A_130 = tpu.vector_load %arg13[%get3A_128, %get3A_129] {strides = array<i32>} : memref<80x128xf32, #tpu.memory_space<vmem>>, vector<16xf32>,
        %add3A_131 = arith.addf %get3A_127, %get3A_130 : vector<16xf32>
        %get3A_132 = arith.constant 48 : index
        %get3A_133 = tpu.vector_load %arg14[%get3A_132] {strides = array<i32>} : memref<128xf32, #tpu.memory_space<vmem>>, vector<16xf32>,
        %mul3A_134 = arith.mulf %broadcast_in_dim3A_62, %get3A_133 : vector<16xf32>
        %add3A_135 = arith.addf %add3A_131, %mul3A_134 : vector<16xf32>
        %neg3A_136 = arith.constant 0.000000e+00 : f32
        %neg3A_137 = vector.broadcast %neg3A_136 : f32 to vector<16xf32>
        %neg3A_138 = arith.subf %neg3A_137, %add3A_135 : vector<16xf32>
        %exp3A_139 = math.exp %neg3A_138 : vector<16xf32>
        %add3A_140 = arith.constant 1.000000e+00 : f32
        %add3A_141 = vector.broadcast %add3A_140 : f32 to vector<16xf32>
        %add3A_142 = arith.addf %add3A_141, %exp3A_139 : vector<16xf32>
        %div3A_143 = arith.divf %add3A_135, %add3A_142 : vector<16xf32>
        %swap3A_144 = arith.index_cast %scan3A_60 : i32 to index
        %swap3A_145 = arith.constant 48 : index
        %swap3A_146 = tpu.vector_load %arg12[%swap3A_144, %swap3A_145] {strides = array<i32>} : memref<80x128xf32, #tpu.memory_space<vmem>>, vector<16xf32>,
        tpu.vector_store %arg12[%swap3A_144, %swap3A_145], %div3A_143 {strides = array<i32>} : memref<80x128xf32, #tpu.memory_space<vmem>>, vector<16xf32>,
        %get3A_147 = arith.index_cast %scan3A_60 : i32 to index
        %get3A_148 = arith.constant 64 : index
        %get3A_149 = tpu.vector_load %arg12[%get3A_147, %get3A_148] {strides = array<i32>} : memref<80x128xf32, #tpu.memory_space<vmem>>, vector<16xf32>,
        %get3A_150 = arith.index_cast %scan3A_60 : i32 to index
        %get3A_151 = arith.constant 64 : index
        %get3A_152 = tpu.vector_load %arg13[%get3A_150, %get3A_151] {strides = array<i32>} : memref<80x128xf32, #tpu.memory_space<vmem>>, vector<16xf32>,
        %add3A_153 = arith.addf %get3A_149, %get3A_152 : vector<16xf32>
        %get3A_154 = arith.constant 64 : index
        %get3A_155 = tpu.vector_load %arg14[%get3A_154] {strides = array<i32>} : memref<128xf32, #tpu.memory_space<vmem>>, vector<16xf32>,
        %mul3A_156 = arith.mulf %broadcast_in_dim3A_62, %get3A_155 : vector<16xf32>
        %add3A_157 = arith.addf %add3A_153, %mul3A_156 : vector<16xf32>
        %neg3A_158 = arith.constant 0.000000e+00 : f32
        %neg3A_159 = vector.broadcast %neg3A_158 : f32 to vector<16xf32>
        %neg3A_160 = arith.subf %neg3A_159, %add3A_157 : vector<16xf32>
        %exp3A_161 = math.exp %neg3A_160 : vector<16xf32>
        %add3A_162 = arith.constant 1.000000e+00 : f32
        %add3A_163 = vector.broadcast %add3A_162 : f32 to vector<16xf32>
        %add3A_164 = arith.addf %add3A_163, %exp3A_161 : vector<16xf32>
        %div3A_165 = arith.divf %add3A_157, %add3A_164 : vector<16xf32>
        %swap3A_166 = arith.index_cast %scan3A_60 : i32 to index
        %swap3A_167 = arith.constant 64 : index
        %swap3A_168 = tpu.vector_load %arg12[%swap3A_166, %swap3A_167] {strides = array<i32>} : memref<80x128xf32, #tpu.memory_space<vmem>>, vector<16xf32>,
        tpu.vector_store %arg12[%swap3A_166, %swap3A_167], %div3A_165 {strides = array<i32>} : memref<80x128xf32, #tpu.memory_space<vmem>>, vector<16xf32>,
        %get3A_169 = arith.index_cast %scan3A_60 : i32 to index
        %get3A_170 = arith.constant 80 : index
        %get3A_171 = tpu.vector_load %arg12[%get3A_169, %get3A_170] {strides = array<i32>} : memref<80x128xf32, #tpu.memory_space<vmem>>, vector<16xf32>,
        %get3A_172 = arith.index_cast %scan3A_60 : i32 to index
        %get3A_173 = arith.constant 80 : index
        %get3A_174 = tpu.vector_load %arg13[%get3A_172, %get3A_173] {strides = array<i32>} : memref<80x128xf32, #tpu.memory_space<vmem>>, vector<16xf32>,
        %add3A_175 = arith.addf %get3A_171, %get3A_174 : vector<16xf32>
        %get3A_176 = arith.constant 80 : index
        %get3A_177 = tpu.vector_load %arg14[%get3A_176] {strides = array<i32>} : memref<128xf32, #tpu.memory_space<vmem>>, vector<16xf32>,
        %mul3A_178 = arith.mulf %broadcast_in_dim3A_62, %get3A_177 : vector<16xf32>
        %add3A_179 = arith.addf %add3A_175, %mul3A_178 : vector<16xf32>
        %neg3A_180 = arith.constant 0.000000e+00 : f32
        %neg3A_181 = vector.broadcast %neg3A_180 : f32 to vector<16xf32>
        %neg3A_182 = arith.subf %neg3A_181, %add3A_179 : vector<16xf32>
        %exp3A_183 = math.exp %neg3A_182 : vector<16xf32>
        %add3A_184 = arith.constant 1.000000e+00 : f32
        %add3A_185 = vector.broadcast %add3A_184 : f32 to vector<16xf32>
        %add3A_186 = arith.addf %add3A_185, %exp3A_183 : vector<16xf32>
        %div3A_187 = arith.divf %add3A_179, %add3A_186 : vector<16xf32>
        %swap3A_188 = arith.index_cast %scan3A_60 : i32 to index
        %swap3A_189 = arith.constant 80 : index
        %swap3A_190 = tpu.vector_load %arg12[%swap3A_188, %swap3A_189] {strides = array<i32>} : memref<80x128xf32, #tpu.memory_space<vmem>>, vector<16xf32>,
        tpu.vector_store %arg12[%swap3A_188, %swap3A_189], %div3A_187 {strides = array<i32>} : memref<80x128xf32, #tpu.memory_space<vmem>>, vector<16xf32>,
        %get3A_191 = arith.index_cast %scan3A_60 : i32 to index
        %get3A_192 = arith.constant 96 : index
        %get3A_193 = tpu.vector_load %arg12[%get3A_191, %get3A_192] {strides = array<i32>} : memref<80x128xf32, #tpu.memory_space<vmem>>, vector<16xf32>,
        %get3A_194 = arith.index_cast %scan3A_60 : i32 to index
        %get3A_195 = arith.constant 96 : index
        %get3A_196 = tpu.vector_load %arg13[%get3A_194, %get3A_195] {strides = array<i32>} : memref<80x128xf32, #tpu.memory_space<vmem>>, vector<16xf32>,
        %add3A_197 = arith.addf %get3A_193, %get3A_196 : vector<16xf32>
        %get3A_198 = arith.constant 96 : index
        %get3A_199 = tpu.vector_load %arg14[%get3A_198] {strides = array<i32>} : memref<128xf32, #tpu.memory_space<vmem>>, vector<16xf32>,
        %mul3A_200 = arith.mulf %broadcast_in_dim3A_62, %get3A_199 : vector<16xf32>
        %add3A_201 = arith.addf %add3A_197, %mul3A_200 : vector<16xf32>
        %neg3A_202 = arith.constant 0.000000e+00 : f32
        %neg3A_203 = vector.broadcast %neg3A_202 : f32 to vector<16xf32>
        %neg3A_204 = arith.subf %neg3A_203, %add3A_201 : vector<16xf32>
        %exp3A_205 = math.exp %neg3A_204 : vector<16xf32>
        %add3A_206 = arith.constant 1.000000e+00 : f32
        %add3A_207 = vector.broadcast %add3A_206 : f32 to vector<16xf32>
        %add3A_208 = arith.addf %add3A_207, %exp3A_205 : vector<16xf32>
        %div3A_209 = arith.divf %add3A_201, %add3A_208 : vector<16xf32>
        %swap3A_210 = arith.index_cast %scan3A_60 : i32 to index
        %swap3A_211 = arith.constant 96 : index
        %swap3A_212 = tpu.vector_load %arg12[%swap3A_210, %swap3A_211] {strides = array<i32>} : memref<80x128xf32, #tpu.memory_space<vmem>>, vector<16xf32>,
        tpu.vector_store %arg12[%swap3A_210, %swap3A_211], %div3A_209 {strides = array<i32>} : memref<80x128xf32, #tpu.memory_space<vmem>>, vector<16xf32>,
        %get3A_213 = arith.index_cast %scan3A_60 : i32 to index
        %get3A_214 = arith.constant 112 : index
        %get3A_215 = tpu.vector_load %arg12[%get3A_213, %get3A_214] {strides = array<i32>} : memref<80x128xf32, #tpu.memory_space<vmem>>, vector<16xf32>,
        %get3A_216 = arith.index_cast %scan3A_60 : i32 to index
        %get3A_217 = arith.constant 112 : index
        %get3A_218 = tpu.vector_load %arg13[%get3A_216, %get3A_217] {strides = array<i32>} : memref<80x128xf32, #tpu.memory_space<vmem>>, vector<16xf32>,
        %add3A_219 = arith.addf %get3A_215, %get3A_218 : vector<16xf32>
        %get3A_220 = arith.constant 112 : index
        %get3A_221 = tpu.vector_load %arg14[%get3A_220] {strides = array<i32>} : memref<128xf32, #tpu.memory_space<vmem>>, vector<16xf32>,
        %mul3A_222 = arith.mulf %broadcast_in_dim3A_62, %get3A_221 : vector<16xf32>
        %add3A_223 = arith.addf %add3A_219, %mul3A_222 : vector<16xf32>
        %neg3A_224 = arith.constant 0.000000e+00 : f32
        %neg3A_225 = vector.broadcast %neg3A_224 : f32 to vector<16xf32>
        %neg3A_226 = arith.subf %neg3A_225, %add3A_223 : vector<16xf32>
        %exp3A_227 = math.exp %neg3A_226 : vector<16xf32>
        %add3A_228 = arith.constant 1.000000e+00 : f32
        %add3A_229 = vector.broadcast %add3A_228 : f32 to vector<16xf32>
        %add3A_230 = arith.addf %add3A_229, %exp3A_227 : vector<16xf32>
        %div3A_231 = arith.divf %add3A_223, %add3A_230 : vector<16xf32>
        %swap3A_232 = arith.index_cast %scan3A_60 : i32 to index
        %swap3A_233 = arith.constant 112 : index
        %swap3A_234 = tpu.vector_load %arg12[%swap3A_232, %swap3A_233] {strides = array<i32>} : memref<80x128xf32, #tpu.memory_space<vmem>>, vector<16xf32>,
        tpu.vector_store %arg12[%swap3A_232, %swap3A_233], %div3A_231 {strides = array<i32>} : memref<80x128xf32, #tpu.memory_space<vmem>>, vector<16xf32>,
      }
      %scan3A_59 = arith.constant 80 : i32
      "tpu.region"() ({
        %run_scoped3A = tpu.sem_alloc : memref<!tpu.dma_semaphore, #tpu.memory_space<semaphore_mem>>
        %dma_start3A_60 = arith.constant 0 : i32
        %dma_start3A_61 = arith.constant 0 : i32
        %dma_start3A_62 = tpu.memref_slice %arg16[%dma_start3A_60, %dma_start3A_61] : memref<10240x128xf32, #tpu.memory_space<vmem_shared>> -> memref<10240x128xf32, #tpu.memory_space<vmem_shared>>
        tpu.enqueue_indirect_dma source(%arg12 : memref<80x128xf32, #tpu.memory_space<vmem>>) target(%dma_start3A_62 : memref<10240x128xf32, #tpu.memory_space<vmem_shared>>) offsets(%arg9 : memref<80xi32, #tpu.memory_space<vmem>>) semaphore(%run_scoped3A : memref<!tpu.dma_semaphore, #tpu.memory_space<semaphore_mem>>) {add = true}
        %dma_wait3A_63 = arith.constant 0 : i32
        %dma_wait3A_64 = arith.constant 0 : i32
        %dma_wait3A_65 = tpu.memref_slice %arg16[%dma_wait3A_63, %dma_wait3A_64] : memref<10240x128xf32, #tpu.memory_space<vmem_shared>> -> memref<10240x128xf32, #tpu.memory_space<vmem_shared>>
        tpu.wait_indirect_dma semaphore(%run_scoped3A : memref<!tpu.dma_semaphore, #tpu.memory_space<semaphore_mem>>) src(%arg12 : memref<80x128xf32, #tpu.memory_space<vmem>>) dst(%dma_wait3A_65 : memref<10240x128xf32, #tpu.memory_space<vmem_shared>>)
        tpu.yield
      }) : () -> ()
    }
    %scan3A_34 = arith.constant 125 : i32
    %barrier3A_35 = arith.constant 0 : index
    tpu.barrier barrier_id(%barrier3A_35)
    %mul3A_36 = arith.constant 640 : i32
    %mul3A_37 = arith.muli %arg1, %mul3A_36 : i32
    %mul3A_38 = arith.constant 640 : i32
    %mul3A_39 = arith.muli %arg1, %mul3A_38 : i32
    "tpu.region"() ({
      %run_scoped3A = tpu.sem_alloc : memref<!tpu.dma_semaphore, #tpu.memory_space<semaphore_mem>>
      %dma_start3A = arith.constant 0 : i32
      %dma_start3A_40 = tpu.memref_slice %arg8[%arg0, %mul3A_39, %dma_start3A] : memref<2x10240x128xf32, #tpu.memory_space<hbm>> -> memref<1x640x128xf32, #tpu.memory_space<hbm>>
      %dma_start3A_41 = tpu.memref_squeeze %dma_start3A_40 : memref<1x640x128xf32, #tpu.memory_space<hbm>> -> memref<640x128xf32, #tpu.memory_space<hbm>>
      %dma_start3A_42 = arith.constant 0 : i32
      %dma_start3A_43 = tpu.memref_slice %arg16[%mul3A_37, %dma_start3A_42] : memref<10240x128xf32, #tpu.memory_space<vmem_shared>> -> memref<640x128xf32, #tpu.memory_space<vmem_shared>>
      tpu.enqueue_dma source(%dma_start3A_43 : memref<640x128xf32, #tpu.memory_space<vmem_shared>>) target(%dma_start3A_41 : memref<640x128xf32, #tpu.memory_space<hbm>>) target_semaphore(%run_scoped3A : memref<!tpu.dma_semaphore, #tpu.memory_space<semaphore_mem>>)
      %dma_wait3A = arith.constant 0 : i32
      %dma_wait3A_44 = tpu.memref_slice %arg8[%arg0, %mul3A_39, %dma_wait3A] : memref<2x10240x128xf32, #tpu.memory_space<hbm>> -> memref<1x640x128xf32, #tpu.memory_space<hbm>>
      %dma_wait3A_45 = tpu.memref_squeeze %dma_wait3A_44 : memref<1x640x128xf32, #tpu.memory_space<hbm>> -> memref<640x128xf32, #tpu.memory_space<hbm>>
      %dma_wait3A_46 = arith.constant 0 : i32
      %dma_wait3A_47 = tpu.memref_slice %arg16[%mul3A_37, %dma_wait3A_46] : memref<10240x128xf32, #tpu.memory_space<vmem_shared>> -> memref<640x128xf32, #tpu.memory_space<vmem_shared>>
      tpu.wait_dma2 semaphore(%run_scoped3A : memref<!tpu.dma_semaphore, #tpu.memory_space<semaphore_mem>>) src(%dma_wait3A_47 : memref<640x128xf32, #tpu.memory_space<vmem_shared>>) dst(%dma_wait3A_45 : memref<640x128xf32, #tpu.memory_space<hbm>>)
      tpu.yield
    }) : () -> ()
    return
  }
}

#map = affine_map<(d0, d1) -> (0, 0)>
#map1 = affine_map<(d0, d1) -> (0)>
#map2 = affine_map<(d0, d1) -> (0, 0, 0)>
module attributes {stable_mosaic.version = 14 : i64} {
  func.func @_edge_body(%arg0: i32, %arg1: i32, %arg2: memref<10000x128xf32, #tpu.memory_space<hbm>>, %arg3: memref<10000x128xf32, #tpu.memory_space<hbm>>, %arg4: memref<320000xi32, #tpu.memory_space<hbm>>, %arg5: memref<320000xi32, #tpu.memory_space<hbm>>, %arg6: memref<320000xf32, #tpu.memory_space<hbm>>, %arg7: memref<128xf32, #tpu.memory_space<hbm>>, %arg8: memref<2x10240x128xf32, #tpu.memory_space<hbm>>, %arg9: memref<80xi32, #tpu.memory_space<vmem>>, %arg10: memref<80xi32, #tpu.memory_space<vmem>>, %arg11: memref<96xf32, #tpu.memory_space<vmem>>, %arg12: memref<80x128xf32, #tpu.memory_space<vmem>>, %arg13: memref<80x128xf32, #tpu.memory_space<vmem>>, %arg14: memref<128xf32, #tpu.memory_space<vmem>>, %arg15: memref<128x128xf32, #tpu.memory_space<vmem>>, %arg16: memref<10240x128xf32, #tpu.memory_space<vmem_shared>>, %arg17: memref<!tpu.dma_semaphore, #tpu.memory_space<semaphore_mem>>, %arg18: memref<!tpu.dma_semaphore, #tpu.memory_space<semaphore_mem>>) attributes {dimension_semantics = [#tpu.dimension_semantics<core_parallel>, #tpu.dimension_semantics<subcore_parallel>], iteration_bounds = array<i64: 2, 16>, scalar_prefetch = 0 : i64, scratch_operands = 10 : i64, tpu.core_type = #tpu.core_type<sc_vector_subcore>, window_params = [{transform_indices = #map}, {transform_indices = #map}, {transform_indices = #map1}, {transform_indices = #map1}, {transform_indices = #map1}, {transform_indices = #map1}, {transform_indices = #map2}]} {
    %mul3A = arith.constant 16 : i32
    %mul3A_0 = arith.muli %arg0, %mul3A : i32
    %add3A = arith.addi %mul3A_0, %arg1 : i32
    %broadcast_in_dim3A = arith.constant 0.000000e+00 : f32
    %broadcast_in_dim3A_1 = vector.broadcast %broadcast_in_dim3A : f32 to vector<16xf32>
    "tpu.region"() ({
      %run_scoped3A = tpu.sem_alloc : memref<!tpu.dma_semaphore, #tpu.memory_space<semaphore_mem>>
      tpu.enqueue_dma source(%arg7 : memref<128xf32, #tpu.memory_space<hbm>>) target(%arg14 : memref<128xf32, #tpu.memory_space<vmem>>) target_semaphore(%run_scoped3A : memref<!tpu.dma_semaphore, #tpu.memory_space<semaphore_mem>>)
      tpu.wait_dma2 semaphore(%run_scoped3A : memref<!tpu.dma_semaphore, #tpu.memory_space<semaphore_mem>>) src(%arg7 : memref<128xf32, #tpu.memory_space<hbm>>) dst(%arg14 : memref<128xf32, #tpu.memory_space<vmem>>)
      tpu.yield
    }) : () -> ()
    %scan3A = arith.constant 0 : i32
    %scan3A_2 = arith.constant 0 : i32
    %scan3A_3 = arith.constant 128 : i32
    %scan3A_4 = arith.addi %scan3A_2, %scan3A_3 : i32
    %scan3A_5 = arith.constant 1 : i32
    scf.for %scan3A_40 = %scan3A_2 to %scan3A_4 step %scan3A_5  : i32 {
      %swap3A = arith.index_cast %scan3A_40 : i32 to index
      %swap3A_41 = arith.constant 0 : index
      %swap3A_42 = tpu.vector_load %arg15[%swap3A, %swap3A_41] {strides = array<i32>} : memref<128x128xf32, #tpu.memory_space<vmem>>, vector<16xf32>,
      tpu.vector_store %arg15[%swap3A, %swap3A_41], %broadcast_in_dim3A_1 {strides = array<i32>} : memref<128x128xf32, #tpu.memory_space<vmem>>, vector<16xf32>,
      %swap3A_43 = arith.index_cast %scan3A_40 : i32 to index
      %swap3A_44 = arith.constant 16 : index
      %swap3A_45 = tpu.vector_load %arg15[%swap3A_43, %swap3A_44] {strides = array<i32>} : memref<128x128xf32, #tpu.memory_space<vmem>>, vector<16xf32>,
      tpu.vector_store %arg15[%swap3A_43, %swap3A_44], %broadcast_in_dim3A_1 {strides = array<i32>} : memref<128x128xf32, #tpu.memory_space<vmem>>, vector<16xf32>,
      %swap3A_46 = arith.index_cast %scan3A_40 : i32 to index
      %swap3A_47 = arith.constant 32 : index
      %swap3A_48 = tpu.vector_load %arg15[%swap3A_46, %swap3A_47] {strides = array<i32>} : memref<128x128xf32, #tpu.memory_space<vmem>>, vector<16xf32>,
      tpu.vector_store %arg15[%swap3A_46, %swap3A_47], %broadcast_in_dim3A_1 {strides = array<i32>} : memref<128x128xf32, #tpu.memory_space<vmem>>, vector<16xf32>,
      %swap3A_49 = arith.index_cast %scan3A_40 : i32 to index
      %swap3A_50 = arith.constant 48 : index
      %swap3A_51 = tpu.vector_load %arg15[%swap3A_49, %swap3A_50] {strides = array<i32>} : memref<128x128xf32, #tpu.memory_space<vmem>>, vector<16xf32>,
      tpu.vector_store %arg15[%swap3A_49, %swap3A_50], %broadcast_in_dim3A_1 {strides = array<i32>} : memref<128x128xf32, #tpu.memory_space<vmem>>, vector<16xf32>,
      %swap3A_52 = arith.index_cast %scan3A_40 : i32 to index
      %swap3A_53 = arith.constant 64 : index
      %swap3A_54 = tpu.vector_load %arg15[%swap3A_52, %swap3A_53] {strides = array<i32>} : memref<128x128xf32, #tpu.memory_space<vmem>>, vector<16xf32>,
      tpu.vector_store %arg15[%swap3A_52, %swap3A_53], %broadcast_in_dim3A_1 {strides = array<i32>} : memref<128x128xf32, #tpu.memory_space<vmem>>, vector<16xf32>,
      %swap3A_55 = arith.index_cast %scan3A_40 : i32 to index
      %swap3A_56 = arith.constant 80 : index
      %swap3A_57 = tpu.vector_load %arg15[%swap3A_55, %swap3A_56] {strides = array<i32>} : memref<128x128xf32, #tpu.memory_space<vmem>>, vector<16xf32>,
      tpu.vector_store %arg15[%swap3A_55, %swap3A_56], %broadcast_in_dim3A_1 {strides = array<i32>} : memref<128x128xf32, #tpu.memory_space<vmem>>, vector<16xf32>,
      %swap3A_58 = arith.index_cast %scan3A_40 : i32 to index
      %swap3A_59 = arith.constant 96 : index
      %swap3A_60 = tpu.vector_load %arg15[%swap3A_58, %swap3A_59] {strides = array<i32>} : memref<128x128xf32, #tpu.memory_space<vmem>>, vector<16xf32>,
      tpu.vector_store %arg15[%swap3A_58, %swap3A_59], %broadcast_in_dim3A_1 {strides = array<i32>} : memref<128x128xf32, #tpu.memory_space<vmem>>, vector<16xf32>,
      %swap3A_61 = arith.index_cast %scan3A_40 : i32 to index
      %swap3A_62 = arith.constant 112 : index
      %swap3A_63 = tpu.vector_load %arg15[%swap3A_61, %swap3A_62] {strides = array<i32>} : memref<128x128xf32, #tpu.memory_space<vmem>>, vector<16xf32>,
      tpu.vector_store %arg15[%swap3A_61, %swap3A_62], %broadcast_in_dim3A_1 {strides = array<i32>} : memref<128x128xf32, #tpu.memory_space<vmem>>, vector<16xf32>,
    }
    %scan3A_6 = arith.constant 128 : i32
    %mul3A_7 = arith.constant 640 : i32
    %mul3A_8 = arith.muli %arg1, %mul3A_7 : i32
    %add3A_9 = arith.constant 0 : i32
    %add3A_10 = arith.addi %mul3A_8, %add3A_9 : i32
    "tpu.region"() ({
      %run_scoped3A = tpu.sem_alloc : memref<!tpu.dma_semaphore, #tpu.memory_space<semaphore_mem>>
      %dma_start3A = arith.constant 0 : i32
      %dma_start3A_40 = tpu.memref_slice %arg16[%add3A_10, %dma_start3A] : memref<10240x128xf32, #tpu.memory_space<vmem_shared>> -> memref<128x128xf32, #tpu.memory_space<vmem_shared>>
      %dma_start3A_41 = arith.constant 0 : i32
      %dma_start3A_42 = tpu.memref_slice %arg16[%add3A_10, %dma_start3A_41] : memref<10240x128xf32, #tpu.memory_space<vmem_shared>> -> memref<128x128xf32, #tpu.memory_space<vmem_shared>>
      tpu.enqueue_dma source(%arg15 : memref<128x128xf32, #tpu.memory_space<vmem>>) target(%dma_start3A_42 : memref<128x128xf32, #tpu.memory_space<vmem_shared>>) target_semaphore(%run_scoped3A : memref<!tpu.dma_semaphore, #tpu.memory_space<semaphore_mem>>)
      %dma_wait3A = arith.constant 0 : i32
      %dma_wait3A_43 = tpu.memref_slice %arg16[%add3A_10, %dma_wait3A] : memref<10240x128xf32, #tpu.memory_space<vmem_shared>> -> memref<128x128xf32, #tpu.memory_space<vmem_shared>>
      %dma_wait3A_44 = arith.constant 0 : i32
      %dma_wait3A_45 = tpu.memref_slice %arg16[%add3A_10, %dma_wait3A_44] : memref<10240x128xf32, #tpu.memory_space<vmem_shared>> -> memref<128x128xf32, #tpu.memory_space<vmem_shared>>
      tpu.wait_dma2 semaphore(%run_scoped3A : memref<!tpu.dma_semaphore, #tpu.memory_space<semaphore_mem>>) src(%arg15 : memref<128x128xf32, #tpu.memory_space<vmem>>) dst(%dma_wait3A_45 : memref<128x128xf32, #tpu.memory_space<vmem_shared>>)
      tpu.yield
    }) : () -> ()
    %mul3A_11 = arith.constant 640 : i32
    %mul3A_12 = arith.muli %arg1, %mul3A_11 : i32
    %add3A_13 = arith.constant 128 : i32
    %add3A_14 = arith.addi %mul3A_12, %add3A_13 : i32
    "tpu.region"() ({
      %run_scoped3A = tpu.sem_alloc : memref<!tpu.dma_semaphore, #tpu.memory_space<semaphore_mem>>
      %dma_start3A = arith.constant 0 : i32
      %dma_start3A_40 = tpu.memref_slice %arg16[%add3A_14, %dma_start3A] : memref<10240x128xf32, #tpu.memory_space<vmem_shared>> -> memref<128x128xf32, #tpu.memory_space<vmem_shared>>
      %dma_start3A_41 = arith.constant 0 : i32
      %dma_start3A_42 = tpu.memref_slice %arg16[%add3A_14, %dma_start3A_41] : memref<10240x128xf32, #tpu.memory_space<vmem_shared>> -> memref<128x128xf32, #tpu.memory_space<vmem_shared>>
      tpu.enqueue_dma source(%arg15 : memref<128x128xf32, #tpu.memory_space<vmem>>) target(%dma_start3A_42 : memref<128x128xf32, #tpu.memory_space<vmem_shared>>) target_semaphore(%run_scoped3A : memref<!tpu.dma_semaphore, #tpu.memory_space<semaphore_mem>>)
      %dma_wait3A = arith.constant 0 : i32
      %dma_wait3A_43 = tpu.memref_slice %arg16[%add3A_14, %dma_wait3A] : memref<10240x128xf32, #tpu.memory_space<vmem_shared>> -> memref<128x128xf32, #tpu.memory_space<vmem_shared>>
      %dma_wait3A_44 = arith.constant 0 : i32
      %dma_wait3A_45 = tpu.memref_slice %arg16[%add3A_14, %dma_wait3A_44] : memref<10240x128xf32, #tpu.memory_space<vmem_shared>> -> memref<128x128xf32, #tpu.memory_space<vmem_shared>>
      tpu.wait_dma2 semaphore(%run_scoped3A : memref<!tpu.dma_semaphore, #tpu.memory_space<semaphore_mem>>) src(%arg15 : memref<128x128xf32, #tpu.memory_space<vmem>>) dst(%dma_wait3A_45 : memref<128x128xf32, #tpu.memory_space<vmem_shared>>)
      tpu.yield
    }) : () -> ()
    %mul3A_15 = arith.constant 640 : i32
    %mul3A_16 = arith.muli %arg1, %mul3A_15 : i32
    %add3A_17 = arith.constant 256 : i32
    %add3A_18 = arith.addi %mul3A_16, %add3A_17 : i32
    "tpu.region"() ({
      %run_scoped3A = tpu.sem_alloc : memref<!tpu.dma_semaphore, #tpu.memory_space<semaphore_mem>>
      %dma_start3A = arith.constant 0 : i32
      %dma_start3A_40 = tpu.memref_slice %arg16[%add3A_18, %dma_start3A] : memref<10240x128xf32, #tpu.memory_space<vmem_shared>> -> memref<128x128xf32, #tpu.memory_space<vmem_shared>>
      %dma_start3A_41 = arith.constant 0 : i32
      %dma_start3A_42 = tpu.memref_slice %arg16[%add3A_18, %dma_start3A_41] : memref<10240x128xf32, #tpu.memory_space<vmem_shared>> -> memref<128x128xf32, #tpu.memory_space<vmem_shared>>
      tpu.enqueue_dma source(%arg15 : memref<128x128xf32, #tpu.memory_space<vmem>>) target(%dma_start3A_42 : memref<128x128xf32, #tpu.memory_space<vmem_shared>>) target_semaphore(%run_scoped3A : memref<!tpu.dma_semaphore, #tpu.memory_space<semaphore_mem>>)
      %dma_wait3A = arith.constant 0 : i32
      %dma_wait3A_43 = tpu.memref_slice %arg16[%add3A_18, %dma_wait3A] : memref<10240x128xf32, #tpu.memory_space<vmem_shared>> -> memref<128x128xf32, #tpu.memory_space<vmem_shared>>
      %dma_wait3A_44 = arith.constant 0 : i32
      %dma_wait3A_45 = tpu.memref_slice %arg16[%add3A_18, %dma_wait3A_44] : memref<10240x128xf32, #tpu.memory_space<vmem_shared>> -> memref<128x128xf32, #tpu.memory_space<vmem_shared>>
      tpu.wait_dma2 semaphore(%run_scoped3A : memref<!tpu.dma_semaphore, #tpu.memory_space<semaphore_mem>>) src(%arg15 : memref<128x128xf32, #tpu.memory_space<vmem>>) dst(%dma_wait3A_45 : memref<128x128xf32, #tpu.memory_space<vmem_shared>>)
      tpu.yield
    }) : () -> ()
    %mul3A_19 = arith.constant 640 : i32
    %mul3A_20 = arith.muli %arg1, %mul3A_19 : i32
    %add3A_21 = arith.constant 384 : i32
    %add3A_22 = arith.addi %mul3A_20, %add3A_21 : i32
    "tpu.region"() ({
      %run_scoped3A = tpu.sem_alloc : memref<!tpu.dma_semaphore, #tpu.memory_space<semaphore_mem>>
      %dma_start3A = arith.constant 0 : i32
      %dma_start3A_40 = tpu.memref_slice %arg16[%add3A_22, %dma_start3A] : memref<10240x128xf32, #tpu.memory_space<vmem_shared>> -> memref<128x128xf32, #tpu.memory_space<vmem_shared>>
      %dma_start3A_41 = arith.constant 0 : i32
      %dma_start3A_42 = tpu.memref_slice %arg16[%add3A_22, %dma_start3A_41] : memref<10240x128xf32, #tpu.memory_space<vmem_shared>> -> memref<128x128xf32, #tpu.memory_space<vmem_shared>>
      tpu.enqueue_dma source(%arg15 : memref<128x128xf32, #tpu.memory_space<vmem>>) target(%dma_start3A_42 : memref<128x128xf32, #tpu.memory_space<vmem_shared>>) target_semaphore(%run_scoped3A : memref<!tpu.dma_semaphore, #tpu.memory_space<semaphore_mem>>)
      %dma_wait3A = arith.constant 0 : i32
      %dma_wait3A_43 = tpu.memref_slice %arg16[%add3A_22, %dma_wait3A] : memref<10240x128xf32, #tpu.memory_space<vmem_shared>> -> memref<128x128xf32, #tpu.memory_space<vmem_shared>>
      %dma_wait3A_44 = arith.constant 0 : i32
      %dma_wait3A_45 = tpu.memref_slice %arg16[%add3A_22, %dma_wait3A_44] : memref<10240x128xf32, #tpu.memory_space<vmem_shared>> -> memref<128x128xf32, #tpu.memory_space<vmem_shared>>
      tpu.wait_dma2 semaphore(%run_scoped3A : memref<!tpu.dma_semaphore, #tpu.memory_space<semaphore_mem>>) src(%arg15 : memref<128x128xf32, #tpu.memory_space<vmem>>) dst(%dma_wait3A_45 : memref<128x128xf32, #tpu.memory_space<vmem_shared>>)
      tpu.yield
    }) : () -> ()
    %mul3A_23 = arith.constant 640 : i32
    %mul3A_24 = arith.muli %arg1, %mul3A_23 : i32
    %add3A_25 = arith.constant 512 : i32
    %add3A_26 = arith.addi %mul3A_24, %add3A_25 : i32
    "tpu.region"() ({
      %run_scoped3A = tpu.sem_alloc : memref<!tpu.dma_semaphore, #tpu.memory_space<semaphore_mem>>
      %dma_start3A = arith.constant 0 : i32
      %dma_start3A_40 = tpu.memref_slice %arg16[%add3A_26, %dma_start3A] : memref<10240x128xf32, #tpu.memory_space<vmem_shared>> -> memref<128x128xf32, #tpu.memory_space<vmem_shared>>
      %dma_start3A_41 = arith.constant 0 : i32
      %dma_start3A_42 = tpu.memref_slice %arg16[%add3A_26, %dma_start3A_41] : memref<10240x128xf32, #tpu.memory_space<vmem_shared>> -> memref<128x128xf32, #tpu.memory_space<vmem_shared>>
      tpu.enqueue_dma source(%arg15 : memref<128x128xf32, #tpu.memory_space<vmem>>) target(%dma_start3A_42 : memref<128x128xf32, #tpu.memory_space<vmem_shared>>) target_semaphore(%run_scoped3A : memref<!tpu.dma_semaphore, #tpu.memory_space<semaphore_mem>>)
      %dma_wait3A = arith.constant 0 : i32
      %dma_wait3A_43 = tpu.memref_slice %arg16[%add3A_26, %dma_wait3A] : memref<10240x128xf32, #tpu.memory_space<vmem_shared>> -> memref<128x128xf32, #tpu.memory_space<vmem_shared>>
      %dma_wait3A_44 = arith.constant 0 : i32
      %dma_wait3A_45 = tpu.memref_slice %arg16[%add3A_26, %dma_wait3A_44] : memref<10240x128xf32, #tpu.memory_space<vmem_shared>> -> memref<128x128xf32, #tpu.memory_space<vmem_shared>>
      tpu.wait_dma2 semaphore(%run_scoped3A : memref<!tpu.dma_semaphore, #tpu.memory_space<semaphore_mem>>) src(%arg15 : memref<128x128xf32, #tpu.memory_space<vmem>>) dst(%dma_wait3A_45 : memref<128x128xf32, #tpu.memory_space<vmem_shared>>)
      tpu.yield
    }) : () -> ()
    %barrier3A = arith.constant 0 : index
    tpu.barrier barrier_id(%barrier3A)
    %mul3A_27 = arith.constant 10000 : i32
    %mul3A_28 = arith.muli %add3A, %mul3A_27 : i32
    %scan3A_29 = arith.constant 0 : i32
    %scan3A_30 = arith.constant 0 : i32
    %scan3A_31 = arith.constant 125 : i32
    %scan3A_32 = arith.addi %scan3A_30, %scan3A_31 : i32
    %scan3A_33 = arith.constant 1 : i32
    scf.for %scan3A_40 = %scan3A_30 to %scan3A_32 step %scan3A_33  : i32 {
      %mul3A_41 = arith.constant 80 : i32
      %mul3A_42 = arith.muli %scan3A_40, %mul3A_41 : i32
      %add3A_43 = arith.addi %mul3A_28, %mul3A_42 : i32
      "tpu.region"() ({
        %run_scoped3A = tpu.sem_alloc : memref<!tpu.dma_semaphore, #tpu.memory_space<semaphore_mem>>
        %dma_start3A_60 = tpu.memref_slice %arg4[%add3A_43] : memref<320000xi32, #tpu.memory_space<hbm>> -> memref<80xi32, #tpu.memory_space<hbm>>
        %dma_start3A_61 = tpu.memref_slice %arg4[%add3A_43] : memref<320000xi32, #tpu.memory_space<hbm>> -> memref<80xi32, #tpu.memory_space<hbm>>
        tpu.enqueue_dma source(%dma_start3A_61 : memref<80xi32, #tpu.memory_space<hbm>>) target(%arg9 : memref<80xi32, #tpu.memory_space<vmem>>) target_semaphore(%run_scoped3A : memref<!tpu.dma_semaphore, #tpu.memory_space<semaphore_mem>>)
        %dma_wait3A_62 = tpu.memref_slice %arg4[%add3A_43] : memref<320000xi32, #tpu.memory_space<hbm>> -> memref<80xi32, #tpu.memory_space<hbm>>
        %dma_wait3A_63 = tpu.memref_slice %arg4[%add3A_43] : memref<320000xi32, #tpu.memory_space<hbm>> -> memref<80xi32, #tpu.memory_space<hbm>>
        tpu.wait_dma2 semaphore(%run_scoped3A : memref<!tpu.dma_semaphore, #tpu.memory_space<semaphore_mem>>) src(%dma_wait3A_63 : memref<80xi32, #tpu.memory_space<hbm>>) dst(%arg9 : memref<80xi32, #tpu.memory_space<vmem>>)
        tpu.yield
      }) : () -> ()
      "tpu.region"() ({
        %run_scoped3A = tpu.sem_alloc : memref<!tpu.dma_semaphore, #tpu.memory_space<semaphore_mem>>
        %dma_start3A_60 = tpu.memref_slice %arg5[%add3A_43] : memref<320000xi32, #tpu.memory_space<hbm>> -> memref<80xi32, #tpu.memory_space<hbm>>
        %dma_start3A_61 = tpu.memref_slice %arg5[%add3A_43] : memref<320000xi32, #tpu.memory_space<hbm>> -> memref<80xi32, #tpu.memory_space<hbm>>
        tpu.enqueue_dma source(%dma_start3A_61 : memref<80xi32, #tpu.memory_space<hbm>>) target(%arg10 : memref<80xi32, #tpu.memory_space<vmem>>) target_semaphore(%run_scoped3A : memref<!tpu.dma_semaphore, #tpu.memory_space<semaphore_mem>>)
        %dma_wait3A_62 = tpu.memref_slice %arg5[%add3A_43] : memref<320000xi32, #tpu.memory_space<hbm>> -> memref<80xi32, #tpu.memory_space<hbm>>
        %dma_wait3A_63 = tpu.memref_slice %arg5[%add3A_43] : memref<320000xi32, #tpu.memory_space<hbm>> -> memref<80xi32, #tpu.memory_space<hbm>>
        tpu.wait_dma2 semaphore(%run_scoped3A : memref<!tpu.dma_semaphore, #tpu.memory_space<semaphore_mem>>) src(%dma_wait3A_63 : memref<80xi32, #tpu.memory_space<hbm>>) dst(%arg10 : memref<80xi32, #tpu.memory_space<vmem>>)
        tpu.yield
      }) : () -> ()
      "tpu.region"() ({
        %run_scoped3A = tpu.sem_alloc : memref<!tpu.dma_semaphore, #tpu.memory_space<semaphore_mem>>
        %dma_start3A_60 = arith.constant 0 : i32
        %dma_start3A_61 = tpu.memref_slice %arg11[%dma_start3A_60] : memref<96xf32, #tpu.memory_space<vmem>> -> memref<80xf32, #tpu.memory_space<vmem>>
        %dma_start3A_62 = tpu.memref_slice %arg6[%add3A_43] : memref<320000xf32, #tpu.memory_space<hbm>> -> memref<80xf32, #tpu.memory_space<hbm>>
        %dma_start3A_63 = arith.constant 0 : i32
        %dma_start3A_64 = tpu.memref_slice %arg11[%dma_start3A_63] : memref<96xf32, #tpu.memory_space<vmem>> -> memref<80xf32, #tpu.memory_space<vmem>>
        %dma_start3A_65 = tpu.memref_slice %arg6[%add3A_43] : memref<320000xf32, #tpu.memory_space<hbm>> -> memref<80xf32, #tpu.memory_space<hbm>>
        tpu.enqueue_dma source(%dma_start3A_65 : memref<80xf32, #tpu.memory_space<hbm>>) target(%dma_start3A_64 : memref<80xf32, #tpu.memory_space<vmem>>) target_semaphore(%run_scoped3A : memref<!tpu.dma_semaphore, #tpu.memory_space<semaphore_mem>>)
        %dma_wait3A_66 = arith.constant 0 : i32
        %dma_wait3A_67 = tpu.memref_slice %arg11[%dma_wait3A_66] : memref<96xf32, #tpu.memory_space<vmem>> -> memref<80xf32, #tpu.memory_space<vmem>>
        %dma_wait3A_68 = tpu.memref_slice %arg6[%add3A_43] : memref<320000xf32, #tpu.memory_space<hbm>> -> memref<80xf32, #tpu.memory_space<hbm>>
        %dma_wait3A_69 = arith.constant 0 : i32
        %dma_wait3A_70 = tpu.memref_slice %arg11[%dma_wait3A_69] : memref<96xf32, #tpu.memory_space<vmem>> -> memref<80xf32, #tpu.memory_space<vmem>>
        %dma_wait3A_71 = tpu.memref_slice %arg6[%add3A_43] : memref<320000xf32, #tpu.memory_space<hbm>> -> memref<80xf32, #tpu.memory_space<hbm>>
        tpu.wait_dma2 semaphore(%run_scoped3A : memref<!tpu.dma_semaphore, #tpu.memory_space<semaphore_mem>>) src(%dma_wait3A_71 : memref<80xf32, #tpu.memory_space<hbm>>) dst(%dma_wait3A_70 : memref<80xf32, #tpu.memory_space<vmem>>)
        tpu.yield
      }) : () -> ()
      %dma_start3A = arith.constant 0 : i32
      %dma_start3A_44 = arith.constant 0 : i32
      %dma_start3A_45 = tpu.memref_slice %arg2[%dma_start3A, %dma_start3A_44] : memref<10000x128xf32, #tpu.memory_space<hbm>> -> memref<10000x128xf32, #tpu.memory_space<hbm>>
      tpu.enqueue_indirect_dma source(%dma_start3A_45 : memref<10000x128xf32, #tpu.memory_space<hbm>>) target(%arg12 : memref<80x128xf32, #tpu.memory_space<vmem>>) offsets(%arg9 : memref<80xi32, #tpu.memory_space<vmem>>) semaphore(%arg17 : memref<!tpu.dma_semaphore, #tpu.memory_space<semaphore_mem>>)
      %dma_start3A_46 = arith.constant 0 : i32
      %dma_start3A_47 = arith.constant 0 : i32
      %dma_start3A_48 = tpu.memref_slice %arg3[%dma_start3A_46, %dma_start3A_47] : memref<10000x128xf32, #tpu.memory_space<hbm>> -> memref<10000x128xf32, #tpu.memory_space<hbm>>
      tpu.enqueue_indirect_dma source(%dma_start3A_48 : memref<10000x128xf32, #tpu.memory_space<hbm>>) target(%arg13 : memref<80x128xf32, #tpu.memory_space<vmem>>) offsets(%arg10 : memref<80xi32, #tpu.memory_space<vmem>>) semaphore(%arg18 : memref<!tpu.dma_semaphore, #tpu.memory_space<semaphore_mem>>)
      %dma_wait3A = arith.constant 0 : i32
      %dma_wait3A_49 = arith.constant 0 : i32
      %dma_wait3A_50 = tpu.memref_slice %arg2[%dma_wait3A, %dma_wait3A_49] : memref<10000x128xf32, #tpu.memory_space<hbm>> -> memref<10000x128xf32, #tpu.memory_space<hbm>>
      tpu.wait_indirect_dma semaphore(%arg17 : memref<!tpu.dma_semaphore, #tpu.memory_space<semaphore_mem>>) src(%dma_wait3A_50 : memref<10000x128xf32, #tpu.memory_space<hbm>>) dst(%arg12 : memref<80x128xf32, #tpu.memory_space<vmem>>)
      %dma_wait3A_51 = arith.constant 0 : i32
      %dma_wait3A_52 = arith.constant 0 : i32
      %dma_wait3A_53 = tpu.memref_slice %arg3[%dma_wait3A_51, %dma_wait3A_52] : memref<10000x128xf32, #tpu.memory_space<hbm>> -> memref<10000x128xf32, #tpu.memory_space<hbm>>
      tpu.wait_indirect_dma semaphore(%arg18 : memref<!tpu.dma_semaphore, #tpu.memory_space<semaphore_mem>>) src(%dma_wait3A_53 : memref<10000x128xf32, #tpu.memory_space<hbm>>) dst(%arg13 : memref<80x128xf32, #tpu.memory_space<vmem>>)
      %scan3A_54 = arith.constant 0 : i32
      %scan3A_55 = arith.constant 0 : i32
      %scan3A_56 = arith.constant 80 : i32
      %scan3A_57 = arith.addi %scan3A_55, %scan3A_56 : i32
      %scan3A_58 = arith.constant 1 : i32
      scf.for %scan3A_60 = %scan3A_55 to %scan3A_57 step %scan3A_58  : i32 {
        %get3A = arith.index_cast %scan3A_60 : i32 to index
        %get3A_61 = tpu.vector_load %arg11[%get3A] {strides = array<i32>} : memref<96xf32, #tpu.memory_space<vmem>>, vector<16xf32>,
        %slice3A = vector.extract_strided_slice %get3A_61 {offsets = [0], sizes = [1], strides = [1]} : vector<16xf32> to vector<1xf32>
        %squeeze3A = vector.extract %slice3A[0] : f32 from vector<1xf32>
        %broadcast_in_dim3A_62 = vector.broadcast %squeeze3A : f32 to vector<16xf32>
        %get3A_63 = arith.index_cast %scan3A_60 : i32 to index
        %get3A_64 = arith.constant 0 : index
        %get3A_65 = tpu.vector_load %arg12[%get3A_63, %get3A_64] {strides = array<i32>} : memref<80x128xf32, #tpu.memory_space<vmem>>, vector<16xf32>,
        %get3A_66 = arith.index_cast %scan3A_60 : i32 to index
        %get3A_67 = arith.constant 0 : index
        %get3A_68 = tpu.vector_load %arg13[%get3A_66, %get3A_67] {strides = array<i32>} : memref<80x128xf32, #tpu.memory_space<vmem>>, vector<16xf32>,
        %add3A_69 = arith.addf %get3A_65, %get3A_68 : vector<16xf32>
        %get3A_70 = arith.constant 0 : index
        %get3A_71 = tpu.vector_load %arg14[%get3A_70] {strides = array<i32>} : memref<128xf32, #tpu.memory_space<vmem>>, vector<16xf32>,
        %mul3A_72 = arith.mulf %broadcast_in_dim3A_62, %get3A_71 : vector<16xf32>
        %add3A_73 = arith.addf %add3A_69, %mul3A_72 : vector<16xf32>
        %neg3A = arith.constant 0.000000e+00 : f32
        %neg3A_74 = vector.broadcast %neg3A : f32 to vector<16xf32>
        %neg3A_75 = arith.subf %neg3A_74, %add3A_73 : vector<16xf32>
        %exp3A = math.exp %neg3A_75 : vector<16xf32>
        %add3A_76 = arith.constant 1.000000e+00 : f32
        %add3A_77 = vector.broadcast %add3A_76 : f32 to vector<16xf32>
        %add3A_78 = arith.addf %add3A_77, %exp3A : vector<16xf32>
        %div3A = arith.divf %add3A_73, %add3A_78 : vector<16xf32>
        %swap3A = arith.index_cast %scan3A_60 : i32 to index
        %swap3A_79 = arith.constant 0 : index
        %swap3A_80 = tpu.vector_load %arg12[%swap3A, %swap3A_79] {strides = array<i32>} : memref<80x128xf32, #tpu.memory_space<vmem>>, vector<16xf32>,
        tpu.vector_store %arg12[%swap3A, %swap3A_79], %div3A {strides = array<i32>} : memref<80x128xf32, #tpu.memory_space<vmem>>, vector<16xf32>,
        %get3A_81 = arith.index_cast %scan3A_60 : i32 to index
        %get3A_82 = arith.constant 16 : index
        %get3A_83 = tpu.vector_load %arg12[%get3A_81, %get3A_82] {strides = array<i32>} : memref<80x128xf32, #tpu.memory_space<vmem>>, vector<16xf32>,
        %get3A_84 = arith.index_cast %scan3A_60 : i32 to index
        %get3A_85 = arith.constant 16 : index
        %get3A_86 = tpu.vector_load %arg13[%get3A_84, %get3A_85] {strides = array<i32>} : memref<80x128xf32, #tpu.memory_space<vmem>>, vector<16xf32>,
        %add3A_87 = arith.addf %get3A_83, %get3A_86 : vector<16xf32>
        %get3A_88 = arith.constant 16 : index
        %get3A_89 = tpu.vector_load %arg14[%get3A_88] {strides = array<i32>} : memref<128xf32, #tpu.memory_space<vmem>>, vector<16xf32>,
        %mul3A_90 = arith.mulf %broadcast_in_dim3A_62, %get3A_89 : vector<16xf32>
        %add3A_91 = arith.addf %add3A_87, %mul3A_90 : vector<16xf32>
        %neg3A_92 = arith.constant 0.000000e+00 : f32
        %neg3A_93 = vector.broadcast %neg3A_92 : f32 to vector<16xf32>
        %neg3A_94 = arith.subf %neg3A_93, %add3A_91 : vector<16xf32>
        %exp3A_95 = math.exp %neg3A_94 : vector<16xf32>
        %add3A_96 = arith.constant 1.000000e+00 : f32
        %add3A_97 = vector.broadcast %add3A_96 : f32 to vector<16xf32>
        %add3A_98 = arith.addf %add3A_97, %exp3A_95 : vector<16xf32>
        %div3A_99 = arith.divf %add3A_91, %add3A_98 : vector<16xf32>
        %swap3A_100 = arith.index_cast %scan3A_60 : i32 to index
        %swap3A_101 = arith.constant 16 : index
        %swap3A_102 = tpu.vector_load %arg12[%swap3A_100, %swap3A_101] {strides = array<i32>} : memref<80x128xf32, #tpu.memory_space<vmem>>, vector<16xf32>,
        tpu.vector_store %arg12[%swap3A_100, %swap3A_101], %div3A_99 {strides = array<i32>} : memref<80x128xf32, #tpu.memory_space<vmem>>, vector<16xf32>,
        %get3A_103 = arith.index_cast %scan3A_60 : i32 to index
        %get3A_104 = arith.constant 32 : index
        %get3A_105 = tpu.vector_load %arg12[%get3A_103, %get3A_104] {strides = array<i32>} : memref<80x128xf32, #tpu.memory_space<vmem>>, vector<16xf32>,
        %get3A_106 = arith.index_cast %scan3A_60 : i32 to index
        %get3A_107 = arith.constant 32 : index
        %get3A_108 = tpu.vector_load %arg13[%get3A_106, %get3A_107] {strides = array<i32>} : memref<80x128xf32, #tpu.memory_space<vmem>>, vector<16xf32>,
        %add3A_109 = arith.addf %get3A_105, %get3A_108 : vector<16xf32>
        %get3A_110 = arith.constant 32 : index
        %get3A_111 = tpu.vector_load %arg14[%get3A_110] {strides = array<i32>} : memref<128xf32, #tpu.memory_space<vmem>>, vector<16xf32>,
        %mul3A_112 = arith.mulf %broadcast_in_dim3A_62, %get3A_111 : vector<16xf32>
        %add3A_113 = arith.addf %add3A_109, %mul3A_112 : vector<16xf32>
        %neg3A_114 = arith.constant 0.000000e+00 : f32
        %neg3A_115 = vector.broadcast %neg3A_114 : f32 to vector<16xf32>
        %neg3A_116 = arith.subf %neg3A_115, %add3A_113 : vector<16xf32>
        %exp3A_117 = math.exp %neg3A_116 : vector<16xf32>
        %add3A_118 = arith.constant 1.000000e+00 : f32
        %add3A_119 = vector.broadcast %add3A_118 : f32 to vector<16xf32>
        %add3A_120 = arith.addf %add3A_119, %exp3A_117 : vector<16xf32>
        %div3A_121 = arith.divf %add3A_113, %add3A_120 : vector<16xf32>
        %swap3A_122 = arith.index_cast %scan3A_60 : i32 to index
        %swap3A_123 = arith.constant 32 : index
        %swap3A_124 = tpu.vector_load %arg12[%swap3A_122, %swap3A_123] {strides = array<i32>} : memref<80x128xf32, #tpu.memory_space<vmem>>, vector<16xf32>,
        tpu.vector_store %arg12[%swap3A_122, %swap3A_123], %div3A_121 {strides = array<i32>} : memref<80x128xf32, #tpu.memory_space<vmem>>, vector<16xf32>,
        %get3A_125 = arith.index_cast %scan3A_60 : i32 to index
        %get3A_126 = arith.constant 48 : index
        %get3A_127 = tpu.vector_load %arg12[%get3A_125, %get3A_126] {strides = array<i32>} : memref<80x128xf32, #tpu.memory_space<vmem>>, vector<16xf32>,
        %get3A_128 = arith.index_cast %scan3A_60 : i32 to index
        %get3A_129 = arith.constant 48 : index
        %get3A_130 = tpu.vector_load %arg13[%get3A_128, %get3A_129] {strides = array<i32>} : memref<80x128xf32, #tpu.memory_space<vmem>>, vector<16xf32>,
        %add3A_131 = arith.addf %get3A_127, %get3A_130 : vector<16xf32>
        %get3A_132 = arith.constant 48 : index
        %get3A_133 = tpu.vector_load %arg14[%get3A_132] {strides = array<i32>} : memref<128xf32, #tpu.memory_space<vmem>>, vector<16xf32>,
        %mul3A_134 = arith.mulf %broadcast_in_dim3A_62, %get3A_133 : vector<16xf32>
        %add3A_135 = arith.addf %add3A_131, %mul3A_134 : vector<16xf32>
        %neg3A_136 = arith.constant 0.000000e+00 : f32
        %neg3A_137 = vector.broadcast %neg3A_136 : f32 to vector<16xf32>
        %neg3A_138 = arith.subf %neg3A_137, %add3A_135 : vector<16xf32>
        %exp3A_139 = math.exp %neg3A_138 : vector<16xf32>
        %add3A_140 = arith.constant 1.000000e+00 : f32
        %add3A_141 = vector.broadcast %add3A_140 : f32 to vector<16xf32>
        %add3A_142 = arith.addf %add3A_141, %exp3A_139 : vector<16xf32>
        %div3A_143 = arith.divf %add3A_135, %add3A_142 : vector<16xf32>
        %swap3A_144 = arith.index_cast %scan3A_60 : i32 to index
        %swap3A_145 = arith.constant 48 : index
        %swap3A_146 = tpu.vector_load %arg12[%swap3A_144, %swap3A_145] {strides = array<i32>} : memref<80x128xf32, #tpu.memory_space<vmem>>, vector<16xf32>,
        tpu.vector_store %arg12[%swap3A_144, %swap3A_145], %div3A_143 {strides = array<i32>} : memref<80x128xf32, #tpu.memory_space<vmem>>, vector<16xf32>,
        %get3A_147 = arith.index_cast %scan3A_60 : i32 to index
        %get3A_148 = arith.constant 64 : index
        %get3A_149 = tpu.vector_load %arg12[%get3A_147, %get3A_148] {strides = array<i32>} : memref<80x128xf32, #tpu.memory_space<vmem>>, vector<16xf32>,
        %get3A_150 = arith.index_cast %scan3A_60 : i32 to index
        %get3A_151 = arith.constant 64 : index
        %get3A_152 = tpu.vector_load %arg13[%get3A_150, %get3A_151] {strides = array<i32>} : memref<80x128xf32, #tpu.memory_space<vmem>>, vector<16xf32>,
        %add3A_153 = arith.addf %get3A_149, %get3A_152 : vector<16xf32>
        %get3A_154 = arith.constant 64 : index
        %get3A_155 = tpu.vector_load %arg14[%get3A_154] {strides = array<i32>} : memref<128xf32, #tpu.memory_space<vmem>>, vector<16xf32>,
        %mul3A_156 = arith.mulf %broadcast_in_dim3A_62, %get3A_155 : vector<16xf32>
        %add3A_157 = arith.addf %add3A_153, %mul3A_156 : vector<16xf32>
        %neg3A_158 = arith.constant 0.000000e+00 : f32
        %neg3A_159 = vector.broadcast %neg3A_158 : f32 to vector<16xf32>
        %neg3A_160 = arith.subf %neg3A_159, %add3A_157 : vector<16xf32>
        %exp3A_161 = math.exp %neg3A_160 : vector<16xf32>
        %add3A_162 = arith.constant 1.000000e+00 : f32
        %add3A_163 = vector.broadcast %add3A_162 : f32 to vector<16xf32>
        %add3A_164 = arith.addf %add3A_163, %exp3A_161 : vector<16xf32>
        %div3A_165 = arith.divf %add3A_157, %add3A_164 : vector<16xf32>
        %swap3A_166 = arith.index_cast %scan3A_60 : i32 to index
        %swap3A_167 = arith.constant 64 : index
        %swap3A_168 = tpu.vector_load %arg12[%swap3A_166, %swap3A_167] {strides = array<i32>} : memref<80x128xf32, #tpu.memory_space<vmem>>, vector<16xf32>,
        tpu.vector_store %arg12[%swap3A_166, %swap3A_167], %div3A_165 {strides = array<i32>} : memref<80x128xf32, #tpu.memory_space<vmem>>, vector<16xf32>,
        %get3A_169 = arith.index_cast %scan3A_60 : i32 to index
        %get3A_170 = arith.constant 80 : index
        %get3A_171 = tpu.vector_load %arg12[%get3A_169, %get3A_170] {strides = array<i32>} : memref<80x128xf32, #tpu.memory_space<vmem>>, vector<16xf32>,
        %get3A_172 = arith.index_cast %scan3A_60 : i32 to index
        %get3A_173 = arith.constant 80 : index
        %get3A_174 = tpu.vector_load %arg13[%get3A_172, %get3A_173] {strides = array<i32>} : memref<80x128xf32, #tpu.memory_space<vmem>>, vector<16xf32>,
        %add3A_175 = arith.addf %get3A_171, %get3A_174 : vector<16xf32>
        %get3A_176 = arith.constant 80 : index
        %get3A_177 = tpu.vector_load %arg14[%get3A_176] {strides = array<i32>} : memref<128xf32, #tpu.memory_space<vmem>>, vector<16xf32>,
        %mul3A_178 = arith.mulf %broadcast_in_dim3A_62, %get3A_177 : vector<16xf32>
        %add3A_179 = arith.addf %add3A_175, %mul3A_178 : vector<16xf32>
        %neg3A_180 = arith.constant 0.000000e+00 : f32
        %neg3A_181 = vector.broadcast %neg3A_180 : f32 to vector<16xf32>
        %neg3A_182 = arith.subf %neg3A_181, %add3A_179 : vector<16xf32>
        %exp3A_183 = math.exp %neg3A_182 : vector<16xf32>
        %add3A_184 = arith.constant 1.000000e+00 : f32
        %add3A_185 = vector.broadcast %add3A_184 : f32 to vector<16xf32>
        %add3A_186 = arith.addf %add3A_185, %exp3A_183 : vector<16xf32>
        %div3A_187 = arith.divf %add3A_179, %add3A_186 : vector<16xf32>
        %swap3A_188 = arith.index_cast %scan3A_60 : i32 to index
        %swap3A_189 = arith.constant 80 : index
        %swap3A_190 = tpu.vector_load %arg12[%swap3A_188, %swap3A_189] {strides = array<i32>} : memref<80x128xf32, #tpu.memory_space<vmem>>, vector<16xf32>,
        tpu.vector_store %arg12[%swap3A_188, %swap3A_189], %div3A_187 {strides = array<i32>} : memref<80x128xf32, #tpu.memory_space<vmem>>, vector<16xf32>,
        %get3A_191 = arith.index_cast %scan3A_60 : i32 to index
        %get3A_192 = arith.constant 96 : index
        %get3A_193 = tpu.vector_load %arg12[%get3A_191, %get3A_192] {strides = array<i32>} : memref<80x128xf32, #tpu.memory_space<vmem>>, vector<16xf32>,
        %get3A_194 = arith.index_cast %scan3A_60 : i32 to index
        %get3A_195 = arith.constant 96 : index
        %get3A_196 = tpu.vector_load %arg13[%get3A_194, %get3A_195] {strides = array<i32>} : memref<80x128xf32, #tpu.memory_space<vmem>>, vector<16xf32>,
        %add3A_197 = arith.addf %get3A_193, %get3A_196 : vector<16xf32>
        %get3A_198 = arith.constant 96 : index
        %get3A_199 = tpu.vector_load %arg14[%get3A_198] {strides = array<i32>} : memref<128xf32, #tpu.memory_space<vmem>>, vector<16xf32>,
        %mul3A_200 = arith.mulf %broadcast_in_dim3A_62, %get3A_199 : vector<16xf32>
        %add3A_201 = arith.addf %add3A_197, %mul3A_200 : vector<16xf32>
        %neg3A_202 = arith.constant 0.000000e+00 : f32
        %neg3A_203 = vector.broadcast %neg3A_202 : f32 to vector<16xf32>
        %neg3A_204 = arith.subf %neg3A_203, %add3A_201 : vector<16xf32>
        %exp3A_205 = math.exp %neg3A_204 : vector<16xf32>
        %add3A_206 = arith.constant 1.000000e+00 : f32
        %add3A_207 = vector.broadcast %add3A_206 : f32 to vector<16xf32>
        %add3A_208 = arith.addf %add3A_207, %exp3A_205 : vector<16xf32>
        %div3A_209 = arith.divf %add3A_201, %add3A_208 : vector<16xf32>
        %swap3A_210 = arith.index_cast %scan3A_60 : i32 to index
        %swap3A_211 = arith.constant 96 : index
        %swap3A_212 = tpu.vector_load %arg12[%swap3A_210, %swap3A_211] {strides = array<i32>} : memref<80x128xf32, #tpu.memory_space<vmem>>, vector<16xf32>,
        tpu.vector_store %arg12[%swap3A_210, %swap3A_211], %div3A_209 {strides = array<i32>} : memref<80x128xf32, #tpu.memory_space<vmem>>, vector<16xf32>,
        %get3A_213 = arith.index_cast %scan3A_60 : i32 to index
        %get3A_214 = arith.constant 112 : index
        %get3A_215 = tpu.vector_load %arg12[%get3A_213, %get3A_214] {strides = array<i32>} : memref<80x128xf32, #tpu.memory_space<vmem>>, vector<16xf32>,
        %get3A_216 = arith.index_cast %scan3A_60 : i32 to index
        %get3A_217 = arith.constant 112 : index
        %get3A_218 = tpu.vector_load %arg13[%get3A_216, %get3A_217] {strides = array<i32>} : memref<80x128xf32, #tpu.memory_space<vmem>>, vector<16xf32>,
        %add3A_219 = arith.addf %get3A_215, %get3A_218 : vector<16xf32>
        %get3A_220 = arith.constant 112 : index
        %get3A_221 = tpu.vector_load %arg14[%get3A_220] {strides = array<i32>} : memref<128xf32, #tpu.memory_space<vmem>>, vector<16xf32>,
        %mul3A_222 = arith.mulf %broadcast_in_dim3A_62, %get3A_221 : vector<16xf32>
        %add3A_223 = arith.addf %add3A_219, %mul3A_222 : vector<16xf32>
        %neg3A_224 = arith.constant 0.000000e+00 : f32
        %neg3A_225 = vector.broadcast %neg3A_224 : f32 to vector<16xf32>
        %neg3A_226 = arith.subf %neg3A_225, %add3A_223 : vector<16xf32>
        %exp3A_227 = math.exp %neg3A_226 : vector<16xf32>
        %add3A_228 = arith.constant 1.000000e+00 : f32
        %add3A_229 = vector.broadcast %add3A_228 : f32 to vector<16xf32>
        %add3A_230 = arith.addf %add3A_229, %exp3A_227 : vector<16xf32>
        %div3A_231 = arith.divf %add3A_223, %add3A_230 : vector<16xf32>
        %swap3A_232 = arith.index_cast %scan3A_60 : i32 to index
        %swap3A_233 = arith.constant 112 : index
        %swap3A_234 = tpu.vector_load %arg12[%swap3A_232, %swap3A_233] {strides = array<i32>} : memref<80x128xf32, #tpu.memory_space<vmem>>, vector<16xf32>,
        tpu.vector_store %arg12[%swap3A_232, %swap3A_233], %div3A_231 {strides = array<i32>} : memref<80x128xf32, #tpu.memory_space<vmem>>, vector<16xf32>,
      }
      %scan3A_59 = arith.constant 80 : i32
      "tpu.region"() ({
        %run_scoped3A = tpu.sem_alloc : memref<!tpu.dma_semaphore, #tpu.memory_space<semaphore_mem>>
        %dma_start3A_60 = arith.constant 0 : i32
        %dma_start3A_61 = arith.constant 0 : i32
        %dma_start3A_62 = tpu.memref_slice %arg16[%dma_start3A_60, %dma_start3A_61] : memref<10240x128xf32, #tpu.memory_space<vmem_shared>> -> memref<10240x128xf32, #tpu.memory_space<vmem_shared>>
        tpu.enqueue_indirect_dma source(%arg12 : memref<80x128xf32, #tpu.memory_space<vmem>>) target(%dma_start3A_62 : memref<10240x128xf32, #tpu.memory_space<vmem_shared>>) offsets(%arg9 : memref<80xi32, #tpu.memory_space<vmem>>) semaphore(%run_scoped3A : memref<!tpu.dma_semaphore, #tpu.memory_space<semaphore_mem>>) {add = true}
        %dma_wait3A_63 = arith.constant 0 : i32
        %dma_wait3A_64 = arith.constant 0 : i32
        %dma_wait3A_65 = tpu.memref_slice %arg16[%dma_wait3A_63, %dma_wait3A_64] : memref<10240x128xf32, #tpu.memory_space<vmem_shared>> -> memref<10240x128xf32, #tpu.memory_space<vmem_shared>>
        tpu.wait_indirect_dma semaphore(%run_scoped3A : memref<!tpu.dma_semaphore, #tpu.memory_space<semaphore_mem>>) src(%arg12 : memref<80x128xf32, #tpu.memory_space<vmem>>) dst(%dma_wait3A_65 : memref<10240x128xf32, #tpu.memory_space<vmem_shared>>)
        tpu.yield
      }) : () -> ()
    }
    %scan3A_34 = arith.constant 125 : i32
    %barrier3A_35 = arith.constant 0 : index
    tpu.barrier barrier_id(%barrier3A_35)
    %mul3A_36 = arith.constant 640 : i32
    %mul3A_37 = arith.muli %arg1, %mul3A_36 : i32
    %mul3A_38 = arith.constant 640 : i32
    %mul3A_39 = arith.muli %arg1, %mul3A_38 : i32
    "tpu.region"() ({
      %run_scoped3A = tpu.sem_alloc : memref<!tpu.dma_semaphore, #tpu.memory_space<semaphore_mem>>
      %dma_start3A = arith.constant 0 : i32
      %dma_start3A_40 = tpu.memref_slice %arg8[%arg0, %mul3A_39, %dma_start3A] : memref<2x10240x128xf32, #tpu.memory_space<hbm>> -> memref<1x640x128xf32, #tpu.memory_space<hbm>>
      %dma_start3A_41 = tpu.memref_squeeze %dma_start3A_40 : memref<1x640x128xf32, #tpu.memory_space<hbm>> -> memref<640x128xf32, #tpu.memory_space<hbm>>
      %dma_start3A_42 = arith.constant 0 : i32
      %dma_start3A_43 = tpu.memref_slice %arg16[%mul3A_37, %dma_start3A_42] : memref<10240x128xf32, #tpu.memory_space<vmem_shared>> -> memref<640x128xf32, #tpu.memory_space<vmem_shared>>
      tpu.enqueue_dma source(%dma_start3A_43 : memref<640x128xf32, #tpu.memory_space<vmem_shared>>) target(%dma_start3A_41 : memref<640x128xf32, #tpu.memory_space<hbm>>) target_semaphore(%run_scoped3A : memref<!tpu.dma_semaphore, #tpu.memory_space<semaphore_mem>>)
      %dma_wait3A = arith.constant 0 : i32
      %dma_wait3A_44 = tpu.memref_slice %arg8[%arg0, %mul3A_39, %dma_wait3A] : memref<2x10240x128xf32, #tpu.memory_space<hbm>> -> memref<1x640x128xf32, #tpu.memory_space<hbm>>
      %dma_wait3A_45 = tpu.memref_squeeze %dma_wait3A_44 : memref<1x640x128xf32, #tpu.memory_space<hbm>> -> memref<640x128xf32, #tpu.memory_space<hbm>>
      %dma_wait3A_46 = arith.constant 0 : i32
      %dma_wait3A_47 = tpu.memref_slice %arg16[%mul3A_37, %dma_wait3A_46] : memref<10240x128xf32, #tpu.memory_space<vmem_shared>> -> memref<640x128xf32, #tpu.memory_space<vmem_shared>>
      tpu.wait_dma2 semaphore(%run_scoped3A : memref<!tpu.dma_semaphore, #tpu.memory_space<semaphore_mem>>) src(%dma_wait3A_47 : memref<640x128xf32, #tpu.memory_space<vmem_shared>>) dst(%dma_wait3A_45 : memref<640x128xf32, #tpu.memory_space<hbm>>)
      tpu.yield
    }) : () -> ()
    return
  }
}

#map = affine_map<(d0, d1) -> (0, 0)>
#map1 = affine_map<(d0, d1) -> (0)>
#map2 = affine_map<(d0, d1) -> (0, 0, 0)>
module attributes {stable_mosaic.version = 14 : i64} {
  func.func @_edge_body(%arg0: i32, %arg1: i32, %arg2: memref<10000x128xf32, #tpu.memory_space<hbm>>, %arg3: memref<10000x128xf32, #tpu.memory_space<hbm>>, %arg4: memref<320000xi32, #tpu.memory_space<hbm>>, %arg5: memref<320000xi32, #tpu.memory_space<hbm>>, %arg6: memref<320000xf32, #tpu.memory_space<hbm>>, %arg7: memref<128xf32, #tpu.memory_space<hbm>>, %arg8: memref<2x10240x128xf32, #tpu.memory_space<hbm>>, %arg9: memref<80xi32, #tpu.memory_space<vmem>>, %arg10: memref<80xi32, #tpu.memory_space<vmem>>, %arg11: memref<96xf32, #tpu.memory_space<vmem>>, %arg12: memref<80x128xf32, #tpu.memory_space<vmem>>, %arg13: memref<80x128xf32, #tpu.memory_space<vmem>>, %arg14: memref<128xf32, #tpu.memory_space<vmem>>, %arg15: memref<128x128xf32, #tpu.memory_space<vmem>>, %arg16: memref<10240x128xf32, #tpu.memory_space<vmem_shared>>, %arg17: memref<!tpu.dma_semaphore, #tpu.memory_space<semaphore_mem>>, %arg18: memref<!tpu.dma_semaphore, #tpu.memory_space<semaphore_mem>>) attributes {dimension_semantics = [#tpu.dimension_semantics<core_parallel>, #tpu.dimension_semantics<subcore_parallel>], iteration_bounds = array<i64: 2, 16>, scalar_prefetch = 0 : i64, scratch_operands = 10 : i64, tpu.core_type = #tpu.core_type<sc_vector_subcore>, window_params = [{transform_indices = #map}, {transform_indices = #map}, {transform_indices = #map1}, {transform_indices = #map1}, {transform_indices = #map1}, {transform_indices = #map1}, {transform_indices = #map2}]} {
    %mul3A = arith.constant 16 : i32
    %mul3A_0 = arith.muli %arg0, %mul3A : i32
    %add3A = arith.addi %mul3A_0, %arg1 : i32
    %broadcast_in_dim3A = arith.constant 0.000000e+00 : f32
    %broadcast_in_dim3A_1 = vector.broadcast %broadcast_in_dim3A : f32 to vector<16xf32>
    "tpu.region"() ({
      %run_scoped3A = tpu.sem_alloc : memref<!tpu.dma_semaphore, #tpu.memory_space<semaphore_mem>>
      tpu.enqueue_dma source(%arg7 : memref<128xf32, #tpu.memory_space<hbm>>) target(%arg14 : memref<128xf32, #tpu.memory_space<vmem>>) target_semaphore(%run_scoped3A : memref<!tpu.dma_semaphore, #tpu.memory_space<semaphore_mem>>)
      tpu.wait_dma2 semaphore(%run_scoped3A : memref<!tpu.dma_semaphore, #tpu.memory_space<semaphore_mem>>) src(%arg7 : memref<128xf32, #tpu.memory_space<hbm>>) dst(%arg14 : memref<128xf32, #tpu.memory_space<vmem>>)
      tpu.yield
    }) : () -> ()
    %scan3A = arith.constant 0 : i32
    %scan3A_2 = arith.constant 0 : i32
    %scan3A_3 = arith.constant 128 : i32
    %scan3A_4 = arith.addi %scan3A_2, %scan3A_3 : i32
    %scan3A_5 = arith.constant 1 : i32
    scf.for %scan3A_40 = %scan3A_2 to %scan3A_4 step %scan3A_5  : i32 {
      %swap3A = arith.index_cast %scan3A_40 : i32 to index
      %swap3A_41 = arith.constant 0 : index
      %swap3A_42 = tpu.vector_load %arg15[%swap3A, %swap3A_41] {strides = array<i32>} : memref<128x128xf32, #tpu.memory_space<vmem>>, vector<16xf32>,
      tpu.vector_store %arg15[%swap3A, %swap3A_41], %broadcast_in_dim3A_1 {strides = array<i32>} : memref<128x128xf32, #tpu.memory_space<vmem>>, vector<16xf32>,
      %swap3A_43 = arith.index_cast %scan3A_40 : i32 to index
      %swap3A_44 = arith.constant 16 : index
      %swap3A_45 = tpu.vector_load %arg15[%swap3A_43, %swap3A_44] {strides = array<i32>} : memref<128x128xf32, #tpu.memory_space<vmem>>, vector<16xf32>,
      tpu.vector_store %arg15[%swap3A_43, %swap3A_44], %broadcast_in_dim3A_1 {strides = array<i32>} : memref<128x128xf32, #tpu.memory_space<vmem>>, vector<16xf32>,
      %swap3A_46 = arith.index_cast %scan3A_40 : i32 to index
      %swap3A_47 = arith.constant 32 : index
      %swap3A_48 = tpu.vector_load %arg15[%swap3A_46, %swap3A_47] {strides = array<i32>} : memref<128x128xf32, #tpu.memory_space<vmem>>, vector<16xf32>,
      tpu.vector_store %arg15[%swap3A_46, %swap3A_47], %broadcast_in_dim3A_1 {strides = array<i32>} : memref<128x128xf32, #tpu.memory_space<vmem>>, vector<16xf32>,
      %swap3A_49 = arith.index_cast %scan3A_40 : i32 to index
      %swap3A_50 = arith.constant 48 : index
      %swap3A_51 = tpu.vector_load %arg15[%swap3A_49, %swap3A_50] {strides = array<i32>} : memref<128x128xf32, #tpu.memory_space<vmem>>, vector<16xf32>,
      tpu.vector_store %arg15[%swap3A_49, %swap3A_50], %broadcast_in_dim3A_1 {strides = array<i32>} : memref<128x128xf32, #tpu.memory_space<vmem>>, vector<16xf32>,
      %swap3A_52 = arith.index_cast %scan3A_40 : i32 to index
      %swap3A_53 = arith.constant 64 : index
      %swap3A_54 = tpu.vector_load %arg15[%swap3A_52, %swap3A_53] {strides = array<i32>} : memref<128x128xf32, #tpu.memory_space<vmem>>, vector<16xf32>,
      tpu.vector_store %arg15[%swap3A_52, %swap3A_53], %broadcast_in_dim3A_1 {strides = array<i32>} : memref<128x128xf32, #tpu.memory_space<vmem>>, vector<16xf32>,
      %swap3A_55 = arith.index_cast %scan3A_40 : i32 to index
      %swap3A_56 = arith.constant 80 : index
      %swap3A_57 = tpu.vector_load %arg15[%swap3A_55, %swap3A_56] {strides = array<i32>} : memref<128x128xf32, #tpu.memory_space<vmem>>, vector<16xf32>,
      tpu.vector_store %arg15[%swap3A_55, %swap3A_56], %broadcast_in_dim3A_1 {strides = array<i32>} : memref<128x128xf32, #tpu.memory_space<vmem>>, vector<16xf32>,
      %swap3A_58 = arith.index_cast %scan3A_40 : i32 to index
      %swap3A_59 = arith.constant 96 : index
      %swap3A_60 = tpu.vector_load %arg15[%swap3A_58, %swap3A_59] {strides = array<i32>} : memref<128x128xf32, #tpu.memory_space<vmem>>, vector<16xf32>,
      tpu.vector_store %arg15[%swap3A_58, %swap3A_59], %broadcast_in_dim3A_1 {strides = array<i32>} : memref<128x128xf32, #tpu.memory_space<vmem>>, vector<16xf32>,
      %swap3A_61 = arith.index_cast %scan3A_40 : i32 to index
      %swap3A_62 = arith.constant 112 : index
      %swap3A_63 = tpu.vector_load %arg15[%swap3A_61, %swap3A_62] {strides = array<i32>} : memref<128x128xf32, #tpu.memory_space<vmem>>, vector<16xf32>,
      tpu.vector_store %arg15[%swap3A_61, %swap3A_62], %broadcast_in_dim3A_1 {strides = array<i32>} : memref<128x128xf32, #tpu.memory_space<vmem>>, vector<16xf32>,
    }
    %scan3A_6 = arith.constant 128 : i32
    %mul3A_7 = arith.constant 640 : i32
    %mul3A_8 = arith.muli %arg1, %mul3A_7 : i32
    %add3A_9 = arith.constant 0 : i32
    %add3A_10 = arith.addi %mul3A_8, %add3A_9 : i32
    "tpu.region"() ({
      %run_scoped3A = tpu.sem_alloc : memref<!tpu.dma_semaphore, #tpu.memory_space<semaphore_mem>>
      %dma_start3A = arith.constant 0 : i32
      %dma_start3A_40 = tpu.memref_slice %arg16[%add3A_10, %dma_start3A] : memref<10240x128xf32, #tpu.memory_space<vmem_shared>> -> memref<128x128xf32, #tpu.memory_space<vmem_shared>>
      %dma_start3A_41 = arith.constant 0 : i32
      %dma_start3A_42 = tpu.memref_slice %arg16[%add3A_10, %dma_start3A_41] : memref<10240x128xf32, #tpu.memory_space<vmem_shared>> -> memref<128x128xf32, #tpu.memory_space<vmem_shared>>
      tpu.enqueue_dma source(%arg15 : memref<128x128xf32, #tpu.memory_space<vmem>>) target(%dma_start3A_42 : memref<128x128xf32, #tpu.memory_space<vmem_shared>>) target_semaphore(%run_scoped3A : memref<!tpu.dma_semaphore, #tpu.memory_space<semaphore_mem>>)
      %dma_wait3A = arith.constant 0 : i32
      %dma_wait3A_43 = tpu.memref_slice %arg16[%add3A_10, %dma_wait3A] : memref<10240x128xf32, #tpu.memory_space<vmem_shared>> -> memref<128x128xf32, #tpu.memory_space<vmem_shared>>
      %dma_wait3A_44 = arith.constant 0 : i32
      %dma_wait3A_45 = tpu.memref_slice %arg16[%add3A_10, %dma_wait3A_44] : memref<10240x128xf32, #tpu.memory_space<vmem_shared>> -> memref<128x128xf32, #tpu.memory_space<vmem_shared>>
      tpu.wait_dma2 semaphore(%run_scoped3A : memref<!tpu.dma_semaphore, #tpu.memory_space<semaphore_mem>>) src(%arg15 : memref<128x128xf32, #tpu.memory_space<vmem>>) dst(%dma_wait3A_45 : memref<128x128xf32, #tpu.memory_space<vmem_shared>>)
      tpu.yield
    }) : () -> ()
    %mul3A_11 = arith.constant 640 : i32
    %mul3A_12 = arith.muli %arg1, %mul3A_11 : i32
    %add3A_13 = arith.constant 128 : i32
    %add3A_14 = arith.addi %mul3A_12, %add3A_13 : i32
    "tpu.region"() ({
      %run_scoped3A = tpu.sem_alloc : memref<!tpu.dma_semaphore, #tpu.memory_space<semaphore_mem>>
      %dma_start3A = arith.constant 0 : i32
      %dma_start3A_40 = tpu.memref_slice %arg16[%add3A_14, %dma_start3A] : memref<10240x128xf32, #tpu.memory_space<vmem_shared>> -> memref<128x128xf32, #tpu.memory_space<vmem_shared>>
      %dma_start3A_41 = arith.constant 0 : i32
      %dma_start3A_42 = tpu.memref_slice %arg16[%add3A_14, %dma_start3A_41] : memref<10240x128xf32, #tpu.memory_space<vmem_shared>> -> memref<128x128xf32, #tpu.memory_space<vmem_shared>>
      tpu.enqueue_dma source(%arg15 : memref<128x128xf32, #tpu.memory_space<vmem>>) target(%dma_start3A_42 : memref<128x128xf32, #tpu.memory_space<vmem_shared>>) target_semaphore(%run_scoped3A : memref<!tpu.dma_semaphore, #tpu.memory_space<semaphore_mem>>)
      %dma_wait3A = arith.constant 0 : i32
      %dma_wait3A_43 = tpu.memref_slice %arg16[%add3A_14, %dma_wait3A] : memref<10240x128xf32, #tpu.memory_space<vmem_shared>> -> memref<128x128xf32, #tpu.memory_space<vmem_shared>>
      %dma_wait3A_44 = arith.constant 0 : i32
      %dma_wait3A_45 = tpu.memref_slice %arg16[%add3A_14, %dma_wait3A_44] : memref<10240x128xf32, #tpu.memory_space<vmem_shared>> -> memref<128x128xf32, #tpu.memory_space<vmem_shared>>
      tpu.wait_dma2 semaphore(%run_scoped3A : memref<!tpu.dma_semaphore, #tpu.memory_space<semaphore_mem>>) src(%arg15 : memref<128x128xf32, #tpu.memory_space<vmem>>) dst(%dma_wait3A_45 : memref<128x128xf32, #tpu.memory_space<vmem_shared>>)
      tpu.yield
    }) : () -> ()
    %mul3A_15 = arith.constant 640 : i32
    %mul3A_16 = arith.muli %arg1, %mul3A_15 : i32
    %add3A_17 = arith.constant 256 : i32
    %add3A_18 = arith.addi %mul3A_16, %add3A_17 : i32
    "tpu.region"() ({
      %run_scoped3A = tpu.sem_alloc : memref<!tpu.dma_semaphore, #tpu.memory_space<semaphore_mem>>
      %dma_start3A = arith.constant 0 : i32
      %dma_start3A_40 = tpu.memref_slice %arg16[%add3A_18, %dma_start3A] : memref<10240x128xf32, #tpu.memory_space<vmem_shared>> -> memref<128x128xf32, #tpu.memory_space<vmem_shared>>
      %dma_start3A_41 = arith.constant 0 : i32
      %dma_start3A_42 = tpu.memref_slice %arg16[%add3A_18, %dma_start3A_41] : memref<10240x128xf32, #tpu.memory_space<vmem_shared>> -> memref<128x128xf32, #tpu.memory_space<vmem_shared>>
      tpu.enqueue_dma source(%arg15 : memref<128x128xf32, #tpu.memory_space<vmem>>) target(%dma_start3A_42 : memref<128x128xf32, #tpu.memory_space<vmem_shared>>) target_semaphore(%run_scoped3A : memref<!tpu.dma_semaphore, #tpu.memory_space<semaphore_mem>>)
      %dma_wait3A = arith.constant 0 : i32
      %dma_wait3A_43 = tpu.memref_slice %arg16[%add3A_18, %dma_wait3A] : memref<10240x128xf32, #tpu.memory_space<vmem_shared>> -> memref<128x128xf32, #tpu.memory_space<vmem_shared>>
      %dma_wait3A_44 = arith.constant 0 : i32
      %dma_wait3A_45 = tpu.memref_slice %arg16[%add3A_18, %dma_wait3A_44] : memref<10240x128xf32, #tpu.memory_space<vmem_shared>> -> memref<128x128xf32, #tpu.memory_space<vmem_shared>>
      tpu.wait_dma2 semaphore(%run_scoped3A : memref<!tpu.dma_semaphore, #tpu.memory_space<semaphore_mem>>) src(%arg15 : memref<128x128xf32, #tpu.memory_space<vmem>>) dst(%dma_wait3A_45 : memref<128x128xf32, #tpu.memory_space<vmem_shared>>)
      tpu.yield
    }) : () -> ()
    %mul3A_19 = arith.constant 640 : i32
    %mul3A_20 = arith.muli %arg1, %mul3A_19 : i32
    %add3A_21 = arith.constant 384 : i32
    %add3A_22 = arith.addi %mul3A_20, %add3A_21 : i32
    "tpu.region"() ({
      %run_scoped3A = tpu.sem_alloc : memref<!tpu.dma_semaphore, #tpu.memory_space<semaphore_mem>>
      %dma_start3A = arith.constant 0 : i32
      %dma_start3A_40 = tpu.memref_slice %arg16[%add3A_22, %dma_start3A] : memref<10240x128xf32, #tpu.memory_space<vmem_shared>> -> memref<128x128xf32, #tpu.memory_space<vmem_shared>>
      %dma_start3A_41 = arith.constant 0 : i32
      %dma_start3A_42 = tpu.memref_slice %arg16[%add3A_22, %dma_start3A_41] : memref<10240x128xf32, #tpu.memory_space<vmem_shared>> -> memref<128x128xf32, #tpu.memory_space<vmem_shared>>
      tpu.enqueue_dma source(%arg15 : memref<128x128xf32, #tpu.memory_space<vmem>>) target(%dma_start3A_42 : memref<128x128xf32, #tpu.memory_space<vmem_shared>>) target_semaphore(%run_scoped3A : memref<!tpu.dma_semaphore, #tpu.memory_space<semaphore_mem>>)
      %dma_wait3A = arith.constant 0 : i32
      %dma_wait3A_43 = tpu.memref_slice %arg16[%add3A_22, %dma_wait3A] : memref<10240x128xf32, #tpu.memory_space<vmem_shared>> -> memref<128x128xf32, #tpu.memory_space<vmem_shared>>
      %dma_wait3A_44 = arith.constant 0 : i32
      %dma_wait3A_45 = tpu.memref_slice %arg16[%add3A_22, %dma_wait3A_44] : memref<10240x128xf32, #tpu.memory_space<vmem_shared>> -> memref<128x128xf32, #tpu.memory_space<vmem_shared>>
      tpu.wait_dma2 semaphore(%run_scoped3A : memref<!tpu.dma_semaphore, #tpu.memory_space<semaphore_mem>>) src(%arg15 : memref<128x128xf32, #tpu.memory_space<vmem>>) dst(%dma_wait3A_45 : memref<128x128xf32, #tpu.memory_space<vmem_shared>>)
      tpu.yield
    }) : () -> ()
    %mul3A_23 = arith.constant 640 : i32
    %mul3A_24 = arith.muli %arg1, %mul3A_23 : i32
    %add3A_25 = arith.constant 512 : i32
    %add3A_26 = arith.addi %mul3A_24, %add3A_25 : i32
    "tpu.region"() ({
      %run_scoped3A = tpu.sem_alloc : memref<!tpu.dma_semaphore, #tpu.memory_space<semaphore_mem>>
      %dma_start3A = arith.constant 0 : i32
      %dma_start3A_40 = tpu.memref_slice %arg16[%add3A_26, %dma_start3A] : memref<10240x128xf32, #tpu.memory_space<vmem_shared>> -> memref<128x128xf32, #tpu.memory_space<vmem_shared>>
      %dma_start3A_41 = arith.constant 0 : i32
      %dma_start3A_42 = tpu.memref_slice %arg16[%add3A_26, %dma_start3A_41] : memref<10240x128xf32, #tpu.memory_space<vmem_shared>> -> memref<128x128xf32, #tpu.memory_space<vmem_shared>>
      tpu.enqueue_dma source(%arg15 : memref<128x128xf32, #tpu.memory_space<vmem>>) target(%dma_start3A_42 : memref<128x128xf32, #tpu.memory_space<vmem_shared>>) target_semaphore(%run_scoped3A : memref<!tpu.dma_semaphore, #tpu.memory_space<semaphore_mem>>)
      %dma_wait3A = arith.constant 0 : i32
      %dma_wait3A_43 = tpu.memref_slice %arg16[%add3A_26, %dma_wait3A] : memref<10240x128xf32, #tpu.memory_space<vmem_shared>> -> memref<128x128xf32, #tpu.memory_space<vmem_shared>>
      %dma_wait3A_44 = arith.constant 0 : i32
      %dma_wait3A_45 = tpu.memref_slice %arg16[%add3A_26, %dma_wait3A_44] : memref<10240x128xf32, #tpu.memory_space<vmem_shared>> -> memref<128x128xf32, #tpu.memory_space<vmem_shared>>
      tpu.wait_dma2 semaphore(%run_scoped3A : memref<!tpu.dma_semaphore, #tpu.memory_space<semaphore_mem>>) src(%arg15 : memref<128x128xf32, #tpu.memory_space<vmem>>) dst(%dma_wait3A_45 : memref<128x128xf32, #tpu.memory_space<vmem_shared>>)
      tpu.yield
    }) : () -> ()
    %barrier3A = arith.constant 0 : index
    tpu.barrier barrier_id(%barrier3A)
    %mul3A_27 = arith.constant 10000 : i32
    %mul3A_28 = arith.muli %add3A, %mul3A_27 : i32
    %scan3A_29 = arith.constant 0 : i32
    %scan3A_30 = arith.constant 0 : i32
    %scan3A_31 = arith.constant 125 : i32
    %scan3A_32 = arith.addi %scan3A_30, %scan3A_31 : i32
    %scan3A_33 = arith.constant 1 : i32
    scf.for %scan3A_40 = %scan3A_30 to %scan3A_32 step %scan3A_33  : i32 {
      %mul3A_41 = arith.constant 80 : i32
      %mul3A_42 = arith.muli %scan3A_40, %mul3A_41 : i32
      %add3A_43 = arith.addi %mul3A_28, %mul3A_42 : i32
      "tpu.region"() ({
        %run_scoped3A = tpu.sem_alloc : memref<!tpu.dma_semaphore, #tpu.memory_space<semaphore_mem>>
        %dma_start3A_60 = tpu.memref_slice %arg4[%add3A_43] : memref<320000xi32, #tpu.memory_space<hbm>> -> memref<80xi32, #tpu.memory_space<hbm>>
        %dma_start3A_61 = tpu.memref_slice %arg4[%add3A_43] : memref<320000xi32, #tpu.memory_space<hbm>> -> memref<80xi32, #tpu.memory_space<hbm>>
        tpu.enqueue_dma source(%dma_start3A_61 : memref<80xi32, #tpu.memory_space<hbm>>) target(%arg9 : memref<80xi32, #tpu.memory_space<vmem>>) target_semaphore(%run_scoped3A : memref<!tpu.dma_semaphore, #tpu.memory_space<semaphore_mem>>)
        %dma_wait3A_62 = tpu.memref_slice %arg4[%add3A_43] : memref<320000xi32, #tpu.memory_space<hbm>> -> memref<80xi32, #tpu.memory_space<hbm>>
        %dma_wait3A_63 = tpu.memref_slice %arg4[%add3A_43] : memref<320000xi32, #tpu.memory_space<hbm>> -> memref<80xi32, #tpu.memory_space<hbm>>
        tpu.wait_dma2 semaphore(%run_scoped3A : memref<!tpu.dma_semaphore, #tpu.memory_space<semaphore_mem>>) src(%dma_wait3A_63 : memref<80xi32, #tpu.memory_space<hbm>>) dst(%arg9 : memref<80xi32, #tpu.memory_space<vmem>>)
        tpu.yield
      }) : () -> ()
      "tpu.region"() ({
        %run_scoped3A = tpu.sem_alloc : memref<!tpu.dma_semaphore, #tpu.memory_space<semaphore_mem>>
        %dma_start3A_60 = tpu.memref_slice %arg5[%add3A_43] : memref<320000xi32, #tpu.memory_space<hbm>> -> memref<80xi32, #tpu.memory_space<hbm>>
        %dma_start3A_61 = tpu.memref_slice %arg5[%add3A_43] : memref<320000xi32, #tpu.memory_space<hbm>> -> memref<80xi32, #tpu.memory_space<hbm>>
        tpu.enqueue_dma source(%dma_start3A_61 : memref<80xi32, #tpu.memory_space<hbm>>) target(%arg10 : memref<80xi32, #tpu.memory_space<vmem>>) target_semaphore(%run_scoped3A : memref<!tpu.dma_semaphore, #tpu.memory_space<semaphore_mem>>)
        %dma_wait3A_62 = tpu.memref_slice %arg5[%add3A_43] : memref<320000xi32, #tpu.memory_space<hbm>> -> memref<80xi32, #tpu.memory_space<hbm>>
        %dma_wait3A_63 = tpu.memref_slice %arg5[%add3A_43] : memref<320000xi32, #tpu.memory_space<hbm>> -> memref<80xi32, #tpu.memory_space<hbm>>
        tpu.wait_dma2 semaphore(%run_scoped3A : memref<!tpu.dma_semaphore, #tpu.memory_space<semaphore_mem>>) src(%dma_wait3A_63 : memref<80xi32, #tpu.memory_space<hbm>>) dst(%arg10 : memref<80xi32, #tpu.memory_space<vmem>>)
        tpu.yield
      }) : () -> ()
      "tpu.region"() ({
        %run_scoped3A = tpu.sem_alloc : memref<!tpu.dma_semaphore, #tpu.memory_space<semaphore_mem>>
        %dma_start3A_60 = arith.constant 0 : i32
        %dma_start3A_61 = tpu.memref_slice %arg11[%dma_start3A_60] : memref<96xf32, #tpu.memory_space<vmem>> -> memref<80xf32, #tpu.memory_space<vmem>>
        %dma_start3A_62 = tpu.memref_slice %arg6[%add3A_43] : memref<320000xf32, #tpu.memory_space<hbm>> -> memref<80xf32, #tpu.memory_space<hbm>>
        %dma_start3A_63 = arith.constant 0 : i32
        %dma_start3A_64 = tpu.memref_slice %arg11[%dma_start3A_63] : memref<96xf32, #tpu.memory_space<vmem>> -> memref<80xf32, #tpu.memory_space<vmem>>
        %dma_start3A_65 = tpu.memref_slice %arg6[%add3A_43] : memref<320000xf32, #tpu.memory_space<hbm>> -> memref<80xf32, #tpu.memory_space<hbm>>
        tpu.enqueue_dma source(%dma_start3A_65 : memref<80xf32, #tpu.memory_space<hbm>>) target(%dma_start3A_64 : memref<80xf32, #tpu.memory_space<vmem>>) target_semaphore(%run_scoped3A : memref<!tpu.dma_semaphore, #tpu.memory_space<semaphore_mem>>)
        %dma_wait3A_66 = arith.constant 0 : i32
        %dma_wait3A_67 = tpu.memref_slice %arg11[%dma_wait3A_66] : memref<96xf32, #tpu.memory_space<vmem>> -> memref<80xf32, #tpu.memory_space<vmem>>
        %dma_wait3A_68 = tpu.memref_slice %arg6[%add3A_43] : memref<320000xf32, #tpu.memory_space<hbm>> -> memref<80xf32, #tpu.memory_space<hbm>>
        %dma_wait3A_69 = arith.constant 0 : i32
        %dma_wait3A_70 = tpu.memref_slice %arg11[%dma_wait3A_69] : memref<96xf32, #tpu.memory_space<vmem>> -> memref<80xf32, #tpu.memory_space<vmem>>
        %dma_wait3A_71 = tpu.memref_slice %arg6[%add3A_43] : memref<320000xf32, #tpu.memory_space<hbm>> -> memref<80xf32, #tpu.memory_space<hbm>>
        tpu.wait_dma2 semaphore(%run_scoped3A : memref<!tpu.dma_semaphore, #tpu.memory_space<semaphore_mem>>) src(%dma_wait3A_71 : memref<80xf32, #tpu.memory_space<hbm>>) dst(%dma_wait3A_70 : memref<80xf32, #tpu.memory_space<vmem>>)
        tpu.yield
      }) : () -> ()
      %dma_start3A = arith.constant 0 : i32
      %dma_start3A_44 = arith.constant 0 : i32
      %dma_start3A_45 = tpu.memref_slice %arg2[%dma_start3A, %dma_start3A_44] : memref<10000x128xf32, #tpu.memory_space<hbm>> -> memref<10000x128xf32, #tpu.memory_space<hbm>>
      tpu.enqueue_indirect_dma source(%dma_start3A_45 : memref<10000x128xf32, #tpu.memory_space<hbm>>) target(%arg12 : memref<80x128xf32, #tpu.memory_space<vmem>>) offsets(%arg9 : memref<80xi32, #tpu.memory_space<vmem>>) semaphore(%arg17 : memref<!tpu.dma_semaphore, #tpu.memory_space<semaphore_mem>>)
      %dma_start3A_46 = arith.constant 0 : i32
      %dma_start3A_47 = arith.constant 0 : i32
      %dma_start3A_48 = tpu.memref_slice %arg3[%dma_start3A_46, %dma_start3A_47] : memref<10000x128xf32, #tpu.memory_space<hbm>> -> memref<10000x128xf32, #tpu.memory_space<hbm>>
      tpu.enqueue_indirect_dma source(%dma_start3A_48 : memref<10000x128xf32, #tpu.memory_space<hbm>>) target(%arg13 : memref<80x128xf32, #tpu.memory_space<vmem>>) offsets(%arg10 : memref<80xi32, #tpu.memory_space<vmem>>) semaphore(%arg18 : memref<!tpu.dma_semaphore, #tpu.memory_space<semaphore_mem>>)
      %dma_wait3A = arith.constant 0 : i32
      %dma_wait3A_49 = arith.constant 0 : i32
      %dma_wait3A_50 = tpu.memref_slice %arg2[%dma_wait3A, %dma_wait3A_49] : memref<10000x128xf32, #tpu.memory_space<hbm>> -> memref<10000x128xf32, #tpu.memory_space<hbm>>
      tpu.wait_indirect_dma semaphore(%arg17 : memref<!tpu.dma_semaphore, #tpu.memory_space<semaphore_mem>>) src(%dma_wait3A_50 : memref<10000x128xf32, #tpu.memory_space<hbm>>) dst(%arg12 : memref<80x128xf32, #tpu.memory_space<vmem>>)
      %dma_wait3A_51 = arith.constant 0 : i32
      %dma_wait3A_52 = arith.constant 0 : i32
      %dma_wait3A_53 = tpu.memref_slice %arg3[%dma_wait3A_51, %dma_wait3A_52] : memref<10000x128xf32, #tpu.memory_space<hbm>> -> memref<10000x128xf32, #tpu.memory_space<hbm>>
      tpu.wait_indirect_dma semaphore(%arg18 : memref<!tpu.dma_semaphore, #tpu.memory_space<semaphore_mem>>) src(%dma_wait3A_53 : memref<10000x128xf32, #tpu.memory_space<hbm>>) dst(%arg13 : memref<80x128xf32, #tpu.memory_space<vmem>>)
      %scan3A_54 = arith.constant 0 : i32
      %scan3A_55 = arith.constant 0 : i32
      %scan3A_56 = arith.constant 80 : i32
      %scan3A_57 = arith.addi %scan3A_55, %scan3A_56 : i32
      %scan3A_58 = arith.constant 1 : i32
      scf.for %scan3A_60 = %scan3A_55 to %scan3A_57 step %scan3A_58  : i32 {
        %get3A = arith.index_cast %scan3A_60 : i32 to index
        %get3A_61 = tpu.vector_load %arg11[%get3A] {strides = array<i32>} : memref<96xf32, #tpu.memory_space<vmem>>, vector<16xf32>,
        %slice3A = vector.extract_strided_slice %get3A_61 {offsets = [0], sizes = [1], strides = [1]} : vector<16xf32> to vector<1xf32>
        %squeeze3A = vector.extract %slice3A[0] : f32 from vector<1xf32>
        %broadcast_in_dim3A_62 = vector.broadcast %squeeze3A : f32 to vector<16xf32>
        %get3A_63 = arith.index_cast %scan3A_60 : i32 to index
        %get3A_64 = arith.constant 0 : index
        %get3A_65 = tpu.vector_load %arg12[%get3A_63, %get3A_64] {strides = array<i32>} : memref<80x128xf32, #tpu.memory_space<vmem>>, vector<16xf32>,
        %get3A_66 = arith.index_cast %scan3A_60 : i32 to index
        %get3A_67 = arith.constant 0 : index
        %get3A_68 = tpu.vector_load %arg13[%get3A_66, %get3A_67] {strides = array<i32>} : memref<80x128xf32, #tpu.memory_space<vmem>>, vector<16xf32>,
        %add3A_69 = arith.addf %get3A_65, %get3A_68 : vector<16xf32>
        %get3A_70 = arith.constant 0 : index
        %get3A_71 = tpu.vector_load %arg14[%get3A_70] {strides = array<i32>} : memref<128xf32, #tpu.memory_space<vmem>>, vector<16xf32>,
        %mul3A_72 = arith.mulf %broadcast_in_dim3A_62, %get3A_71 : vector<16xf32>
        %add3A_73 = arith.addf %add3A_69, %mul3A_72 : vector<16xf32>
        %neg3A = arith.constant 0.000000e+00 : f32
        %neg3A_74 = vector.broadcast %neg3A : f32 to vector<16xf32>
        %neg3A_75 = arith.subf %neg3A_74, %add3A_73 : vector<16xf32>
        %exp3A = math.exp %neg3A_75 : vector<16xf32>
        %add3A_76 = arith.constant 1.000000e+00 : f32
        %add3A_77 = vector.broadcast %add3A_76 : f32 to vector<16xf32>
        %add3A_78 = arith.addf %add3A_77, %exp3A : vector<16xf32>
        %div3A = arith.divf %add3A_73, %add3A_78 : vector<16xf32>
        %swap3A = arith.index_cast %scan3A_60 : i32 to index
        %swap3A_79 = arith.constant 0 : index
        %swap3A_80 = tpu.vector_load %arg12[%swap3A, %swap3A_79] {strides = array<i32>} : memref<80x128xf32, #tpu.memory_space<vmem>>, vector<16xf32>,
        tpu.vector_store %arg12[%swap3A, %swap3A_79], %div3A {strides = array<i32>} : memref<80x128xf32, #tpu.memory_space<vmem>>, vector<16xf32>,
        %get3A_81 = arith.index_cast %scan3A_60 : i32 to index
        %get3A_82 = arith.constant 16 : index
        %get3A_83 = tpu.vector_load %arg12[%get3A_81, %get3A_82] {strides = array<i32>} : memref<80x128xf32, #tpu.memory_space<vmem>>, vector<16xf32>,
        %get3A_84 = arith.index_cast %scan3A_60 : i32 to index
        %get3A_85 = arith.constant 16 : index
        %get3A_86 = tpu.vector_load %arg13[%get3A_84, %get3A_85] {strides = array<i32>} : memref<80x128xf32, #tpu.memory_space<vmem>>, vector<16xf32>,
        %add3A_87 = arith.addf %get3A_83, %get3A_86 : vector<16xf32>
        %get3A_88 = arith.constant 16 : index
        %get3A_89 = tpu.vector_load %arg14[%get3A_88] {strides = array<i32>} : memref<128xf32, #tpu.memory_space<vmem>>, vector<16xf32>,
        %mul3A_90 = arith.mulf %broadcast_in_dim3A_62, %get3A_89 : vector<16xf32>
        %add3A_91 = arith.addf %add3A_87, %mul3A_90 : vector<16xf32>
        %neg3A_92 = arith.constant 0.000000e+00 : f32
        %neg3A_93 = vector.broadcast %neg3A_92 : f32 to vector<16xf32>
        %neg3A_94 = arith.subf %neg3A_93, %add3A_91 : vector<16xf32>
        %exp3A_95 = math.exp %neg3A_94 : vector<16xf32>
        %add3A_96 = arith.constant 1.000000e+00 : f32
        %add3A_97 = vector.broadcast %add3A_96 : f32 to vector<16xf32>
        %add3A_98 = arith.addf %add3A_97, %exp3A_95 : vector<16xf32>
        %div3A_99 = arith.divf %add3A_91, %add3A_98 : vector<16xf32>
        %swap3A_100 = arith.index_cast %scan3A_60 : i32 to index
        %swap3A_101 = arith.constant 16 : index
        %swap3A_102 = tpu.vector_load %arg12[%swap3A_100, %swap3A_101] {strides = array<i32>} : memref<80x128xf32, #tpu.memory_space<vmem>>, vector<16xf32>,
        tpu.vector_store %arg12[%swap3A_100, %swap3A_101], %div3A_99 {strides = array<i32>} : memref<80x128xf32, #tpu.memory_space<vmem>>, vector<16xf32>,
        %get3A_103 = arith.index_cast %scan3A_60 : i32 to index
        %get3A_104 = arith.constant 32 : index
        %get3A_105 = tpu.vector_load %arg12[%get3A_103, %get3A_104] {strides = array<i32>} : memref<80x128xf32, #tpu.memory_space<vmem>>, vector<16xf32>,
        %get3A_106 = arith.index_cast %scan3A_60 : i32 to index
        %get3A_107 = arith.constant 32 : index
        %get3A_108 = tpu.vector_load %arg13[%get3A_106, %get3A_107] {strides = array<i32>} : memref<80x128xf32, #tpu.memory_space<vmem>>, vector<16xf32>,
        %add3A_109 = arith.addf %get3A_105, %get3A_108 : vector<16xf32>
        %get3A_110 = arith.constant 32 : index
        %get3A_111 = tpu.vector_load %arg14[%get3A_110] {strides = array<i32>} : memref<128xf32, #tpu.memory_space<vmem>>, vector<16xf32>,
        %mul3A_112 = arith.mulf %broadcast_in_dim3A_62, %get3A_111 : vector<16xf32>
        %add3A_113 = arith.addf %add3A_109, %mul3A_112 : vector<16xf32>
        %neg3A_114 = arith.constant 0.000000e+00 : f32
        %neg3A_115 = vector.broadcast %neg3A_114 : f32 to vector<16xf32>
        %neg3A_116 = arith.subf %neg3A_115, %add3A_113 : vector<16xf32>
        %exp3A_117 = math.exp %neg3A_116 : vector<16xf32>
        %add3A_118 = arith.constant 1.000000e+00 : f32
        %add3A_119 = vector.broadcast %add3A_118 : f32 to vector<16xf32>
        %add3A_120 = arith.addf %add3A_119, %exp3A_117 : vector<16xf32>
        %div3A_121 = arith.divf %add3A_113, %add3A_120 : vector<16xf32>
        %swap3A_122 = arith.index_cast %scan3A_60 : i32 to index
        %swap3A_123 = arith.constant 32 : index
        %swap3A_124 = tpu.vector_load %arg12[%swap3A_122, %swap3A_123] {strides = array<i32>} : memref<80x128xf32, #tpu.memory_space<vmem>>, vector<16xf32>,
        tpu.vector_store %arg12[%swap3A_122, %swap3A_123], %div3A_121 {strides = array<i32>} : memref<80x128xf32, #tpu.memory_space<vmem>>, vector<16xf32>,
        %get3A_125 = arith.index_cast %scan3A_60 : i32 to index
        %get3A_126 = arith.constant 48 : index
        %get3A_127 = tpu.vector_load %arg12[%get3A_125, %get3A_126] {strides = array<i32>} : memref<80x128xf32, #tpu.memory_space<vmem>>, vector<16xf32>,
        %get3A_128 = arith.index_cast %scan3A_60 : i32 to index
        %get3A_129 = arith.constant 48 : index
        %get3A_130 = tpu.vector_load %arg13[%get3A_128, %get3A_129] {strides = array<i32>} : memref<80x128xf32, #tpu.memory_space<vmem>>, vector<16xf32>,
        %add3A_131 = arith.addf %get3A_127, %get3A_130 : vector<16xf32>
        %get3A_132 = arith.constant 48 : index
        %get3A_133 = tpu.vector_load %arg14[%get3A_132] {strides = array<i32>} : memref<128xf32, #tpu.memory_space<vmem>>, vector<16xf32>,
        %mul3A_134 = arith.mulf %broadcast_in_dim3A_62, %get3A_133 : vector<16xf32>
        %add3A_135 = arith.addf %add3A_131, %mul3A_134 : vector<16xf32>
        %neg3A_136 = arith.constant 0.000000e+00 : f32
        %neg3A_137 = vector.broadcast %neg3A_136 : f32 to vector<16xf32>
        %neg3A_138 = arith.subf %neg3A_137, %add3A_135 : vector<16xf32>
        %exp3A_139 = math.exp %neg3A_138 : vector<16xf32>
        %add3A_140 = arith.constant 1.000000e+00 : f32
        %add3A_141 = vector.broadcast %add3A_140 : f32 to vector<16xf32>
        %add3A_142 = arith.addf %add3A_141, %exp3A_139 : vector<16xf32>
        %div3A_143 = arith.divf %add3A_135, %add3A_142 : vector<16xf32>
        %swap3A_144 = arith.index_cast %scan3A_60 : i32 to index
        %swap3A_145 = arith.constant 48 : index
        %swap3A_146 = tpu.vector_load %arg12[%swap3A_144, %swap3A_145] {strides = array<i32>} : memref<80x128xf32, #tpu.memory_space<vmem>>, vector<16xf32>,
        tpu.vector_store %arg12[%swap3A_144, %swap3A_145], %div3A_143 {strides = array<i32>} : memref<80x128xf32, #tpu.memory_space<vmem>>, vector<16xf32>,
        %get3A_147 = arith.index_cast %scan3A_60 : i32 to index
        %get3A_148 = arith.constant 64 : index
        %get3A_149 = tpu.vector_load %arg12[%get3A_147, %get3A_148] {strides = array<i32>} : memref<80x128xf32, #tpu.memory_space<vmem>>, vector<16xf32>,
        %get3A_150 = arith.index_cast %scan3A_60 : i32 to index
        %get3A_151 = arith.constant 64 : index
        %get3A_152 = tpu.vector_load %arg13[%get3A_150, %get3A_151] {strides = array<i32>} : memref<80x128xf32, #tpu.memory_space<vmem>>, vector<16xf32>,
        %add3A_153 = arith.addf %get3A_149, %get3A_152 : vector<16xf32>
        %get3A_154 = arith.constant 64 : index
        %get3A_155 = tpu.vector_load %arg14[%get3A_154] {strides = array<i32>} : memref<128xf32, #tpu.memory_space<vmem>>, vector<16xf32>,
        %mul3A_156 = arith.mulf %broadcast_in_dim3A_62, %get3A_155 : vector<16xf32>
        %add3A_157 = arith.addf %add3A_153, %mul3A_156 : vector<16xf32>
        %neg3A_158 = arith.constant 0.000000e+00 : f32
        %neg3A_159 = vector.broadcast %neg3A_158 : f32 to vector<16xf32>
        %neg3A_160 = arith.subf %neg3A_159, %add3A_157 : vector<16xf32>
        %exp3A_161 = math.exp %neg3A_160 : vector<16xf32>
        %add3A_162 = arith.constant 1.000000e+00 : f32
        %add3A_163 = vector.broadcast %add3A_162 : f32 to vector<16xf32>
        %add3A_164 = arith.addf %add3A_163, %exp3A_161 : vector<16xf32>
        %div3A_165 = arith.divf %add3A_157, %add3A_164 : vector<16xf32>
        %swap3A_166 = arith.index_cast %scan3A_60 : i32 to index
        %swap3A_167 = arith.constant 64 : index
        %swap3A_168 = tpu.vector_load %arg12[%swap3A_166, %swap3A_167] {strides = array<i32>} : memref<80x128xf32, #tpu.memory_space<vmem>>, vector<16xf32>,
        tpu.vector_store %arg12[%swap3A_166, %swap3A_167], %div3A_165 {strides = array<i32>} : memref<80x128xf32, #tpu.memory_space<vmem>>, vector<16xf32>,
        %get3A_169 = arith.index_cast %scan3A_60 : i32 to index
        %get3A_170 = arith.constant 80 : index
        %get3A_171 = tpu.vector_load %arg12[%get3A_169, %get3A_170] {strides = array<i32>} : memref<80x128xf32, #tpu.memory_space<vmem>>, vector<16xf32>,
        %get3A_172 = arith.index_cast %scan3A_60 : i32 to index
        %get3A_173 = arith.constant 80 : index
        %get3A_174 = tpu.vector_load %arg13[%get3A_172, %get3A_173] {strides = array<i32>} : memref<80x128xf32, #tpu.memory_space<vmem>>, vector<16xf32>,
        %add3A_175 = arith.addf %get3A_171, %get3A_174 : vector<16xf32>
        %get3A_176 = arith.constant 80 : index
        %get3A_177 = tpu.vector_load %arg14[%get3A_176] {strides = array<i32>} : memref<128xf32, #tpu.memory_space<vmem>>, vector<16xf32>,
        %mul3A_178 = arith.mulf %broadcast_in_dim3A_62, %get3A_177 : vector<16xf32>
        %add3A_179 = arith.addf %add3A_175, %mul3A_178 : vector<16xf32>
        %neg3A_180 = arith.constant 0.000000e+00 : f32
        %neg3A_181 = vector.broadcast %neg3A_180 : f32 to vector<16xf32>
        %neg3A_182 = arith.subf %neg3A_181, %add3A_179 : vector<16xf32>
        %exp3A_183 = math.exp %neg3A_182 : vector<16xf32>
        %add3A_184 = arith.constant 1.000000e+00 : f32
        %add3A_185 = vector.broadcast %add3A_184 : f32 to vector<16xf32>
        %add3A_186 = arith.addf %add3A_185, %exp3A_183 : vector<16xf32>
        %div3A_187 = arith.divf %add3A_179, %add3A_186 : vector<16xf32>
        %swap3A_188 = arith.index_cast %scan3A_60 : i32 to index
        %swap3A_189 = arith.constant 80 : index
        %swap3A_190 = tpu.vector_load %arg12[%swap3A_188, %swap3A_189] {strides = array<i32>} : memref<80x128xf32, #tpu.memory_space<vmem>>, vector<16xf32>,
        tpu.vector_store %arg12[%swap3A_188, %swap3A_189], %div3A_187 {strides = array<i32>} : memref<80x128xf32, #tpu.memory_space<vmem>>, vector<16xf32>,
        %get3A_191 = arith.index_cast %scan3A_60 : i32 to index
        %get3A_192 = arith.constant 96 : index
        %get3A_193 = tpu.vector_load %arg12[%get3A_191, %get3A_192] {strides = array<i32>} : memref<80x128xf32, #tpu.memory_space<vmem>>, vector<16xf32>,
        %get3A_194 = arith.index_cast %scan3A_60 : i32 to index
        %get3A_195 = arith.constant 96 : index
        %get3A_196 = tpu.vector_load %arg13[%get3A_194, %get3A_195] {strides = array<i32>} : memref<80x128xf32, #tpu.memory_space<vmem>>, vector<16xf32>,
        %add3A_197 = arith.addf %get3A_193, %get3A_196 : vector<16xf32>
        %get3A_198 = arith.constant 96 : index
        %get3A_199 = tpu.vector_load %arg14[%get3A_198] {strides = array<i32>} : memref<128xf32, #tpu.memory_space<vmem>>, vector<16xf32>,
        %mul3A_200 = arith.mulf %broadcast_in_dim3A_62, %get3A_199 : vector<16xf32>
        %add3A_201 = arith.addf %add3A_197, %mul3A_200 : vector<16xf32>
        %neg3A_202 = arith.constant 0.000000e+00 : f32
        %neg3A_203 = vector.broadcast %neg3A_202 : f32 to vector<16xf32>
        %neg3A_204 = arith.subf %neg3A_203, %add3A_201 : vector<16xf32>
        %exp3A_205 = math.exp %neg3A_204 : vector<16xf32>
        %add3A_206 = arith.constant 1.000000e+00 : f32
        %add3A_207 = vector.broadcast %add3A_206 : f32 to vector<16xf32>
        %add3A_208 = arith.addf %add3A_207, %exp3A_205 : vector<16xf32>
        %div3A_209 = arith.divf %add3A_201, %add3A_208 : vector<16xf32>
        %swap3A_210 = arith.index_cast %scan3A_60 : i32 to index
        %swap3A_211 = arith.constant 96 : index
        %swap3A_212 = tpu.vector_load %arg12[%swap3A_210, %swap3A_211] {strides = array<i32>} : memref<80x128xf32, #tpu.memory_space<vmem>>, vector<16xf32>,
        tpu.vector_store %arg12[%swap3A_210, %swap3A_211], %div3A_209 {strides = array<i32>} : memref<80x128xf32, #tpu.memory_space<vmem>>, vector<16xf32>,
        %get3A_213 = arith.index_cast %scan3A_60 : i32 to index
        %get3A_214 = arith.constant 112 : index
        %get3A_215 = tpu.vector_load %arg12[%get3A_213, %get3A_214] {strides = array<i32>} : memref<80x128xf32, #tpu.memory_space<vmem>>, vector<16xf32>,
        %get3A_216 = arith.index_cast %scan3A_60 : i32 to index
        %get3A_217 = arith.constant 112 : index
        %get3A_218 = tpu.vector_load %arg13[%get3A_216, %get3A_217] {strides = array<i32>} : memref<80x128xf32, #tpu.memory_space<vmem>>, vector<16xf32>,
        %add3A_219 = arith.addf %get3A_215, %get3A_218 : vector<16xf32>
        %get3A_220 = arith.constant 112 : index
        %get3A_221 = tpu.vector_load %arg14[%get3A_220] {strides = array<i32>} : memref<128xf32, #tpu.memory_space<vmem>>, vector<16xf32>,
        %mul3A_222 = arith.mulf %broadcast_in_dim3A_62, %get3A_221 : vector<16xf32>
        %add3A_223 = arith.addf %add3A_219, %mul3A_222 : vector<16xf32>
        %neg3A_224 = arith.constant 0.000000e+00 : f32
        %neg3A_225 = vector.broadcast %neg3A_224 : f32 to vector<16xf32>
        %neg3A_226 = arith.subf %neg3A_225, %add3A_223 : vector<16xf32>
        %exp3A_227 = math.exp %neg3A_226 : vector<16xf32>
        %add3A_228 = arith.constant 1.000000e+00 : f32
        %add3A_229 = vector.broadcast %add3A_228 : f32 to vector<16xf32>
        %add3A_230 = arith.addf %add3A_229, %exp3A_227 : vector<16xf32>
        %div3A_231 = arith.divf %add3A_223, %add3A_230 : vector<16xf32>
        %swap3A_232 = arith.index_cast %scan3A_60 : i32 to index
        %swap3A_233 = arith.constant 112 : index
        %swap3A_234 = tpu.vector_load %arg12[%swap3A_232, %swap3A_233] {strides = array<i32>} : memref<80x128xf32, #tpu.memory_space<vmem>>, vector<16xf32>,
        tpu.vector_store %arg12[%swap3A_232, %swap3A_233], %div3A_231 {strides = array<i32>} : memref<80x128xf32, #tpu.memory_space<vmem>>, vector<16xf32>,
      }
      %scan3A_59 = arith.constant 80 : i32
      "tpu.region"() ({
        %run_scoped3A = tpu.sem_alloc : memref<!tpu.dma_semaphore, #tpu.memory_space<semaphore_mem>>
        %dma_start3A_60 = arith.constant 0 : i32
        %dma_start3A_61 = arith.constant 0 : i32
        %dma_start3A_62 = tpu.memref_slice %arg16[%dma_start3A_60, %dma_start3A_61] : memref<10240x128xf32, #tpu.memory_space<vmem_shared>> -> memref<10240x128xf32, #tpu.memory_space<vmem_shared>>
        tpu.enqueue_indirect_dma source(%arg12 : memref<80x128xf32, #tpu.memory_space<vmem>>) target(%dma_start3A_62 : memref<10240x128xf32, #tpu.memory_space<vmem_shared>>) offsets(%arg9 : memref<80xi32, #tpu.memory_space<vmem>>) semaphore(%run_scoped3A : memref<!tpu.dma_semaphore, #tpu.memory_space<semaphore_mem>>) {add = true}
        %dma_wait3A_63 = arith.constant 0 : i32
        %dma_wait3A_64 = arith.constant 0 : i32
        %dma_wait3A_65 = tpu.memref_slice %arg16[%dma_wait3A_63, %dma_wait3A_64] : memref<10240x128xf32, #tpu.memory_space<vmem_shared>> -> memref<10240x128xf32, #tpu.memory_space<vmem_shared>>
        tpu.wait_indirect_dma semaphore(%run_scoped3A : memref<!tpu.dma_semaphore, #tpu.memory_space<semaphore_mem>>) src(%arg12 : memref<80x128xf32, #tpu.memory_space<vmem>>) dst(%dma_wait3A_65 : memref<10240x128xf32, #tpu.memory_space<vmem_shared>>)
        tpu.yield
      }) : () -> ()
    }
    %scan3A_34 = arith.constant 125 : i32
    %barrier3A_35 = arith.constant 0 : index
    tpu.barrier barrier_id(%barrier3A_35)
    %mul3A_36 = arith.constant 640 : i32
    %mul3A_37 = arith.muli %arg1, %mul3A_36 : i32
    %mul3A_38 = arith.constant 640 : i32
    %mul3A_39 = arith.muli %arg1, %mul3A_38 : i32
    "tpu.region"() ({
      %run_scoped3A = tpu.sem_alloc : memref<!tpu.dma_semaphore, #tpu.memory_space<semaphore_mem>>
      %dma_start3A = arith.constant 0 : i32
      %dma_start3A_40 = tpu.memref_slice %arg8[%arg0, %mul3A_39, %dma_start3A] : memref<2x10240x128xf32, #tpu.memory_space<hbm>> -> memref<1x640x128xf32, #tpu.memory_space<hbm>>
      %dma_start3A_41 = tpu.memref_squeeze %dma_start3A_40 : memref<1x640x128xf32, #tpu.memory_space<hbm>> -> memref<640x128xf32, #tpu.memory_space<hbm>>
      %dma_start3A_42 = arith.constant 0 : i32
      %dma_start3A_43 = tpu.memref_slice %arg16[%mul3A_37, %dma_start3A_42] : memref<10240x128xf32, #tpu.memory_space<vmem_shared>> -> memref<640x128xf32, #tpu.memory_space<vmem_shared>>
      tpu.enqueue_dma source(%dma_start3A_43 : memref<640x128xf32, #tpu.memory_space<vmem_shared>>) target(%dma_start3A_41 : memref<640x128xf32, #tpu.memory_space<hbm>>) target_semaphore(%run_scoped3A : memref<!tpu.dma_semaphore, #tpu.memory_space<semaphore_mem>>)
      %dma_wait3A = arith.constant 0 : i32
      %dma_wait3A_44 = tpu.memref_slice %arg8[%arg0, %mul3A_39, %dma_wait3A] : memref<2x10240x128xf32, #tpu.memory_space<hbm>> -> memref<1x640x128xf32, #tpu.memory_space<hbm>>
      %dma_wait3A_45 = tpu.memref_squeeze %dma_wait3A_44 : memref<1x640x128xf32, #tpu.memory_space<hbm>> -> memref<640x128xf32, #tpu.memory_space<hbm>>
      %dma_wait3A_46 = arith.constant 0 : i32
      %dma_wait3A_47 = tpu.memref_slice %arg16[%mul3A_37, %dma_wait3A_46] : memref<10240x128xf32, #tpu.memory_space<vmem_shared>> -> memref<640x128xf32, #tpu.memory_space<vmem_shared>>
      tpu.wait_dma2 semaphore(%run_scoped3A : memref<!tpu.dma_semaphore, #tpu.memory_space<semaphore_mem>>) src(%dma_wait3A_47 : memref<640x128xf32, #tpu.memory_space<vmem_shared>>) dst(%dma_wait3A_45 : memref<640x128xf32, #tpu.memory_space<hbm>>)
      tpu.yield
    }) : () -> ()
    return
  }
}

module attributes {stable_mosaic.version = 14 : i64} {
  func.func @_tp_body(%arg0: memref<16x1xi32, #tpu.memory_space<vmem>>, %arg1: memref<16x3xf32, #tpu.memory_space<vmem>>, %arg2: memref<128x256xf32, #tpu.memory_space<vmem>>, %arg3: memref<1x256xf32, #tpu.memory_space<vmem>>, %arg4: memref<256x128xf32, #tpu.memory_space<vmem>>, %arg5: memref<1x128xf32, #tpu.memory_space<vmem>>, %arg6: memref<3x128xf32, #tpu.memory_space<vmem>>, %arg7: memref<1x128xf32, #tpu.memory_space<vmem>>, %arg8: memref<128x128xf32, #tpu.memory_space<vmem>>, %arg9: memref<1x128xf32, #tpu.memory_space<vmem>>, %arg10: memref<128x128xf32, #tpu.memory_space<vmem>>, %arg11: memref<1x128xf32, #tpu.memory_space<vmem>>, %arg12: memref<128x128xf32, #tpu.memory_space<vmem>>, %arg13: memref<1x128xf32, #tpu.memory_space<vmem>>, %arg14: memref<128x128xf32, #tpu.memory_space<vmem>>, %arg15: memref<1x128xf32, #tpu.memory_space<vmem>>, %arg16: memref<128x128xf32, #tpu.memory_space<vmem>>, %arg17: memref<1x128xf32, #tpu.memory_space<vmem>>, %arg18: memref<16x128xf32, #tpu.memory_space<vmem>>, %arg19: memref<16x128xf32, #tpu.memory_space<vmem>>) attributes {dimension_semantics = [], scalar_prefetch = 0 : i64, scratch_operands = 0 : i64, tpu.core_type = #tpu.core_type<tc>} {
    %get3A = arith.constant 0 : index
    %get3A_0 = arith.constant 0 : index
    %get3A_1 = vector.load %arg0[%get3A, %get3A_0] : memref<16x1xi32, #tpu.memory_space<vmem>>, vector<16x1xi32>
    %convert_element_type3A = arith.sitofp %get3A_1 : vector<16x1xi32> to vector<16x1xf32>
    %iota3A = tpu.iota {dimensions = array<i32: 1>} : vector<1x64xi32>
    %convert_element_type3A_2 = arith.sitofp %iota3A : vector<1x64xi32> to vector<1x64xf32>
    %mul3A = arith.constant -0.146195874 : f32
    %mul3A_3 = vector.broadcast %mul3A : f32 to vector<1x64xf32>
    %mul3A_4 = arith.mulf %convert_element_type3A_2, %mul3A_3 : vector<1x64xf32>
    %exp3A = math.exp %mul3A_4 : vector<1x64xf32>
    %mul3A_5 = vector.broadcast %convert_element_type3A : vector<16x1xf32> to vector<16x64xf32>
    %mul3A_6 = vector.broadcast %exp3A : vector<1x64xf32> to vector<16x64xf32>
    %mul3A_7 = arith.mulf %mul3A_5, %mul3A_6 : vector<16x64xf32>
    %sin3A = math.sin %mul3A_7 : vector<16x64xf32>
    %cos3A = math.cos %mul3A_7 : vector<16x64xf32>
    %concatenate3A = tpu.concatenate %sin3A, %cos3A in 1 : vector<16x64xf32>, vector<16x64xf32> -> vector<16x128xf32>
    %get3A_8 = arith.constant 0 : index
    %get3A_9 = arith.constant 0 : index
    %get3A_10 = vector.load %arg2[%get3A_8, %get3A_9] : memref<128x256xf32, #tpu.memory_space<vmem>>, vector<128x256xf32>
    %dot_general3A = arith.constant dense<0.000000e+00> : vector<16x256xf32>
    %dot_general3A_11 = tpu.matmul %concatenate3A, %get3A_10, %dot_general3A {dimension_numbers = #tpu.dot_dimension_numbers<[1], [0], [0], [1], [0, 0, 1, 1], [], []>, precision = #tpu.contract_precision<fp32>, transpose_lhs_hint = false} : vector<16x128xf32>, vector<128x256xf32>, vector<16x256xf32> -> vector<16x256xf32>
    %get3A_12 = arith.constant 0 : index
    %get3A_13 = arith.constant 0 : index
    %get3A_14 = vector.load %arg3[%get3A_12, %get3A_13] : memref<1x256xf32, #tpu.memory_space<vmem>>, vector<1x256xf32>
    %add3A = vector.broadcast %get3A_14 : vector<1x256xf32> to vector<16x256xf32>
    %add3A_15 = arith.addf %dot_general3A_11, %add3A : vector<16x256xf32>
    %logistic3A = arith.negf %add3A_15 : vector<16x256xf32>
    %logistic3A_16 = math.exp %logistic3A : vector<16x256xf32>
    %logistic3A_17 = arith.constant 1.000000e+00 : f32
    %logistic3A_18 = vector.broadcast %logistic3A_17 : f32 to vector<16x256xf32>
    %logistic3A_19 = arith.addf %logistic3A_18, %logistic3A_16 : vector<16x256xf32>
    %logistic3A_20 = arith.divf %logistic3A_18, %logistic3A_19 : vector<16x256xf32>
    %mul3A_21 = arith.mulf %add3A_15, %logistic3A_20 : vector<16x256xf32>
    %get3A_22 = arith.constant 0 : index
    %get3A_23 = arith.constant 0 : index
    %get3A_24 = vector.load %arg4[%get3A_22, %get3A_23] : memref<256x128xf32, #tpu.memory_space<vmem>>, vector<256x128xf32>
    %dot_general3A_25 = arith.constant dense<0.000000e+00> : vector<16x128xf32>
    %dot_general3A_26 = tpu.matmul %mul3A_21, %get3A_24, %dot_general3A_25 {dimension_numbers = #tpu.dot_dimension_numbers<[1], [0], [0], [1], [0, 0, 1, 1], [], []>, precision = #tpu.contract_precision<fp32>, transpose_lhs_hint = false} : vector<16x256xf32>, vector<256x128xf32>, vector<16x128xf32> -> vector<16x128xf32>
    %get3A_27 = arith.constant 0 : index
    %get3A_28 = arith.constant 0 : index
    %get3A_29 = vector.load %arg5[%get3A_27, %get3A_28] : memref<1x128xf32, #tpu.memory_space<vmem>>, vector<1x128xf32>
    %add3A_30 = vector.broadcast %get3A_29 : vector<1x128xf32> to vector<16x128xf32>
    %add3A_31 = arith.addf %dot_general3A_26, %add3A_30 : vector<16x128xf32>
    %get3A_32 = arith.constant 0 : index
    %get3A_33 = arith.constant 0 : index
    %get3A_34 = vector.load %arg1[%get3A_32, %get3A_33] : memref<16x3xf32, #tpu.memory_space<vmem>>, vector<16x3xf32>
    %get3A_35 = arith.constant 0 : index
    %get3A_36 = arith.constant 0 : index
    %get3A_37 = vector.load %arg6[%get3A_35, %get3A_36] : memref<3x128xf32, #tpu.memory_space<vmem>>, vector<3x128xf32>
    %dot_general3A_38 = arith.constant dense<0.000000e+00> : vector<16x128xf32>
    %dot_general3A_39 = tpu.matmul %get3A_34, %get3A_37, %dot_general3A_38 {dimension_numbers = #tpu.dot_dimension_numbers<[1], [0], [0], [1], [0, 0, 1, 1], [], []>, precision = #tpu.contract_precision<fp32>, transpose_lhs_hint = false} : vector<16x3xf32>, vector<3x128xf32>, vector<16x128xf32> -> vector<16x128xf32>
    %get3A_40 = arith.constant 0 : index
    %get3A_41 = arith.constant 0 : index
    %get3A_42 = vector.load %arg7[%get3A_40, %get3A_41] : memref<1x128xf32, #tpu.memory_space<vmem>>, vector<1x128xf32>
    %add3A_43 = vector.broadcast %get3A_42 : vector<1x128xf32> to vector<16x128xf32>
    %add3A_44 = arith.addf %dot_general3A_39, %add3A_43 : vector<16x128xf32>
    %logistic3A_45 = arith.negf %add3A_44 : vector<16x128xf32>
    %logistic3A_46 = math.exp %logistic3A_45 : vector<16x128xf32>
    %logistic3A_47 = arith.constant 1.000000e+00 : f32
    %logistic3A_48 = vector.broadcast %logistic3A_47 : f32 to vector<16x128xf32>
    %logistic3A_49 = arith.addf %logistic3A_48, %logistic3A_46 : vector<16x128xf32>
    %logistic3A_50 = arith.divf %logistic3A_48, %logistic3A_49 : vector<16x128xf32>
    %mul3A_51 = arith.mulf %add3A_44, %logistic3A_50 : vector<16x128xf32>
    %get3A_52 = arith.constant 0 : index
    %get3A_53 = arith.constant 0 : index
    %get3A_54 = vector.load %arg8[%get3A_52, %get3A_53] : memref<128x128xf32, #tpu.memory_space<vmem>>, vector<128x128xf32>
    %dot_general3A_55 = arith.constant dense<0.000000e+00> : vector<16x128xf32>
    %dot_general3A_56 = tpu.matmul %mul3A_51, %get3A_54, %dot_general3A_55 {dimension_numbers = #tpu.dot_dimension_numbers<[1], [0], [0], [1], [0, 0, 1, 1], [], []>, precision = #tpu.contract_precision<fp32>, transpose_lhs_hint = false} : vector<16x128xf32>, vector<128x128xf32>, vector<16x128xf32> -> vector<16x128xf32>
    %get3A_57 = arith.constant 0 : index
    %get3A_58 = arith.constant 0 : index
    %get3A_59 = vector.load %arg9[%get3A_57, %get3A_58] : memref<1x128xf32, #tpu.memory_space<vmem>>, vector<1x128xf32>
    %add3A_60 = vector.broadcast %get3A_59 : vector<1x128xf32> to vector<16x128xf32>
    %add3A_61 = arith.addf %dot_general3A_56, %add3A_60 : vector<16x128xf32>
    %add3A_62 = arith.addf %add3A_31, %add3A_61 : vector<16x128xf32>
    %get3A_63 = arith.constant 0 : index
    %get3A_64 = arith.constant 0 : index
    %get3A_65 = vector.load %arg10[%get3A_63, %get3A_64] : memref<128x128xf32, #tpu.memory_space<vmem>>, vector<128x128xf32>
    %dot_general3A_66 = arith.constant dense<0.000000e+00> : vector<16x128xf32>
    %dot_general3A_67 = tpu.matmul %add3A_62, %get3A_65, %dot_general3A_66 {dimension_numbers = #tpu.dot_dimension_numbers<[1], [0], [0], [1], [0, 0, 1, 1], [], []>, precision = #tpu.contract_precision<fp32>, transpose_lhs_hint = false} : vector<16x128xf32>, vector<128x128xf32>, vector<16x128xf32> -> vector<16x128xf32>
    %get3A_68 = arith.constant 0 : index
    %get3A_69 = arith.constant 0 : index
    %get3A_70 = vector.load %arg11[%get3A_68, %get3A_69] : memref<1x128xf32, #tpu.memory_space<vmem>>, vector<1x128xf32>
    %add3A_71 = vector.broadcast %get3A_70 : vector<1x128xf32> to vector<16x128xf32>
    %add3A_72 = arith.addf %dot_general3A_67, %add3A_71 : vector<16x128xf32>
    %logistic3A_73 = arith.negf %add3A_72 : vector<16x128xf32>
    %logistic3A_74 = math.exp %logistic3A_73 : vector<16x128xf32>
    %logistic3A_75 = arith.constant 1.000000e+00 : f32
    %logistic3A_76 = vector.broadcast %logistic3A_75 : f32 to vector<16x128xf32>
    %logistic3A_77 = arith.addf %logistic3A_76, %logistic3A_74 : vector<16x128xf32>
    %logistic3A_78 = arith.divf %logistic3A_76, %logistic3A_77 : vector<16x128xf32>
    %mul3A_79 = arith.mulf %add3A_72, %logistic3A_78 : vector<16x128xf32>
    %get3A_80 = arith.constant 0 : index
    %get3A_81 = arith.constant 0 : index
    %get3A_82 = vector.load %arg12[%get3A_80, %get3A_81] : memref<128x128xf32, #tpu.memory_space<vmem>>, vector<128x128xf32>
    %dot_general3A_83 = arith.constant dense<0.000000e+00> : vector<16x128xf32>
    %dot_general3A_84 = tpu.matmul %mul3A_79, %get3A_82, %dot_general3A_83 {dimension_numbers = #tpu.dot_dimension_numbers<[1], [0], [0], [1], [0, 0, 1, 1], [], []>, precision = #tpu.contract_precision<fp32>, transpose_lhs_hint = false} : vector<16x128xf32>, vector<128x128xf32>, vector<16x128xf32> -> vector<16x128xf32>
    %get3A_85 = arith.constant 0 : index
    %get3A_86 = arith.constant 0 : index
    %get3A_87 = vector.load %arg13[%get3A_85, %get3A_86] : memref<1x128xf32, #tpu.memory_space<vmem>>, vector<1x128xf32>
    %add3A_88 = vector.broadcast %get3A_87 : vector<1x128xf32> to vector<16x128xf32>
    %add3A_89 = arith.addf %dot_general3A_84, %add3A_88 : vector<16x128xf32>
    %swap3A = arith.constant 0 : index
    %swap3A_90 = arith.constant 0 : index
    %swap3A_91 = vector.load %arg18[%swap3A, %swap3A_90] : memref<16x128xf32, #tpu.memory_space<vmem>>, vector<16x128xf32>
    tpu.vector_store %arg18[%swap3A, %swap3A_90], %add3A_89 {strides = array<i32>} : memref<16x128xf32, #tpu.memory_space<vmem>>, vector<16x128xf32>,
    %get3A_92 = arith.constant 0 : index
    %get3A_93 = arith.constant 0 : index
    %get3A_94 = vector.load %arg14[%get3A_92, %get3A_93] : memref<128x128xf32, #tpu.memory_space<vmem>>, vector<128x128xf32>
    %dot_general3A_95 = arith.constant dense<0.000000e+00> : vector<16x128xf32>
    %dot_general3A_96 = tpu.matmul %add3A_62, %get3A_94, %dot_general3A_95 {dimension_numbers = #tpu.dot_dimension_numbers<[1], [0], [0], [1], [0, 0, 1, 1], [], []>, precision = #tpu.contract_precision<fp32>, transpose_lhs_hint = false} : vector<16x128xf32>, vector<128x128xf32>, vector<16x128xf32> -> vector<16x128xf32>
    %get3A_97 = arith.constant 0 : index
    %get3A_98 = arith.constant 0 : index
    %get3A_99 = vector.load %arg15[%get3A_97, %get3A_98] : memref<1x128xf32, #tpu.memory_space<vmem>>, vector<1x128xf32>
    %add3A_100 = vector.broadcast %get3A_99 : vector<1x128xf32> to vector<16x128xf32>
    %add3A_101 = arith.addf %dot_general3A_96, %add3A_100 : vector<16x128xf32>
    %logistic3A_102 = arith.negf %add3A_101 : vector<16x128xf32>
    %logistic3A_103 = math.exp %logistic3A_102 : vector<16x128xf32>
    %logistic3A_104 = arith.constant 1.000000e+00 : f32
    %logistic3A_105 = vector.broadcast %logistic3A_104 : f32 to vector<16x128xf32>
    %logistic3A_106 = arith.addf %logistic3A_105, %logistic3A_103 : vector<16x128xf32>
    %logistic3A_107 = arith.divf %logistic3A_105, %logistic3A_106 : vector<16x128xf32>
    %mul3A_108 = arith.mulf %add3A_101, %logistic3A_107 : vector<16x128xf32>
    %get3A_109 = arith.constant 0 : index
    %get3A_110 = arith.constant 0 : index
    %get3A_111 = vector.load %arg16[%get3A_109, %get3A_110] : memref<128x128xf32, #tpu.memory_space<vmem>>, vector<128x128xf32>
    %dot_general3A_112 = arith.constant dense<0.000000e+00> : vector<16x128xf32>
    %dot_general3A_113 = tpu.matmul %mul3A_108, %get3A_111, %dot_general3A_112 {dimension_numbers = #tpu.dot_dimension_numbers<[1], [0], [0], [1], [0, 0, 1, 1], [], []>, precision = #tpu.contract_precision<fp32>, transpose_lhs_hint = false} : vector<16x128xf32>, vector<128x128xf32>, vector<16x128xf32> -> vector<16x128xf32>
    %get3A_114 = arith.constant 0 : index
    %get3A_115 = arith.constant 0 : index
    %get3A_116 = vector.load %arg17[%get3A_114, %get3A_115] : memref<1x128xf32, #tpu.memory_space<vmem>>, vector<1x128xf32>
    %add3A_117 = vector.broadcast %get3A_116 : vector<1x128xf32> to vector<16x128xf32>
    %add3A_118 = arith.addf %dot_general3A_113, %add3A_117 : vector<16x128xf32>
    %swap3A_119 = arith.constant 0 : index
    %swap3A_120 = arith.constant 0 : index
    %swap3A_121 = vector.load %arg19[%swap3A_119, %swap3A_120] : memref<16x128xf32, #tpu.memory_space<vmem>>, vector<16x128xf32>
    tpu.vector_store %arg19[%swap3A_119, %swap3A_120], %add3A_118 {strides = array<i32>} : memref<16x128xf32, #tpu.memory_space<vmem>>, vector<16x128xf32>,
    return
  }
}

module attributes {stable_mosaic.version = 14 : i64} {
  func.func @_embed_body(%arg0: i32, %arg1: memref<1000x1xi32, #tpu.memory_space<vmem>>, %arg2: memref<1000x1xi32, #tpu.memory_space<vmem>>, %arg3: memref<100x128xf32, #tpu.memory_space<vmem>>, %arg4: memref<16x128xf32, #tpu.memory_space<vmem>>, %arg5: memref<128x128xf32, #tpu.memory_space<vmem>>, %arg6: memref<1x128xf32, #tpu.memory_space<vmem>>, %arg7: memref<128x128xf32, #tpu.memory_space<vmem>>, %arg8: memref<1000x128xf32, #tpu.memory_space<vmem>>, %arg9: memref<1000x128xf32, #tpu.memory_space<vmem>>, %arg10: memref<1000x128xf32, #tpu.memory_space<vmem>>) attributes {dimension_semantics = [#tpu.dimension_semantics<arbitrary>], iteration_bounds = array<i64: 10>, scalar_prefetch = 0 : i64, scratch_operands = 0 : i64, tpu.core_type = #tpu.core_type<tc>, window_params = [{transform_indices = @transform_0, window_bounds = array<i64: 1000, 1>}, {transform_indices = @transform_1, window_bounds = array<i64: 1000, 1>}, {pipeline_mode = #tpu.pipeline_mode<synchronous>, transform_indices = @transform_2, window_bounds = array<i64: 100, 128>}, {pipeline_mode = #tpu.pipeline_mode<synchronous>, transform_indices = @transform_3, window_bounds = array<i64: 16, 128>}, {pipeline_mode = #tpu.pipeline_mode<synchronous>, transform_indices = @transform_4, window_bounds = array<i64: 128, 128>}, {pipeline_mode = #tpu.pipeline_mode<synchronous>, transform_indices = @transform_5, window_bounds = array<i64: 1, 128>}, {pipeline_mode = #tpu.pipeline_mode<synchronous>, transform_indices = @transform_6, window_bounds = array<i64: 128, 128>}, {transform_indices = @transform_7, window_bounds = array<i64: 1000, 128>}, {transform_indices = @transform_8, window_bounds = array<i64: 1000, 128>}, {transform_indices = @transform_9, window_bounds = array<i64: 1000, 128>}]} {
    %get3A = arith.constant 0 : index
    %get3A_0 = arith.constant 0 : index
    %get3A_1 = vector.load %arg1[%get3A, %get3A_0] : memref<1000x1xi32, #tpu.memory_space<vmem>>, vector<1000x1xi32>
    %iota3A = tpu.iota {dimensions = array<i32: 1>} : vector<1000x100xi32>
    %eq3A = vector.broadcast %get3A_1 : vector<1000x1xi32> to vector<1000x100xi32>
    %eq3A_2 = arith.cmpi eq, %eq3A, %iota3A : vector<1000x100xi32>
    %convert_element_type3A = arith.extui %eq3A_2 : vector<1000x100xi1> to vector<1000x100xi32>
    %convert_element_type3A_3 = arith.sitofp %convert_element_type3A : vector<1000x100xi32> to vector<1000x100xf32>
    %get3A_4 = arith.constant 0 : index
    %get3A_5 = arith.constant 0 : index
    %get3A_6 = vector.load %arg3[%get3A_4, %get3A_5] : memref<100x128xf32, #tpu.memory_space<vmem>>, vector<100x128xf32>
    %dot_general3A = arith.constant dense<0.000000e+00> : vector<1000x128xf32>
    %dot_general3A_7 = tpu.matmul %convert_element_type3A_3, %get3A_6, %dot_general3A {dimension_numbers = #tpu.dot_dimension_numbers<[1], [0], [0], [1], [0, 0, 1, 1], [], []>, precision = #tpu.contract_precision<fp32>, transpose_lhs_hint = false} : vector<1000x100xf32>, vector<100x128xf32>, vector<1000x128xf32> -> vector<1000x128xf32>
    %get3A_8 = arith.constant 0 : index
    %get3A_9 = arith.constant 0 : index
    %get3A_10 = vector.load %arg2[%get3A_8, %get3A_9] : memref<1000x1xi32, #tpu.memory_space<vmem>>, vector<1000x1xi32>
    %iota3A_11 = tpu.iota {dimensions = array<i32: 1>} : vector<1000x16xi32>
    %eq3A_12 = vector.broadcast %get3A_10 : vector<1000x1xi32> to vector<1000x16xi32>
    %eq3A_13 = arith.cmpi eq, %eq3A_12, %iota3A_11 : vector<1000x16xi32>
    %convert_element_type3A_14 = arith.extui %eq3A_13 : vector<1000x16xi1> to vector<1000x16xi32>
    %convert_element_type3A_15 = arith.sitofp %convert_element_type3A_14 : vector<1000x16xi32> to vector<1000x16xf32>
    %get3A_16 = arith.constant 0 : index
    %get3A_17 = arith.constant 0 : index
    %get3A_18 = vector.load %arg4[%get3A_16, %get3A_17] : memref<16x128xf32, #tpu.memory_space<vmem>>, vector<16x128xf32>
    %dot_general3A_19 = arith.constant dense<0.000000e+00> : vector<1000x128xf32>
    %dot_general3A_20 = tpu.matmul %convert_element_type3A_15, %get3A_18, %dot_general3A_19 {dimension_numbers = #tpu.dot_dimension_numbers<[1], [0], [0], [1], [0, 0, 1, 1], [], []>, precision = #tpu.contract_precision<fp32>, transpose_lhs_hint = false} : vector<1000x16xf32>, vector<16x128xf32>, vector<1000x128xf32> -> vector<1000x128xf32>
    %add3A = arith.addf %dot_general3A_7, %dot_general3A_20 : vector<1000x128xf32>
    %swap3A = arith.constant 0 : index
    %swap3A_21 = arith.constant 0 : index
    %swap3A_22 = vector.load %arg8[%swap3A, %swap3A_21] : memref<1000x128xf32, #tpu.memory_space<vmem>>, vector<1000x128xf32>
    tpu.vector_store %arg8[%swap3A, %swap3A_21], %add3A {strides = array<i32>} : memref<1000x128xf32, #tpu.memory_space<vmem>>, vector<1000x128xf32>,
    %get3A_23 = arith.constant 0 : index
    %get3A_24 = arith.constant 0 : index
    %get3A_25 = vector.load %arg5[%get3A_23, %get3A_24] : memref<128x128xf32, #tpu.memory_space<vmem>>, vector<128x128xf32>
    %dot_general3A_26 = arith.constant dense<0.000000e+00> : vector<1000x128xf32>
    %dot_general3A_27 = tpu.matmul %add3A, %get3A_25, %dot_general3A_26 {dimension_numbers = #tpu.dot_dimension_numbers<[1], [0], [0], [1], [0, 0, 1, 1], [], []>, precision = #tpu.contract_precision<fp32>, transpose_lhs_hint = false} : vector<1000x128xf32>, vector<128x128xf32>, vector<1000x128xf32> -> vector<1000x128xf32>
    %get3A_28 = arith.constant 0 : index
    %get3A_29 = arith.constant 0 : index
    %get3A_30 = vector.load %arg6[%get3A_28, %get3A_29] : memref<1x128xf32, #tpu.memory_space<vmem>>, vector<1x128xf32>
    %add3A_31 = vector.broadcast %get3A_30 : vector<1x128xf32> to vector<1000x128xf32>
    %add3A_32 = arith.addf %dot_general3A_27, %add3A_31 : vector<1000x128xf32>
    %swap3A_33 = arith.constant 0 : index
    %swap3A_34 = arith.constant 0 : index
    %swap3A_35 = vector.load %arg9[%swap3A_33, %swap3A_34] : memref<1000x128xf32, #tpu.memory_space<vmem>>, vector<1000x128xf32>
    tpu.vector_store %arg9[%swap3A_33, %swap3A_34], %add3A_32 {strides = array<i32>} : memref<1000x128xf32, #tpu.memory_space<vmem>>, vector<1000x128xf32>,
    %get3A_36 = arith.constant 0 : index
    %get3A_37 = arith.constant 0 : index
    %get3A_38 = vector.load %arg7[%get3A_36, %get3A_37] : memref<128x128xf32, #tpu.memory_space<vmem>>, vector<128x128xf32>
    %dot_general3A_39 = arith.constant dense<0.000000e+00> : vector<1000x128xf32>
    %dot_general3A_40 = tpu.matmul %add3A, %get3A_38, %dot_general3A_39 {dimension_numbers = #tpu.dot_dimension_numbers<[1], [0], [0], [1], [0, 0, 1, 1], [], []>, precision = #tpu.contract_precision<fp32>, transpose_lhs_hint = false} : vector<1000x128xf32>, vector<128x128xf32>, vector<1000x128xf32> -> vector<1000x128xf32>
    %swap3A_41 = arith.constant 0 : index
    %swap3A_42 = arith.constant 0 : index
    %swap3A_43 = vector.load %arg10[%swap3A_41, %swap3A_42] : memref<1000x128xf32, #tpu.memory_space<vmem>>, vector<1000x128xf32>
    tpu.vector_store %arg10[%swap3A_41, %swap3A_42], %dot_general3A_40 {strides = array<i32>} : memref<1000x128xf32, #tpu.memory_space<vmem>>, vector<1000x128xf32>,
    return
  }
  func.func @transform_0(%arg0: i32) -> (i32, i32) {
    %c0_i32 = arith.constant 0 : i32
    %c0_i32_0 = arith.constant 0 : i32
    return %arg0, %c0_i32 : i32, i32
  }
  func.func @transform_1(%arg0: i32) -> (i32, i32) {
    %c0_i32 = arith.constant 0 : i32
    %c0_i32_0 = arith.constant 0 : i32
    return %arg0, %c0_i32 : i32, i32
  }
  func.func @transform_2(%arg0: i32) -> (i32, i32) {
    %c0_i32 = arith.constant 0 : i32
    %c0_i32_0 = arith.constant 0 : i32
    %c0_i32_1 = arith.constant 0 : i32
    return %c0_i32, %c0_i32_0 : i32, i32
  }
  func.func @transform_3(%arg0: i32) -> (i32, i32) {
    %c0_i32 = arith.constant 0 : i32
    %c0_i32_0 = arith.constant 0 : i32
    %c0_i32_1 = arith.constant 0 : i32
    return %c0_i32, %c0_i32_0 : i32, i32
  }
  func.func @transform_4(%arg0: i32) -> (i32, i32) {
    %c0_i32 = arith.constant 0 : i32
    %c0_i32_0 = arith.constant 0 : i32
    %c0_i32_1 = arith.constant 0 : i32
    return %c0_i32, %c0_i32_0 : i32, i32
  }
  func.func @transform_5(%arg0: i32) -> (i32, i32) {
    %c0_i32 = arith.constant 0 : i32
    %c0_i32_0 = arith.constant 0 : i32
    %c0_i32_1 = arith.constant 0 : i32
    return %c0_i32, %c0_i32_0 : i32, i32
  }
  func.func @transform_6(%arg0: i32) -> (i32, i32) {
    %c0_i32 = arith.constant 0 : i32
    %c0_i32_0 = arith.constant 0 : i32
    %c0_i32_1 = arith.constant 0 : i32
    return %c0_i32, %c0_i32_0 : i32, i32
  }
  func.func @transform_7(%arg0: i32) -> (i32, i32) {
    %c0_i32 = arith.constant 0 : i32
    %c0_i32_0 = arith.constant 0 : i32
    return %arg0, %c0_i32 : i32, i32
  }
  func.func @transform_8(%arg0: i32) -> (i32, i32) {
    %c0_i32 = arith.constant 0 : i32
    %c0_i32_0 = arith.constant 0 : i32
    return %arg0, %c0_i32 : i32, i32
  }
  func.func @transform_9(%arg0: i32) -> (i32, i32) {
    %c0_i32 = arith.constant 0 : i32
    %c0_i32_0 = arith.constant 0 : i32
    return %arg0, %c0_i32 : i32, i32
  }
}

module attributes {stable_mosaic.version = 14 : i64} {
  func.func @body(%arg0: i32, %arg1: memref<1000x128xf32, #tpu.memory_space<vmem>>, %arg2: memref<1000x128xf32, #tpu.memory_space<vmem>>, %arg3: memref<1000x128xf32, #tpu.memory_space<vmem>>, %arg4: memref<1000x1xf32, #tpu.memory_space<vmem>>, %arg5: memref<1000x1xf32, #tpu.memory_space<vmem>>, %arg6: memref<128x128xf32, #tpu.memory_space<vmem>>, %arg7: memref<1x128xf32, #tpu.memory_space<vmem>>, %arg8: memref<128x128xf32, #tpu.memory_space<vmem>>, %arg9: memref<1x128xf32, #tpu.memory_space<vmem>>, %arg10: memref<128x128xf32, #tpu.memory_space<vmem>>, %arg11: memref<1x128xf32, #tpu.memory_space<vmem>>, %arg12: memref<1x128xf32, #tpu.memory_space<vmem>>, %arg13: memref<1x128xf32, #tpu.memory_space<vmem>>, %arg14: memref<128x128xf32, #tpu.memory_space<vmem>>, %arg15: memref<1x128xf32, #tpu.memory_space<vmem>>, %arg16: memref<128x128xf32, #tpu.memory_space<vmem>>, %arg17: memref<1000x128xf32, #tpu.memory_space<vmem>>, %arg18: memref<1000x128xf32, #tpu.memory_space<vmem>>, %arg19: memref<1000x128xf32, #tpu.memory_space<vmem>>) attributes {dimension_semantics = [#tpu.dimension_semantics<arbitrary>], iteration_bounds = array<i64: 10>, scalar_prefetch = 0 : i64, scratch_operands = 0 : i64, tpu.core_type = #tpu.core_type<tc>, window_params = [{transform_indices = @transform_0, window_bounds = array<i64: 1000, 128>}, {transform_indices = @transform_1, window_bounds = array<i64: 1000, 128>}, {transform_indices = @transform_2, window_bounds = array<i64: 1000, 128>}, {transform_indices = @transform_3, window_bounds = array<i64: 1000, 1>}, {transform_indices = @transform_4, window_bounds = array<i64: 1000, 1>}, {pipeline_mode = #tpu.pipeline_mode<synchronous>, transform_indices = @transform_5, window_bounds = array<i64: 128, 128>}, {pipeline_mode = #tpu.pipeline_mode<synchronous>, transform_indices = @transform_6, window_bounds = array<i64: 1, 128>}, {pipeline_mode = #tpu.pipeline_mode<synchronous>, transform_indices = @transform_7, window_bounds = array<i64: 128, 128>}, {pipeline_mode = #tpu.pipeline_mode<synchronous>, transform_indices = @transform_8, window_bounds = array<i64: 1, 128>}, {pipeline_mode = #tpu.pipeline_mode<synchronous>, transform_indices = @transform_9, window_bounds = array<i64: 128, 128>}, {pipeline_mode = #tpu.pipeline_mode<synchronous>, transform_indices = @transform_10, window_bounds = array<i64: 1, 128>}, {pipeline_mode = #tpu.pipeline_mode<synchronous>, transform_indices = @transform_11, window_bounds = array<i64: 1, 128>}, {pipeline_mode = #tpu.pipeline_mode<synchronous>, transform_indices = @transform_12, window_bounds = array<i64: 1, 128>}, {pipeline_mode = #tpu.pipeline_mode<synchronous>, transform_indices = @transform_13, window_bounds = array<i64: 128, 128>}, {pipeline_mode = #tpu.pipeline_mode<synchronous>, transform_indices = @transform_14, window_bounds = array<i64: 1, 128>}, {pipeline_mode = #tpu.pipeline_mode<synchronous>, transform_indices = @transform_15, window_bounds = array<i64: 128, 128>}, {transform_indices = @transform_16, window_bounds = array<i64: 1000, 128>}, {transform_indices = @transform_17, window_bounds = array<i64: 1000, 128>}, {transform_indices = @transform_18, window_bounds = array<i64: 1000, 128>}]} {
    %get3A = arith.constant 0 : index
    %get3A_0 = arith.constant 0 : index
    %get3A_1 = vector.load %arg1[%get3A, %get3A_0] : memref<1000x128xf32, #tpu.memory_space<vmem>>, vector<1000x128xf32>
    %get3A_2 = arith.constant 0 : index
    %get3A_3 = arith.constant 0 : index
    %get3A_4 = vector.load %arg2[%get3A_2, %get3A_3] : memref<1000x128xf32, #tpu.memory_space<vmem>>, vector<1000x128xf32>
    %get3A_5 = arith.constant 0 : index
    %get3A_6 = arith.constant 0 : index
    %get3A_7 = vector.load %arg3[%get3A_5, %get3A_6] : memref<1000x128xf32, #tpu.memory_space<vmem>>, vector<1000x128xf32>
    %add3A = arith.addf %get3A_4, %get3A_7 : vector<1000x128xf32>
    %get3A_8 = arith.constant 0 : index
    %get3A_9 = arith.constant 0 : index
    %get3A_10 = vector.load %arg6[%get3A_8, %get3A_9] : memref<128x128xf32, #tpu.memory_space<vmem>>, vector<128x128xf32>
    %dot_general3A = arith.constant dense<0.000000e+00> : vector<1000x128xf32>
    %dot_general3A_11 = tpu.matmul %add3A, %get3A_10, %dot_general3A {dimension_numbers = #tpu.dot_dimension_numbers<[1], [0], [0], [1], [0, 0, 1, 1], [], []>, precision = #tpu.contract_precision<fp32>, transpose_lhs_hint = false} : vector<1000x128xf32>, vector<128x128xf32>, vector<1000x128xf32> -> vector<1000x128xf32>
    %get3A_12 = arith.constant 0 : index
    %get3A_13 = arith.constant 0 : index
    %get3A_14 = vector.load %arg4[%get3A_12, %get3A_13] : memref<1000x1xf32, #tpu.memory_space<vmem>>, vector<1000x1xf32>
    %mul3A = vector.broadcast %get3A_14 : vector<1000x1xf32> to vector<1000x128xf32>
    %mul3A_15 = arith.mulf %dot_general3A_11, %mul3A : vector<1000x128xf32>
    %get3A_16 = arith.constant 0 : index
    %get3A_17 = arith.constant 0 : index
    %get3A_18 = vector.load %arg5[%get3A_16, %get3A_17] : memref<1000x1xf32, #tpu.memory_space<vmem>>, vector<1000x1xf32>
    %get3A_19 = arith.constant 0 : index
    %get3A_20 = arith.constant 0 : index
    %get3A_21 = vector.load %arg7[%get3A_19, %get3A_20] : memref<1x128xf32, #tpu.memory_space<vmem>>, vector<1x128xf32>
    %mul3A_22 = vector.broadcast %get3A_18 : vector<1000x1xf32> to vector<1000x128xf32>
    %mul3A_23 = vector.broadcast %get3A_21 : vector<1x128xf32> to vector<1000x128xf32>
    %mul3A_24 = arith.mulf %mul3A_22, %mul3A_23 : vector<1000x128xf32>
    %add3A_25 = arith.addf %mul3A_15, %mul3A_24 : vector<1000x128xf32>
    %get3A_26 = arith.constant 0 : index
    %get3A_27 = arith.constant 0 : index
    %get3A_28 = vector.load %arg8[%get3A_26, %get3A_27] : memref<128x128xf32, #tpu.memory_space<vmem>>, vector<128x128xf32>
    %dot_general3A_29 = arith.constant dense<0.000000e+00> : vector<1000x128xf32>
    %dot_general3A_30 = tpu.matmul %get3A_1, %get3A_28, %dot_general3A_29 {dimension_numbers = #tpu.dot_dimension_numbers<[1], [0], [0], [1], [0, 0, 1, 1], [], []>, precision = #tpu.contract_precision<fp32>, transpose_lhs_hint = false} : vector<1000x128xf32>, vector<128x128xf32>, vector<1000x128xf32> -> vector<1000x128xf32>
    %get3A_31 = arith.constant 0 : index
    %get3A_32 = arith.constant 0 : index
    %get3A_33 = vector.load %arg9[%get3A_31, %get3A_32] : memref<1x128xf32, #tpu.memory_space<vmem>>, vector<1x128xf32>
    %add3A_34 = vector.broadcast %get3A_33 : vector<1x128xf32> to vector<1000x128xf32>
    %add3A_35 = arith.addf %dot_general3A_30, %add3A_34 : vector<1000x128xf32>
    %logistic3A = arith.negf %add3A_35 : vector<1000x128xf32>
    %logistic3A_36 = math.exp %logistic3A : vector<1000x128xf32>
    %logistic3A_37 = arith.constant 1.000000e+00 : f32
    %logistic3A_38 = vector.broadcast %logistic3A_37 : f32 to vector<1000x128xf32>
    %logistic3A_39 = arith.addf %logistic3A_38, %logistic3A_36 : vector<1000x128xf32>
    %logistic3A_40 = arith.divf %logistic3A_38, %logistic3A_39 : vector<1000x128xf32>
    %mul3A_41 = arith.mulf %add3A_35, %logistic3A_40 : vector<1000x128xf32>
    %get3A_42 = arith.constant 0 : index
    %get3A_43 = arith.constant 0 : index
    %get3A_44 = vector.load %arg10[%get3A_42, %get3A_43] : memref<128x128xf32, #tpu.memory_space<vmem>>, vector<128x128xf32>
    %dot_general3A_45 = arith.constant dense<0.000000e+00> : vector<1000x128xf32>
    %dot_general3A_46 = tpu.matmul %mul3A_41, %get3A_44, %dot_general3A_45 {dimension_numbers = #tpu.dot_dimension_numbers<[1], [0], [0], [1], [0, 0, 1, 1], [], []>, precision = #tpu.contract_precision<fp32>, transpose_lhs_hint = false} : vector<1000x128xf32>, vector<128x128xf32>, vector<1000x128xf32> -> vector<1000x128xf32>
    %get3A_47 = arith.constant 0 : index
    %get3A_48 = arith.constant 0 : index
    %get3A_49 = vector.load %arg11[%get3A_47, %get3A_48] : memref<1x128xf32, #tpu.memory_space<vmem>>, vector<1x128xf32>
    %add3A_50 = vector.broadcast %get3A_49 : vector<1x128xf32> to vector<1000x128xf32>
    %add3A_51 = arith.addf %dot_general3A_46, %add3A_50 : vector<1000x128xf32>
    %add3A_52 = arith.addf %get3A_1, %add3A_51 : vector<1000x128xf32>
    %add3A_53 = arith.addf %add3A_52, %add3A_25 : vector<1000x128xf32>
    %reduce_sum3A = arith.constant dense<0.000000e+00> : vector<1000xf32>
    %reduce_sum3A_54 = vector.multi_reduction <add>, %add3A_53, %reduce_sum3A [1] : vector<1000x128xf32> to vector<1000xf32>
    %broadcast_in_dim3A = vector.shape_cast %reduce_sum3A_54 : vector<1000xf32> to vector<1000x1xf32>
    %div3A = arith.constant 1.280000e+02 : f32
    %div3A_55 = vector.broadcast %div3A : f32 to vector<1000x1xf32>
    %div3A_56 = arith.divf %broadcast_in_dim3A, %div3A_55 : vector<1000x1xf32>
    %sub3A = vector.broadcast %div3A_56 : vector<1000x1xf32> to vector<1000x128xf32>
    %sub3A_57 = arith.subf %add3A_53, %sub3A : vector<1000x128xf32>
    %integer_pow3A = arith.mulf %sub3A_57, %sub3A_57 : vector<1000x128xf32>
    %reduce_sum3A_58 = arith.constant dense<0.000000e+00> : vector<1000xf32>
    %reduce_sum3A_59 = vector.multi_reduction <add>, %integer_pow3A, %reduce_sum3A_58 [1] : vector<1000x128xf32> to vector<1000xf32>
    %broadcast_in_dim3A_60 = vector.shape_cast %reduce_sum3A_59 : vector<1000xf32> to vector<1000x1xf32>
    %div3A_61 = arith.constant 1.280000e+02 : f32
    %div3A_62 = vector.broadcast %div3A_61 : f32 to vector<1000x1xf32>
    %div3A_63 = arith.divf %broadcast_in_dim3A_60, %div3A_62 : vector<1000x1xf32>
    %sub3A_64 = vector.broadcast %div3A_56 : vector<1000x1xf32> to vector<1000x128xf32>
    %sub3A_65 = arith.subf %add3A_53, %sub3A_64 : vector<1000x128xf32>
    %add3A_66 = arith.constant 9.99999974E-6 : f32
    %add3A_67 = vector.broadcast %add3A_66 : f32 to vector<1000x1xf32>
    %add3A_68 = arith.addf %div3A_63, %add3A_67 : vector<1000x1xf32>
    %sqrt3A = math.sqrt %add3A_68 : vector<1000x1xf32>
    %div3A_69 = vector.broadcast %sqrt3A : vector<1000x1xf32> to vector<1000x128xf32>
    %div3A_70 = arith.divf %sub3A_65, %div3A_69 : vector<1000x128xf32>
    %get3A_71 = arith.constant 0 : index
    %get3A_72 = arith.constant 0 : index
    %get3A_73 = vector.load %arg12[%get3A_71, %get3A_72] : memref<1x128xf32, #tpu.memory_space<vmem>>, vector<1x128xf32>
    %mul3A_74 = vector.broadcast %get3A_73 : vector<1x128xf32> to vector<1000x128xf32>
    %mul3A_75 = arith.mulf %div3A_70, %mul3A_74 : vector<1000x128xf32>
    %get3A_76 = arith.constant 0 : index
    %get3A_77 = arith.constant 0 : index
    %get3A_78 = vector.load %arg13[%get3A_76, %get3A_77] : memref<1x128xf32, #tpu.memory_space<vmem>>, vector<1x128xf32>
    %add3A_79 = vector.broadcast %get3A_78 : vector<1x128xf32> to vector<1000x128xf32>
    %add3A_80 = arith.addf %mul3A_75, %add3A_79 : vector<1000x128xf32>
    %swap3A = arith.constant 0 : index
    %swap3A_81 = arith.constant 0 : index
    %swap3A_82 = vector.load %arg17[%swap3A, %swap3A_81] : memref<1000x128xf32, #tpu.memory_space<vmem>>, vector<1000x128xf32>
    tpu.vector_store %arg17[%swap3A, %swap3A_81], %add3A_80 {strides = array<i32>} : memref<1000x128xf32, #tpu.memory_space<vmem>>, vector<1000x128xf32>,
    %get3A_83 = arith.constant 0 : index
    %get3A_84 = arith.constant 0 : index
    %get3A_85 = vector.load %arg14[%get3A_83, %get3A_84] : memref<128x128xf32, #tpu.memory_space<vmem>>, vector<128x128xf32>
    %dot_general3A_86 = arith.constant dense<0.000000e+00> : vector<1000x128xf32>
    %dot_general3A_87 = tpu.matmul %add3A_80, %get3A_85, %dot_general3A_86 {dimension_numbers = #tpu.dot_dimension_numbers<[1], [0], [0], [1], [0, 0, 1, 1], [], []>, precision = #tpu.contract_precision<fp32>, transpose_lhs_hint = false} : vector<1000x128xf32>, vector<128x128xf32>, vector<1000x128xf32> -> vector<1000x128xf32>
    %get3A_88 = arith.constant 0 : index
    %get3A_89 = arith.constant 0 : index
    %get3A_90 = vector.load %arg15[%get3A_88, %get3A_89] : memref<1x128xf32, #tpu.memory_space<vmem>>, vector<1x128xf32>
    %add3A_91 = vector.broadcast %get3A_90 : vector<1x128xf32> to vector<1000x128xf32>
    %add3A_92 = arith.addf %dot_general3A_87, %add3A_91 : vector<1000x128xf32>
    %swap3A_93 = arith.constant 0 : index
    %swap3A_94 = arith.constant 0 : index
    %swap3A_95 = vector.load %arg18[%swap3A_93, %swap3A_94] : memref<1000x128xf32, #tpu.memory_space<vmem>>, vector<1000x128xf32>
    tpu.vector_store %arg18[%swap3A_93, %swap3A_94], %add3A_92 {strides = array<i32>} : memref<1000x128xf32, #tpu.memory_space<vmem>>, vector<1000x128xf32>,
    %get3A_96 = arith.constant 0 : index
    %get3A_97 = arith.constant 0 : index
    %get3A_98 = vector.load %arg16[%get3A_96, %get3A_97] : memref<128x128xf32, #tpu.memory_space<vmem>>, vector<128x128xf32>
    %dot_general3A_99 = arith.constant dense<0.000000e+00> : vector<1000x128xf32>
    %dot_general3A_100 = tpu.matmul %add3A_80, %get3A_98, %dot_general3A_99 {dimension_numbers = #tpu.dot_dimension_numbers<[1], [0], [0], [1], [0, 0, 1, 1], [], []>, precision = #tpu.contract_precision<fp32>, transpose_lhs_hint = false} : vector<1000x128xf32>, vector<128x128xf32>, vector<1000x128xf32> -> vector<1000x128xf32>
    %swap3A_101 = arith.constant 0 : index
    %swap3A_102 = arith.constant 0 : index
    %swap3A_103 = vector.load %arg19[%swap3A_101, %swap3A_102] : memref<1000x128xf32, #tpu.memory_space<vmem>>, vector<1000x128xf32>
    tpu.vector_store %arg19[%swap3A_101, %swap3A_102], %dot_general3A_100 {strides = array<i32>} : memref<1000x128xf32, #tpu.memory_space<vmem>>, vector<1000x128xf32>,
    return
  }
  func.func @transform_0(%arg0: i32) -> (i32, i32) {
    %c0_i32 = arith.constant 0 : i32
    %c0_i32_0 = arith.constant 0 : i32
    return %arg0, %c0_i32 : i32, i32
  }
  func.func @transform_1(%arg0: i32) -> (i32, i32) {
    %c0_i32 = arith.constant 0 : i32
    %c0_i32_0 = arith.constant 0 : i32
    return %arg0, %c0_i32 : i32, i32
  }
  func.func @transform_2(%arg0: i32) -> (i32, i32) {
    %c0_i32 = arith.constant 0 : i32
    %c0_i32_0 = arith.constant 0 : i32
    return %arg0, %c0_i32 : i32, i32
  }
  func.func @transform_3(%arg0: i32) -> (i32, i32) {
    %c0_i32 = arith.constant 0 : i32
    %c0_i32_0 = arith.constant 0 : i32
    return %arg0, %c0_i32 : i32, i32
  }
  func.func @transform_4(%arg0: i32) -> (i32, i32) {
    %c0_i32 = arith.constant 0 : i32
    %c0_i32_0 = arith.constant 0 : i32
    return %arg0, %c0_i32 : i32, i32
  }
  func.func @transform_5(%arg0: i32) -> (i32, i32) {
    %c0_i32 = arith.constant 0 : i32
    %c0_i32_0 = arith.constant 0 : i32
    %c0_i32_1 = arith.constant 0 : i32
    return %c0_i32, %c0_i32_0 : i32, i32
  }
  func.func @transform_6(%arg0: i32) -> (i32, i32) {
    %c0_i32 = arith.constant 0 : i32
    %c0_i32_0 = arith.constant 0 : i32
    %c0_i32_1 = arith.constant 0 : i32
    return %c0_i32, %c0_i32_0 : i32, i32
  }
  func.func @transform_7(%arg0: i32) -> (i32, i32) {
    %c0_i32 = arith.constant 0 : i32
    %c0_i32_0 = arith.constant 0 : i32
    %c0_i32_1 = arith.constant 0 : i32
    return %c0_i32, %c0_i32_0 : i32, i32
  }
  func.func @transform_8(%arg0: i32) -> (i32, i32) {
    %c0_i32 = arith.constant 0 : i32
    %c0_i32_0 = arith.constant 0 : i32
    %c0_i32_1 = arith.constant 0 : i32
    return %c0_i32, %c0_i32_0 : i32, i32
  }
  func.func @transform_9(%arg0: i32) -> (i32, i32) {
    %c0_i32 = arith.constant 0 : i32
    %c0_i32_0 = arith.constant 0 : i32
    %c0_i32_1 = arith.constant 0 : i32
    return %c0_i32, %c0_i32_0 : i32, i32
  }
  func.func @transform_10(%arg0: i32) -> (i32, i32) {
    %c0_i32 = arith.constant 0 : i32
    %c0_i32_0 = arith.constant 0 : i32
    %c0_i32_1 = arith.constant 0 : i32
    return %c0_i32, %c0_i32_0 : i32, i32
  }
  func.func @transform_11(%arg0: i32) -> (i32, i32) {
    %c0_i32 = arith.constant 0 : i32
    %c0_i32_0 = arith.constant 0 : i32
    %c0_i32_1 = arith.constant 0 : i32
    return %c0_i32, %c0_i32_0 : i32, i32
  }
  func.func @transform_12(%arg0: i32) -> (i32, i32) {
    %c0_i32 = arith.constant 0 : i32
    %c0_i32_0 = arith.constant 0 : i32
    %c0_i32_1 = arith.constant 0 : i32
    return %c0_i32, %c0_i32_0 : i32, i32
  }
  func.func @transform_13(%arg0: i32) -> (i32, i32) {
    %c0_i32 = arith.constant 0 : i32
    %c0_i32_0 = arith.constant 0 : i32
    %c0_i32_1 = arith.constant 0 : i32
    return %c0_i32, %c0_i32_0 : i32, i32
  }
  func.func @transform_14(%arg0: i32) -> (i32, i32) {
    %c0_i32 = arith.constant 0 : i32
    %c0_i32_0 = arith.constant 0 : i32
    %c0_i32_1 = arith.constant 0 : i32
    return %c0_i32, %c0_i32_0 : i32, i32
  }
  func.func @transform_15(%arg0: i32) -> (i32, i32) {
    %c0_i32 = arith.constant 0 : i32
    %c0_i32_0 = arith.constant 0 : i32
    %c0_i32_1 = arith.constant 0 : i32
    return %c0_i32, %c0_i32_0 : i32, i32
  }
  func.func @transform_16(%arg0: i32) -> (i32, i32) {
    %c0_i32 = arith.constant 0 : i32
    %c0_i32_0 = arith.constant 0 : i32
    return %arg0, %c0_i32 : i32, i32
  }
  func.func @transform_17(%arg0: i32) -> (i32, i32) {
    %c0_i32 = arith.constant 0 : i32
    %c0_i32_0 = arith.constant 0 : i32
    return %arg0, %c0_i32 : i32, i32
  }
  func.func @transform_18(%arg0: i32) -> (i32, i32) {
    %c0_i32 = arith.constant 0 : i32
    %c0_i32_0 = arith.constant 0 : i32
    return %arg0, %c0_i32 : i32, i32
  }
}

module attributes {stable_mosaic.version = 14 : i64} {
  func.func @body(%arg0: i32, %arg1: memref<1000x128xf32, #tpu.memory_space<vmem>>, %arg2: memref<1000x128xf32, #tpu.memory_space<vmem>>, %arg3: memref<1000x128xf32, #tpu.memory_space<vmem>>, %arg4: memref<1000x1xf32, #tpu.memory_space<vmem>>, %arg5: memref<1000x1xf32, #tpu.memory_space<vmem>>, %arg6: memref<128x128xf32, #tpu.memory_space<vmem>>, %arg7: memref<1x128xf32, #tpu.memory_space<vmem>>, %arg8: memref<128x128xf32, #tpu.memory_space<vmem>>, %arg9: memref<1x128xf32, #tpu.memory_space<vmem>>, %arg10: memref<128x128xf32, #tpu.memory_space<vmem>>, %arg11: memref<1x128xf32, #tpu.memory_space<vmem>>, %arg12: memref<1x128xf32, #tpu.memory_space<vmem>>, %arg13: memref<1x128xf32, #tpu.memory_space<vmem>>, %arg14: memref<16x128xf32, #tpu.memory_space<vmem>>, %arg15: memref<1000x1xi32, #tpu.memory_space<vmem>>, %arg16: memref<128x128xf32, #tpu.memory_space<vmem>>, %arg17: memref<1x128xf32, #tpu.memory_space<vmem>>, %arg18: memref<128x128xf32, #tpu.memory_space<vmem>>, %arg19: memref<1000x128xf32, #tpu.memory_space<vmem>>, %arg20: memref<1000x128xf32, #tpu.memory_space<vmem>>, %arg21: memref<1000x128xf32, #tpu.memory_space<vmem>>) attributes {dimension_semantics = [#tpu.dimension_semantics<arbitrary>], iteration_bounds = array<i64: 10>, scalar_prefetch = 0 : i64, scratch_operands = 0 : i64, tpu.core_type = #tpu.core_type<tc>, window_params = [{transform_indices = @transform_0, window_bounds = array<i64: 1000, 128>}, {transform_indices = @transform_1, window_bounds = array<i64: 1000, 128>}, {transform_indices = @transform_2, window_bounds = array<i64: 1000, 128>}, {transform_indices = @transform_3, window_bounds = array<i64: 1000, 1>}, {transform_indices = @transform_4, window_bounds = array<i64: 1000, 1>}, {pipeline_mode = #tpu.pipeline_mode<synchronous>, transform_indices = @transform_5, window_bounds = array<i64: 128, 128>}, {pipeline_mode = #tpu.pipeline_mode<synchronous>, transform_indices = @transform_6, window_bounds = array<i64: 1, 128>}, {pipeline_mode = #tpu.pipeline_mode<synchronous>, transform_indices = @transform_7, window_bounds = array<i64: 128, 128>}, {pipeline_mode = #tpu.pipeline_mode<synchronous>, transform_indices = @transform_8, window_bounds = array<i64: 1, 128>}, {pipeline_mode = #tpu.pipeline_mode<synchronous>, transform_indices = @transform_9, window_bounds = array<i64: 128, 128>}, {pipeline_mode = #tpu.pipeline_mode<synchronous>, transform_indices = @transform_10, window_bounds = array<i64: 1, 128>}, {pipeline_mode = #tpu.pipeline_mode<synchronous>, transform_indices = @transform_11, window_bounds = array<i64: 1, 128>}, {pipeline_mode = #tpu.pipeline_mode<synchronous>, transform_indices = @transform_12, window_bounds = array<i64: 1, 128>}, {pipeline_mode = #tpu.pipeline_mode<synchronous>, transform_indices = @transform_13, window_bounds = array<i64: 16, 128>}, {transform_indices = @transform_14, window_bounds = array<i64: 1000, 1>}, {pipeline_mode = #tpu.pipeline_mode<synchronous>, transform_indices = @transform_15, window_bounds = array<i64: 128, 128>}, {pipeline_mode = #tpu.pipeline_mode<synchronous>, transform_indices = @transform_16, window_bounds = array<i64: 1, 128>}, {pipeline_mode = #tpu.pipeline_mode<synchronous>, transform_indices = @transform_17, window_bounds = array<i64: 128, 128>}, {transform_indices = @transform_18, window_bounds = array<i64: 1000, 128>}, {transform_indices = @transform_19, window_bounds = array<i64: 1000, 128>}, {transform_indices = @transform_20, window_bounds = array<i64: 1000, 128>}]} {
    %get3A = arith.constant 0 : index
    %get3A_0 = arith.constant 0 : index
    %get3A_1 = vector.load %arg1[%get3A, %get3A_0] : memref<1000x128xf32, #tpu.memory_space<vmem>>, vector<1000x128xf32>
    %get3A_2 = arith.constant 0 : index
    %get3A_3 = arith.constant 0 : index
    %get3A_4 = vector.load %arg2[%get3A_2, %get3A_3] : memref<1000x128xf32, #tpu.memory_space<vmem>>, vector<1000x128xf32>
    %get3A_5 = arith.constant 0 : index
    %get3A_6 = arith.constant 0 : index
    %get3A_7 = vector.load %arg3[%get3A_5, %get3A_6] : memref<1000x128xf32, #tpu.memory_space<vmem>>, vector<1000x128xf32>
    %add3A = arith.addf %get3A_4, %get3A_7 : vector<1000x128xf32>
    %get3A_8 = arith.constant 0 : index
    %get3A_9 = arith.constant 0 : index
    %get3A_10 = vector.load %arg6[%get3A_8, %get3A_9] : memref<128x128xf32, #tpu.memory_space<vmem>>, vector<128x128xf32>
    %dot_general3A = arith.constant dense<0.000000e+00> : vector<1000x128xf32>
    %dot_general3A_11 = tpu.matmul %add3A, %get3A_10, %dot_general3A {dimension_numbers = #tpu.dot_dimension_numbers<[1], [0], [0], [1], [0, 0, 1, 1], [], []>, precision = #tpu.contract_precision<fp32>, transpose_lhs_hint = false} : vector<1000x128xf32>, vector<128x128xf32>, vector<1000x128xf32> -> vector<1000x128xf32>
    %get3A_12 = arith.constant 0 : index
    %get3A_13 = arith.constant 0 : index
    %get3A_14 = vector.load %arg4[%get3A_12, %get3A_13] : memref<1000x1xf32, #tpu.memory_space<vmem>>, vector<1000x1xf32>
    %mul3A = vector.broadcast %get3A_14 : vector<1000x1xf32> to vector<1000x128xf32>
    %mul3A_15 = arith.mulf %dot_general3A_11, %mul3A : vector<1000x128xf32>
    %get3A_16 = arith.constant 0 : index
    %get3A_17 = arith.constant 0 : index
    %get3A_18 = vector.load %arg5[%get3A_16, %get3A_17] : memref<1000x1xf32, #tpu.memory_space<vmem>>, vector<1000x1xf32>
    %get3A_19 = arith.constant 0 : index
    %get3A_20 = arith.constant 0 : index
    %get3A_21 = vector.load %arg7[%get3A_19, %get3A_20] : memref<1x128xf32, #tpu.memory_space<vmem>>, vector<1x128xf32>
    %mul3A_22 = vector.broadcast %get3A_18 : vector<1000x1xf32> to vector<1000x128xf32>
    %mul3A_23 = vector.broadcast %get3A_21 : vector<1x128xf32> to vector<1000x128xf32>
    %mul3A_24 = arith.mulf %mul3A_22, %mul3A_23 : vector<1000x128xf32>
    %add3A_25 = arith.addf %mul3A_15, %mul3A_24 : vector<1000x128xf32>
    %get3A_26 = arith.constant 0 : index
    %get3A_27 = arith.constant 0 : index
    %get3A_28 = vector.load %arg8[%get3A_26, %get3A_27] : memref<128x128xf32, #tpu.memory_space<vmem>>, vector<128x128xf32>
    %dot_general3A_29 = arith.constant dense<0.000000e+00> : vector<1000x128xf32>
    %dot_general3A_30 = tpu.matmul %get3A_1, %get3A_28, %dot_general3A_29 {dimension_numbers = #tpu.dot_dimension_numbers<[1], [0], [0], [1], [0, 0, 1, 1], [], []>, precision = #tpu.contract_precision<fp32>, transpose_lhs_hint = false} : vector<1000x128xf32>, vector<128x128xf32>, vector<1000x128xf32> -> vector<1000x128xf32>
    %get3A_31 = arith.constant 0 : index
    %get3A_32 = arith.constant 0 : index
    %get3A_33 = vector.load %arg9[%get3A_31, %get3A_32] : memref<1x128xf32, #tpu.memory_space<vmem>>, vector<1x128xf32>
    %add3A_34 = vector.broadcast %get3A_33 : vector<1x128xf32> to vector<1000x128xf32>
    %add3A_35 = arith.addf %dot_general3A_30, %add3A_34 : vector<1000x128xf32>
    %logistic3A = arith.negf %add3A_35 : vector<1000x128xf32>
    %logistic3A_36 = math.exp %logistic3A : vector<1000x128xf32>
    %logistic3A_37 = arith.constant 1.000000e+00 : f32
    %logistic3A_38 = vector.broadcast %logistic3A_37 : f32 to vector<1000x128xf32>
    %logistic3A_39 = arith.addf %logistic3A_38, %logistic3A_36 : vector<1000x128xf32>
    %logistic3A_40 = arith.divf %logistic3A_38, %logistic3A_39 : vector<1000x128xf32>
    %mul3A_41 = arith.mulf %add3A_35, %logistic3A_40 : vector<1000x128xf32>
    %get3A_42 = arith.constant 0 : index
    %get3A_43 = arith.constant 0 : index
    %get3A_44 = vector.load %arg10[%get3A_42, %get3A_43] : memref<128x128xf32, #tpu.memory_space<vmem>>, vector<128x128xf32>
    %dot_general3A_45 = arith.constant dense<0.000000e+00> : vector<1000x128xf32>
    %dot_general3A_46 = tpu.matmul %mul3A_41, %get3A_44, %dot_general3A_45 {dimension_numbers = #tpu.dot_dimension_numbers<[1], [0], [0], [1], [0, 0, 1, 1], [], []>, precision = #tpu.contract_precision<fp32>, transpose_lhs_hint = false} : vector<1000x128xf32>, vector<128x128xf32>, vector<1000x128xf32> -> vector<1000x128xf32>
    %get3A_47 = arith.constant 0 : index
    %get3A_48 = arith.constant 0 : index
    %get3A_49 = vector.load %arg11[%get3A_47, %get3A_48] : memref<1x128xf32, #tpu.memory_space<vmem>>, vector<1x128xf32>
    %add3A_50 = vector.broadcast %get3A_49 : vector<1x128xf32> to vector<1000x128xf32>
    %add3A_51 = arith.addf %dot_general3A_46, %add3A_50 : vector<1000x128xf32>
    %add3A_52 = arith.addf %get3A_1, %add3A_51 : vector<1000x128xf32>
    %add3A_53 = arith.addf %add3A_52, %add3A_25 : vector<1000x128xf32>
    %reduce_sum3A = arith.constant dense<0.000000e+00> : vector<1000xf32>
    %reduce_sum3A_54 = vector.multi_reduction <add>, %add3A_53, %reduce_sum3A [1] : vector<1000x128xf32> to vector<1000xf32>
    %broadcast_in_dim3A = vector.shape_cast %reduce_sum3A_54 : vector<1000xf32> to vector<1000x1xf32>
    %div3A = arith.constant 1.280000e+02 : f32
    %div3A_55 = vector.broadcast %div3A : f32 to vector<1000x1xf32>
    %div3A_56 = arith.divf %broadcast_in_dim3A, %div3A_55 : vector<1000x1xf32>
    %sub3A = vector.broadcast %div3A_56 : vector<1000x1xf32> to vector<1000x128xf32>
    %sub3A_57 = arith.subf %add3A_53, %sub3A : vector<1000x128xf32>
    %integer_pow3A = arith.mulf %sub3A_57, %sub3A_57 : vector<1000x128xf32>
    %reduce_sum3A_58 = arith.constant dense<0.000000e+00> : vector<1000xf32>
    %reduce_sum3A_59 = vector.multi_reduction <add>, %integer_pow3A, %reduce_sum3A_58 [1] : vector<1000x128xf32> to vector<1000xf32>
    %broadcast_in_dim3A_60 = vector.shape_cast %reduce_sum3A_59 : vector<1000xf32> to vector<1000x1xf32>
    %div3A_61 = arith.constant 1.280000e+02 : f32
    %div3A_62 = vector.broadcast %div3A_61 : f32 to vector<1000x1xf32>
    %div3A_63 = arith.divf %broadcast_in_dim3A_60, %div3A_62 : vector<1000x1xf32>
    %sub3A_64 = vector.broadcast %div3A_56 : vector<1000x1xf32> to vector<1000x128xf32>
    %sub3A_65 = arith.subf %add3A_53, %sub3A_64 : vector<1000x128xf32>
    %add3A_66 = arith.constant 9.99999974E-6 : f32
    %add3A_67 = vector.broadcast %add3A_66 : f32 to vector<1000x1xf32>
    %add3A_68 = arith.addf %div3A_63, %add3A_67 : vector<1000x1xf32>
    %sqrt3A = math.sqrt %add3A_68 : vector<1000x1xf32>
    %div3A_69 = vector.broadcast %sqrt3A : vector<1000x1xf32> to vector<1000x128xf32>
    %div3A_70 = arith.divf %sub3A_65, %div3A_69 : vector<1000x128xf32>
    %get3A_71 = arith.constant 0 : index
    %get3A_72 = arith.constant 0 : index
    %get3A_73 = vector.load %arg12[%get3A_71, %get3A_72] : memref<1x128xf32, #tpu.memory_space<vmem>>, vector<1x128xf32>
    %mul3A_74 = vector.broadcast %get3A_73 : vector<1x128xf32> to vector<1000x128xf32>
    %mul3A_75 = arith.mulf %div3A_70, %mul3A_74 : vector<1000x128xf32>
    %get3A_76 = arith.constant 0 : index
    %get3A_77 = arith.constant 0 : index
    %get3A_78 = vector.load %arg13[%get3A_76, %get3A_77] : memref<1x128xf32, #tpu.memory_space<vmem>>, vector<1x128xf32>
    %add3A_79 = vector.broadcast %get3A_78 : vector<1x128xf32> to vector<1000x128xf32>
    %add3A_80 = arith.addf %mul3A_75, %add3A_79 : vector<1000x128xf32>
    %get3A_81 = arith.constant 0 : index
    %get3A_82 = arith.constant 0 : index
    %get3A_83 = vector.load %arg15[%get3A_81, %get3A_82] : memref<1000x1xi32, #tpu.memory_space<vmem>>, vector<1000x1xi32>
    %iota3A = tpu.iota {dimensions = array<i32: 1>} : vector<1000x16xi32>
    %eq3A = vector.broadcast %get3A_83 : vector<1000x1xi32> to vector<1000x16xi32>
    %eq3A_84 = arith.cmpi eq, %eq3A, %iota3A : vector<1000x16xi32>
    %convert_element_type3A = arith.extui %eq3A_84 : vector<1000x16xi1> to vector<1000x16xi32>
    %convert_element_type3A_85 = arith.sitofp %convert_element_type3A : vector<1000x16xi32> to vector<1000x16xf32>
    %get3A_86 = arith.constant 0 : index
    %get3A_87 = arith.constant 0 : index
    %get3A_88 = vector.load %arg14[%get3A_86, %get3A_87] : memref<16x128xf32, #tpu.memory_space<vmem>>, vector<16x128xf32>
    %dot_general3A_89 = arith.constant dense<0.000000e+00> : vector<1000x128xf32>
    %dot_general3A_90 = tpu.matmul %convert_element_type3A_85, %get3A_88, %dot_general3A_89 {dimension_numbers = #tpu.dot_dimension_numbers<[1], [0], [0], [1], [0, 0, 1, 1], [], []>, precision = #tpu.contract_precision<fp32>, transpose_lhs_hint = false} : vector<1000x16xf32>, vector<16x128xf32>, vector<1000x128xf32> -> vector<1000x128xf32>
    %add3A_91 = arith.addf %add3A_80, %dot_general3A_90 : vector<1000x128xf32>
    %swap3A = arith.constant 0 : index
    %swap3A_92 = arith.constant 0 : index
    %swap3A_93 = vector.load %arg19[%swap3A, %swap3A_92] : memref<1000x128xf32, #tpu.memory_space<vmem>>, vector<1000x128xf32>
    tpu.vector_store %arg19[%swap3A, %swap3A_92], %add3A_91 {strides = array<i32>} : memref<1000x128xf32, #tpu.memory_space<vmem>>, vector<1000x128xf32>,
    %get3A_94 = arith.constant 0 : index
    %get3A_95 = arith.constant 0 : index
    %get3A_96 = vector.load %arg16[%get3A_94, %get3A_95] : memref<128x128xf32, #tpu.memory_space<vmem>>, vector<128x128xf32>
    %dot_general3A_97 = arith.constant dense<0.000000e+00> : vector<1000x128xf32>
    %dot_general3A_98 = tpu.matmul %add3A_91, %get3A_96, %dot_general3A_97 {dimension_numbers = #tpu.dot_dimension_numbers<[1], [0], [0], [1], [0, 0, 1, 1], [], []>, precision = #tpu.contract_precision<fp32>, transpose_lhs_hint = false} : vector<1000x128xf32>, vector<128x128xf32>, vector<1000x128xf32> -> vector<1000x128xf32>
    %get3A_99 = arith.constant 0 : index
    %get3A_100 = arith.constant 0 : index
    %get3A_101 = vector.load %arg17[%get3A_99, %get3A_100] : memref<1x128xf32, #tpu.memory_space<vmem>>, vector<1x128xf32>
    %add3A_102 = vector.broadcast %get3A_101 : vector<1x128xf32> to vector<1000x128xf32>
    %add3A_103 = arith.addf %dot_general3A_98, %add3A_102 : vector<1000x128xf32>
    %swap3A_104 = arith.constant 0 : index
    %swap3A_105 = arith.constant 0 : index
    %swap3A_106 = vector.load %arg20[%swap3A_104, %swap3A_105] : memref<1000x128xf32, #tpu.memory_space<vmem>>, vector<1000x128xf32>
    tpu.vector_store %arg20[%swap3A_104, %swap3A_105], %add3A_103 {strides = array<i32>} : memref<1000x128xf32, #tpu.memory_space<vmem>>, vector<1000x128xf32>,
    %get3A_107 = arith.constant 0 : index
    %get3A_108 = arith.constant 0 : index
    %get3A_109 = vector.load %arg18[%get3A_107, %get3A_108] : memref<128x128xf32, #tpu.memory_space<vmem>>, vector<128x128xf32>
    %dot_general3A_110 = arith.constant dense<0.000000e+00> : vector<1000x128xf32>
    %dot_general3A_111 = tpu.matmul %add3A_91, %get3A_109, %dot_general3A_110 {dimension_numbers = #tpu.dot_dimension_numbers<[1], [0], [0], [1], [0, 0, 1, 1], [], []>, precision = #tpu.contract_precision<fp32>, transpose_lhs_hint = false} : vector<1000x128xf32>, vector<128x128xf32>, vector<1000x128xf32> -> vector<1000x128xf32>
    %swap3A_112 = arith.constant 0 : index
    %swap3A_113 = arith.constant 0 : index
    %swap3A_114 = vector.load %arg21[%swap3A_112, %swap3A_113] : memref<1000x128xf32, #tpu.memory_space<vmem>>, vector<1000x128xf32>
    tpu.vector_store %arg21[%swap3A_112, %swap3A_113], %dot_general3A_111 {strides = array<i32>} : memref<1000x128xf32, #tpu.memory_space<vmem>>, vector<1000x128xf32>,
    return
  }
  func.func @transform_0(%arg0: i32) -> (i32, i32) {
    %c0_i32 = arith.constant 0 : i32
    %c0_i32_0 = arith.constant 0 : i32
    return %arg0, %c0_i32 : i32, i32
  }
  func.func @transform_1(%arg0: i32) -> (i32, i32) {
    %c0_i32 = arith.constant 0 : i32
    %c0_i32_0 = arith.constant 0 : i32
    return %arg0, %c0_i32 : i32, i32
  }
  func.func @transform_2(%arg0: i32) -> (i32, i32) {
    %c0_i32 = arith.constant 0 : i32
    %c0_i32_0 = arith.constant 0 : i32
    return %arg0, %c0_i32 : i32, i32
  }
  func.func @transform_3(%arg0: i32) -> (i32, i32) {
    %c0_i32 = arith.constant 0 : i32
    %c0_i32_0 = arith.constant 0 : i32
    return %arg0, %c0_i32 : i32, i32
  }
  func.func @transform_4(%arg0: i32) -> (i32, i32) {
    %c0_i32 = arith.constant 0 : i32
    %c0_i32_0 = arith.constant 0 : i32
    return %arg0, %c0_i32 : i32, i32
  }
  func.func @transform_5(%arg0: i32) -> (i32, i32) {
    %c0_i32 = arith.constant 0 : i32
    %c0_i32_0 = arith.constant 0 : i32
    %c0_i32_1 = arith.constant 0 : i32
    return %c0_i32, %c0_i32_0 : i32, i32
  }
  func.func @transform_6(%arg0: i32) -> (i32, i32) {
    %c0_i32 = arith.constant 0 : i32
    %c0_i32_0 = arith.constant 0 : i32
    %c0_i32_1 = arith.constant 0 : i32
    return %c0_i32, %c0_i32_0 : i32, i32
  }
  func.func @transform_7(%arg0: i32) -> (i32, i32) {
    %c0_i32 = arith.constant 0 : i32
    %c0_i32_0 = arith.constant 0 : i32
    %c0_i32_1 = arith.constant 0 : i32
    return %c0_i32, %c0_i32_0 : i32, i32
  }
  func.func @transform_8(%arg0: i32) -> (i32, i32) {
    %c0_i32 = arith.constant 0 : i32
    %c0_i32_0 = arith.constant 0 : i32
    %c0_i32_1 = arith.constant 0 : i32
    return %c0_i32, %c0_i32_0 : i32, i32
  }
  func.func @transform_9(%arg0: i32) -> (i32, i32) {
    %c0_i32 = arith.constant 0 : i32
    %c0_i32_0 = arith.constant 0 : i32
    %c0_i32_1 = arith.constant 0 : i32
    return %c0_i32, %c0_i32_0 : i32, i32
  }
  func.func @transform_10(%arg0: i32) -> (i32, i32) {
    %c0_i32 = arith.constant 0 : i32
    %c0_i32_0 = arith.constant 0 : i32
    %c0_i32_1 = arith.constant 0 : i32
    return %c0_i32, %c0_i32_0 : i32, i32
  }
  func.func @transform_11(%arg0: i32) -> (i32, i32) {
    %c0_i32 = arith.constant 0 : i32
    %c0_i32_0 = arith.constant 0 : i32
    %c0_i32_1 = arith.constant 0 : i32
    return %c0_i32, %c0_i32_0 : i32, i32
  }
  func.func @transform_12(%arg0: i32) -> (i32, i32) {
    %c0_i32 = arith.constant 0 : i32
    %c0_i32_0 = arith.constant 0 : i32
    %c0_i32_1 = arith.constant 0 : i32
    return %c0_i32, %c0_i32_0 : i32, i32
  }
  func.func @transform_13(%arg0: i32) -> (i32, i32) {
    %c0_i32 = arith.constant 0 : i32
    %c0_i32_0 = arith.constant 0 : i32
    %c0_i32_1 = arith.constant 0 : i32
    return %c0_i32, %c0_i32_0 : i32, i32
  }
  func.func @transform_14(%arg0: i32) -> (i32, i32) {
    %c0_i32 = arith.constant 0 : i32
    %c0_i32_0 = arith.constant 0 : i32
    return %arg0, %c0_i32 : i32, i32
  }
  func.func @transform_15(%arg0: i32) -> (i32, i32) {
    %c0_i32 = arith.constant 0 : i32
    %c0_i32_0 = arith.constant 0 : i32
    %c0_i32_1 = arith.constant 0 : i32
    return %c0_i32, %c0_i32_0 : i32, i32
  }
  func.func @transform_16(%arg0: i32) -> (i32, i32) {
    %c0_i32 = arith.constant 0 : i32
    %c0_i32_0 = arith.constant 0 : i32
    %c0_i32_1 = arith.constant 0 : i32
    return %c0_i32, %c0_i32_0 : i32, i32
  }
  func.func @transform_17(%arg0: i32) -> (i32, i32) {
    %c0_i32 = arith.constant 0 : i32
    %c0_i32_0 = arith.constant 0 : i32
    %c0_i32_1 = arith.constant 0 : i32
    return %c0_i32, %c0_i32_0 : i32, i32
  }
  func.func @transform_18(%arg0: i32) -> (i32, i32) {
    %c0_i32 = arith.constant 0 : i32
    %c0_i32_0 = arith.constant 0 : i32
    return %arg0, %c0_i32 : i32, i32
  }
  func.func @transform_19(%arg0: i32) -> (i32, i32) {
    %c0_i32 = arith.constant 0 : i32
    %c0_i32_0 = arith.constant 0 : i32
    return %arg0, %c0_i32 : i32, i32
  }
  func.func @transform_20(%arg0: i32) -> (i32, i32) {
    %c0_i32 = arith.constant 0 : i32
    %c0_i32_0 = arith.constant 0 : i32
    return %arg0, %c0_i32 : i32, i32
  }
}

module attributes {stable_mosaic.version = 14 : i64} {
  func.func @_node_last_body(%arg0: i32, %arg1: memref<1000x128xf32, #tpu.memory_space<vmem>>, %arg2: memref<1000x128xf32, #tpu.memory_space<vmem>>, %arg3: memref<1000x128xf32, #tpu.memory_space<vmem>>, %arg4: memref<1000x1xf32, #tpu.memory_space<vmem>>, %arg5: memref<1000x1xf32, #tpu.memory_space<vmem>>, %arg6: memref<128x128xf32, #tpu.memory_space<vmem>>, %arg7: memref<1x128xf32, #tpu.memory_space<vmem>>, %arg8: memref<128x128xf32, #tpu.memory_space<vmem>>, %arg9: memref<1x128xf32, #tpu.memory_space<vmem>>, %arg10: memref<128x128xf32, #tpu.memory_space<vmem>>, %arg11: memref<1x128xf32, #tpu.memory_space<vmem>>, %arg12: memref<1x128xf32, #tpu.memory_space<vmem>>, %arg13: memref<1x128xf32, #tpu.memory_space<vmem>>, %arg14: memref<128x128xf32, #tpu.memory_space<vmem>>, %arg15: memref<1x128xf32, #tpu.memory_space<vmem>>, %arg16: memref<128x100xf32, #tpu.memory_space<vmem>>, %arg17: memref<1x100xf32, #tpu.memory_space<vmem>>, %arg18: memref<128x128xf32, #tpu.memory_space<vmem>>, %arg19: memref<1x128xf32, #tpu.memory_space<vmem>>, %arg20: memref<128x3xf32, #tpu.memory_space<vmem>>, %arg21: memref<1x3xf32, #tpu.memory_space<vmem>>, %arg22: memref<1000x100xf32, #tpu.memory_space<vmem>>, %arg23: memref<1000x3xf32, #tpu.memory_space<vmem>>) attributes {dimension_semantics = [#tpu.dimension_semantics<arbitrary>], iteration_bounds = array<i64: 10>, scalar_prefetch = 0 : i64, scratch_operands = 0 : i64, tpu.core_type = #tpu.core_type<tc>, window_params = [{transform_indices = @transform_0, window_bounds = array<i64: 1000, 128>}, {transform_indices = @transform_1, window_bounds = array<i64: 1000, 128>}, {transform_indices = @transform_2, window_bounds = array<i64: 1000, 128>}, {transform_indices = @transform_3, window_bounds = array<i64: 1000, 1>}, {transform_indices = @transform_4, window_bounds = array<i64: 1000, 1>}, {pipeline_mode = #tpu.pipeline_mode<synchronous>, transform_indices = @transform_5, window_bounds = array<i64: 128, 128>}, {pipeline_mode = #tpu.pipeline_mode<synchronous>, transform_indices = @transform_6, window_bounds = array<i64: 1, 128>}, {pipeline_mode = #tpu.pipeline_mode<synchronous>, transform_indices = @transform_7, window_bounds = array<i64: 128, 128>}, {pipeline_mode = #tpu.pipeline_mode<synchronous>, transform_indices = @transform_8, window_bounds = array<i64: 1, 128>}, {pipeline_mode = #tpu.pipeline_mode<synchronous>, transform_indices = @transform_9, window_bounds = array<i64: 128, 128>}, {pipeline_mode = #tpu.pipeline_mode<synchronous>, transform_indices = @transform_10, window_bounds = array<i64: 1, 128>}, {pipeline_mode = #tpu.pipeline_mode<synchronous>, transform_indices = @transform_11, window_bounds = array<i64: 1, 128>}, {pipeline_mode = #tpu.pipeline_mode<synchronous>, transform_indices = @transform_12, window_bounds = array<i64: 1, 128>}, {pipeline_mode = #tpu.pipeline_mode<synchronous>, transform_indices = @transform_13, window_bounds = array<i64: 128, 128>}, {pipeline_mode = #tpu.pipeline_mode<synchronous>, transform_indices = @transform_14, window_bounds = array<i64: 1, 128>}, {pipeline_mode = #tpu.pipeline_mode<synchronous>, transform_indices = @transform_15, window_bounds = array<i64: 128, 100>}, {pipeline_mode = #tpu.pipeline_mode<synchronous>, transform_indices = @transform_16, window_bounds = array<i64: 1, 100>}, {pipeline_mode = #tpu.pipeline_mode<synchronous>, transform_indices = @transform_17, window_bounds = array<i64: 128, 128>}, {pipeline_mode = #tpu.pipeline_mode<synchronous>, transform_indices = @transform_18, window_bounds = array<i64: 1, 128>}, {pipeline_mode = #tpu.pipeline_mode<synchronous>, transform_indices = @transform_19, window_bounds = array<i64: 128, 3>}, {pipeline_mode = #tpu.pipeline_mode<synchronous>, transform_indices = @transform_20, window_bounds = array<i64: 1, 3>}, {transform_indices = @transform_21, window_bounds = array<i64: 1000, 100>}, {transform_indices = @transform_22, window_bounds = array<i64: 1000, 3>}]} {
    %get3A = arith.constant 0 : index
    %get3A_0 = arith.constant 0 : index
    %get3A_1 = vector.load %arg1[%get3A, %get3A_0] : memref<1000x128xf32, #tpu.memory_space<vmem>>, vector<1000x128xf32>
    %get3A_2 = arith.constant 0 : index
    %get3A_3 = arith.constant 0 : index
    %get3A_4 = vector.load %arg2[%get3A_2, %get3A_3] : memref<1000x128xf32, #tpu.memory_space<vmem>>, vector<1000x128xf32>
    %get3A_5 = arith.constant 0 : index
    %get3A_6 = arith.constant 0 : index
    %get3A_7 = vector.load %arg3[%get3A_5, %get3A_6] : memref<1000x128xf32, #tpu.memory_space<vmem>>, vector<1000x128xf32>
    %add3A = arith.addf %get3A_4, %get3A_7 : vector<1000x128xf32>
    %get3A_8 = arith.constant 0 : index
    %get3A_9 = arith.constant 0 : index
    %get3A_10 = vector.load %arg6[%get3A_8, %get3A_9] : memref<128x128xf32, #tpu.memory_space<vmem>>, vector<128x128xf32>
    %dot_general3A = arith.constant dense<0.000000e+00> : vector<1000x128xf32>
    %dot_general3A_11 = tpu.matmul %add3A, %get3A_10, %dot_general3A {dimension_numbers = #tpu.dot_dimension_numbers<[1], [0], [0], [1], [0, 0, 1, 1], [], []>, precision = #tpu.contract_precision<fp32>, transpose_lhs_hint = false} : vector<1000x128xf32>, vector<128x128xf32>, vector<1000x128xf32> -> vector<1000x128xf32>
    %get3A_12 = arith.constant 0 : index
    %get3A_13 = arith.constant 0 : index
    %get3A_14 = vector.load %arg4[%get3A_12, %get3A_13] : memref<1000x1xf32, #tpu.memory_space<vmem>>, vector<1000x1xf32>
    %mul3A = vector.broadcast %get3A_14 : vector<1000x1xf32> to vector<1000x128xf32>
    %mul3A_15 = arith.mulf %dot_general3A_11, %mul3A : vector<1000x128xf32>
    %get3A_16 = arith.constant 0 : index
    %get3A_17 = arith.constant 0 : index
    %get3A_18 = vector.load %arg5[%get3A_16, %get3A_17] : memref<1000x1xf32, #tpu.memory_space<vmem>>, vector<1000x1xf32>
    %get3A_19 = arith.constant 0 : index
    %get3A_20 = arith.constant 0 : index
    %get3A_21 = vector.load %arg7[%get3A_19, %get3A_20] : memref<1x128xf32, #tpu.memory_space<vmem>>, vector<1x128xf32>
    %mul3A_22 = vector.broadcast %get3A_18 : vector<1000x1xf32> to vector<1000x128xf32>
    %mul3A_23 = vector.broadcast %get3A_21 : vector<1x128xf32> to vector<1000x128xf32>
    %mul3A_24 = arith.mulf %mul3A_22, %mul3A_23 : vector<1000x128xf32>
    %add3A_25 = arith.addf %mul3A_15, %mul3A_24 : vector<1000x128xf32>
    %get3A_26 = arith.constant 0 : index
    %get3A_27 = arith.constant 0 : index
    %get3A_28 = vector.load %arg8[%get3A_26, %get3A_27] : memref<128x128xf32, #tpu.memory_space<vmem>>, vector<128x128xf32>
    %dot_general3A_29 = arith.constant dense<0.000000e+00> : vector<1000x128xf32>
    %dot_general3A_30 = tpu.matmul %get3A_1, %get3A_28, %dot_general3A_29 {dimension_numbers = #tpu.dot_dimension_numbers<[1], [0], [0], [1], [0, 0, 1, 1], [], []>, precision = #tpu.contract_precision<fp32>, transpose_lhs_hint = false} : vector<1000x128xf32>, vector<128x128xf32>, vector<1000x128xf32> -> vector<1000x128xf32>
    %get3A_31 = arith.constant 0 : index
    %get3A_32 = arith.constant 0 : index
    %get3A_33 = vector.load %arg9[%get3A_31, %get3A_32] : memref<1x128xf32, #tpu.memory_space<vmem>>, vector<1x128xf32>
    %add3A_34 = vector.broadcast %get3A_33 : vector<1x128xf32> to vector<1000x128xf32>
    %add3A_35 = arith.addf %dot_general3A_30, %add3A_34 : vector<1000x128xf32>
    %logistic3A = arith.negf %add3A_35 : vector<1000x128xf32>
    %logistic3A_36 = math.exp %logistic3A : vector<1000x128xf32>
    %logistic3A_37 = arith.constant 1.000000e+00 : f32
    %logistic3A_38 = vector.broadcast %logistic3A_37 : f32 to vector<1000x128xf32>
    %logistic3A_39 = arith.addf %logistic3A_38, %logistic3A_36 : vector<1000x128xf32>
    %logistic3A_40 = arith.divf %logistic3A_38, %logistic3A_39 : vector<1000x128xf32>
    %mul3A_41 = arith.mulf %add3A_35, %logistic3A_40 : vector<1000x128xf32>
    %get3A_42 = arith.constant 0 : index
    %get3A_43 = arith.constant 0 : index
    %get3A_44 = vector.load %arg10[%get3A_42, %get3A_43] : memref<128x128xf32, #tpu.memory_space<vmem>>, vector<128x128xf32>
    %dot_general3A_45 = arith.constant dense<0.000000e+00> : vector<1000x128xf32>
    %dot_general3A_46 = tpu.matmul %mul3A_41, %get3A_44, %dot_general3A_45 {dimension_numbers = #tpu.dot_dimension_numbers<[1], [0], [0], [1], [0, 0, 1, 1], [], []>, precision = #tpu.contract_precision<fp32>, transpose_lhs_hint = false} : vector<1000x128xf32>, vector<128x128xf32>, vector<1000x128xf32> -> vector<1000x128xf32>
    %get3A_47 = arith.constant 0 : index
    %get3A_48 = arith.constant 0 : index
    %get3A_49 = vector.load %arg11[%get3A_47, %get3A_48] : memref<1x128xf32, #tpu.memory_space<vmem>>, vector<1x128xf32>
    %add3A_50 = vector.broadcast %get3A_49 : vector<1x128xf32> to vector<1000x128xf32>
    %add3A_51 = arith.addf %dot_general3A_46, %add3A_50 : vector<1000x128xf32>
    %add3A_52 = arith.addf %get3A_1, %add3A_51 : vector<1000x128xf32>
    %add3A_53 = arith.addf %add3A_52, %add3A_25 : vector<1000x128xf32>
    %reduce_sum3A = arith.constant dense<0.000000e+00> : vector<1000xf32>
    %reduce_sum3A_54 = vector.multi_reduction <add>, %add3A_53, %reduce_sum3A [1] : vector<1000x128xf32> to vector<1000xf32>
    %broadcast_in_dim3A = vector.shape_cast %reduce_sum3A_54 : vector<1000xf32> to vector<1000x1xf32>
    %div3A = arith.constant 1.280000e+02 : f32
    %div3A_55 = vector.broadcast %div3A : f32 to vector<1000x1xf32>
    %div3A_56 = arith.divf %broadcast_in_dim3A, %div3A_55 : vector<1000x1xf32>
    %sub3A = vector.broadcast %div3A_56 : vector<1000x1xf32> to vector<1000x128xf32>
    %sub3A_57 = arith.subf %add3A_53, %sub3A : vector<1000x128xf32>
    %integer_pow3A = arith.mulf %sub3A_57, %sub3A_57 : vector<1000x128xf32>
    %reduce_sum3A_58 = arith.constant dense<0.000000e+00> : vector<1000xf32>
    %reduce_sum3A_59 = vector.multi_reduction <add>, %integer_pow3A, %reduce_sum3A_58 [1] : vector<1000x128xf32> to vector<1000xf32>
    %broadcast_in_dim3A_60 = vector.shape_cast %reduce_sum3A_59 : vector<1000xf32> to vector<1000x1xf32>
    %div3A_61 = arith.constant 1.280000e+02 : f32
    %div3A_62 = vector.broadcast %div3A_61 : f32 to vector<1000x1xf32>
    %div3A_63 = arith.divf %broadcast_in_dim3A_60, %div3A_62 : vector<1000x1xf32>
    %sub3A_64 = vector.broadcast %div3A_56 : vector<1000x1xf32> to vector<1000x128xf32>
    %sub3A_65 = arith.subf %add3A_53, %sub3A_64 : vector<1000x128xf32>
    %add3A_66 = arith.constant 9.99999974E-6 : f32
    %add3A_67 = vector.broadcast %add3A_66 : f32 to vector<1000x1xf32>
    %add3A_68 = arith.addf %div3A_63, %add3A_67 : vector<1000x1xf32>
    %sqrt3A = math.sqrt %add3A_68 : vector<1000x1xf32>
    %div3A_69 = vector.broadcast %sqrt3A : vector<1000x1xf32> to vector<1000x128xf32>
    %div3A_70 = arith.divf %sub3A_65, %div3A_69 : vector<1000x128xf32>
    %get3A_71 = arith.constant 0 : index
    %get3A_72 = arith.constant 0 : index
    %get3A_73 = vector.load %arg12[%get3A_71, %get3A_72] : memref<1x128xf32, #tpu.memory_space<vmem>>, vector<1x128xf32>
    %mul3A_74 = vector.broadcast %get3A_73 : vector<1x128xf32> to vector<1000x128xf32>
    %mul3A_75 = arith.mulf %div3A_70, %mul3A_74 : vector<1000x128xf32>
    %get3A_76 = arith.constant 0 : index
    %get3A_77 = arith.constant 0 : index
    %get3A_78 = vector.load %arg13[%get3A_76, %get3A_77] : memref<1x128xf32, #tpu.memory_space<vmem>>, vector<1x128xf32>
    %add3A_79 = vector.broadcast %get3A_78 : vector<1x128xf32> to vector<1000x128xf32>
    %add3A_80 = arith.addf %mul3A_75, %add3A_79 : vector<1000x128xf32>
    %get3A_81 = arith.constant 0 : index
    %get3A_82 = arith.constant 0 : index
    %get3A_83 = vector.load %arg14[%get3A_81, %get3A_82] : memref<128x128xf32, #tpu.memory_space<vmem>>, vector<128x128xf32>
    %dot_general3A_84 = arith.constant dense<0.000000e+00> : vector<1000x128xf32>
    %dot_general3A_85 = tpu.matmul %add3A_80, %get3A_83, %dot_general3A_84 {dimension_numbers = #tpu.dot_dimension_numbers<[1], [0], [0], [1], [0, 0, 1, 1], [], []>, precision = #tpu.contract_precision<fp32>, transpose_lhs_hint = false} : vector<1000x128xf32>, vector<128x128xf32>, vector<1000x128xf32> -> vector<1000x128xf32>
    %get3A_86 = arith.constant 0 : index
    %get3A_87 = arith.constant 0 : index
    %get3A_88 = vector.load %arg15[%get3A_86, %get3A_87] : memref<1x128xf32, #tpu.memory_space<vmem>>, vector<1x128xf32>
    %add3A_89 = vector.broadcast %get3A_88 : vector<1x128xf32> to vector<1000x128xf32>
    %add3A_90 = arith.addf %dot_general3A_85, %add3A_89 : vector<1000x128xf32>
    %logistic3A_91 = arith.negf %add3A_90 : vector<1000x128xf32>
    %logistic3A_92 = math.exp %logistic3A_91 : vector<1000x128xf32>
    %logistic3A_93 = arith.constant 1.000000e+00 : f32
    %logistic3A_94 = vector.broadcast %logistic3A_93 : f32 to vector<1000x128xf32>
    %logistic3A_95 = arith.addf %logistic3A_94, %logistic3A_92 : vector<1000x128xf32>
    %logistic3A_96 = arith.divf %logistic3A_94, %logistic3A_95 : vector<1000x128xf32>
    %mul3A_97 = arith.mulf %add3A_90, %logistic3A_96 : vector<1000x128xf32>
    %get3A_98 = arith.constant 0 : index
    %get3A_99 = arith.constant 0 : index
    %get3A_100 = vector.load %arg16[%get3A_98, %get3A_99] : memref<128x100xf32, #tpu.memory_space<vmem>>, vector<128x100xf32>
    %dot_general3A_101 = arith.constant dense<0.000000e+00> : vector<1000x100xf32>
    %dot_general3A_102 = tpu.matmul %mul3A_97, %get3A_100, %dot_general3A_101 {dimension_numbers = #tpu.dot_dimension_numbers<[1], [0], [0], [1], [0, 0, 1, 1], [], []>, precision = #tpu.contract_precision<fp32>, transpose_lhs_hint = false} : vector<1000x128xf32>, vector<128x100xf32>, vector<1000x100xf32> -> vector<1000x100xf32>
    %get3A_103 = arith.constant 0 : index
    %get3A_104 = arith.constant 0 : index
    %get3A_105 = vector.load %arg17[%get3A_103, %get3A_104] : memref<1x100xf32, #tpu.memory_space<vmem>>, vector<1x100xf32>
    %add3A_106 = vector.broadcast %get3A_105 : vector<1x100xf32> to vector<1000x100xf32>
    %add3A_107 = arith.addf %dot_general3A_102, %add3A_106 : vector<1000x100xf32>
    %swap3A = arith.constant 0 : index
    %swap3A_108 = arith.constant 0 : index
    %swap3A_109 = vector.load %arg22[%swap3A, %swap3A_108] : memref<1000x100xf32, #tpu.memory_space<vmem>>, vector<1000x100xf32>
    tpu.vector_store %arg22[%swap3A, %swap3A_108], %add3A_107 {strides = array<i32>} : memref<1000x100xf32, #tpu.memory_space<vmem>>, vector<1000x100xf32>,
    %get3A_110 = arith.constant 0 : index
    %get3A_111 = arith.constant 0 : index
    %get3A_112 = vector.load %arg18[%get3A_110, %get3A_111] : memref<128x128xf32, #tpu.memory_space<vmem>>, vector<128x128xf32>
    %dot_general3A_113 = arith.constant dense<0.000000e+00> : vector<1000x128xf32>
    %dot_general3A_114 = tpu.matmul %add3A_80, %get3A_112, %dot_general3A_113 {dimension_numbers = #tpu.dot_dimension_numbers<[1], [0], [0], [1], [0, 0, 1, 1], [], []>, precision = #tpu.contract_precision<fp32>, transpose_lhs_hint = false} : vector<1000x128xf32>, vector<128x128xf32>, vector<1000x128xf32> -> vector<1000x128xf32>
    %get3A_115 = arith.constant 0 : index
    %get3A_116 = arith.constant 0 : index
    %get3A_117 = vector.load %arg19[%get3A_115, %get3A_116] : memref<1x128xf32, #tpu.memory_space<vmem>>, vector<1x128xf32>
    %add3A_118 = vector.broadcast %get3A_117 : vector<1x128xf32> to vector<1000x128xf32>
    %add3A_119 = arith.addf %dot_general3A_114, %add3A_118 : vector<1000x128xf32>
    %logistic3A_120 = arith.negf %add3A_119 : vector<1000x128xf32>
    %logistic3A_121 = math.exp %logistic3A_120 : vector<1000x128xf32>
    %logistic3A_122 = arith.constant 1.000000e+00 : f32
    %logistic3A_123 = vector.broadcast %logistic3A_122 : f32 to vector<1000x128xf32>
    %logistic3A_124 = arith.addf %logistic3A_123, %logistic3A_121 : vector<1000x128xf32>
    %logistic3A_125 = arith.divf %logistic3A_123, %logistic3A_124 : vector<1000x128xf32>
    %mul3A_126 = arith.mulf %add3A_119, %logistic3A_125 : vector<1000x128xf32>
    %get3A_127 = arith.constant 0 : index
    %get3A_128 = arith.constant 0 : index
    %get3A_129 = vector.load %arg20[%get3A_127, %get3A_128] : memref<128x3xf32, #tpu.memory_space<vmem>>, vector<128x3xf32>
    %dot_general3A_130 = arith.constant dense<0.000000e+00> : vector<1000x3xf32>
    %dot_general3A_131 = tpu.matmul %mul3A_126, %get3A_129, %dot_general3A_130 {dimension_numbers = #tpu.dot_dimension_numbers<[1], [0], [0], [1], [0, 0, 1, 1], [], []>, precision = #tpu.contract_precision<fp32>, transpose_lhs_hint = false} : vector<1000x128xf32>, vector<128x3xf32>, vector<1000x3xf32> -> vector<1000x3xf32>
    %get3A_132 = arith.constant 0 : index
    %get3A_133 = arith.constant 0 : index
    %get3A_134 = vector.load %arg21[%get3A_132, %get3A_133] : memref<1x3xf32, #tpu.memory_space<vmem>>, vector<1x3xf32>
    %add3A_135 = vector.broadcast %get3A_134 : vector<1x3xf32> to vector<1000x3xf32>
    %add3A_136 = arith.addf %dot_general3A_131, %add3A_135 : vector<1000x3xf32>
    %swap3A_137 = arith.constant 0 : index
    %swap3A_138 = arith.constant 0 : index
    %swap3A_139 = vector.load %arg23[%swap3A_137, %swap3A_138] : memref<1000x3xf32, #tpu.memory_space<vmem>>, vector<1000x3xf32>
    tpu.vector_store %arg23[%swap3A_137, %swap3A_138], %add3A_136 {strides = array<i32>} : memref<1000x3xf32, #tpu.memory_space<vmem>>, vector<1000x3xf32>,
    return
  }
  func.func @transform_0(%arg0: i32) -> (i32, i32) {
    %c0_i32 = arith.constant 0 : i32
    %c0_i32_0 = arith.constant 0 : i32
    return %arg0, %c0_i32 : i32, i32
  }
  func.func @transform_1(%arg0: i32) -> (i32, i32) {
    %c0_i32 = arith.constant 0 : i32
    %c0_i32_0 = arith.constant 0 : i32
    return %arg0, %c0_i32 : i32, i32
  }
  func.func @transform_2(%arg0: i32) -> (i32, i32) {
    %c0_i32 = arith.constant 0 : i32
    %c0_i32_0 = arith.constant 0 : i32
    return %arg0, %c0_i32 : i32, i32
  }
  func.func @transform_3(%arg0: i32) -> (i32, i32) {
    %c0_i32 = arith.constant 0 : i32
    %c0_i32_0 = arith.constant 0 : i32
    return %arg0, %c0_i32 : i32, i32
  }
  func.func @transform_4(%arg0: i32) -> (i32, i32) {
    %c0_i32 = arith.constant 0 : i32
    %c0_i32_0 = arith.constant 0 : i32
    return %arg0, %c0_i32 : i32, i32
  }
  func.func @transform_5(%arg0: i32) -> (i32, i32) {
    %c0_i32 = arith.constant 0 : i32
    %c0_i32_0 = arith.constant 0 : i32
    %c0_i32_1 = arith.constant 0 : i32
    return %c0_i32, %c0_i32_0 : i32, i32
  }
  func.func @transform_6(%arg0: i32) -> (i32, i32) {
    %c0_i32 = arith.constant 0 : i32
    %c0_i32_0 = arith.constant 0 : i32
    %c0_i32_1 = arith.constant 0 : i32
    return %c0_i32, %c0_i32_0 : i32, i32
  }
  func.func @transform_7(%arg0: i32) -> (i32, i32) {
    %c0_i32 = arith.constant 0 : i32
    %c0_i32_0 = arith.constant 0 : i32
    %c0_i32_1 = arith.constant 0 : i32
    return %c0_i32, %c0_i32_0 : i32, i32
  }
  func.func @transform_8(%arg0: i32) -> (i32, i32) {
    %c0_i32 = arith.constant 0 : i32
    %c0_i32_0 = arith.constant 0 : i32
    %c0_i32_1 = arith.constant 0 : i32
    return %c0_i32, %c0_i32_0 : i32, i32
  }
  func.func @transform_9(%arg0: i32) -> (i32, i32) {
    %c0_i32 = arith.constant 0 : i32
    %c0_i32_0 = arith.constant 0 : i32
    %c0_i32_1 = arith.constant 0 : i32
    return %c0_i32, %c0_i32_0 : i32, i32
  }
  func.func @transform_10(%arg0: i32) -> (i32, i32) {
    %c0_i32 = arith.constant 0 : i32
    %c0_i32_0 = arith.constant 0 : i32
    %c0_i32_1 = arith.constant 0 : i32
    return %c0_i32, %c0_i32_0 : i32, i32
  }
  func.func @transform_11(%arg0: i32) -> (i32, i32) {
    %c0_i32 = arith.constant 0 : i32
    %c0_i32_0 = arith.constant 0 : i32
    %c0_i32_1 = arith.constant 0 : i32
    return %c0_i32, %c0_i32_0 : i32, i32
  }
  func.func @transform_12(%arg0: i32) -> (i32, i32) {
    %c0_i32 = arith.constant 0 : i32
    %c0_i32_0 = arith.constant 0 : i32
    %c0_i32_1 = arith.constant 0 : i32
    return %c0_i32, %c0_i32_0 : i32, i32
  }
  func.func @transform_13(%arg0: i32) -> (i32, i32) {
    %c0_i32 = arith.constant 0 : i32
    %c0_i32_0 = arith.constant 0 : i32
    %c0_i32_1 = arith.constant 0 : i32
    return %c0_i32, %c0_i32_0 : i32, i32
  }
  func.func @transform_14(%arg0: i32) -> (i32, i32) {
    %c0_i32 = arith.constant 0 : i32
    %c0_i32_0 = arith.constant 0 : i32
    %c0_i32_1 = arith.constant 0 : i32
    return %c0_i32, %c0_i32_0 : i32, i32
  }
  func.func @transform_15(%arg0: i32) -> (i32, i32) {
    %c0_i32 = arith.constant 0 : i32
    %c0_i32_0 = arith.constant 0 : i32
    %c0_i32_1 = arith.constant 0 : i32
    return %c0_i32, %c0_i32_0 : i32, i32
  }
  func.func @transform_16(%arg0: i32) -> (i32, i32) {
    %c0_i32 = arith.constant 0 : i32
    %c0_i32_0 = arith.constant 0 : i32
    %c0_i32_1 = arith.constant 0 : i32
    return %c0_i32, %c0_i32_0 : i32, i32
  }
  func.func @transform_17(%arg0: i32) -> (i32, i32) {
    %c0_i32 = arith.constant 0 : i32
    %c0_i32_0 = arith.constant 0 : i32
    %c0_i32_1 = arith.constant 0 : i32
    return %c0_i32, %c0_i32_0 : i32, i32
  }
  func.func @transform_18(%arg0: i32) -> (i32, i32) {
    %c0_i32 = arith.constant 0 : i32
    %c0_i32_0 = arith.constant 0 : i32
    %c0_i32_1 = arith.constant 0 : i32
    return %c0_i32, %c0_i32_0 : i32, i32
  }
  func.func @transform_19(%arg0: i32) -> (i32, i32) {
    %c0_i32 = arith.constant 0 : i32
    %c0_i32_0 = arith.constant 0 : i32
    %c0_i32_1 = arith.constant 0 : i32
    return %c0_i32, %c0_i32_0 : i32, i32
  }
  func.func @transform_20(%arg0: i32) -> (i32, i32) {
    %c0_i32 = arith.constant 0 : i32
    %c0_i32_0 = arith.constant 0 : i32
    %c0_i32_1 = arith.constant 0 : i32
    return %c0_i32, %c0_i32_0 : i32, i32
  }
  func.func @transform_21(%arg0: i32) -> (i32, i32) {
    %c0_i32 = arith.constant 0 : i32
    %c0_i32_0 = arith.constant 0 : i32
    return %arg0, %c0_i32 : i32, i32
  }
  func.func @transform_22(%arg0: i32) -> (i32, i32) {
    %c0_i32 = arith.constant 0 : i32
    %c0_i32_0 = arith.constant 0 : i32
    return %arg0, %c0_i32 : i32, i32
  }
}

</mosaic_0001>

<sc_bundles>
// kernel: kernel.13.cloned.1.call-start
scs
__scs_entry_jumppad:
0x0: {  	(pc) =	sbr.rel $0x88, $3  }
0x1: {  	(tag) =	ssettag $0x0;
	lr =	simm.s32 $0x1  }
0x2: {  	[smem:$0x3F5A] =	sst lr;
	_ =	strace $0xD0000000  }
0x3: {  	_ = 	snop  }
0x4: {  	_ = 	snop  }
0x5: {  	_ = 	snop  }
0x6: {  	_ = 	snop  }
0x7: {  	_ = 	snop  }
__scs_overlays_trampoline_lowered:
0x8: {  	[smem:$0x3F69] =	sst s0  }
0x9: {  	[smem:$0x3F6A] =	sst s1  }
0xa: {  	[smem:$0x3F6B] =	sst s2  }
0xb: {  	[smem:$0x3F6C] =	sst s3  }
0xc: {  	[smem:$0x3F6D] =	sst s4  }
0xd: {  	[smem:$0x3F6E] =	sst s5  }
0xe: {  	[smem:$0x3F6F] =	sst s6  }
0xf: {  	[smem:$0x3F70] =	sst s7  }
0x10: {  	[smem:$0x3F71] =	sst s8  }
0x11: {  	[smem:$0x3F72] =	sst s9;
	s0 =	simm.s32 @!p0 $0x0  }
0x12: {  	s1 =	sld [smem:$0x3F58];
	s0 =	simm.s32 @p0 $0x1  }
0x13: {  	[smem:$0x3F73] =	sst s0;
	s0 =	simm.s32 @!p1 $0x0  }
0x14: {  	s2 =	sld [smem:$0x3F57];
	s0 =	simm.s32 @p1 $0x1  }
0x15: {  	[smem:$0x3F74] =	sst s0;
	s0 =	simm.s32 @!p2 $0x0  }
0x16: {  	s3 =	sld [smem:$0x3FDB];
	s0 =	simm.s32 @p2 $0x1  }
0x17: {  	s4 =	simm.s32 $0x1BF5;
	[smem:$0x3F76] =	sst s0  }
0x18: {  	s0 =	sld [smem:$0x3F59];
	_ =	swait.ge [sflag:s4], $0x0  }
0x19: {  	s7 =	sld [smem:$0x3F5A]  }
0x1a: {  	s8 =	sadd.s32 $0xFFFFE003, lr  }
0x1b: {  	s9 =	sadd.s32 $0xFFFFFEF7, lr;
	s5 =	simm.s32 $0xFFFFFFFF;
	p2 =	slt.u32 s8, $0xFFFFF086  }
0x1c: {  	p1 =	slt.u32 s9, $0xF7A;
	s5 =	simm.s32 @!p2 $0x0  }
0x1d: {  	s5 =	simm.s32 @p1 $0x1;
	p0 =	seq.s32 s7, s2  }
0x1e: {  	s7 =	smul.u32 @!p0 $0xF7A, s2;
	p2 =	seq.s32 @!p0 s5, $0x0  }
0x1f: {  	s9 =	smul.u32 $0xF7A, s1;
	s8 =	simm.s32 @!p0 $0x1BF5;
	p2 =	por !p2, p0  }
0x20: {  	[sflag:s8] =	ssyncset.s32 @!p0 $0xFFFFF086;
	s6 =	sadd.s32 @!p0 s3, s7;
	s7 =	simm.s32 @!p0 $0x108  }
0x21: {  	s3 =	sadd.s32 s3, s9;
	s6 =	sadd.s32 @!p0 $0x88, s6;
	s7 =	simm.s32 @p2 $0x1082  }
0x22: {  	[simem:s7], [sflag:s8] =	dma.local @!p0 [hbm:s6], $0xF7A  }
0x23: {  	s9 =	sor.u32 $0xD0000000, s2;
	s6 =	simm.s32 $0x108;
	_ =	swait.ge @!p0 [sflag:s8], $0x0  }
0x24: {  	s3 =	sadd.s32 $0x88, s3;
	s6 =	simm.s32 @!p1 $0x1082;
	[sflag:s4] =	ssyncset.s32 $0xFFFFF086  }
0x25: {  	[simem:s6], [sflag:s4] =	dma.local [hbm:s3], $0xF7A  }
0x26: {  	[smem:$0x3F5A] =	sst s1;
	(tag) =	ssettag s2;
	_ =	strace s9  }
0x27: {  	s1 =	sld [smem:$0x3F6A]  }
0x28: {  	s2 =	sld [smem:$0x3F6B]  }
0x29: {  	s4 =	sld [smem:$0x3F6D]  }
0x2a: {  	p0 =	seq.s32 s5, $0x0;
	s5 =	sld [smem:$0x3F6E]  }
0x2b: {  	s6 =	sld [smem:$0x3F6F]  }
0x2c: {  	s7 =	sld [smem:$0x3F70]  }
0x2d: {  	s3 =	simm.s32 $0x108;
	s8 =	sld [smem:$0x3F71]  }
0x2e: {  	s3 =	simm.s32 @!p0 $0x1082;
	s9 =	sld [smem:$0x3F72]  }
0x2f: {  	lr =	sadd.s32 s0, s3;
	s0 =	sld [smem:$0x3F69]  }
0x30: {  	s3 =	sld [smem:$0x3F6C]  }
0x31: {  	[smem:$0x3F75] =	sst s10  }
0x32: {  	s10 =	sld [smem:$0x3F73];
	_ =	sdelay $0x3  }
0x33: {  	p0 =	seq.s32 s10, $0x1;
	s10 =	sld [smem:$0x3F75];
	_ =	sdelay $0x3  }
0x34: {  	[smem:$0x3F75] =	sst s10  }
0x35: {  	s10 =	sld [smem:$0x3F74];
	_ =	sdelay $0x3  }
0x36: {  	p1 =	seq.s32 s10, $0x1;
	s10 =	sld [smem:$0x3F75];
	_ =	sdelay $0x3  }
0x37: {  	[smem:$0x3F75] =	sst s10  }
0x38: {  	s10 =	sld [smem:$0x3F76]  }
0x39: {  	_ = 	snop;
	(pc) =	sbr.ind lr, $3  }
0x3a: {  	_ = 	snop  }
0x3b: {  	_ = 	snop  }
0x3c: {  	p2 =	seq.s32 s10, $0x1;
	s10 =	sld [smem:$0x3F75]  }
0x3d: {  	_ =	shalt  }
0x3e: {  	_ =	shalt  }
0x3f: {  	_ =	shalt  }
0x40: {  	_ =	shalt  }
0x41: {  	_ =	shalt  }
0x42: {  	_ =	shalt  }
0x43: {  	_ =	shalt  }
0x44: {  	_ =	shalt  }
0x45: {  	_ =	shalt  }
0x46: {  	_ =	shalt  }
0x47: {  	_ =	shalt  }
0x48: {  	_ =	shalt  }
0x49: {  	_ =	shalt  }
0x4a: {  	_ =	shalt  }
0x4b: {  	_ =	shalt  }
0x4c: {  	_ =	shalt  }
0x4d: {  	_ =	shalt  }
0x4e: {  	_ =	shalt  }
0x4f: {  	_ =	shalt  }
0x50: {  	_ =	shalt  }
0x51: {  	_ =	shalt  }
0x52: {  	_ =	shalt  }
0x53: {  	_ =	shalt  }
0x54: {  	_ =	shalt  }
0x55: {  	_ =	shalt  }
0x56: {  	_ =	shalt  }
0x57: {  	_ =	shalt  }
0x58: {  	_ =	shalt  }
0x59: {  	_ =	shalt  }
0x5a: {  	_ =	shalt  }
0x5b: {  	_ =	shalt  }
0x5c: {  	_ =	shalt  }
0x5d: {  	_ =	shalt  }
0x5e: {  	_ =	shalt  }
0x5f: {  	_ =	shalt  }
0x60: {  	_ =	shalt  }
0x61: {  	_ =	shalt  }
0x62: {  	_ =	shalt  }
0x63: {  	_ =	shalt  }
0x64: {  	_ =	shalt  }
0x65: {  	_ =	shalt  }
0x66: {  	_ =	shalt  }
0x67: {  	_ =	shalt  }
0x68: {  	_ =	shalt  }
0x69: {  	_ =	shalt  }
0x6a: {  	_ =	shalt  }
0x6b: {  	_ =	shalt  }
0x6c: {  	_ =	shalt  }
0x6d: {  	_ =	shalt  }
0x6e: {  	_ =	shalt  }
0x6f: {  	_ =	shalt  }
0x70: {  	_ =	shalt  }
0x71: {  	_ =	shalt  }
0x72: {  	_ =	shalt  }
0x73: {  	_ =	shalt  }
0x74: {  	_ =	shalt  }
0x75: {  	_ =	shalt  }
0x76: {  	_ =	shalt  }
0x77: {  	_ =	shalt  }
0x78: {  	_ =	shalt  }
0x79: {  	_ =	shalt  }
0x7a: {  	_ =	shalt  }
0x7b: {  	_ =	shalt  }
0x7c: {  	_ =	shalt  }
0x7d: {  	_ =	shalt  }
0x7e: {  	_ =	shalt  }
0x7f: {  	_ =	shalt  }
0x80: {  	_ =	shalt  }
0x81: {  	_ =	shalt  }
0x82: {  	_ =	shalt  }
0x83: {  	_ =	shalt  }
0x84: {  	_ =	shalt  }
0x85: {  	_ =	shalt  }
0x86: {  	_ =	shalt  }
0x87: {  	_ =	shalt  }
.Lfunc_end0:
.L_simem_size_0:
called_computation_lowered:
.L_overlay_start_0:
0x88: {  	s2 =	sld [smem:$0x3FD9]  }
0x89: {  	s3 =	sld [smem:$0x3FFE];
	_ =	sdelay $0x1  }
0x8a: {  	s1 =	srdreg.scid  }
0x8b: {  	s0 =	sand.u32 $0x1, s1  }
0x8c: {  	s14 =	sshll.u32 s0, $0xA;
	s2 =	sadd.s32 s3, s2  }
0x8d: {  	s2 =	sadd.s32 s2, s14  }
0x8e: {  	[smem:$0x3F81] =	sst s2  }
0x8f: {  	_ = 	snop  }
0x90: {  	s2 =	sld [smem:$0x3FD0];
	_ =	sdelay $0x2  }
0x91: {  	s15 =	simm.s32 $0xA;
	s4 =	simm.s32 $0x10  }
0x92: {  	[smem:s4], [sflag:s15] =	dma.local [hbm:s2], $0x1  }
0x93: {  	_ =	swait.eq [sflag:s15], $0x1  }
0x94: {  	[sflag:s15] =	ssyncset.done $0x0  }
0x95: {  	[sflag:s15] =	ssyncadd.s32 $0xFFFFFFFF  }
0x96: {  	s16 =	sld [smem:$0x10];
	(tm) =	ssettm $0x1  }
0x97: {  	s17 =	sld [smem:$0x3FFB];
	_ =	sdelay $0x3  }
0x98: {  	_ =	strace s17  }
0x99: {  	s3 =	sld [smem:$0x3FFC];
	_ =	sdelay $0x3  }
0x9a: {  	_ =	strace s3  }
0x9b: {  	s3 =	sld [smem:$0x3FFD];
	_ =	sdelay $0x3  }
0x9c: {  	_ =	strace s3  }
0x9d: {  	_ =	strace $0x8FFFFFFF  }
0x9e: {  	s18 =	sld [smem:$0x3FDB];
	_ =	sdelay $0x1  }
0x9f: {  	s19 =	simm.s32 $_scs_section_size  }
0xa0: {  	s5 =	simm.s32 $_size__tile_overlayer_lowered;
	s6 =	simm.s32 $_tile_overlayer_lowered  }
0xa1: {  	s22 =	simm.s32 $0x1BFF;
	s21 =	sshll.u32 s6, $0x1;
	s3 =	sadd.s32 s19, s18  }
0xa2: {  	s7 =	simm.s32 $0x0;
	s20 =	sshll.u32 s5, $0x1;
	s5 =	sadd.s32 s21, s3  }
0xa3: {  	[timem:s7], [sflag:s22] =	dma.local [hbm:s5], s20  }
0xa4: {  	_ =	swait.ge [sflag:s22], s20  }
0xa5: {  	s4 =	ssub.s32 $0x0, s20;
	[sflag:s22] =	ssyncset.done $0x0  }
0xa6: {  	[sflag:s22] =	ssyncadd.s32 s4;
	_ =	sdelay $0x1  }
0xa7: {  	s23 =	simm.s32 $0x1B8B  }
0xa8: {  	_ =	swait.ge [sflag:s23], $0x1  }
0xa9: {  	[sflag:s23] =	ssyncset.done $0x0  }
0xaa: {  	s25 =	simm.s32 $0x1B8E;
	s24 =	sld [smem:$0x3FFE];
	[sflag:s23] =	ssyncadd.s32 $0xFFFFFFFF  }
0xab: {  	s26 =	simm.s32 $execute0_lowered;
	[smem:$0x3FD2] =	sst s25  }
0xac: {  	s5 =	sshll.u32 s26, $0x1;
	_ =	strace $0x80000046;
	[dreg:$0x1] =	wrdreg $0xFFFFFFFF  }
0xad: {  	s28 =	simm.s32 $_size_execute0_lowered;
	s3 =	sadd.s32 s3, s5;
	[dreg:$0x0] =	wrdreg $0x0  }
0xae: {  	s5 =	sshll.u32 s28, $0x1;
	[dreg:$0x2] =	wrdreg s3  }
0xaf: {  	[dreg:$0x3] =	wrdreg s5  }
0xb0: {  	[dreg:$0x4] =	wrdreg $0xC0  }
0xb1: {  	_ =	task [dreg:s7], $0x5FFFF  }
0xb2: {  	[dreg:$0x1] =	wrdreg $0xFFFFFFFF  }
0xb3: {  	[dreg:$0x0] =	wrdreg $0x60  }
0xb4: {  	[dreg:$0x2] =	wrdreg s24  }
0xb5: {  	[dreg:$0x3] =	wrdreg s16  }
0xb6: {  	[dreg:$0x4] =	wrdreg $0x9  }
0xb7: {  	_ =	task.clear_ibuf [dreg:s7], $0x5FFFF;
	_ =	strace $0x90000046  }
0xb8: {  	s29 =	simm.s32 $0x9;
	_ =	strace $0x80000048  }
0xb9: {  	_ =	swait.ge [sflag:s29], $0x1  }
0xba: {  	[sflag:s29] =	ssyncadd.s32 $0xFFFFFFFF  }
0xbb: {  	_ =	strace $0x90000048  }
0xbc: {  	_ =	sfence  }
0xbd: {  	s30 =	sld [smem:$0x0];
	_ =	sdelay $0x2  }
0xbe: {  	s31 =	sshll.u32 s1, $0xD;
	s1 =	sshrl.u32 s1, $0x2  }
0xbf: {  	s3 =	sand.u32 $0x4000, s31;
	s1 =	sadd.s32 s1, s30  }
0xc0: {  	s0 =	sor.u32 s3, s0;
	s1 =	sshll.u32 s1, $0x11  }
0xc1: {  	s0 =	sor.u32 s1, s0  }
0xc2: {  	s0 =	sadd.s32 $0x8F2B, s0  }
0xc3: {  	[sflag:s0] =	ssyncadd.remote.s32 $0x1  }
0xc4: {  	_ =	sfence.sel $0xFFFF  }
0xc5: {  	[dreg:$0x0] =	wrdreg $0xFFFFFFFF;
	(pc) =	sbr.abs _section_cstart, $3  }
0xc6: {  	[dreg:$0x1] =	wrdreg $0xFFFFFFFF  }
0xc7: {  	_ =	task.clear_ibuf [dreg:s7], $0x2FFFF;
	_ =	strace $0x9FFFFFFF  }
0xc8: {  	(tm) =	ssettm $0x7FFFFFFF  }
0xc9: {  	_ =	shalt  }
tec
execute0_lowered:
.L_overlay_start_1:
0x0: {  	(tag) =	ssettag $0x1  }
0x1: {  	s4 =	rddreg [dreg:$0x0]  }
0x2: {  	s5 =	rddreg [dreg:$0x1]  }
0x3: {  	s1 =	srdreg.scid;
	s0 =	rddreg [dreg:$0x2];
	s2 =	simm.s32 $0x0  }
0x4: {  	s10 =	simm.s32 $0x1;
	s11 =	simm.s32 $0x80;
	s12 =	simm.s32 $0xA180  }
0x5: {  	s13 =	simm.s32 $0xA100;
	s3 =	sand.u32 $0x1, s1;
	s1 =	stileid.u32  }
0x6: {  	s14 =	simm.s32 $0x0;
	[smem:$0x7FF] =	sst s2;
	s6 =	smul.u32 $0x27100, s3  }
0x7: {  	s7 =	smul.u32 $0x2710, s1;
	s8 =	sshll.u32 s3, $0x4;
	_ =	strace $0x80000047  }
0x8: {  	s9 =	ssub.s32 $0x2, s3;
	s3 =	sadd.s32 $0x21400, s4;
	s29 =	sor.u32 s1, s8  }
0x9: {  	s30 =	sshrl.u32 s9, $0x1;
	s6 =	sadd.s32 s7, s6;
	s8 =	smul.u32 $0x500, s29  }
0xa: {  	s7 =	ssub.s32 s9, s30;
	s9 =	simm.s32 $0x100;
	s6 =	sshrl.u32 s6, $0x3  }
0xb: {  	s31 =	sadd.s32 s6, s4;
	s4 =	sadd.s32 s5, s8;
	s5 =	smax.u32 s7, $0x1  }
0xc: {  	v0 =	vimm.f32 $0.0e+00;
	v1 =	vimm.f32 $1.000000000e+00;
	s6 =	sadd.s32 $0x22800, s31;
	s7 =	sadd.s32 $0xD800, s31;
	s8 =	sadd.s32 $0x17600, s31  }
.LBB2_1:
0xd: {  	[tilespmem:s9], [sflag:$0x1] =	stream.linear.gather [hbm4b:s3+s2], $0xA000, $0x38;
	[tilespmem:$0xC980] =	vst v63  }
0xe: {  	_ =	swait.ge [sflag:s10], $0xA000  }
0xf: {  	[sflag:s10] =	ssyncset.done $0x0  }
0x10: {  	s15 =	simm.s32 $0x0;
	s16 =	simm.s32 $0x200;
	[sflag:s10] =	ssyncadd.s32 $0xFFFF6000  }
.LBB2_2:
0x11: {  	p0 =	sne.s32 s16, $0x9E00;
	[tilespmem:s15+$0xA1F0] =	vst v0  }
0x12: {  	[tilespmem:s15+$0xA180] =	vst v0  }
0x13: {  	[tilespmem:s15+$0xA190] =	vst v0  }
.Ltmp0:
0x14: {  	[tilespmem:s15+$0xA1A0] =	vst v0;
	(pc) =	sbr.rel @p0 .LBB2_2-.Ltmp0, $4  }
0x15: {  	[tilespmem:s15+$0xA1B0] =	vst v0  }
0x16: {  	[tilespmem:s15+$0xA1C0] =	vst v0  }
0x17: {  	[tilespmem:s15+$0xA1D0] =	vst v0  }
0x18: {  	[tilespmem:s15+$0xA1E0] =	vst v0;
	s15 =	sshra.s32 s16, $0x2;
	s16 =	sadd.s32 $0x200, s16  }
0x19: {  	[tilespmem:s15+$0xA1F0] =	vst v0  }
0x1a: {  	[tilespmem:s15+$0xA180] =	vst v0  }
0x1b: {  	[tilespmem:s15+$0xA190] =	vst v0  }
0x1c: {  	[tilespmem:s15+$0xA1A0] =	vst v0  }
0x1d: {  	[tilespmem:s15+$0xA1B0] =	vst v0  }
0x1e: {  	[tilespmem:s15+$0xA1C0] =	vst v0  }
0x1f: {  	[tilespmem:s15+$0xA1D0] =	vst v0  }
0x20: {  	[tilespmem:s15+$0xA1E0] =	vst v0;
	s15 =	simm.s32 $0x0  }
.LBB2_4:
0x21: {  	s16 =	sadd.s32 s15, s8  }
0x22: {  	[tilespmem:s2], [sflag:$0x1] =	stream.linear.gather [hbm4b:s16+s2], $0x50, $0x38;
	[tilespmem:$0xC980] =	vst v63  }
0x23: {  	_ =	swait.ge [sflag:s10], $0x50  }
0x24: {  	[sflag:s10] =	ssyncset.done $0x0  }
0x25: {  	s30 =	sadd.s32 s15, s7;
	[sflag:s10] =	ssyncadd.s32 $0xFFFFFFB0  }
0x26: {  	[tilespmem:s11], [sflag:$0x1] =	stream.linear.gather [hbm4b:s30+s2], $0x50, $0x38;
	[tilespmem:$0xC980] =	vst v63  }
0x27: {  	_ =	swait.ge [sflag:s10], $0x50  }
0x28: {  	[sflag:s10] =	ssyncset.done $0x0  }
0x29: {  	[sflag:s10] =	ssyncadd.s32 $0xFFFFFFB0  }
0x2a: {  	v2 =	vld [tilespmem:$0x80]  }
0x2b: {  	v3 =	vld [tilespmem:$0x0];
	_ =	sdelay $0x3  }
0x2c: {  	v2 =	vshll.u32 v2, $0x2  }
0x2d: {  	v4 =	vshll.u32 v3, $0x2  }
0x2e: {  	v5 =	vor.u32 $0x1, v2  }
0x2f: {  	v6 =	vor.u32 $0x1, v4  }
0x30: {  	v7 =	vor.u32 $0x2, v2  }
0x31: {  	v8 =	vor.u32 $0x2, v4;
	v2 =	vld.idx.msk [tilespmem:v2+s9+$0x0], $0xffff  }
0x32: {  	v4 =	vld.idx.msk [tilespmem:v4+s9+$0x0], $0xffff  }
0x33: {  	v5 =	vld.idx.msk [tilespmem:v5+s9+$0x0], $0xffff  }
0x34: {  	v6 =	vld.idx.msk [tilespmem:v6+s9+$0x0], $0xffff  }
0x35: {  	v7 =	vld.idx.msk [tilespmem:v7+s9+$0x0], $0xffff  }
0x36: {  	v8 =	vld.idx.msk [tilespmem:v8+s9+$0x0], $0xffff;
	_ =	sdelay $0x2  }
0x37: {  	v2 =	vsub.f32 v2, v4;
	v19 =	vsub.f32 v5, v6;
	_ =	sdelay $0x1  }
0x38: {  	v20 =	vsub.f32 v7, v8;
	v2 =	vmul.f32 v2, v2;
	v4 =	vmul.f32 v19, v19;
	_ =	sdelay $0x1  }
0x39: {  	v21 =	vmul.f32 v20, v20;
	v2 =	vadd.f32 v4, v2;
	_ =	sdelay $0x1  }
0x3a: {  	v2 =	vadd.f32 v21, v2;
	_ =	sdelay $0x1  }
0x3b: {  	v4 =	vshra.s32 v2, $0x1;
	v22 =	vmul.f32 $5.000000000e-01, v2  }
0x3c: {  	v4 =	vsub.s32 $0x5F3759DF, v4  }
0x3d: {  	v23 =	vmul.f32 v4, v22;
	_ =	sdelay $0x1  }
0x3e: {  	v6 =	vmul.f32 v4, v23;
	_ =	sdelay $0x1  }
0x3f: {  	v6 =	vsub.f32 $1.500000000e+00, v6;
	_ =	sdelay $0x1  }
0x40: {  	v4 =	vmul.f32 v4, v6;
	_ =	sdelay $0x1  }
0x41: {  	v6 =	vmul.f32 v4, v22;
	_ =	sdelay $0x1  }
0x42: {  	v6 =	vmul.f32 v6, v4;
	_ =	sdelay $0x1  }
0x43: {  	v6 =	vsub.f32 $1.500000000e+00, v6;
	_ =	sdelay $0x1  }
0x44: {  	v4 =	vmul.f32 v6, v4;
	_ =	sdelay $0x1  }
0x45: {  	v5 =	vmul.f32 v4, v22;
	_ =	sdelay $0x1  }
0x46: {  	v5 =	vmul.f32 v5, v4;
	_ =	sdelay $0x1  }
0x47: {  	v5 =	vsub.f32 $1.500000000e+00, v5;
	_ =	sdelay $0x1  }
0x48: {  	v4 =	vmul.f32 v5, v4;
	_ =	sdelay $0x1  }
0x49: {  	v2 =	vmul.f32 v4, v2;
	_ =	sdelay $0x1  }
0x4a: {  	[tilespmem:$0xA100] =	vst v2  }
0x4b: {  	[tilespmem:v3+s12+$0x0] =	vst.idx.add.f32.msk $0xffff, v1  }
0x4c: {  	v2 =	vld [tilespmem:$0x90]  }
0x4d: {  	v3 =	vld [tilespmem:$0x10];
	_ =	sdelay $0x3  }
0x4e: {  	v2 =	vshll.u32 v2, $0x2  }
0x4f: {  	v24 =	vshll.u32 v3, $0x2  }
0x50: {  	v25 =	vor.u32 $0x1, v2  }
0x51: {  	v26 =	vor.u32 $0x1, v24  }
0x52: {  	v27 =	vor.u32 $0x2, v2  }
0x53: {  	v28 =	vor.u32 $0x2, v24;
	v2 =	vld.idx.msk [tilespmem:v2+s9+$0x0], $0xffff  }
0x54: {  	v4 =	vld.idx.msk [tilespmem:v24+s9+$0x0], $0xffff  }
0x55: {  	v5 =	vld.idx.msk [tilespmem:v25+s9+$0x0], $0xffff  }
0x56: {  	v6 =	vld.idx.msk [tilespmem:v26+s9+$0x0], $0xffff  }
0x57: {  	v7 =	vld.idx.msk [tilespmem:v27+s9+$0x0], $0xffff  }
0x58: {  	v8 =	vld.idx.msk [tilespmem:v28+s9+$0x0], $0xffff;
	_ =	sdelay $0x2  }
0x59: {  	v2 =	vsub.f32 v2, v4;
	v29 =	vsub.f32 v5, v6;
	_ =	sdelay $0x1  }
0x5a: {  	v30 =	vsub.f32 v7, v8;
	v2 =	vmul.f32 v2, v2;
	v4 =	vmul.f32 v29, v29;
	_ =	sdelay $0x1  }
0x5b: {  	v31 =	vmul.f32 v30, v30;
	v2 =	vadd.f32 v4, v2;
	_ =	sdelay $0x1  }
0x5c: {  	v2 =	vadd.f32 v31, v2;
	_ =	sdelay $0x1  }
0x5d: {  	v4 =	vshra.s32 v2, $0x1;
	v32 =	vmul.f32 $5.000000000e-01, v2  }
0x5e: {  	v4 =	vsub.s32 $0x5F3759DF, v4  }
0x5f: {  	v33 =	vmul.f32 v4, v32;
	_ =	sdelay $0x1  }
0x60: {  	v6 =	vmul.f32 v4, v33;
	_ =	sdelay $0x1  }
0x61: {  	v6 =	vsub.f32 $1.500000000e+00, v6;
	_ =	sdelay $0x1  }
0x62: {  	v4 =	vmul.f32 v4, v6;
	_ =	sdelay $0x1  }
0x63: {  	v6 =	vmul.f32 v4, v32;
	_ =	sdelay $0x1  }
0x64: {  	v6 =	vmul.f32 v6, v4;
	_ =	sdelay $0x1  }
0x65: {  	v6 =	vsub.f32 $1.500000000e+00, v6;
	_ =	sdelay $0x1  }
0x66: {  	v4 =	vmul.f32 v6, v4;
	_ =	sdelay $0x1  }
0x67: {  	v5 =	vmul.f32 v4, v32;
	_ =	sdelay $0x1  }
0x68: {  	v5 =	vmul.f32 v5, v4;
	_ =	sdelay $0x1  }
0x69: {  	v5 =	vsub.f32 $1.500000000e+00, v5;
	_ =	sdelay $0x1  }
0x6a: {  	v4 =	vmul.f32 v5, v4;
	_ =	sdelay $0x1  }
0x6b: {  	v2 =	vmul.f32 v4, v2;
	_ =	sdelay $0x1  }
0x6c: {  	[tilespmem:$0xA110] =	vst v2  }
0x6d: {  	[tilespmem:v3+s12+$0x0] =	vst.idx.add.f32.msk $0xffff, v1  }
0x6e: {  	v2 =	vld [tilespmem:$0xA0]  }
0x6f: {  	v3 =	vld [tilespmem:$0x20];
	_ =	sdelay $0x3  }
0x70: {  	v2 =	vshll.u32 v2, $0x2  }
0x71: {  	v34 =	vshll.u32 v3, $0x2  }
0x72: {  	v35 =	vor.u32 $0x1, v2  }
0x73: {  	v36 =	vor.u32 $0x1, v34  }
0x74: {  	v37 =	vor.u32 $0x2, v2  }
0x75: {  	v38 =	vor.u32 $0x2, v34;
	v2 =	vld.idx.msk [tilespmem:v2+s9+$0x0], $0xffff  }
0x76: {  	v4 =	vld.idx.msk [tilespmem:v34+s9+$0x0], $0xffff  }
0x77: {  	v5 =	vld.idx.msk [tilespmem:v35+s9+$0x0], $0xffff  }
0x78: {  	v6 =	vld.idx.msk [tilespmem:v36+s9+$0x0], $0xffff  }
0x79: {  	v7 =	vld.idx.msk [tilespmem:v37+s9+$0x0], $0xffff  }
0x7a: {  	v8 =	vld.idx.msk [tilespmem:v38+s9+$0x0], $0xffff;
	_ =	sdelay $0x2  }
0x7b: {  	v2 =	vsub.f32 v2, v4;
	v39 =	vsub.f32 v5, v6;
	_ =	sdelay $0x1  }
0x7c: {  	v40 =	vsub.f32 v7, v8;
	v2 =	vmul.f32 v2, v2;
	v4 =	vmul.f32 v39, v39;
	_ =	sdelay $0x1  }
0x7d: {  	v41 =	vmul.f32 v40, v40;
	v2 =	vadd.f32 v4, v2;
	_ =	sdelay $0x1  }
0x7e: {  	v2 =	vadd.f32 v41, v2;
	_ =	sdelay $0x1  }
0x7f: {  	v4 =	vshra.s32 v2, $0x1;
	v42 =	vmul.f32 $5.000000000e-01, v2  }
0x80: {  	v4 =	vsub.s32 $0x5F3759DF, v4  }
0x81: {  	v43 =	vmul.f32 v4, v42;
	_ =	sdelay $0x1  }
0x82: {  	v6 =	vmul.f32 v4, v43;
	_ =	sdelay $0x1  }
0x83: {  	v6 =	vsub.f32 $1.500000000e+00, v6;
	_ =	sdelay $0x1  }
0x84: {  	v4 =	vmul.f32 v4, v6;
	_ =	sdelay $0x1  }
0x85: {  	v6 =	vmul.f32 v4, v42;
	_ =	sdelay $0x1  }
0x86: {  	v6 =	vmul.f32 v6, v4;
	_ =	sdelay $0x1  }
0x87: {  	v6 =	vsub.f32 $1.500000000e+00, v6;
	_ =	sdelay $0x1  }
0x88: {  	v4 =	vmul.f32 v6, v4;
	_ =	sdelay $0x1  }
0x89: {  	v5 =	vmul.f32 v4, v42;
	_ =	sdelay $0x1  }
0x8a: {  	v5 =	vmul.f32 v5, v4;
	_ =	sdelay $0x1  }
0x8b: {  	v5 =	vsub.f32 $1.500000000e+00, v5;
	_ =	sdelay $0x1  }
0x8c: {  	v4 =	vmul.f32 v5, v4;
	_ =	sdelay $0x1  }
0x8d: {  	v2 =	vmul.f32 v4, v2;
	_ =	sdelay $0x1  }
0x8e: {  	[tilespmem:$0xA120] =	vst v2  }
0x8f: {  	[tilespmem:v3+s12+$0x0] =	vst.idx.add.f32.msk $0xffff, v1  }
0x90: {  	v2 =	vld [tilespmem:$0xB0]  }
0x91: {  	v3 =	vld [tilespmem:$0x30];
	_ =	sdelay $0x3  }
0x92: {  	v2 =	vshll.u32 v2, $0x2  }
0x93: {  	v44 =	vshll.u32 v3, $0x2  }
0x94: {  	v45 =	vor.u32 $0x1, v2  }
0x95: {  	v46 =	vor.u32 $0x1, v44  }
0x96: {  	v47 =	vor.u32 $0x2, v2  }
0x97: {  	v48 =	vor.u32 $0x2, v44;
	v2 =	vld.idx.msk [tilespmem:v2+s9+$0x0], $0xffff  }
0x98: {  	v4 =	vld.idx.msk [tilespmem:v44+s9+$0x0], $0xffff  }
0x99: {  	v5 =	vld.idx.msk [tilespmem:v45+s9+$0x0], $0xffff  }
0x9a: {  	v6 =	vld.idx.msk [tilespmem:v46+s9+$0x0], $0xffff  }
0x9b: {  	v7 =	vld.idx.msk [tilespmem:v47+s9+$0x0], $0xffff  }
0x9c: {  	v8 =	vld.idx.msk [tilespmem:v48+s9+$0x0], $0xffff;
	_ =	sdelay $0x2  }
0x9d: {  	v2 =	vsub.f32 v2, v4;
	v49 =	vsub.f32 v5, v6;
	_ =	sdelay $0x1  }
0x9e: {  	v50 =	vsub.f32 v7, v8;
	v2 =	vmul.f32 v2, v2;
	v4 =	vmul.f32 v49, v49;
	_ =	sdelay $0x1  }
0x9f: {  	v51 =	vmul.f32 v50, v50;
	v2 =	vadd.f32 v4, v2;
	_ =	sdelay $0x1  }
0xa0: {  	v2 =	vadd.f32 v51, v2;
	_ =	sdelay $0x1  }
0xa1: {  	v4 =	vshra.s32 v2, $0x1;
	v52 =	vmul.f32 $5.000000000e-01, v2  }
0xa2: {  	v4 =	vsub.s32 $0x5F3759DF, v4  }
0xa3: {  	v53 =	vmul.f32 v4, v52;
	_ =	sdelay $0x1  }
0xa4: {  	v6 =	vmul.f32 v4, v53;
	_ =	sdelay $0x1  }
0xa5: {  	v6 =	vsub.f32 $1.500000000e+00, v6;
	_ =	sdelay $0x1  }
0xa6: {  	v4 =	vmul.f32 v4, v6;
	_ =	sdelay $0x1  }
0xa7: {  	v6 =	vmul.f32 v4, v52;
	_ =	sdelay $0x1  }
0xa8: {  	v6 =	vmul.f32 v6, v4;
	_ =	sdelay $0x1  }
0xa9: {  	v6 =	vsub.f32 $1.500000000e+00, v6;
	_ =	sdelay $0x1  }
0xaa: {  	v4 =	vmul.f32 v6, v4;
	_ =	sdelay $0x1  }
0xab: {  	v5 =	vmul.f32 v4, v52;
	_ =	sdelay $0x1  }
0xac: {  	v5 =	vmul.f32 v5, v4;
	_ =	sdelay $0x1  }
0xad: {  	v5 =	vsub.f32 $1.500000000e+00, v5;
	_ =	sdelay $0x1  }
0xae: {  	v4 =	vmul.f32 v5, v4;
	_ =	sdelay $0x1  }
0xaf: {  	v2 =	vmul.f32 v4, v2;
	_ =	sdelay $0x1  }
0xb0: {  	[tilespmem:$0xA130] =	vst v2  }
0xb1: {  	[tilespmem:v3+s12+$0x0] =	vst.idx.add.f32.msk $0xffff, v1  }
0xb2: {  	v2 =	vld [tilespmem:$0xC0]  }
0xb3: {  	v3 =	vld [tilespmem:$0x40];
	_ =	sdelay $0x3  }
0xb4: {  	v2 =	vshll.u32 v2, $0x2  }
0xb5: {  	v54 =	vshll.u32 v3, $0x2  }
0xb6: {  	v55 =	vor.u32 $0x1, v2  }
0xb7: {  	v56 =	vor.u32 $0x1, v54  }
0xb8: {  	v57 =	vor.u32 $0x2, v2  }
0xb9: {  	v58 =	vor.u32 $0x2, v54;
	v2 =	vld.idx.msk [tilespmem:v2+s9+$0x0], $0xffff  }
0xba: {  	v4 =	vld.idx.msk [tilespmem:v54+s9+$0x0], $0xffff  }
0xbb: {  	v5 =	vld.idx.msk [tilespmem:v55+s9+$0x0], $0xffff  }
0xbc: {  	v6 =	vld.idx.msk [tilespmem:v56+s9+$0x0], $0xffff  }
0xbd: {  	v7 =	vld.idx.msk [tilespmem:v57+s9+$0x0], $0xffff  }
0xbe: {  	v8 =	vld.idx.msk [tilespmem:v58+s9+$0x0], $0xffff;
	_ =	sdelay $0x2  }
0xbf: {  	v2 =	vsub.f32 v2, v4;
	v59 =	vsub.f32 v5, v6;
	_ =	sdelay $0x1  }
0xc0: {  	v60 =	vsub.f32 v7, v8;
	v2 =	vmul.f32 v2, v2;
	v4 =	vmul.f32 v59, v59;
	_ =	sdelay $0x1  }
0xc1: {  	v61 =	vmul.f32 v60, v60;
	v2 =	vadd.f32 v4, v2;
	_ =	sdelay $0x1  }
0xc2: {  	v2 =	vadd.f32 v61, v2;
	_ =	sdelay $0x1  }
0xc3: {  	v4 =	vshra.s32 v2, $0x1;
	v62 =	vmul.f32 $5.000000000e-01, v2  }
0xc4: {  	v4 =	vsub.s32 $0x5F3759DF, v4  }
0xc5: {  	v63 =	vmul.f32 v4, v62;
	_ =	sdelay $0x1  }
0xc6: {  	v6 =	vmul.f32 v4, v63;
	_ =	sdelay $0x1  }
0xc7: {  	v6 =	vsub.f32 $1.500000000e+00, v6;
	_ =	sdelay $0x1  }
0xc8: {  	v4 =	vmul.f32 v4, v6;
	_ =	sdelay $0x1  }
0xc9: {  	v6 =	vmul.f32 v4, v62;
	_ =	sdelay $0x1  }
0xca: {  	v6 =	vmul.f32 v6, v4;
	_ =	sdelay $0x1  }
0xcb: {  	v6 =	vsub.f32 $1.500000000e+00, v6;
	_ =	sdelay $0x1  }
0xcc: {  	v4 =	vmul.f32 v6, v4;
	_ =	sdelay $0x1  }
0xcd: {  	v5 =	vmul.f32 v4, v62;
	_ =	sdelay $0x1  }
0xce: {  	v5 =	vmul.f32 v5, v4;
	_ =	sdelay $0x1  }
0xcf: {  	v5 =	vsub.f32 $1.500000000e+00, v5;
	_ =	sdelay $0x1  }
0xd0: {  	v4 =	vmul.f32 v5, v4;
	_ =	sdelay $0x1  }
0xd1: {  	v2 =	vmul.f32 v4, v2;
	_ =	sdelay $0x1  }
0xd2: {  	p0 =	sne.s32 s15, $0x4D8;
	[tilespmem:$0xA140] =	vst v2  }
.Ltmp1:
0xd3: {  	s31 =	sadd.s32 s15, s6;
	[tilespmem:v3+s12+$0x0] =	vst.idx.add.f32.msk $0xffff, v1;
	(pc) =	sbr.rel @p0 .LBB2_4-.Ltmp1, $4  }
0xd4: {  	[hbm4b:s31+s2] =	stream.linear.scatter [tilespmem:s13], [sflag:$0x1], $0x50, $0x38;
	[tilespmem:$0xC980] =	vst v63  }
0xd5: {  	_ =	swait.ge [sflag:s10], $0x50  }
0xd6: {  	[sflag:s10] =	ssyncset.done $0x0  }
0xd7: {  	s15 =	sadd.s32 $0xA, s15;
	[sflag:s10] =	ssyncadd.s32 $0xFFFFFFB0  }
0xd8: {  	s14 =	sadd.s32 $0x1, s14  }
0xd9: {  	p0 =	sne.s32 s14, s5  }
.Ltmp2:
0xda: {  	_ = 	snop;
	(pc) =	sbr.rel @p0 .LBB2_1-.Ltmp2, $4  }
0xdb: {  	[hbm4b:s4+s2] =	stream.linear.scatter [tilespmem:s12], [sflag:$0x1], $0x2800, $0x38;
	[tilespmem:$0xC980] =	vst v63  }
0xdc: {  	_ =	swait.ge [sflag:s10], $0x2800  }
0xdd: {  	[sflag:s10] =	ssyncset.done $0x0  }
0xde: {  	[sflag:s10] =	ssyncadd.s32 $0xFFFFD800  }
0xdf: {  	_ =	sfence.sel $0x180000  }
0xe0: {  	[bflag:$0x0] =	sbarrier.arrive $0xFFFF  }
0xe1: {  	p0 =	sne.s32 s1, $0x0;
	_ =	strace $0x90000047  }
0xe2: {  	s0 =	sadd.s32 @!p0 $0x100000, s0;
	[bflag:$0x2] =	sbarrier.arrive $0xFFFF  }
0xe3: {  	[sflag:s0] =	ssyncadd.tile.s32 @!p0 $0x1;
	_ =	shalt  }
.Lfunc_end2:
_tile_overlayer_lowered:
.L_overlay_start_2:
0xe4: {  	(tag) =	ssettag $0x2  }
0xe5: {  	s0 =	rddreg [dreg:$0x0];
	s2 =	stileid.u32  }
0xe6: {  	s1 =	rddreg [dreg:$0x1];
	p0 =	sne.s32 s2, $0x0  }
0xe7: {  	s3 =	rddreg [dreg:$0x2];
	[bflag:$0x3] =	sbarrier.arrive $0xFFFF;
	s2 =	simm.s32 @!p0 $0x1C01  }
0xe8: {  	[timem:s3], [sflag:s2] =	dma.local @!p0 [hbm:s0], s1  }
0xe9: {  	s0 =	simm.s32 @!p0 $0x1  }
0xea: {  	_ =	swait.ge @!p0 [sflag:s0], s1  }
0xeb: {  	s1 =	ssub.s32 @!p0 $0x0, s1;
	[sflag:s0] =	ssyncset.done @!p0 $0x0  }
0xec: {  	[sflag:s0] =	ssyncadd.s32 @!p0 s1  }
0xed: {  	[bflag:$0x3] =	sbarrier.arrive $0xFFFF  }
0xee: {  	_ =	shalt  }

// kernel: kernel.16.cloned.1.call-start
scs
__scs_entry_jumppad:
0x0: {  	(pc) =	sbr.rel $0x88, $3  }
0x1: {  	(tag) =	ssettag $0x0;
	lr =	simm.s32 $0x1  }
0x2: {  	[smem:$0x3F5A] =	sst lr;
	_ =	strace $0xD0000000  }
0x3: {  	_ = 	snop  }
0x4: {  	_ = 	snop  }
0x5: {  	_ = 	snop  }
0x6: {  	_ = 	snop  }
0x7: {  	_ = 	snop  }
__scs_overlays_trampoline_lowered:
0x8: {  	[smem:$0x3F69] =	sst s0  }
0x9: {  	[smem:$0x3F6A] =	sst s1  }
0xa: {  	[smem:$0x3F6B] =	sst s2  }
0xb: {  	[smem:$0x3F6C] =	sst s3  }
0xc: {  	[smem:$0x3F6D] =	sst s4  }
0xd: {  	[smem:$0x3F6E] =	sst s5  }
0xe: {  	[smem:$0x3F6F] =	sst s6  }
0xf: {  	[smem:$0x3F70] =	sst s7  }
0x10: {  	[smem:$0x3F71] =	sst s8  }
0x11: {  	[smem:$0x3F72] =	sst s9;
	s0 =	simm.s32 @!p0 $0x0  }
0x12: {  	s1 =	sld [smem:$0x3F58];
	s0 =	simm.s32 @p0 $0x1  }
0x13: {  	[smem:$0x3F73] =	sst s0;
	s0 =	simm.s32 @!p1 $0x0  }
0x14: {  	s2 =	sld [smem:$0x3F57];
	s0 =	simm.s32 @p1 $0x1  }
0x15: {  	[smem:$0x3F74] =	sst s0;
	s0 =	simm.s32 @!p2 $0x0  }
0x16: {  	s3 =	sld [smem:$0x3FDB];
	s0 =	simm.s32 @p2 $0x1  }
0x17: {  	s4 =	simm.s32 $0x1BF5;
	[smem:$0x3F76] =	sst s0  }
0x18: {  	s0 =	sld [smem:$0x3F59];
	_ =	swait.ge [sflag:s4], $0x0  }
0x19: {  	s7 =	sld [smem:$0x3F5A]  }
0x1a: {  	s8 =	sadd.s32 $0xFFFFE003, lr  }
0x1b: {  	s9 =	sadd.s32 $0xFFFFFEF7, lr;
	s5 =	simm.s32 $0xFFFFFFFF;
	p2 =	slt.u32 s8, $0xFFFFF086  }
0x1c: {  	p1 =	slt.u32 s9, $0xF7A;
	s5 =	simm.s32 @!p2 $0x0  }
0x1d: {  	s5 =	simm.s32 @p1 $0x1;
	p0 =	seq.s32 s7, s2  }
0x1e: {  	s7 =	smul.u32 @!p0 $0xF7A, s2;
	p2 =	seq.s32 @!p0 s5, $0x0  }
0x1f: {  	s9 =	smul.u32 $0xF7A, s1;
	s8 =	simm.s32 @!p0 $0x1BF5;
	p2 =	por !p2, p0  }
0x20: {  	[sflag:s8] =	ssyncset.s32 @!p0 $0xFFFFF086;
	s6 =	sadd.s32 @!p0 s3, s7;
	s7 =	simm.s32 @!p0 $0x108  }
0x21: {  	s3 =	sadd.s32 s3, s9;
	s6 =	sadd.s32 @!p0 $0x88, s6;
	s7 =	simm.s32 @p2 $0x1082  }
0x22: {  	[simem:s7], [sflag:s8] =	dma.local @!p0 [hbm:s6], $0xF7A  }
0x23: {  	s9 =	sor.u32 $0xD0000000, s2;
	s6 =	simm.s32 $0x108;
	_ =	swait.ge @!p0 [sflag:s8], $0x0  }
0x24: {  	s3 =	sadd.s32 $0x88, s3;
	s6 =	simm.s32 @!p1 $0x1082;
	[sflag:s4] =	ssyncset.s32 $0xFFFFF086  }
0x25: {  	[simem:s6], [sflag:s4] =	dma.local [hbm:s3], $0xF7A  }
0x26: {  	[smem:$0x3F5A] =	sst s1;
	(tag) =	ssettag s2;
	_ =	strace s9  }
0x27: {  	s1 =	sld [smem:$0x3F6A]  }
0x28: {  	s2 =	sld [smem:$0x3F6B]  }
0x29: {  	s4 =	sld [smem:$0x3F6D]  }
0x2a: {  	p0 =	seq.s32 s5, $0x0;
	s5 =	sld [smem:$0x3F6E]  }
0x2b: {  	s6 =	sld [smem:$0x3F6F]  }
0x2c: {  	s7 =	sld [smem:$0x3F70]  }
0x2d: {  	s3 =	simm.s32 $0x108;
	s8 =	sld [smem:$0x3F71]  }
0x2e: {  	s3 =	simm.s32 @!p0 $0x1082;
	s9 =	sld [smem:$0x3F72]  }
0x2f: {  	lr =	sadd.s32 s0, s3;
	s0 =	sld [smem:$0x3F69]  }
0x30: {  	s3 =	sld [smem:$0x3F6C]  }
0x31: {  	[smem:$0x3F75] =	sst s10  }
0x32: {  	s10 =	sld [smem:$0x3F73];
	_ =	sdelay $0x3  }
0x33: {  	p0 =	seq.s32 s10, $0x1;
	s10 =	sld [smem:$0x3F75];
	_ =	sdelay $0x3  }
0x34: {  	[smem:$0x3F75] =	sst s10  }
0x35: {  	s10 =	sld [smem:$0x3F74];
	_ =	sdelay $0x3  }
0x36: {  	p1 =	seq.s32 s10, $0x1;
	s10 =	sld [smem:$0x3F75];
	_ =	sdelay $0x3  }
0x37: {  	[smem:$0x3F75] =	sst s10  }
0x38: {  	s10 =	sld [smem:$0x3F76]  }
0x39: {  	_ = 	snop;
	(pc) =	sbr.ind lr, $3  }
0x3a: {  	_ = 	snop  }
0x3b: {  	_ = 	snop  }
0x3c: {  	p2 =	seq.s32 s10, $0x1;
	s10 =	sld [smem:$0x3F75]  }
0x3d: {  	_ =	shalt  }
0x3e: {  	_ =	shalt  }
0x3f: {  	_ =	shalt  }
0x40: {  	_ =	shalt  }
0x41: {  	_ =	shalt  }
0x42: {  	_ =	shalt  }
0x43: {  	_ =	shalt  }
0x44: {  	_ =	shalt  }
0x45: {  	_ =	shalt  }
0x46: {  	_ =	shalt  }
0x47: {  	_ =	shalt  }
0x48: {  	_ =	shalt  }
0x49: {  	_ =	shalt  }
0x4a: {  	_ =	shalt  }
0x4b: {  	_ =	shalt  }
0x4c: {  	_ =	shalt  }
0x4d: {  	_ =	shalt  }
0x4e: {  	_ =	shalt  }
0x4f: {  	_ =	shalt  }
0x50: {  	_ =	shalt  }
0x51: {  	_ =	shalt  }
0x52: {  	_ =	shalt  }
0x53: {  	_ =	shalt  }
0x54: {  	_ =	shalt  }
0x55: {  	_ =	shalt  }
0x56: {  	_ =	shalt  }
0x57: {  	_ =	shalt  }
0x58: {  	_ =	shalt  }
0x59: {  	_ =	shalt  }
0x5a: {  	_ =	shalt  }
0x5b: {  	_ =	shalt  }
0x5c: {  	_ =	shalt  }
0x5d: {  	_ =	shalt  }
0x5e: {  	_ =	shalt  }
0x5f: {  	_ =	shalt  }
0x60: {  	_ =	shalt  }
0x61: {  	_ =	shalt  }
0x62: {  	_ =	shalt  }
0x63: {  	_ =	shalt  }
0x64: {  	_ =	shalt  }
0x65: {  	_ =	shalt  }
0x66: {  	_ =	shalt  }
0x67: {  	_ =	shalt  }
0x68: {  	_ =	shalt  }
0x69: {  	_ =	shalt  }
0x6a: {  	_ =	shalt  }
0x6b: {  	_ =	shalt  }
0x6c: {  	_ =	shalt  }
0x6d: {  	_ =	shalt  }
0x6e: {  	_ =	shalt  }
0x6f: {  	_ =	shalt  }
0x70: {  	_ =	shalt  }
0x71: {  	_ =	shalt  }
0x72: {  	_ =	shalt  }
0x73: {  	_ =	shalt  }
0x74: {  	_ =	shalt  }
0x75: {  	_ =	shalt  }
0x76: {  	_ =	shalt  }
0x77: {  	_ =	shalt  }
0x78: {  	_ =	shalt  }
0x79: {  	_ =	shalt  }
0x7a: {  	_ =	shalt  }
0x7b: {  	_ =	shalt  }
0x7c: {  	_ =	shalt  }
0x7d: {  	_ =	shalt  }
0x7e: {  	_ =	shalt  }
0x7f: {  	_ =	shalt  }
0x80: {  	_ =	shalt  }
0x81: {  	_ =	shalt  }
0x82: {  	_ =	shalt  }
0x83: {  	_ =	shalt  }
0x84: {  	_ =	shalt  }
0x85: {  	_ =	shalt  }
0x86: {  	_ =	shalt  }
0x87: {  	_ =	shalt  }
.Lfunc_end0:
.L_simem_size_0:
called_computation.1_lowered:
.L_overlay_start_0:
0x88: {  	s2 =	sld [smem:$0x3FD9]  }
0x89: {  	s3 =	sld [smem:$0x3FFE];
	_ =	sdelay $0x1  }
0x8a: {  	s1 =	srdreg.scid  }
0x8b: {  	s0 =	sand.u32 $0x1, s1  }
0x8c: {  	s14 =	sshll.u32 s0, $0xA;
	s2 =	sadd.s32 s3, s2  }
0x8d: {  	s2 =	sadd.s32 s2, s14  }
0x8e: {  	[smem:$0x3F81] =	sst s2  }
0x8f: {  	_ = 	snop  }
0x90: {  	s2 =	sld [smem:$0x3FD0];
	_ =	sdelay $0x2  }
0x91: {  	s15 =	simm.s32 $0xA;
	s4 =	simm.s32 $0x10  }
0x92: {  	[smem:s4], [sflag:s15] =	dma.local [hbm:s2], $0x1  }
0x93: {  	_ =	swait.eq [sflag:s15], $0x1  }
0x94: {  	[sflag:s15] =	ssyncset.done $0x0  }
0x95: {  	[sflag:s15] =	ssyncadd.s32 $0xFFFFFFFF  }
0x96: {  	s16 =	sld [smem:$0x11];
	(tm) =	ssettm $0x1  }
0x97: {  	s17 =	sld [smem:$0x3FFB];
	_ =	sdelay $0x3  }
0x98: {  	_ =	strace s17  }
0x99: {  	s3 =	sld [smem:$0x3FFC];
	_ =	sdelay $0x3  }
0x9a: {  	_ =	strace s3  }
0x9b: {  	s3 =	sld [smem:$0x3FFD];
	_ =	sdelay $0x3  }
0x9c: {  	_ =	strace s3  }
0x9d: {  	_ =	strace $0x8FFFFFFF  }
0x9e: {  	s18 =	sld [smem:$0x3FDB];
	_ =	sdelay $0x1  }
0x9f: {  	s19 =	simm.s32 $_scs_section_size  }
0xa0: {  	s5 =	simm.s32 $_size__tile_overlayer_lowered;
	s6 =	simm.s32 $_tile_overlayer_lowered  }
0xa1: {  	s22 =	simm.s32 $0x1BFF;
	s21 =	sshll.u32 s6, $0x1;
	s3 =	sadd.s32 s19, s18  }
0xa2: {  	s7 =	simm.s32 $0x0;
	s20 =	sshll.u32 s5, $0x1;
	s5 =	sadd.s32 s21, s3  }
0xa3: {  	[timem:s7], [sflag:s22] =	dma.local [hbm:s5], s20  }
0xa4: {  	_ =	swait.ge [sflag:s22], s20  }
0xa5: {  	s4 =	ssub.s32 $0x0, s20;
	[sflag:s22] =	ssyncset.done $0x0  }
0xa6: {  	[sflag:s22] =	ssyncadd.s32 s4;
	_ =	sdelay $0x1  }
0xa7: {  	s23 =	simm.s32 $0x1B8B  }
0xa8: {  	_ =	swait.ge [sflag:s23], $0x1  }
0xa9: {  	[sflag:s23] =	ssyncset.done $0x0  }
0xaa: {  	s25 =	simm.s32 $0x1B8E;
	s24 =	sld [smem:$0x3FFE];
	[sflag:s23] =	ssyncadd.s32 $0xFFFFFFFF  }
0xab: {  	s26 =	simm.s32 $execute0_lowered;
	[smem:$0x3FD2] =	sst s25  }
0xac: {  	s5 =	sshll.u32 s26, $0x1;
	_ =	strace $0x80000049;
	[dreg:$0x1] =	wrdreg $0xFFFFFFFF  }
0xad: {  	s28 =	simm.s32 $_size_execute0_lowered;
	s3 =	sadd.s32 s3, s5;
	[dreg:$0x0] =	wrdreg $0x0  }
0xae: {  	s5 =	sshll.u32 s28, $0x1;
	[dreg:$0x2] =	wrdreg s3  }
0xaf: {  	[dreg:$0x3] =	wrdreg s5  }
0xb0: {  	[dreg:$0x4] =	wrdreg $0xC0  }
0xb1: {  	_ =	task [dreg:s7], $0x5FFFF  }
0xb2: {  	[dreg:$0x1] =	wrdreg $0xFFFFFFFF  }
0xb3: {  	[dreg:$0x0] =	wrdreg $0x60  }
0xb4: {  	[dreg:$0x2] =	wrdreg s24  }
0xb5: {  	[dreg:$0x3] =	wrdreg s16  }
0xb6: {  	[dreg:$0x4] =	wrdreg $0x92000  }
0xb7: {  	[dreg:$0x5] =	wrdreg $0x9  }
0xb8: {  	_ =	task.clear_ibuf [dreg:s7], $0x6FFFF;
	_ =	strace $0x90000049  }
0xb9: {  	s29 =	simm.s32 $0x9;
	_ =	strace $0x8000004B  }
0xba: {  	_ =	swait.ge [sflag:s29], $0x1  }
0xbb: {  	[sflag:s29] =	ssyncadd.s32 $0xFFFFFFFF  }
0xbc: {  	_ =	strace $0x9000004B  }
0xbd: {  	_ =	sfence  }
0xbe: {  	s30 =	sld [smem:$0x0];
	_ =	sdelay $0x2  }
0xbf: {  	s31 =	sshll.u32 s1, $0xD;
	s1 =	sshrl.u32 s1, $0x2  }
0xc0: {  	s3 =	sand.u32 $0x4000, s31;
	s1 =	sadd.s32 s1, s30  }
0xc1: {  	s0 =	sor.u32 s3, s0;
	s1 =	sshll.u32 s1, $0x11  }
0xc2: {  	s0 =	sor.u32 s1, s0  }
0xc3: {  	s0 =	sadd.s32 $0x8F2B, s0  }
0xc4: {  	[sflag:s0] =	ssyncadd.remote.s32 $0x1  }
0xc5: {  	_ =	sfence.sel $0xFFFF  }
0xc6: {  	[dreg:$0x0] =	wrdreg $0xFFFFFFFF;
	(pc) =	sbr.abs _section_cstart, $3  }
0xc7: {  	[dreg:$0x1] =	wrdreg $0xFFFFFFFF  }
0xc8: {  	_ =	task.clear_ibuf [dreg:s7], $0x2FFFF;
	_ =	strace $0x9FFFFFFF  }
0xc9: {  	(tm) =	ssettm $0x7FFFFFFF  }
tec
execute0_lowered:
.L_overlay_start_1:
0x0: {  	(tag) =	ssettag $0x1  }
0x1: {  	s0 =	rddreg [dreg:$0x0]  }
0x2: {  	s2 =	rddreg [dreg:$0x2];
	s4 =	simm.s32 $0x0;
	s1 =	srdreg.scid  }
0x3: {  	s3 =	stileid.u32;
	s19 =	simm.s32 $0x3;
	s20 =	simm.s32 $0x5200  }
0x4: {  	s21 =	simm.s32 $0x80;
	s22 =	simm.s32 $0x50;
	s23 =	simm.s32 $0x180  }
0x5: {  	s24 =	simm.s32 $0x2980;
	s25 =	simm.s32 $0x1;
	s26 =	simm.s32 $0x2  }
0x6: {  	s28 =	simm.s32 $0x0;
	s29 =	simm.s32 $0x0;
	[smem:$0x7FF] =	sst s4  }
0x7: {  	s1 =	sand.u32 $0x1, s1;
	s10 =	smul.u32 $0x14000, s3;
	s5 =	sadd.s32 $0x53800, s0  }
0x8: {  	s6 =	sadd.s32 $0x7AA00, s0;
	s7 =	sadd.s32 $0x17600, s0;
	s11 =	smul.u32 $0x50000, s3  }
0x9: {  	s8 =	sadd.s32 $0xD800, s0;
	s9 =	smul.u32 $0x140000, s1;
	s12 =	ssub.s32 $0x2, s1  }
0xa: {  	_ =	strace $0x8000004A;
	s1 =	sshll.u32 s1, $0x4;
	s31 =	sshrl.u32 s12, $0x1  }
0xb: {  	s11 =	sshrl.u32 s11, $0x2;
	s1 =	sor.u32 s3, s1;
	s10 =	sadd.s32 s10, s9  }
0xc: {  	s9 =	sadd.s32 $0x22800, s0;
	s17 =	ssub.s32 s12, s31;
	s10 =	sshrl.u32 s10, $0x3  }
0xd: {  	s15 =	smul.u32 $0x2710, s1;
	s0 =	sadd.s32 s10, s0;
	s10 =	sadd.s32 s11, s2  }
0xe: {  	s17 =	smax.u32 s17, $0x1;
	s11 =	sadd.s32 $0x4000, s10;
	s12 =	sadd.s32 $0x8000, s10  }
0xf: {  	v0 =	vimm.f32 $0.0e+00;
	s13 =	sadd.s32 $0xC000, s10;
	s14 =	sadd.s32 $0x10000, s10;
	s16 =	sadd.s32 $0xA1C00, s0  }
.LBB2_1:
0x10: {  	s0 =	rddreg [dreg:$0x1];
	s1 =	simm.s32 $0x5180  }
0x11: {  	[tilespmem:s1], [sflag:$0x3] =	stream.linear.gather [hbm4b:s0+s4], $0x80, $0x38;
	[tilespmem:$0x1D200] =	vst v63  }
0x12: {  	_ =	swait.ge [sflag:s19], $0x80  }
0x13: {  	[sflag:s19] =	ssyncset.done $0x0  }
0x14: {  	s0 =	simm.s32 $0x0;
	s1 =	simm.s32 $0x200;
	[sflag:s19] =	ssyncadd.s32 $0xFFFFFF80  }
.LBB2_2:
0x15: {  	p0 =	sne.s32 s1, $0xFE00;
	[tilespmem:s0+$0x5270] =	vst v0  }
0x16: {  	[tilespmem:s0+$0x5200] =	vst v0  }
0x17: {  	[tilespmem:s0+$0x5210] =	vst v0  }
.Ltmp0:
0x18: {  	[tilespmem:s0+$0x5220] =	vst v0;
	(pc) =	sbr.rel @p0 .LBB2_2-.Ltmp0, $4  }
0x19: {  	[tilespmem:s0+$0x5230] =	vst v0  }
0x1a: {  	[tilespmem:s0+$0x5240] =	vst v0  }
0x1b: {  	[tilespmem:s0+$0x5250] =	vst v0  }
0x1c: {  	[tilespmem:s0+$0x5260] =	vst v0;
	s0 =	sshra.s32 s1, $0x2;
	s1 =	sadd.s32 $0x200, s1  }
0x1d: {  	[tilespmem:s0+$0x5270] =	vst v0  }
0x1e: {  	[tilespmem:s0+$0x5200] =	vst v0  }
0x1f: {  	[tilespmem:s0+$0x5210] =	vst v0  }
0x20: {  	[tilespmem:s0+$0x5220] =	vst v0  }
0x21: {  	[tilespmem:s0+$0x5230] =	vst v0  }
0x22: {  	[tilespmem:s0+$0x5240] =	vst v0  }
0x23: {  	[tilespmem:s0+$0x5250] =	vst v0  }
0x24: {  	[tilespmem:s0+$0x5260] =	vst v0  }
0x25: {  	[spmem:s10] =	stream.linear.scatter [tilespmem:s20], [sflag:$0x3], $0x4000, $0x38;
	[tilespmem:$0x1D200] =	vst v63  }
0x26: {  	_ =	swait.ge [sflag:s19], $0x4000  }
0x27: {  	[sflag:s19] =	ssyncset.done $0x0  }
0x28: {  	[sflag:s19] =	ssyncadd.s32 $0xFFFFC000  }
0x29: {  	[spmem:s11] =	stream.linear.scatter [tilespmem:s20], [sflag:$0x3], $0x4000, $0x38;
	[tilespmem:$0x1D200] =	vst v63  }
0x2a: {  	_ =	swait.ge [sflag:s19], $0x4000  }
0x2b: {  	[sflag:s19] =	ssyncset.done $0x0  }
0x2c: {  	[sflag:s19] =	ssyncadd.s32 $0xFFFFC000  }
0x2d: {  	[spmem:s12] =	stream.linear.scatter [tilespmem:s20], [sflag:$0x3], $0x4000, $0x38;
	[tilespmem:$0x1D200] =	vst v63  }
0x2e: {  	_ =	swait.ge [sflag:s19], $0x4000  }
0x2f: {  	[sflag:s19] =	ssyncset.done $0x0  }
0x30: {  	[sflag:s19] =	ssyncadd.s32 $0xFFFFC000  }
0x31: {  	[spmem:s13] =	stream.linear.scatter [tilespmem:s20], [sflag:$0x3], $0x4000, $0x38;
	[tilespmem:$0x1D200] =	vst v63  }
0x32: {  	_ =	swait.ge [sflag:s19], $0x4000  }
0x33: {  	[sflag:s19] =	ssyncset.done $0x0  }
0x34: {  	[sflag:s19] =	ssyncadd.s32 $0xFFFFC000  }
0x35: {  	[spmem:s14] =	stream.linear.scatter [tilespmem:s20], [sflag:$0x3], $0x4000, $0x38;
	[tilespmem:$0x1D200] =	vst v63  }
0x36: {  	_ =	swait.ge [sflag:s19], $0x4000  }
0x37: {  	[sflag:s19] =	ssyncset.done $0x0  }
0x38: {  	[sflag:s19] =	ssyncadd.s32 $0xFFFFC000  }
0x39: {  	s30 =	simm.s32 $0x0;
	[bflag:$0x0] =	sbarrier.arrive $0xFFFF  }
.LBB2_4:
0x3a: {  	s0 =	smul.u32 $0x50, s30;
	_ =	sdelay $0x1  }
0x3b: {  	s0 =	sadd.s32 s15, s0  }
0x3c: {  	s0 =	sshrl.u32 s0, $0x3  }
0x3d: {  	s1 =	sadd.s32 s7, s0  }
0x3e: {  	[tilespmem:s29], [sflag:$0x3] =	stream.linear.gather [hbm4b:s1+s29], $0x50, $0x38;
	[tilespmem:$0x1D200] =	vst v63  }
0x3f: {  	_ =	swait.ge [sflag:s19], $0x50  }
0x40: {  	[sflag:s19] =	ssyncset.done $0x0  }
0x41: {  	s18 =	sadd.s32 s8, s0;
	[sflag:s19] =	ssyncadd.s32 $0xFFFFFFB0  }
0x42: {  	[tilespmem:s21], [sflag:$0x3] =	stream.linear.gather [hbm4b:s18+s29], $0x50, $0x38;
	[tilespmem:$0x1D200] =	vst v63  }
0x43: {  	_ =	swait.ge [sflag:s19], $0x50  }
0x44: {  	[sflag:s19] =	ssyncset.done $0x0  }
0x45: {  	s18 =	sadd.s32 s9, s0;
	s0 =	simm.s32 $0x100;
	[sflag:s19] =	ssyncadd.s32 $0xFFFFFFB0  }
0x46: {  	[tilespmem:s0], [sflag:$0x3] =	stream.linear.gather [hbm4b:s18+s29], $0x50, $0x38;
	[tilespmem:$0x1D200] =	vst v63  }
0x47: {  	_ =	swait.ge [sflag:s19], $0x50  }
0x48: {  	[sflag:s19] =	ssyncset.done $0x0  }
0x49: {  	[sflag:s19] =	ssyncadd.s32 $0xFFFFFFB0  }
0x4a: {  	[tilespmem:s23], [sflag:$0x1] =	stream.indirect.gather [hbm4b:s5+s22], $0x80, s29, s22, $0xb8;
	[tilespmem:$0x1D200] =	vst v63  }
0x4b: {  	_ = 	snop  }
0x4c: {  	[tilespmem:s24], [sflag:$0x2] =	stream.indirect.gather [hbm4b:s6+s22], $0x80, s21, s22, $0xb8;
	[tilespmem:$0x1D200] =	vst v63  }
0x4d: {  	_ =	swait.ge [sflag:s25], $0x2800  }
0x4e: {  	[sflag:s25] =	ssyncset.done $0x0  }
0x4f: {  	[sflag:s25] =	ssyncadd.s32 $0xFFFFD800  }
0x50: {  	_ =	swait.ge [sflag:s26], $0x2800  }
0x51: {  	[sflag:s26] =	ssyncset.done $0x0  }
0x52: {  	s31 =	simm.s32 $0x0;
	[sflag:s26] =	ssyncadd.s32 $0xFFFFD800  }
0x53: {  	v2 =	vld [tilespmem:s31+$0x2980]  }
0x54: {  	v3 =	vld [tilespmem:s31+$0x180]  }
0x55: {  	s1 =	simm.s32 $0x200;
	v1 =	vld.msk [tilespmem:s0+$0x0 ss:$0x0], $0xffff  }
.LBB2_5:
0x56: {  	p0 =	sne.s32 s1, $0x9E00;
	v4 =	vld [tilespmem:$0x5180];
	_ =	sdelay $0x4  }
0x57: {  	v2 =	vadd.f32 v2, v3;
	v3 =	vmul.f32 v4, v1;
	_ =	sdelay $0x1  }
0x58: {  	v2 =	vadd.f32 v3, v2;
	_ =	sdelay $0x1  }
0x59: {  	v3 =	vsub.f32 $0.0e+00, v2;
	_ =	sdelay $0x1  }
0x5a: {  	v3 =	vmul.f32 $1.442695020e+00, v3;
	_ =	sdelay $0x1  }
0x5b: {  	(erf) = vpow2.f32 v3;
	_ =	sdelay $0x8  }
0x5c: {  	v3 =	vpop (erf)  }
0x5d: {  	v3 =	vadd.f32 $1.000000000e+00, v3;
	_ =	sdelay $0x1  }
0x5e: {  	(erf) = vrcp.f32 v3;
	_ =	sdelay $0x8  }
0x5f: {  	v3 =	vpop (erf)  }
0x60: {  	v2 =	vmul.f32 v3, v2  }
0x61: {  	v3 =	vld [tilespmem:s31+$0x2990]  }
0x62: {  	[tilespmem:s31+$0x180] =	vst v2;
	v2 =	vld [tilespmem:s31+$0x190]  }
0x63: {  	v4 =	vld [tilespmem:$0x5190];
	_ =	sdelay $0x4  }
0x64: {  	v2 =	vadd.f32 v3, v2;
	v3 =	vmul.f32 v4, v1;
	_ =	sdelay $0x1  }
0x65: {  	v2 =	vadd.f32 v3, v2;
	_ =	sdelay $0x1  }
0x66: {  	v3 =	vsub.f32 $0.0e+00, v2;
	_ =	sdelay $0x1  }
0x67: {  	v3 =	vmul.f32 $1.442695020e+00, v3;
	_ =	sdelay $0x1  }
0x68: {  	(erf) = vpow2.f32 v3;
	_ =	sdelay $0x8  }
0x69: {  	v3 =	vpop (erf)  }
0x6a: {  	v3 =	vadd.f32 $1.000000000e+00, v3;
	_ =	sdelay $0x1  }
0x6b: {  	(erf) = vrcp.f32 v3;
	_ =	sdelay $0x8  }
0x6c: {  	v3 =	vpop (erf)  }
0x6d: {  	v2 =	vmul.f32 v3, v2  }
0x6e: {  	v3 =	vld [tilespmem:s31+$0x29A0]  }
0x6f: {  	[tilespmem:s31+$0x190] =	vst v2;
	v2 =	vld [tilespmem:s31+$0x1A0]  }
0x70: {  	v4 =	vld [tilespmem:$0x51A0];
	_ =	sdelay $0x4  }
0x71: {  	v2 =	vadd.f32 v3, v2;
	v3 =	vmul.f32 v4, v1;
	_ =	sdelay $0x1  }
0x72: {  	v2 =	vadd.f32 v3, v2;
	_ =	sdelay $0x1  }
0x73: {  	v3 =	vsub.f32 $0.0e+00, v2;
	_ =	sdelay $0x1  }
0x74: {  	v3 =	vmul.f32 $1.442695020e+00, v3;
	_ =	sdelay $0x1  }
0x75: {  	(erf) = vpow2.f32 v3;
	_ =	sdelay $0x8  }
0x76: {  	v3 =	vpop (erf)  }
0x77: {  	v3 =	vadd.f32 $1.000000000e+00, v3;
	_ =	sdelay $0x1  }
0x78: {  	(erf) = vrcp.f32 v3;
	_ =	sdelay $0x8  }
0x79: {  	v3 =	vpop (erf)  }
0x7a: {  	v2 =	vmul.f32 v3, v2  }
0x7b: {  	v3 =	vld [tilespmem:s31+$0x29B0]  }
0x7c: {  	[tilespmem:s31+$0x1A0] =	vst v2;
	v2 =	vld [tilespmem:s31+$0x1B0]  }
0x7d: {  	v4 =	vld [tilespmem:$0x51B0];
	_ =	sdelay $0x4  }
0x7e: {  	v2 =	vadd.f32 v3, v2;
	v3 =	vmul.f32 v4, v1;
	_ =	sdelay $0x1  }
0x7f: {  	v2 =	vadd.f32 v3, v2;
	_ =	sdelay $0x1  }
0x80: {  	v3 =	vsub.f32 $0.0e+00, v2;
	_ =	sdelay $0x1  }
0x81: {  	v3 =	vmul.f32 $1.442695020e+00, v3;
	_ =	sdelay $0x1  }
0x82: {  	(erf) = vpow2.f32 v3;
	_ =	sdelay $0x8  }
0x83: {  	v3 =	vpop (erf)  }
0x84: {  	v3 =	vadd.f32 $1.000000000e+00, v3;
	_ =	sdelay $0x1  }
0x85: {  	(erf) = vrcp.f32 v3;
	_ =	sdelay $0x8  }
0x86: {  	v3 =	vpop (erf)  }
0x87: {  	v2 =	vmul.f32 v3, v2  }
0x88: {  	v3 =	vld [tilespmem:s31+$0x29C0]  }
0x89: {  	[tilespmem:s31+$0x1B0] =	vst v2;
	v2 =	vld [tilespmem:s31+$0x1C0]  }
0x8a: {  	v4 =	vld [tilespmem:$0x51C0];
	_ =	sdelay $0x4  }
0x8b: {  	v2 =	vadd.f32 v3, v2;
	v3 =	vmul.f32 v4, v1;
	_ =	sdelay $0x1  }
0x8c: {  	v2 =	vadd.f32 v3, v2;
	_ =	sdelay $0x1  }
0x8d: {  	v3 =	vsub.f32 $0.0e+00, v2;
	_ =	sdelay $0x1  }
0x8e: {  	v3 =	vmul.f32 $1.442695020e+00, v3;
	_ =	sdelay $0x1  }
0x8f: {  	(erf) = vpow2.f32 v3;
	_ =	sdelay $0x8  }
0x90: {  	v3 =	vpop (erf)  }
0x91: {  	v3 =	vadd.f32 $1.000000000e+00, v3;
	_ =	sdelay $0x1  }
0x92: {  	(erf) = vrcp.f32 v3;
	_ =	sdelay $0x8  }
0x93: {  	v3 =	vpop (erf)  }
0x94: {  	v2 =	vmul.f32 v3, v2  }
0x95: {  	v3 =	vld [tilespmem:s31+$0x29D0]  }
0x96: {  	[tilespmem:s31+$0x1C0] =	vst v2;
	v2 =	vld [tilespmem:s31+$0x1D0]  }
0x97: {  	v4 =	vld [tilespmem:$0x51D0];
	_ =	sdelay $0x4  }
0x98: {  	v2 =	vadd.f32 v3, v2;
	v3 =	vmul.f32 v4, v1;
	_ =	sdelay $0x1  }
0x99: {  	v2 =	vadd.f32 v3, v2;
	_ =	sdelay $0x1  }
0x9a: {  	v3 =	vsub.f32 $0.0e+00, v2;
	_ =	sdelay $0x1  }
0x9b: {  	v3 =	vmul.f32 $1.442695020e+00, v3;
	_ =	sdelay $0x1  }
0x9c: {  	(erf) = vpow2.f32 v3;
	_ =	sdelay $0x8  }
0x9d: {  	v3 =	vpop (erf)  }
0x9e: {  	v3 =	vadd.f32 $1.000000000e+00, v3;
	_ =	sdelay $0x1  }
0x9f: {  	(erf) = vrcp.f32 v3;
	_ =	sdelay $0x8  }
0xa0: {  	v3 =	vpop (erf)  }
0xa1: {  	v2 =	vmul.f32 v3, v2  }
0xa2: {  	v3 =	vld [tilespmem:s31+$0x29E0]  }
0xa3: {  	[tilespmem:s31+$0x1D0] =	vst v2;
	v2 =	vld [tilespmem:s31+$0x1E0]  }
0xa4: {  	v4 =	vld [tilespmem:$0x51E0];
	_ =	sdelay $0x4  }
0xa5: {  	v2 =	vadd.f32 v3, v2;
	v3 =	vmul.f32 v4, v1;
	_ =	sdelay $0x1  }
0xa6: {  	v2 =	vadd.f32 v3, v2;
	_ =	sdelay $0x1  }
0xa7: {  	v3 =	vsub.f32 $0.0e+00, v2;
	_ =	sdelay $0x1  }
0xa8: {  	v3 =	vmul.f32 $1.442695020e+00, v3;
	_ =	sdelay $0x1  }
0xa9: {  	(erf) = vpow2.f32 v3;
	_ =	sdelay $0x8  }
0xaa: {  	v3 =	vpop (erf)  }
0xab: {  	v3 =	vadd.f32 $1.000000000e+00, v3;
	_ =	sdelay $0x1  }
0xac: {  	(erf) = vrcp.f32 v3;
	_ =	sdelay $0x8  }
0xad: {  	v3 =	vpop (erf)  }
0xae: {  	v2 =	vmul.f32 v3, v2  }
0xaf: {  	v3 =	vld [tilespmem:s31+$0x29F0]  }
0xb0: {  	[tilespmem:s31+$0x1E0] =	vst v2;
	v2 =	vld [tilespmem:s31+$0x1F0]  }
0xb1: {  	v4 =	vld [tilespmem:$0x51F0];
	_ =	sdelay $0x4  }
0xb2: {  	v2 =	vadd.f32 v3, v2;
	v1 =	vmul.f32 v4, v1;
	_ =	sdelay $0x1  }
0xb3: {  	v1 =	vadd.f32 v1, v2;
	_ =	sdelay $0x1  }
0xb4: {  	v2 =	vsub.f32 $0.0e+00, v1;
	_ =	sdelay $0x1  }
0xb5: {  	v2 =	vmul.f32 $1.442695020e+00, v2;
	_ =	sdelay $0x1  }
0xb6: {  	(erf) = vpow2.f32 v2;
	_ =	sdelay $0x8  }
0xb7: {  	v2 =	vpop (erf)  }
0xb8: {  	v2 =	vadd.f32 $1.000000000e+00, v2;
	_ =	sdelay $0x1  }
0xb9: {  	(erf) = vrcp.f32 v2;
	_ =	sdelay $0x8  }
.Ltmp1:
0xba: {  	v2 =	vpop (erf);
	(pc) =	sbr.rel @p0 .LBB2_5-.Ltmp1, $4  }
0xbb: {  	s18 =	sshra.s32 s1, $0x2;
	v1 =	vmul.f32 v2, v1  }
0xbc: {  	v2 =	vld [tilespmem:s18+$0x2980]  }
0xbd: {  	s0 =	sadd.s32 $0x1, s0;
	v3 =	vld [tilespmem:s18+$0x180];
	[tilespmem:s31+$0x1F0] =	vst v1;
	s31 =	smov.u32 s18  }
0xbe: {  	s1 =	sadd.s32 $0x200, s1;
	v1 =	vld.msk [tilespmem:s0+$0x0 ss:$0x0], $0xffff  }
0xbf: {  	v4 =	vld [tilespmem:$0x5180];
	_ =	sdelay $0x4  }
0xc0: {  	v2 =	vadd.f32 v2, v3;
	v3 =	vmul.f32 v4, v1;
	_ =	sdelay $0x1  }
0xc1: {  	v2 =	vadd.f32 v3, v2;
	_ =	sdelay $0x1  }
0xc2: {  	v3 =	vsub.f32 $0.0e+00, v2;
	_ =	sdelay $0x1  }
0xc3: {  	v3 =	vmul.f32 $1.442695020e+00, v3;
	_ =	sdelay $0x1  }
0xc4: {  	(erf) = vpow2.f32 v3;
	_ =	sdelay $0x8  }
0xc5: {  	v3 =	vpop (erf)  }
0xc6: {  	v3 =	vadd.f32 $1.000000000e+00, v3;
	_ =	sdelay $0x1  }
0xc7: {  	(erf) = vrcp.f32 v3;
	_ =	sdelay $0x8  }
0xc8: {  	v3 =	vpop (erf)  }
0xc9: {  	v2 =	vmul.f32 v3, v2  }
0xca: {  	v3 =	vld [tilespmem:s31+$0x2990]  }
0xcb: {  	[tilespmem:s31+$0x180] =	vst v2;
	v2 =	vld [tilespmem:s31+$0x190]  }
0xcc: {  	v57 =	vld [tilespmem:$0x5190];
	_ =	sdelay $0x4  }
0xcd: {  	v2 =	vadd.f32 v3, v2;
	v3 =	vmul.f32 v57, v1;
	_ =	sdelay $0x1  }
0xce: {  	v2 =	vadd.f32 v3, v2;
	_ =	sdelay $0x1  }
0xcf: {  	v3 =	vsub.f32 $0.0e+00, v2;
	_ =	sdelay $0x1  }
0xd0: {  	v3 =	vmul.f32 $1.442695020e+00, v3;
	_ =	sdelay $0x1  }
0xd1: {  	(erf) = vpow2.f32 v3;
	_ =	sdelay $0x8  }
0xd2: {  	v3 =	vpop (erf)  }
0xd3: {  	v3 =	vadd.f32 $1.000000000e+00, v3;
	_ =	sdelay $0x1  }
0xd4: {  	(erf) = vrcp.f32 v3;
	_ =	sdelay $0x8  }
0xd5: {  	v3 =	vpop (erf)  }
0xd6: {  	v2 =	vmul.f32 v3, v2  }
0xd7: {  	v3 =	vld [tilespmem:s31+$0x29A0]  }
0xd8: {  	[tilespmem:s31+$0x190] =	vst v2;
	v2 =	vld [tilespmem:s31+$0x1A0]  }
0xd9: {  	v58 =	vld [tilespmem:$0x51A0];
	_ =	sdelay $0x4  }
0xda: {  	v2 =	vadd.f32 v3, v2;
	v3 =	vmul.f32 v58, v1;
	_ =	sdelay $0x1  }
0xdb: {  	v2 =	vadd.f32 v3, v2;
	_ =	sdelay $0x1  }
0xdc: {  	v3 =	vsub.f32 $0.0e+00, v2;
	_ =	sdelay $0x1  }
0xdd: {  	v3 =	vmul.f32 $1.442695020e+00, v3;
	_ =	sdelay $0x1  }
0xde: {  	(erf) = vpow2.f32 v3;
	_ =	sdelay $0x8  }
0xdf: {  	v3 =	vpop (erf)  }
0xe0: {  	v3 =	vadd.f32 $1.000000000e+00, v3;
	_ =	sdelay $0x1  }
0xe1: {  	(erf) = vrcp.f32 v3;
	_ =	sdelay $0x8  }
0xe2: {  	v3 =	vpop (erf)  }
0xe3: {  	v2 =	vmul.f32 v3, v2  }
0xe4: {  	v3 =	vld [tilespmem:s31+$0x29B0]  }
0xe5: {  	[tilespmem:s31+$0x1A0] =	vst v2;
	v2 =	vld [tilespmem:s31+$0x1B0]  }
0xe6: {  	v59 =	vld [tilespmem:$0x51B0];
	_ =	sdelay $0x4  }
0xe7: {  	v2 =	vadd.f32 v3, v2;
	v3 =	vmul.f32 v59, v1;
	_ =	sdelay $0x1  }
0xe8: {  	v2 =	vadd.f32 v3, v2;
	_ =	sdelay $0x1  }
0xe9: {  	v3 =	vsub.f32 $0.0e+00, v2;
	_ =	sdelay $0x1  }
0xea: {  	v3 =	vmul.f32 $1.442695020e+00, v3;
	_ =	sdelay $0x1  }
0xeb: {  	(erf) = vpow2.f32 v3;
	_ =	sdelay $0x8  }
0xec: {  	v3 =	vpop (erf)  }
0xed: {  	v3 =	vadd.f32 $1.000000000e+00, v3;
	_ =	sdelay $0x1  }
0xee: {  	(erf) = vrcp.f32 v3;
	_ =	sdelay $0x8  }
0xef: {  	v3 =	vpop (erf)  }
0xf0: {  	v2 =	vmul.f32 v3, v2  }
0xf1: {  	v3 =	vld [tilespmem:s31+$0x29C0]  }
0xf2: {  	[tilespmem:s31+$0x1B0] =	vst v2;
	v2 =	vld [tilespmem:s31+$0x1C0]  }
0xf3: {  	v60 =	vld [tilespmem:$0x51C0];
	_ =	sdelay $0x4  }
0xf4: {  	v2 =	vadd.f32 v3, v2;
	v3 =	vmul.f32 v60, v1;
	_ =	sdelay $0x1  }
0xf5: {  	v2 =	vadd.f32 v3, v2;
	_ =	sdelay $0x1  }
0xf6: {  	v3 =	vsub.f32 $0.0e+00, v2;
	_ =	sdelay $0x1  }
0xf7: {  	v3 =	vmul.f32 $1.442695020e+00, v3;
	_ =	sdelay $0x1  }
0xf8: {  	(erf) = vpow2.f32 v3;
	_ =	sdelay $0x8  }
0xf9: {  	v3 =	vpop (erf)  }
0xfa: {  	v3 =	vadd.f32 $1.000000000e+00, v3;
	_ =	sdelay $0x1  }
0xfb: {  	(erf) = vrcp.f32 v3;
	_ =	sdelay $0x8  }
0xfc: {  	v3 =	vpop (erf)  }
0xfd: {  	v2 =	vmul.f32 v3, v2  }
0xfe: {  	v3 =	vld [tilespmem:s31+$0x29D0]  }
0xff: {  	[tilespmem:s31+$0x1C0] =	vst v2;
	v2 =	vld [tilespmem:s31+$0x1D0]  }
0x100: {  	v61 =	vld [tilespmem:$0x51D0];
	_ =	sdelay $0x4  }
0x101: {  	v2 =	vadd.f32 v3, v2;
	v3 =	vmul.f32 v61, v1;
	_ =	sdelay $0x1  }
0x102: {  	v2 =	vadd.f32 v3, v2;
	_ =	sdelay $0x1  }
0x103: {  	v3 =	vsub.f32 $0.0e+00, v2;
	_ =	sdelay $0x1  }
0x104: {  	v3 =	vmul.f32 $1.442695020e+00, v3;
	_ =	sdelay $0x1  }
0x105: {  	(erf) = vpow2.f32 v3;
	_ =	sdelay $0x8  }
0x106: {  	v3 =	vpop (erf)  }
0x107: {  	v3 =	vadd.f32 $1.000000000e+00, v3;
	_ =	sdelay $0x1  }
0x108: {  	(erf) = vrcp.f32 v3;
	_ =	sdelay $0x8  }
0x109: {  	v3 =	vpop (erf)  }
0x10a: {  	v2 =	vmul.f32 v3, v2  }
0x10b: {  	v3 =	vld [tilespmem:s31+$0x29E0]  }
0x10c: {  	[tilespmem:s31+$0x1D0] =	vst v2;
	v2 =	vld [tilespmem:s31+$0x1E0]  }
0x10d: {  	v62 =	vld [tilespmem:$0x51E0];
	_ =	sdelay $0x4  }
0x10e: {  	v2 =	vadd.f32 v3, v2;
	v3 =	vmul.f32 v62, v1;
	_ =	sdelay $0x1  }
0x10f: {  	v2 =	vadd.f32 v3, v2;
	_ =	sdelay $0x1  }
0x110: {  	v3 =	vsub.f32 $0.0e+00, v2;
	_ =	sdelay $0x1  }
0x111: {  	v3 =	vmul.f32 $1.442695020e+00, v3;
	_ =	sdelay $0x1  }
0x112: {  	(erf) = vpow2.f32 v3;
	_ =	sdelay $0x8  }
0x113: {  	v3 =	vpop (erf)  }
0x114: {  	v3 =	vadd.f32 $1.000000000e+00, v3;
	_ =	sdelay $0x1  }
0x115: {  	(erf) = vrcp.f32 v3;
	_ =	sdelay $0x8  }
0x116: {  	v3 =	vpop (erf)  }
0x117: {  	v2 =	vmul.f32 v3, v2  }
0x118: {  	v3 =	vld [tilespmem:s31+$0x29F0]  }
0x119: {  	[tilespmem:s31+$0x1E0] =	vst v2;
	v2 =	vld [tilespmem:s31+$0x1F0]  }
0x11a: {  	v63 =	vld [tilespmem:$0x51F0];
	_ =	sdelay $0x4  }
0x11b: {  	v2 =	vadd.f32 v3, v2;
	v1 =	vmul.f32 v63, v1;
	_ =	sdelay $0x1  }
0x11c: {  	v1 =	vadd.f32 v1, v2;
	_ =	sdelay $0x1  }
0x11d: {  	v2 =	vsub.f32 $0.0e+00, v1;
	_ =	sdelay $0x1  }
0x11e: {  	v2 =	vmul.f32 $1.442695020e+00, v2;
	_ =	sdelay $0x1  }
0x11f: {  	(erf) = vpow2.f32 v2;
	_ =	sdelay $0x8  }
0x120: {  	v2 =	vpop (erf)  }
0x121: {  	v2 =	vadd.f32 $1.000000000e+00, v2;
	_ =	sdelay $0x1  }
0x122: {  	(erf) = vrcp.f32 v2;
	_ =	sdelay $0x8  }
0x123: {  	v2 =	vpop (erf)  }
0x124: {  	s30 =	sadd.s32 $0x1, s30;
	v1 =	vmul.f32 v2, v1  }
0x125: {  	p0 =	sne.s32 s30, $0x7D  }
.Ltmp2:
0x126: {  	[tilespmem:s31+$0x1F0] =	vst v1;
	(pc) =	sbr.rel @p0 .LBB2_4-.Ltmp2, $4  }
0x127: {  	[spmem:s2] =	stream.indirect.scatter.add.f32 [tilespmem:s23], [sflag:$0x3], $0x80, s4, s22, $0xb8;
	[tilespmem:$0x1D200] =	vst v63  }
0x128: {  	_ =	swait.ge [sflag:s19], $0x2800  }
0x129: {  	[sflag:s19] =	ssyncset.done $0x0  }
0x12a: {  	[sflag:s19] =	ssyncadd.s32 $0xFFFFD800  }
0x12b: {  	s28 =	sadd.s32 $0x1, s28  }
0x12c: {  	s0 =	sshll.u32 s3, $0x6;
	[bflag:$0x0] =	sbarrier.arrive $0xFFFF;
	p0 =	sne.s32 s28, s17  }
.Ltmp3:
0x12d: {  	s1 =	sshrl.u32 s10, $0x3;
	s0 =	sor.u32 $0x1C03, s0;
	(pc) =	sbr.rel @p0 .LBB2_1-.Ltmp3, $4  }
0x12e: {  	[hbm:s16], [sflag:s0] =	dma.local [spmem:s1], $0x2800  }
0x12f: {  	_ =	swait.ge [sflag:s19], $0x2800  }
0x130: {  	[sflag:s19] =	ssyncset.done $0x0  }
0x131: {  	[sflag:s19] =	ssyncadd.s32 $0xFFFFD800  }
0x132: {  	_ =	sfence.sel $0x180000  }
0x133: {  	[bflag:$0x0] =	sbarrier.arrive $0xFFFF  }
0x134: {  	_ =	strace $0x9000004A  }
0x135: {  	[bflag:$0x2] =	sbarrier.arrive $0xFFFF  }
0x136: {  	p0 =	sne.s32 s3, $0x0;
	s0 =	rddreg [dreg:$0x3]  }
0x137: {  	s0 =	sadd.s32 @!p0 $0x100000, s0  }
0x138: {  	[sflag:s0] =	ssyncadd.tile.s32 @!p0 $0x1;
	_ =	shalt  }
.Lfunc_end2:
_tile_overlayer_lowered:
.L_overlay_start_2:
0x139: {  	(tag) =	ssettag $0x2  }
0x13a: {  	s0 =	rddreg [dreg:$0x0];
	s2 =	stileid.u32  }
0x13b: {  	s1 =	rddreg [dreg:$0x1];
	p0 =	sne.s32 s2, $0x0  }
0x13c: {  	s3 =	rddreg [dreg:$0x2];
	[bflag:$0x3] =	sbarrier.arrive $0xFFFF;
	s2 =	simm.s32 @!p0 $0x1C03  }
0x13d: {  	[timem:s3], [sflag:s2] =	dma.local @!p0 [hbm:s0], s1  }
0x13e: {  	s0 =	simm.s32 @!p0 $0x3  }
0x13f: {  	_ =	swait.ge @!p0 [sflag:s0], s1  }
0x140: {  	s1 =	ssub.s32 @!p0 $0x0, s1;
	[sflag:s0] =	ssyncset.done @!p0 $0x0  }
0x141: {  	[sflag:s0] =	ssyncadd.s32 @!p0 s1  }
0x142: {  	[bflag:$0x3] =	sbarrier.arrive $0xFFFF  }
0x143: {  	_ =	shalt  }

// kernel: kernel.19.cloned.1.call-start
scs
__scs_entry_jumppad:
0x0: {  	(pc) =	sbr.rel $0x88, $3  }
0x1: {  	(tag) =	ssettag $0x0;
	lr =	simm.s32 $0x1  }
0x2: {  	[smem:$0x3F5A] =	sst lr;
	_ =	strace $0xD0000000  }
0x3: {  	_ = 	snop  }
0x4: {  	_ = 	snop  }
0x5: {  	_ = 	snop  }
0x6: {  	_ = 	snop  }
0x7: {  	_ = 	snop  }
__scs_overlays_trampoline_lowered:
0x8: {  	[smem:$0x3F69] =	sst s0  }
0x9: {  	[smem:$0x3F6A] =	sst s1  }
0xa: {  	[smem:$0x3F6B] =	sst s2  }
0xb: {  	[smem:$0x3F6C] =	sst s3  }
0xc: {  	[smem:$0x3F6D] =	sst s4  }
0xd: {  	[smem:$0x3F6E] =	sst s5  }
0xe: {  	[smem:$0x3F6F] =	sst s6  }
0xf: {  	[smem:$0x3F70] =	sst s7  }
0x10: {  	[smem:$0x3F71] =	sst s8  }
0x11: {  	[smem:$0x3F72] =	sst s9;
	s0 =	simm.s32 @!p0 $0x0  }
0x12: {  	s1 =	sld [smem:$0x3F58];
	s0 =	simm.s32 @p0 $0x1  }
0x13: {  	[smem:$0x3F73] =	sst s0;
	s0 =	simm.s32 @!p1 $0x0  }
0x14: {  	s2 =	sld [smem:$0x3F57];
	s0 =	simm.s32 @p1 $0x1  }
0x15: {  	[smem:$0x3F74] =	sst s0;
	s0 =	simm.s32 @!p2 $0x0  }
0x16: {  	s3 =	sld [smem:$0x3FDB];
	s0 =	simm.s32 @p2 $0x1  }
0x17: {  	s4 =	simm.s32 $0x1BF5;
	[smem:$0x3F76] =	sst s0  }
0x18: {  	s0 =	sld [smem:$0x3F59];
	_ =	swait.ge [sflag:s4], $0x0  }
0x19: {  	s7 =	sld [smem:$0x3F5A]  }
0x1a: {  	s8 =	sadd.s32 $0xFFFFE003, lr  }
0x1b: {  	s9 =	sadd.s32 $0xFFFFFEF7, lr;
	s5 =	simm.s32 $0xFFFFFFFF;
	p2 =	slt.u32 s8, $0xFFFFF086  }
0x1c: {  	p1 =	slt.u32 s9, $0xF7A;
	s5 =	simm.s32 @!p2 $0x0  }
0x1d: {  	s5 =	simm.s32 @p1 $0x1;
	p0 =	seq.s32 s7, s2  }
0x1e: {  	s7 =	smul.u32 @!p0 $0xF7A, s2;
	p2 =	seq.s32 @!p0 s5, $0x0  }
0x1f: {  	s9 =	smul.u32 $0xF7A, s1;
	s8 =	simm.s32 @!p0 $0x1BF5;
	p2 =	por !p2, p0  }
0x20: {  	[sflag:s8] =	ssyncset.s32 @!p0 $0xFFFFF086;
	s6 =	sadd.s32 @!p0 s3, s7;
	s7 =	simm.s32 @!p0 $0x108  }
0x21: {  	s3 =	sadd.s32 s3, s9;
	s6 =	sadd.s32 @!p0 $0x88, s6;
	s7 =	simm.s32 @p2 $0x1082  }
0x22: {  	[simem:s7], [sflag:s8] =	dma.local @!p0 [hbm:s6], $0xF7A  }
0x23: {  	s9 =	sor.u32 $0xD0000000, s2;
	s6 =	simm.s32 $0x108;
	_ =	swait.ge @!p0 [sflag:s8], $0x0  }
0x24: {  	s3 =	sadd.s32 $0x88, s3;
	s6 =	simm.s32 @!p1 $0x1082;
	[sflag:s4] =	ssyncset.s32 $0xFFFFF086  }
0x25: {  	[simem:s6], [sflag:s4] =	dma.local [hbm:s3], $0xF7A  }
0x26: {  	[smem:$0x3F5A] =	sst s1;
	(tag) =	ssettag s2;
	_ =	strace s9  }
0x27: {  	s1 =	sld [smem:$0x3F6A]  }
0x28: {  	s2 =	sld [smem:$0x3F6B]  }
0x29: {  	s4 =	sld [smem:$0x3F6D]  }
0x2a: {  	p0 =	seq.s32 s5, $0x0;
	s5 =	sld [smem:$0x3F6E]  }
0x2b: {  	s6 =	sld [smem:$0x3F6F]  }
0x2c: {  	s7 =	sld [smem:$0x3F70]  }
0x2d: {  	s3 =	simm.s32 $0x108;
	s8 =	sld [smem:$0x3F71]  }
0x2e: {  	s3 =	simm.s32 @!p0 $0x1082;
	s9 =	sld [smem:$0x3F72]  }
0x2f: {  	lr =	sadd.s32 s0, s3;
	s0 =	sld [smem:$0x3F69]  }
0x30: {  	s3 =	sld [smem:$0x3F6C]  }
0x31: {  	[smem:$0x3F75] =	sst s10  }
0x32: {  	s10 =	sld [smem:$0x3F73];
	_ =	sdelay $0x3  }
0x33: {  	p0 =	seq.s32 s10, $0x1;
	s10 =	sld [smem:$0x3F75];
	_ =	sdelay $0x3  }
0x34: {  	[smem:$0x3F75] =	sst s10  }
0x35: {  	s10 =	sld [smem:$0x3F74];
	_ =	sdelay $0x3  }
0x36: {  	p1 =	seq.s32 s10, $0x1;
	s10 =	sld [smem:$0x3F75];
	_ =	sdelay $0x3  }
0x37: {  	[smem:$0x3F75] =	sst s10  }
0x38: {  	s10 =	sld [smem:$0x3F76]  }
0x39: {  	_ = 	snop;
	(pc) =	sbr.ind lr, $3  }
0x3a: {  	_ = 	snop  }
0x3b: {  	_ = 	snop  }
0x3c: {  	p2 =	seq.s32 s10, $0x1;
	s10 =	sld [smem:$0x3F75]  }
0x3d: {  	_ =	shalt  }
0x3e: {  	_ =	shalt  }
0x3f: {  	_ =	shalt  }
0x40: {  	_ =	shalt  }
0x41: {  	_ =	shalt  }
0x42: {  	_ =	shalt  }
0x43: {  	_ =	shalt  }
0x44: {  	_ =	shalt  }
0x45: {  	_ =	shalt  }
0x46: {  	_ =	shalt  }
0x47: {  	_ =	shalt  }
0x48: {  	_ =	shalt  }
0x49: {  	_ =	shalt  }
0x4a: {  	_ =	shalt  }
0x4b: {  	_ =	shalt  }
0x4c: {  	_ =	shalt  }
0x4d: {  	_ =	shalt  }
0x4e: {  	_ =	shalt  }
0x4f: {  	_ =	shalt  }
0x50: {  	_ =	shalt  }
0x51: {  	_ =	shalt  }
0x52: {  	_ =	shalt  }
0x53: {  	_ =	shalt  }
0x54: {  	_ =	shalt  }
0x55: {  	_ =	shalt  }
0x56: {  	_ =	shalt  }
0x57: {  	_ =	shalt  }
0x58: {  	_ =	shalt  }
0x59: {  	_ =	shalt  }
0x5a: {  	_ =	shalt  }
0x5b: {  	_ =	shalt  }
0x5c: {  	_ =	shalt  }
0x5d: {  	_ =	shalt  }
0x5e: {  	_ =	shalt  }
0x5f: {  	_ =	shalt  }
0x60: {  	_ =	shalt  }
0x61: {  	_ =	shalt  }
0x62: {  	_ =	shalt  }
0x63: {  	_ =	shalt  }
0x64: {  	_ =	shalt  }
0x65: {  	_ =	shalt  }
0x66: {  	_ =	shalt  }
0x67: {  	_ =	shalt  }
0x68: {  	_ =	shalt  }
0x69: {  	_ =	shalt  }
0x6a: {  	_ =	shalt  }
0x6b: {  	_ =	shalt  }
0x6c: {  	_ =	shalt  }
0x6d: {  	_ =	shalt  }
0x6e: {  	_ =	shalt  }
0x6f: {  	_ =	shalt  }
0x70: {  	_ =	shalt  }
0x71: {  	_ =	shalt  }
0x72: {  	_ =	shalt  }
0x73: {  	_ =	shalt  }
0x74: {  	_ =	shalt  }
0x75: {  	_ =	shalt  }
0x76: {  	_ =	shalt  }
0x77: {  	_ =	shalt  }
0x78: {  	_ =	shalt  }
0x79: {  	_ =	shalt  }
0x7a: {  	_ =	shalt  }
0x7b: {  	_ =	shalt  }
0x7c: {  	_ =	shalt  }
0x7d: {  	_ =	shalt  }
0x7e: {  	_ =	shalt  }
0x7f: {  	_ =	shalt  }
0x80: {  	_ =	shalt  }
0x81: {  	_ =	shalt  }
0x82: {  	_ =	shalt  }
0x83: {  	_ =	shalt  }
0x84: {  	_ =	shalt  }
0x85: {  	_ =	shalt  }
0x86: {  	_ =	shalt  }
0x87: {  	_ =	shalt  }
.Lfunc_end0:
.L_simem_size_0:
called_computation.2_lowered:
.L_overlay_start_0:
0x88: {  	s2 =	sld [smem:$0x3FD9]  }
0x89: {  	s3 =	sld [smem:$0x3FFE];
	_ =	sdelay $0x1  }
0x8a: {  	s1 =	srdreg.scid  }
0x8b: {  	s0 =	sand.u32 $0x1, s1  }
0x8c: {  	s16 =	sshll.u32 s0, $0xA;
	s2 =	sadd.s32 s3, s2  }
0x8d: {  	s2 =	sadd.s32 s2, s16  }
0x8e: {  	[smem:$0x3F81] =	sst s2  }
0x8f: {  	_ = 	snop  }
0x90: {  	(tm) =	ssettm $0x1  }
0x91: {  	s17 =	sld [smem:$0x3FFB];
	_ =	sdelay $0x3  }
0x92: {  	_ =	strace s17  }
0x93: {  	s2 =	sld [smem:$0x3FFC];
	_ =	sdelay $0x3  }
0x94: {  	_ =	strace s2  }
0x95: {  	s2 =	sld [smem:$0x3FFD];
	_ =	sdelay $0x3  }
0x96: {  	_ =	strace s2  }
0x97: {  	_ =	strace $0x8FFFFFFF  }
0x98: {  	s18 =	sld [smem:$0x3FDB];
	_ =	sdelay $0x1  }
0x99: {  	s19 =	simm.s32 $_scs_section_size  }
0x9a: {  	s4 =	simm.s32 $_size__tile_overlayer_lowered;
	s5 =	simm.s32 $_tile_overlayer_lowered  }
0x9b: {  	s22 =	simm.s32 $0x1BFF;
	s21 =	sshll.u32 s5, $0x1;
	s2 =	sadd.s32 s19, s18  }
0x9c: {  	s6 =	simm.s32 $0x0;
	s20 =	sshll.u32 s4, $0x1;
	s4 =	sadd.s32 s21, s2  }
0x9d: {  	[timem:s6], [sflag:s22] =	dma.local [hbm:s4], s20  }
0x9e: {  	_ =	swait.ge [sflag:s22], s20  }
0x9f: {  	s3 =	ssub.s32 $0x0, s20;
	[sflag:s22] =	ssyncset.done $0x0  }
0xa0: {  	[sflag:s22] =	ssyncadd.s32 s3;
	_ =	sdelay $0x1  }
0xa1: {  	s23 =	simm.s32 $0x1B8B  }
0xa2: {  	_ =	swait.ge [sflag:s23], $0x1  }
0xa3: {  	[sflag:s23] =	ssyncset.done $0x0  }
0xa4: {  	s25 =	simm.s32 $0x1B8E;
	s24 =	sld [smem:$0x3FFE];
	[sflag:s23] =	ssyncadd.s32 $0xFFFFFFFF  }
0xa5: {  	s26 =	simm.s32 $execute0_lowered;
	[smem:$0x3FD2] =	sst s25  }
0xa6: {  	s4 =	sshll.u32 s26, $0x1;
	_ =	strace $0x8000004C;
	[dreg:$0x1] =	wrdreg $0xFFFFFFFF  }
0xa7: {  	s28 =	simm.s32 $_size_execute0_lowered;
	s2 =	sadd.s32 s2, s4;
	[dreg:$0x0] =	wrdreg $0x0  }
0xa8: {  	s4 =	sshll.u32 s28, $0x1;
	[dreg:$0x2] =	wrdreg s2  }
0xa9: {  	[dreg:$0x3] =	wrdreg s4  }
0xaa: {  	[dreg:$0x4] =	wrdreg $0xC0  }
0xab: {  	_ =	task [dreg:s6], $0x5FFFF  }
0xac: {  	[dreg:$0x1] =	wrdreg $0xFFFFFFFF  }
0xad: {  	[dreg:$0x0] =	wrdreg $0x60  }
0xae: {  	[dreg:$0x2] =	wrdreg s24  }
0xaf: {  	[dreg:$0x3] =	wrdreg $0x92000  }
0xb0: {  	[dreg:$0x4] =	wrdreg $0x9  }
0xb1: {  	_ =	task.clear_ibuf [dreg:s6], $0x5FFFF;
	_ =	strace $0x9000004C  }
0xb2: {  	s29 =	simm.s32 $0x9;
	_ =	strace $0x8000004E  }
0xb3: {  	_ =	swait.ge [sflag:s29], $0x1  }
0xb4: {  	[sflag:s29] =	ssyncadd.s32 $0xFFFFFFFF  }
0xb5: {  	_ =	strace $0x9000004E  }
0xb6: {  	_ =	sfence  }
0xb7: {  	s30 =	sld [smem:$0x0];
	_ =	sdelay $0x2  }
0xb8: {  	s31 =	sshll.u32 s1, $0xD;
	s1 =	sshrl.u32 s1, $0x2  }
0xb9: {  	s3 =	sand.u32 $0x4000, s31;
	s1 =	sadd.s32 s1, s30  }
0xba: {  	s0 =	sor.u32 s3, s0;
	s1 =	sshll.u32 s1, $0x11  }
0xbb: {  	s0 =	sor.u32 s1, s0  }
0xbc: {  	s0 =	sadd.s32 $0x8F2B, s0  }
0xbd: {  	[sflag:s0] =	ssyncadd.remote.s32 $0x1  }
0xbe: {  	_ =	sfence.sel $0xFFFF  }
0xbf: {  	[dreg:$0x0] =	wrdreg $0xFFFFFFFF;
	(pc) =	sbr.abs _section_cstart, $3  }
0xc0: {  	[dreg:$0x1] =	wrdreg $0xFFFFFFFF  }
0xc1: {  	_ =	task.clear_ibuf [dreg:s6], $0x2FFFF;
	_ =	strace $0x9FFFFFFF  }
0xc2: {  	(tm) =	ssettm $0x7FFFFFFF  }
0xc3: {  	_ =	shalt  }
tec
execute0_lowered:
.L_overlay_start_1:
0x0: {  	(tag) =	ssettag $0x1  }
0x1: {  	s0 =	rddreg [dreg:$0x0]  }
0x2: {  	s1 =	rddreg [dreg:$0x1]  }
0x3: {  	s3 =	simm.s32 $0x0;
	s2 =	srdreg.scid;
	s26 =	stileid.u32  }
0x4: {  	s19 =	simm.s32 $0x3;
	s20 =	simm.s32 $0x5200;
	s21 =	simm.s32 $0x80  }
0x5: {  	s22 =	simm.s32 $0x50;
	s23 =	simm.s32 $0x180;
	s24 =	simm.s32 $0x2980  }
0x6: {  	s25 =	simm.s32 $0x1;
	s28 =	simm.s32 $0x0;
	s29 =	simm.s32 $0x0  }
0x7: {  	[smem:$0x7FF] =	sst s3;
	s10 =	sand.u32 $0x1, s2;
	s4 =	sadd.s32 $0x53800, s0  }
0x8: {  	s11 =	smul.u32 $0x14000, s26;
	s5 =	sadd.s32 $0x7AA00, s0;
	s6 =	sadd.s32 $0x17600, s0  }
0x9: {  	s7 =	sadd.s32 $0xD800, s0;
	s8 =	sadd.s32 $0x22800, s0;
	s12 =	smul.u32 $0x50000, s26  }
0xa: {  	s9 =	smul.u32 $0x140000, s10;
	_ =	strace $0x8000004D;
	s13 =	ssub.s32 $0x2, s10  }
0xb: {  	s31 =	sshll.u32 s10, $0x4;
	s30 =	sshrl.u32 s13, $0x1;
	s12 =	sshrl.u32 s12, $0x2  }
0xc: {  	s15 =	sor.u32 s26, s31;
	s26 =	simm.s32 $0x2;
	s11 =	sadd.s32 s11, s9  }
0xd: {  	s9 =	sadd.s32 $0x21400, s0;
	s17 =	ssub.s32 s13, s30;
	s10 =	sadd.s32 s12, s1  }
0xe: {  	s15 =	smul.u32 $0x2710, s15;
	s11 =	sshrl.u32 s11, $0x3;
	s12 =	sadd.s32 $0x8000, s10  }
0xf: {  	s13 =	sadd.s32 $0xC000, s10;
	s14 =	sadd.s32 $0x10000, s10;
	s0 =	sadd.s32 s11, s0  }
0x10: {  	v0 =	vimm.f32 $0.0e+00;
	s17 =	smax.u32 s17, $0x1;
	s11 =	sadd.s32 $0x4000, s10;
	s16 =	sadd.s32 $0xA1C00, s0  }
.LBB2_1:
0x11: {  	s0 =	simm.s32 $0x5180  }
0x12: {  	[tilespmem:s0], [sflag:$0x3] =	stream.linear.gather [hbm4b:s9+s3], $0x80, $0x38;
	[tilespmem:$0x1D200] =	vst v63  }
0x13: {  	_ =	swait.ge [sflag:s19], $0x80  }
0x14: {  	[sflag:s19] =	ssyncset.done $0x0  }
0x15: {  	s18 =	simm.s32 $0x200;
	s0 =	simm.s32 $0x0;
	[sflag:s19] =	ssyncadd.s32 $0xFFFFFF80  }
.LBB2_2:
0x16: {  	p0 =	sne.s32 s18, $0xFE00;
	[tilespmem:s0+$0x5270] =	vst v0  }
0x17: {  	[tilespmem:s0+$0x5200] =	vst v0  }
0x18: {  	[tilespmem:s0+$0x5210] =	vst v0  }
.Ltmp0:
0x19: {  	[tilespmem:s0+$0x5220] =	vst v0;
	(pc) =	sbr.rel @p0 .LBB2_2-.Ltmp0, $4  }
0x1a: {  	[tilespmem:s0+$0x5230] =	vst v0  }
0x1b: {  	[tilespmem:s0+$0x5240] =	vst v0  }
0x1c: {  	[tilespmem:s0+$0x5250] =	vst v0  }
0x1d: {  	[tilespmem:s0+$0x5260] =	vst v0;
	s0 =	sshra.s32 s18, $0x2;
	s18 =	sadd.s32 $0x200, s18  }
0x1e: {  	[tilespmem:s0+$0x5270] =	vst v0  }
0x1f: {  	[tilespmem:s0+$0x5200] =	vst v0  }
0x20: {  	[tilespmem:s0+$0x5210] =	vst v0  }
0x21: {  	[tilespmem:s0+$0x5220] =	vst v0  }
0x22: {  	[tilespmem:s0+$0x5230] =	vst v0  }
0x23: {  	[tilespmem:s0+$0x5240] =	vst v0  }
0x24: {  	[tilespmem:s0+$0x5250] =	vst v0  }
0x25: {  	[tilespmem:s0+$0x5260] =	vst v0  }
0x26: {  	[spmem:s10] =	stream.linear.scatter [tilespmem:s20], [sflag:$0x3], $0x4000, $0x38;
	[tilespmem:$0x1D200] =	vst v63  }
0x27: {  	_ =	swait.ge [sflag:s19], $0x4000  }
0x28: {  	[sflag:s19] =	ssyncset.done $0x0  }
0x29: {  	[sflag:s19] =	ssyncadd.s32 $0xFFFFC000  }
0x2a: {  	[spmem:s11] =	stream.linear.scatter [tilespmem:s20], [sflag:$0x3], $0x4000, $0x38;
	[tilespmem:$0x1D200] =	vst v63  }
0x2b: {  	_ =	swait.ge [sflag:s19], $0x4000  }
0x2c: {  	[sflag:s19] =	ssyncset.done $0x0  }
0x2d: {  	[sflag:s19] =	ssyncadd.s32 $0xFFFFC000  }
0x2e: {  	[spmem:s12] =	stream.linear.scatter [tilespmem:s20], [sflag:$0x3], $0x4000, $0x38;
	[tilespmem:$0x1D200] =	vst v63  }
0x2f: {  	_ =	swait.ge [sflag:s19], $0x4000  }
0x30: {  	[sflag:s19] =	ssyncset.done $0x0  }
0x31: {  	[sflag:s19] =	ssyncadd.s32 $0xFFFFC000  }
0x32: {  	[spmem:s13] =	stream.linear.scatter [tilespmem:s20], [sflag:$0x3], $0x4000, $0x38;
	[tilespmem:$0x1D200] =	vst v63  }
0x33: {  	_ =	swait.ge [sflag:s19], $0x4000  }
0x34: {  	[sflag:s19] =	ssyncset.done $0x0  }
0x35: {  	[sflag:s19] =	ssyncadd.s32 $0xFFFFC000  }
0x36: {  	[spmem:s14] =	stream.linear.scatter [tilespmem:s20], [sflag:$0x3], $0x4000, $0x38;
	[tilespmem:$0x1D200] =	vst v63  }
0x37: {  	_ =	swait.ge [sflag:s19], $0x4000  }
0x38: {  	[sflag:s19] =	ssyncset.done $0x0  }
0x39: {  	[sflag:s19] =	ssyncadd.s32 $0xFFFFC000  }
0x3a: {  	s30 =	simm.s32 $0x0;
	[bflag:$0x0] =	sbarrier.arrive $0xFFFF  }
.LBB2_4:
0x3b: {  	s0 =	smul.u32 $0x50, s30;
	_ =	sdelay $0x1  }
0x3c: {  	s0 =	sadd.s32 s15, s0  }
0x3d: {  	s0 =	sshrl.u32 s0, $0x3  }
0x3e: {  	s18 =	sadd.s32 s6, s0  }
0x3f: {  	[tilespmem:s29], [sflag:$0x3] =	stream.linear.gather [hbm4b:s18+s29], $0x50, $0x38;
	[tilespmem:$0x1D200] =	vst v63  }
0x40: {  	_ =	swait.ge [sflag:s19], $0x50  }
0x41: {  	[sflag:s19] =	ssyncset.done $0x0  }
0x42: {  	s2 =	sadd.s32 s7, s0;
	[sflag:s19] =	ssyncadd.s32 $0xFFFFFFB0  }
0x43: {  	[tilespmem:s21], [sflag:$0x3] =	stream.linear.gather [hbm4b:s2+s29], $0x50, $0x38;
	[tilespmem:$0x1D200] =	vst v63  }
0x44: {  	_ =	swait.ge [sflag:s19], $0x50  }
0x45: {  	[sflag:s19] =	ssyncset.done $0x0  }
0x46: {  	s2 =	sadd.s32 s8, s0;
	s0 =	simm.s32 $0x100;
	[sflag:s19] =	ssyncadd.s32 $0xFFFFFFB0  }
0x47: {  	[tilespmem:s0], [sflag:$0x3] =	stream.linear.gather [hbm4b:s2+s29], $0x50, $0x38;
	[tilespmem:$0x1D200] =	vst v63  }
0x48: {  	_ =	swait.ge [sflag:s19], $0x50  }
0x49: {  	[sflag:s19] =	ssyncset.done $0x0  }
0x4a: {  	[sflag:s19] =	ssyncadd.s32 $0xFFFFFFB0  }
0x4b: {  	[tilespmem:s23], [sflag:$0x1] =	stream.indirect.gather [hbm4b:s4+s22], $0x80, s29, s22, $0xb8;
	[tilespmem:$0x1D200] =	vst v63  }
0x4c: {  	_ = 	snop  }
0x4d: {  	[tilespmem:s24], [sflag:$0x2] =	stream.indirect.gather [hbm4b:s5+s22], $0x80, s21, s22, $0xb8;
	[tilespmem:$0x1D200] =	vst v63  }
0x4e: {  	_ =	swait.ge [sflag:s25], $0x2800  }
0x4f: {  	[sflag:s25] =	ssyncset.done $0x0  }
0x50: {  	[sflag:s25] =	ssyncadd.s32 $0xFFFFD800  }
0x51: {  	_ =	swait.ge [sflag:s26], $0x2800  }
0x52: {  	[sflag:s26] =	ssyncset.done $0x0  }
0x53: {  	s31 =	simm.s32 $0x0;
	[sflag:s26] =	ssyncadd.s32 $0xFFFFD800  }
0x54: {  	v2 =	vld [tilespmem:s31+$0x2980]  }
0x55: {  	v3 =	vld [tilespmem:s31+$0x180]  }
0x56: {  	s18 =	simm.s32 $0x200;
	v1 =	vld.msk [tilespmem:s0+$0x0 ss:$0x0], $0xffff  }
.LBB2_5:
0x57: {  	p0 =	sne.s32 s18, $0x9E00;
	v4 =	vld [tilespmem:$0x5180];
	_ =	sdelay $0x4  }
0x58: {  	v2 =	vadd.f32 v2, v3;
	v3 =	vmul.f32 v4, v1;
	_ =	sdelay $0x1  }
0x59: {  	v2 =	vadd.f32 v3, v2;
	_ =	sdelay $0x1  }
0x5a: {  	v3 =	vsub.f32 $0.0e+00, v2;
	_ =	sdelay $0x1  }
0x5b: {  	v3 =	vmul.f32 $1.442695020e+00, v3;
	_ =	sdelay $0x1  }
0x5c: {  	(erf) = vpow2.f32 v3;
	_ =	sdelay $0x8  }
0x5d: {  	v3 =	vpop (erf)  }
0x5e: {  	v3 =	vadd.f32 $1.000000000e+00, v3;
	_ =	sdelay $0x1  }
0x5f: {  	(erf) = vrcp.f32 v3;
	_ =	sdelay $0x8  }
0x60: {  	v3 =	vpop (erf)  }
0x61: {  	v2 =	vmul.f32 v3, v2  }
0x62: {  	v3 =	vld [tilespmem:s31+$0x2990]  }
0x63: {  	[tilespmem:s31+$0x180] =	vst v2;
	v2 =	vld [tilespmem:s31+$0x190]  }
0x64: {  	v4 =	vld [tilespmem:$0x5190];
	_ =	sdelay $0x4  }
0x65: {  	v2 =	vadd.f32 v3, v2;
	v3 =	vmul.f32 v4, v1;
	_ =	sdelay $0x1  }
0x66: {  	v2 =	vadd.f32 v3, v2;
	_ =	sdelay $0x1  }
0x67: {  	v3 =	vsub.f32 $0.0e+00, v2;
	_ =	sdelay $0x1  }
0x68: {  	v3 =	vmul.f32 $1.442695020e+00, v3;
	_ =	sdelay $0x1  }
0x69: {  	(erf) = vpow2.f32 v3;
	_ =	sdelay $0x8  }
0x6a: {  	v3 =	vpop (erf)  }
0x6b: {  	v3 =	vadd.f32 $1.000000000e+00, v3;
	_ =	sdelay $0x1  }
0x6c: {  	(erf) = vrcp.f32 v3;
	_ =	sdelay $0x8  }
0x6d: {  	v3 =	vpop (erf)  }
0x6e: {  	v2 =	vmul.f32 v3, v2  }
0x6f: {  	v3 =	vld [tilespmem:s31+$0x29A0]  }
0x70: {  	[tilespmem:s31+$0x190] =	vst v2;
	v2 =	vld [tilespmem:s31+$0x1A0]  }
0x71: {  	v4 =	vld [tilespmem:$0x51A0];
	_ =	sdelay $0x4  }
0x72: {  	v2 =	vadd.f32 v3, v2;
	v3 =	vmul.f32 v4, v1;
	_ =	sdelay $0x1  }
0x73: {  	v2 =	vadd.f32 v3, v2;
	_ =	sdelay $0x1  }
0x74: {  	v3 =	vsub.f32 $0.0e+00, v2;
	_ =	sdelay $0x1  }
0x75: {  	v3 =	vmul.f32 $1.442695020e+00, v3;
	_ =	sdelay $0x1  }
0x76: {  	(erf) = vpow2.f32 v3;
	_ =	sdelay $0x8  }
0x77: {  	v3 =	vpop (erf)  }
0x78: {  	v3 =	vadd.f32 $1.000000000e+00, v3;
	_ =	sdelay $0x1  }
0x79: {  	(erf) = vrcp.f32 v3;
	_ =	sdelay $0x8  }
0x7a: {  	v3 =	vpop (erf)  }
0x7b: {  	v2 =	vmul.f32 v3, v2  }
0x7c: {  	v3 =	vld [tilespmem:s31+$0x29B0]  }
0x7d: {  	[tilespmem:s31+$0x1A0] =	vst v2;
	v2 =	vld [tilespmem:s31+$0x1B0]  }
0x7e: {  	v4 =	vld [tilespmem:$0x51B0];
	_ =	sdelay $0x4  }
0x7f: {  	v2 =	vadd.f32 v3, v2;
	v3 =	vmul.f32 v4, v1;
	_ =	sdelay $0x1  }
0x80: {  	v2 =	vadd.f32 v3, v2;
	_ =	sdelay $0x1  }
0x81: {  	v3 =	vsub.f32 $0.0e+00, v2;
	_ =	sdelay $0x1  }
0x82: {  	v3 =	vmul.f32 $1.442695020e+00, v3;
	_ =	sdelay $0x1  }
0x83: {  	(erf) = vpow2.f32 v3;
	_ =	sdelay $0x8  }
0x84: {  	v3 =	vpop (erf)  }
0x85: {  	v3 =	vadd.f32 $1.000000000e+00, v3;
	_ =	sdelay $0x1  }
0x86: {  	(erf) = vrcp.f32 v3;
	_ =	sdelay $0x8  }
0x87: {  	v3 =	vpop (erf)  }
0x88: {  	v2 =	vmul.f32 v3, v2  }
0x89: {  	v3 =	vld [tilespmem:s31+$0x29C0]  }
0x8a: {  	[tilespmem:s31+$0x1B0] =	vst v2;
	v2 =	vld [tilespmem:s31+$0x1C0]  }
0x8b: {  	v4 =	vld [tilespmem:$0x51C0];
	_ =	sdelay $0x4  }
0x8c: {  	v2 =	vadd.f32 v3, v2;
	v3 =	vmul.f32 v4, v1;
	_ =	sdelay $0x1  }
0x8d: {  	v2 =	vadd.f32 v3, v2;
	_ =	sdelay $0x1  }
0x8e: {  	v3 =	vsub.f32 $0.0e+00, v2;
	_ =	sdelay $0x1  }
0x8f: {  	v3 =	vmul.f32 $1.442695020e+00, v3;
	_ =	sdelay $0x1  }
0x90: {  	(erf) = vpow2.f32 v3;
	_ =	sdelay $0x8  }
0x91: {  	v3 =	vpop (erf)  }
0x92: {  	v3 =	vadd.f32 $1.000000000e+00, v3;
	_ =	sdelay $0x1  }
0x93: {  	(erf) = vrcp.f32 v3;
	_ =	sdelay $0x8  }
0x94: {  	v3 =	vpop (erf)  }
0x95: {  	v2 =	vmul.f32 v3, v2  }
0x96: {  	v3 =	vld [tilespmem:s31+$0x29D0]  }
0x97: {  	[tilespmem:s31+$0x1C0] =	vst v2;
	v2 =	vld [tilespmem:s31+$0x1D0]  }
0x98: {  	v4 =	vld [tilespmem:$0x51D0];
	_ =	sdelay $0x4  }
0x99: {  	v2 =	vadd.f32 v3, v2;
	v3 =	vmul.f32 v4, v1;
	_ =	sdelay $0x1  }
0x9a: {  	v2 =	vadd.f32 v3, v2;
	_ =	sdelay $0x1  }
0x9b: {  	v3 =	vsub.f32 $0.0e+00, v2;
	_ =	sdelay $0x1  }
0x9c: {  	v3 =	vmul.f32 $1.442695020e+00, v3;
	_ =	sdelay $0x1  }
0x9d: {  	(erf) = vpow2.f32 v3;
	_ =	sdelay $0x8  }
0x9e: {  	v3 =	vpop (erf)  }
0x9f: {  	v3 =	vadd.f32 $1.000000000e+00, v3;
	_ =	sdelay $0x1  }
0xa0: {  	(erf) = vrcp.f32 v3;
	_ =	sdelay $0x8  }
0xa1: {  	v3 =	vpop (erf)  }
0xa2: {  	v2 =	vmul.f32 v3, v2  }
0xa3: {  	v3 =	vld [tilespmem:s31+$0x29E0]  }
0xa4: {  	[tilespmem:s31+$0x1D0] =	vst v2;
	v2 =	vld [tilespmem:s31+$0x1E0]  }
0xa5: {  	v4 =	vld [tilespmem:$0x51E0];
	_ =	sdelay $0x4  }
0xa6: {  	v2 =	vadd.f32 v3, v2;
	v3 =	vmul.f32 v4, v1;
	_ =	sdelay $0x1  }
0xa7: {  	v2 =	vadd.f32 v3, v2;
	_ =	sdelay $0x1  }
0xa8: {  	v3 =	vsub.f32 $0.0e+00, v2;
	_ =	sdelay $0x1  }
0xa9: {  	v3 =	vmul.f32 $1.442695020e+00, v3;
	_ =	sdelay $0x1  }
0xaa: {  	(erf) = vpow2.f32 v3;
	_ =	sdelay $0x8  }
0xab: {  	v3 =	vpop (erf)  }
0xac: {  	v3 =	vadd.f32 $1.000000000e+00, v3;
	_ =	sdelay $0x1  }
0xad: {  	(erf) = vrcp.f32 v3;
	_ =	sdelay $0x8  }
0xae: {  	v3 =	vpop (erf)  }
0xaf: {  	v2 =	vmul.f32 v3, v2  }
0xb0: {  	v3 =	vld [tilespmem:s31+$0x29F0]  }
0xb1: {  	[tilespmem:s31+$0x1E0] =	vst v2;
	v2 =	vld [tilespmem:s31+$0x1F0]  }
0xb2: {  	v4 =	vld [tilespmem:$0x51F0];
	_ =	sdelay $0x4  }
0xb3: {  	v2 =	vadd.f32 v3, v2;
	v1 =	vmul.f32 v4, v1;
	_ =	sdelay $0x1  }
0xb4: {  	v1 =	vadd.f32 v1, v2;
	_ =	sdelay $0x1  }
0xb5: {  	v2 =	vsub.f32 $0.0e+00, v1;
	_ =	sdelay $0x1  }
0xb6: {  	v2 =	vmul.f32 $1.442695020e+00, v2;
	_ =	sdelay $0x1  }
0xb7: {  	(erf) = vpow2.f32 v2;
	_ =	sdelay $0x8  }
0xb8: {  	v2 =	vpop (erf)  }
0xb9: {  	v2 =	vadd.f32 $1.000000000e+00, v2;
	_ =	sdelay $0x1  }
0xba: {  	(erf) = vrcp.f32 v2;
	_ =	sdelay $0x8  }
.Ltmp1:
0xbb: {  	v2 =	vpop (erf);
	(pc) =	sbr.rel @p0 .LBB2_5-.Ltmp1, $4  }
0xbc: {  	s2 =	sshra.s32 s18, $0x2;
	v1 =	vmul.f32 v2, v1  }
0xbd: {  	v2 =	vld [tilespmem:s2+$0x2980]  }
0xbe: {  	s0 =	sadd.s32 $0x1, s0;
	v3 =	vld [tilespmem:s2+$0x180];
	[tilespmem:s31+$0x1F0] =	vst v1;
	s31 =	smov.u32 s2  }
0xbf: {  	s18 =	sadd.s32 $0x200, s18;
	v1 =	vld.msk [tilespmem:s0+$0x0 ss:$0x0], $0xffff  }
0xc0: {  	v4 =	vld [tilespmem:$0x5180];
	_ =	sdelay $0x4  }
0xc1: {  	v2 =	vadd.f32 v2, v3;
	v3 =	vmul.f32 v4, v1;
	_ =	sdelay $0x1  }
0xc2: {  	v2 =	vadd.f32 v3, v2;
	_ =	sdelay $0x1  }
0xc3: {  	v3 =	vsub.f32 $0.0e+00, v2;
	_ =	sdelay $0x1  }
0xc4: {  	v3 =	vmul.f32 $1.442695020e+00, v3;
	_ =	sdelay $0x1  }
0xc5: {  	(erf) = vpow2.f32 v3;
	_ =	sdelay $0x8  }
0xc6: {  	v3 =	vpop (erf)  }
0xc7: {  	v3 =	vadd.f32 $1.000000000e+00, v3;
	_ =	sdelay $0x1  }
0xc8: {  	(erf) = vrcp.f32 v3;
	_ =	sdelay $0x8  }
0xc9: {  	v3 =	vpop (erf)  }
0xca: {  	v2 =	vmul.f32 v3, v2  }
0xcb: {  	v3 =	vld [tilespmem:s31+$0x2990]  }
0xcc: {  	[tilespmem:s31+$0x180] =	vst v2;
	v2 =	vld [tilespmem:s31+$0x190]  }
0xcd: {  	v57 =	vld [tilespmem:$0x5190];
	_ =	sdelay $0x4  }
0xce: {  	v2 =	vadd.f32 v3, v2;
	v3 =	vmul.f32 v57, v1;
	_ =	sdelay $0x1  }
0xcf: {  	v2 =	vadd.f32 v3, v2;
	_ =	sdelay $0x1  }
0xd0: {  	v3 =	vsub.f32 $0.0e+00, v2;
	_ =	sdelay $0x1  }
0xd1: {  	v3 =	vmul.f32 $1.442695020e+00, v3;
	_ =	sdelay $0x1  }
0xd2: {  	(erf) = vpow2.f32 v3;
	_ =	sdelay $0x8  }
0xd3: {  	v3 =	vpop (erf)  }
0xd4: {  	v3 =	vadd.f32 $1.000000000e+00, v3;
	_ =	sdelay $0x1  }
0xd5: {  	(erf) = vrcp.f32 v3;
	_ =	sdelay $0x8  }
0xd6: {  	v3 =	vpop (erf)  }
0xd7: {  	v2 =	vmul.f32 v3, v2  }
0xd8: {  	v3 =	vld [tilespmem:s31+$0x29A0]  }
0xd9: {  	[tilespmem:s31+$0x190] =	vst v2;
	v2 =	vld [tilespmem:s31+$0x1A0]  }
0xda: {  	v58 =	vld [tilespmem:$0x51A0];
	_ =	sdelay $0x4  }
0xdb: {  	v2 =	vadd.f32 v3, v2;
	v3 =	vmul.f32 v58, v1;
	_ =	sdelay $0x1  }
0xdc: {  	v2 =	vadd.f32 v3, v2;
	_ =	sdelay $0x1  }
0xdd: {  	v3 =	vsub.f32 $0.0e+00, v2;
	_ =	sdelay $0x1  }
0xde: {  	v3 =	vmul.f32 $1.442695020e+00, v3;
	_ =	sdelay $0x1  }
0xdf: {  	(erf) = vpow2.f32 v3;
	_ =	sdelay $0x8  }
0xe0: {  	v3 =	vpop (erf)  }
0xe1: {  	v3 =	vadd.f32 $1.000000000e+00, v3;
	_ =	sdelay $0x1  }
0xe2: {  	(erf) = vrcp.f32 v3;
	_ =	sdelay $0x8  }
0xe3: {  	v3 =	vpop (erf)  }
0xe4: {  	v2 =	vmul.f32 v3, v2  }
0xe5: {  	v3 =	vld [tilespmem:s31+$0x29B0]  }
0xe6: {  	[tilespmem:s31+$0x1A0] =	vst v2;
	v2 =	vld [tilespmem:s31+$0x1B0]  }
0xe7: {  	v59 =	vld [tilespmem:$0x51B0];
	_ =	sdelay $0x4  }
0xe8: {  	v2 =	vadd.f32 v3, v2;
	v3 =	vmul.f32 v59, v1;
	_ =	sdelay $0x1  }
0xe9: {  	v2 =	vadd.f32 v3, v2;
	_ =	sdelay $0x1  }
0xea: {  	v3 =	vsub.f32 $0.0e+00, v2;
	_ =	sdelay $0x1  }
0xeb: {  	v3 =	vmul.f32 $1.442695020e+00, v3;
	_ =	sdelay $0x1  }
0xec: {  	(erf) = vpow2.f32 v3;
	_ =	sdelay $0x8  }
0xed: {  	v3 =	vpop (erf)  }
0xee: {  	v3 =	vadd.f32 $1.000000000e+00, v3;
	_ =	sdelay $0x1  }
0xef: {  	(erf) = vrcp.f32 v3;
	_ =	sdelay $0x8  }
0xf0: {  	v3 =	vpop (erf)  }
0xf1: {  	v2 =	vmul.f32 v3, v2  }
0xf2: {  	v3 =	vld [tilespmem:s31+$0x29C0]  }
0xf3: {  	[tilespmem:s31+$0x1B0] =	vst v2;
	v2 =	vld [tilespmem:s31+$0x1C0]  }
0xf4: {  	v60 =	vld [tilespmem:$0x51C0];
	_ =	sdelay $0x4  }
0xf5: {  	v2 =	vadd.f32 v3, v2;
	v3 =	vmul.f32 v60, v1;
	_ =	sdelay $0x1  }
0xf6: {  	v2 =	vadd.f32 v3, v2;
	_ =	sdelay $0x1  }
0xf7: {  	v3 =	vsub.f32 $0.0e+00, v2;
	_ =	sdelay $0x1  }
0xf8: {  	v3 =	vmul.f32 $1.442695020e+00, v3;
	_ =	sdelay $0x1  }
0xf9: {  	(erf) = vpow2.f32 v3;
	_ =	sdelay $0x8  }
0xfa: {  	v3 =	vpop (erf)  }
0xfb: {  	v3 =	vadd.f32 $1.000000000e+00, v3;
	_ =	sdelay $0x1  }
0xfc: {  	(erf) = vrcp.f32 v3;
	_ =	sdelay $0x8  }
0xfd: {  	v3 =	vpop (erf)  }
0xfe: {  	v2 =	vmul.f32 v3, v2  }
0xff: {  	v3 =	vld [tilespmem:s31+$0x29D0]  }
0x100: {  	[tilespmem:s31+$0x1C0] =	vst v2;
	v2 =	vld [tilespmem:s31+$0x1D0]  }
0x101: {  	v61 =	vld [tilespmem:$0x51D0];
	_ =	sdelay $0x4  }
0x102: {  	v2 =	vadd.f32 v3, v2;
	v3 =	vmul.f32 v61, v1;
	_ =	sdelay $0x1  }
0x103: {  	v2 =	vadd.f32 v3, v2;
	_ =	sdelay $0x1  }
0x104: {  	v3 =	vsub.f32 $0.0e+00, v2;
	_ =	sdelay $0x1  }
0x105: {  	v3 =	vmul.f32 $1.442695020e+00, v3;
	_ =	sdelay $0x1  }
0x106: {  	(erf) = vpow2.f32 v3;
	_ =	sdelay $0x8  }
0x107: {  	v3 =	vpop (erf)  }
0x108: {  	v3 =	vadd.f32 $1.000000000e+00, v3;
	_ =	sdelay $0x1  }
0x109: {  	(erf) = vrcp.f32 v3;
	_ =	sdelay $0x8  }
0x10a: {  	v3 =	vpop (erf)  }
0x10b: {  	v2 =	vmul.f32 v3, v2  }
0x10c: {  	v3 =	vld [tilespmem:s31+$0x29E0]  }
0x10d: {  	[tilespmem:s31+$0x1D0] =	vst v2;
	v2 =	vld [tilespmem:s31+$0x1E0]  }
0x10e: {  	v62 =	vld [tilespmem:$0x51E0];
	_ =	sdelay $0x4  }
0x10f: {  	v2 =	vadd.f32 v3, v2;
	v3 =	vmul.f32 v62, v1;
	_ =	sdelay $0x1  }
0x110: {  	v2 =	vadd.f32 v3, v2;
	_ =	sdelay $0x1  }
0x111: {  	v3 =	vsub.f32 $0.0e+00, v2;
	_ =	sdelay $0x1  }
0x112: {  	v3 =	vmul.f32 $1.442695020e+00, v3;
	_ =	sdelay $0x1  }
0x113: {  	(erf) = vpow2.f32 v3;
	_ =	sdelay $0x8  }
0x114: {  	v3 =	vpop (erf)  }
0x115: {  	v3 =	vadd.f32 $1.000000000e+00, v3;
	_ =	sdelay $0x1  }
0x116: {  	(erf) = vrcp.f32 v3;
	_ =	sdelay $0x8  }
0x117: {  	v3 =	vpop (erf)  }
0x118: {  	v2 =	vmul.f32 v3, v2  }
0x119: {  	v3 =	vld [tilespmem:s31+$0x29F0]  }
0x11a: {  	[tilespmem:s31+$0x1E0] =	vst v2;
	v2 =	vld [tilespmem:s31+$0x1F0]  }
0x11b: {  	v63 =	vld [tilespmem:$0x51F0];
	_ =	sdelay $0x4  }
0x11c: {  	v2 =	vadd.f32 v3, v2;
	v1 =	vmul.f32 v63, v1;
	_ =	sdelay $0x1  }
0x11d: {  	v1 =	vadd.f32 v1, v2;
	_ =	sdelay $0x1  }
0x11e: {  	v2 =	vsub.f32 $0.0e+00, v1;
	_ =	sdelay $0x1  }
0x11f: {  	v2 =	vmul.f32 $1.442695020e+00, v2;
	_ =	sdelay $0x1  }
0x120: {  	(erf) = vpow2.f32 v2;
	_ =	sdelay $0x8  }
0x121: {  	v2 =	vpop (erf)  }
0x122: {  	v2 =	vadd.f32 $1.000000000e+00, v2;
	_ =	sdelay $0x1  }
0x123: {  	(erf) = vrcp.f32 v2;
	_ =	sdelay $0x8  }
0x124: {  	v2 =	vpop (erf)  }
0x125: {  	s30 =	sadd.s32 $0x1, s30;
	v1 =	vmul.f32 v2, v1  }
0x126: {  	p0 =	sne.s32 s30, $0x7D  }
.Ltmp2:
0x127: {  	[tilespmem:s31+$0x1F0] =	vst v1;
	(pc) =	sbr.rel @p0 .LBB2_4-.Ltmp2, $4  }
0x128: {  	[spmem:s1] =	stream.indirect.scatter.add.f32 [tilespmem:s23], [sflag:$0x3], $0x80, s3, s22, $0xb8;
	[tilespmem:$0x1D200] =	vst v63  }
0x129: {  	_ =	swait.ge [sflag:s19], $0x2800  }
0x12a: {  	[sflag:s19] =	ssyncset.done $0x0  }
0x12b: {  	[sflag:s19] =	ssyncadd.s32 $0xFFFFD800  }
0x12c: {  	s0 =	stileid.u32;
	s28 =	sadd.s32 $0x1, s28  }
0x12d: {  	[bflag:$0x0] =	sbarrier.arrive $0xFFFF;
	s0 =	sshll.u32 s0, $0x6;
	p0 =	sne.s32 s28, s17  }
.Ltmp3:
0x12e: {  	s2 =	sshrl.u32 s10, $0x3;
	s0 =	sor.u32 $0x1C03, s0;
	(pc) =	sbr.rel @p0 .LBB2_1-.Ltmp3, $4  }
0x12f: {  	[hbm:s16], [sflag:s0] =	dma.local [spmem:s2], $0x2800  }
0x130: {  	_ =	swait.ge [sflag:s19], $0x2800  }
0x131: {  	[sflag:s19] =	ssyncset.done $0x0  }
0x132: {  	[sflag:s19] =	ssyncadd.s32 $0xFFFFD800  }
0x133: {  	_ =	sfence.sel $0x180000  }
0x134: {  	[bflag:$0x0] =	sbarrier.arrive $0xFFFF  }
0x135: {  	_ =	strace $0x9000004D  }
0x136: {  	s0 =	stileid.u32;
	[bflag:$0x2] =	sbarrier.arrive $0xFFFF  }
0x137: {  	p0 =	sne.s32 s0, $0x0;
	s0 =	rddreg [dreg:$0x2]  }
0x138: {  	s0 =	sadd.s32 @!p0 $0x100000, s0  }
0x139: {  	[sflag:s0] =	ssyncadd.tile.s32 @!p0 $0x1;
	_ =	shalt  }
.Lfunc_end2:
_tile_overlayer_lowered:
.L_overlay_start_2:
0x13a: {  	(tag) =	ssettag $0x2  }
0x13b: {  	s0 =	rddreg [dreg:$0x0];
	s2 =	stileid.u32  }
0x13c: {  	s1 =	rddreg [dreg:$0x1];
	p0 =	sne.s32 s2, $0x0  }
0x13d: {  	s3 =	rddreg [dreg:$0x2];
	[bflag:$0x3] =	sbarrier.arrive $0xFFFF;
	s2 =	simm.s32 @!p0 $0x1C03  }
0x13e: {  	[timem:s3], [sflag:s2] =	dma.local @!p0 [hbm:s0], s1  }
0x13f: {  	s0 =	simm.s32 @!p0 $0x3  }
0x140: {  	_ =	swait.ge @!p0 [sflag:s0], s1  }
0x141: {  	s1 =	ssub.s32 @!p0 $0x0, s1;
	[sflag:s0] =	ssyncset.done @!p0 $0x0  }
0x142: {  	[sflag:s0] =	ssyncadd.s32 @!p0 s1  }
0x143: {  	[bflag:$0x3] =	sbarrier.arrive $0xFFFF  }
0x144: {  	_ =	shalt  }

// kernel: kernel.22.cloned.1.call-start
scs
__scs_entry_jumppad:
0x0: {  	(pc) =	sbr.rel $0x88, $3  }
0x1: {  	(tag) =	ssettag $0x0;
	lr =	simm.s32 $0x1  }
0x2: {  	[smem:$0x3F5A] =	sst lr;
	_ =	strace $0xD0000000  }
0x3: {  	_ = 	snop  }
0x4: {  	_ = 	snop  }
0x5: {  	_ = 	snop  }
0x6: {  	_ = 	snop  }
0x7: {  	_ = 	snop  }
__scs_overlays_trampoline_lowered:
0x8: {  	[smem:$0x3F69] =	sst s0  }
0x9: {  	[smem:$0x3F6A] =	sst s1  }
0xa: {  	[smem:$0x3F6B] =	sst s2  }
0xb: {  	[smem:$0x3F6C] =	sst s3  }
0xc: {  	[smem:$0x3F6D] =	sst s4  }
0xd: {  	[smem:$0x3F6E] =	sst s5  }
0xe: {  	[smem:$0x3F6F] =	sst s6  }
0xf: {  	[smem:$0x3F70] =	sst s7  }
0x10: {  	[smem:$0x3F71] =	sst s8  }
0x11: {  	[smem:$0x3F72] =	sst s9;
	s0 =	simm.s32 @!p0 $0x0  }
0x12: {  	s1 =	sld [smem:$0x3F58];
	s0 =	simm.s32 @p0 $0x1  }
0x13: {  	[smem:$0x3F73] =	sst s0;
	s0 =	simm.s32 @!p1 $0x0  }
0x14: {  	s2 =	sld [smem:$0x3F57];
	s0 =	simm.s32 @p1 $0x1  }
0x15: {  	[smem:$0x3F74] =	sst s0;
	s0 =	simm.s32 @!p2 $0x0  }
0x16: {  	s3 =	sld [smem:$0x3FDB];
	s0 =	simm.s32 @p2 $0x1  }
0x17: {  	s4 =	simm.s32 $0x1BF5;
	[smem:$0x3F76] =	sst s0  }
0x18: {  	s0 =	sld [smem:$0x3F59];
	_ =	swait.ge [sflag:s4], $0x0  }
0x19: {  	s7 =	sld [smem:$0x3F5A]  }
0x1a: {  	s8 =	sadd.s32 $0xFFFFE003, lr  }
0x1b: {  	s9 =	sadd.s32 $0xFFFFFEF7, lr;
	s5 =	simm.s32 $0xFFFFFFFF;
	p2 =	slt.u32 s8, $0xFFFFF086  }
0x1c: {  	p1 =	slt.u32 s9, $0xF7A;
	s5 =	simm.s32 @!p2 $0x0  }
0x1d: {  	s5 =	simm.s32 @p1 $0x1;
	p0 =	seq.s32 s7, s2  }
0x1e: {  	s7 =	smul.u32 @!p0 $0xF7A, s2;
	p2 =	seq.s32 @!p0 s5, $0x0  }
0x1f: {  	s9 =	smul.u32 $0xF7A, s1;
	s8 =	simm.s32 @!p0 $0x1BF5;
	p2 =	por !p2, p0  }
0x20: {  	[sflag:s8] =	ssyncset.s32 @!p0 $0xFFFFF086;
	s6 =	sadd.s32 @!p0 s3, s7;
	s7 =	simm.s32 @!p0 $0x108  }
0x21: {  	s3 =	sadd.s32 s3, s9;
	s6 =	sadd.s32 @!p0 $0x88, s6;
	s7 =	simm.s32 @p2 $0x1082  }
0x22: {  	[simem:s7], [sflag:s8] =	dma.local @!p0 [hbm:s6], $0xF7A  }
0x23: {  	s9 =	sor.u32 $0xD0000000, s2;
	s6 =	simm.s32 $0x108;
	_ =	swait.ge @!p0 [sflag:s8], $0x0  }
0x24: {  	s3 =	sadd.s32 $0x88, s3;
	s6 =	simm.s32 @!p1 $0x1082;
	[sflag:s4] =	ssyncset.s32 $0xFFFFF086  }
0x25: {  	[simem:s6], [sflag:s4] =	dma.local [hbm:s3], $0xF7A  }
0x26: {  	[smem:$0x3F5A] =	sst s1;
	(tag) =	ssettag s2;
	_ =	strace s9  }
0x27: {  	s1 =	sld [smem:$0x3F6A]  }
0x28: {  	s2 =	sld [smem:$0x3F6B]  }
0x29: {  	s4 =	sld [smem:$0x3F6D]  }
0x2a: {  	p0 =	seq.s32 s5, $0x0;
	s5 =	sld [smem:$0x3F6E]  }
0x2b: {  	s6 =	sld [smem:$0x3F6F]  }
0x2c: {  	s7 =	sld [smem:$0x3F70]  }
0x2d: {  	s3 =	simm.s32 $0x108;
	s8 =	sld [smem:$0x3F71]  }
0x2e: {  	s3 =	simm.s32 @!p0 $0x1082;
	s9 =	sld [smem:$0x3F72]  }
0x2f: {  	lr =	sadd.s32 s0, s3;
	s0 =	sld [smem:$0x3F69]  }
0x30: {  	s3 =	sld [smem:$0x3F6C]  }
0x31: {  	[smem:$0x3F75] =	sst s10  }
0x32: {  	s10 =	sld [smem:$0x3F73];
	_ =	sdelay $0x3  }
0x33: {  	p0 =	seq.s32 s10, $0x1;
	s10 =	sld [smem:$0x3F75];
	_ =	sdelay $0x3  }
0x34: {  	[smem:$0x3F75] =	sst s10  }
0x35: {  	s10 =	sld [smem:$0x3F74];
	_ =	sdelay $0x3  }
0x36: {  	p1 =	seq.s32 s10, $0x1;
	s10 =	sld [smem:$0x3F75];
	_ =	sdelay $0x3  }
0x37: {  	[smem:$0x3F75] =	sst s10  }
0x38: {  	s10 =	sld [smem:$0x3F76]  }
0x39: {  	_ = 	snop;
	(pc) =	sbr.ind lr, $3  }
0x3a: {  	_ = 	snop  }
0x3b: {  	_ = 	snop  }
0x3c: {  	p2 =	seq.s32 s10, $0x1;
	s10 =	sld [smem:$0x3F75]  }
0x3d: {  	_ =	shalt  }
0x3e: {  	_ =	shalt  }
0x3f: {  	_ =	shalt  }
0x40: {  	_ =	shalt  }
0x41: {  	_ =	shalt  }
0x42: {  	_ =	shalt  }
0x43: {  	_ =	shalt  }
0x44: {  	_ =	shalt  }
0x45: {  	_ =	shalt  }
0x46: {  	_ =	shalt  }
0x47: {  	_ =	shalt  }
0x48: {  	_ =	shalt  }
0x49: {  	_ =	shalt  }
0x4a: {  	_ =	shalt  }
0x4b: {  	_ =	shalt  }
0x4c: {  	_ =	shalt  }
0x4d: {  	_ =	shalt  }
0x4e: {  	_ =	shalt  }
0x4f: {  	_ =	shalt  }
0x50: {  	_ =	shalt  }
0x51: {  	_ =	shalt  }
0x52: {  	_ =	shalt  }
0x53: {  	_ =	shalt  }
0x54: {  	_ =	shalt  }
0x55: {  	_ =	shalt  }
0x56: {  	_ =	shalt  }
0x57: {  	_ =	shalt  }
0x58: {  	_ =	shalt  }
0x59: {  	_ =	shalt  }
0x5a: {  	_ =	shalt  }
0x5b: {  	_ =	shalt  }
0x5c: {  	_ =	shalt  }
0x5d: {  	_ =	shalt  }
0x5e: {  	_ =	shalt  }
0x5f: {  	_ =	shalt  }
0x60: {  	_ =	shalt  }
0x61: {  	_ =	shalt  }
0x62: {  	_ =	shalt  }
0x63: {  	_ =	shalt  }
0x64: {  	_ =	shalt  }
0x65: {  	_ =	shalt  }
0x66: {  	_ =	shalt  }
0x67: {  	_ =	shalt  }
0x68: {  	_ =	shalt  }
0x69: {  	_ =	shalt  }
0x6a: {  	_ =	shalt  }
0x6b: {  	_ =	shalt  }
0x6c: {  	_ =	shalt  }
0x6d: {  	_ =	shalt  }
0x6e: {  	_ =	shalt  }
0x6f: {  	_ =	shalt  }
0x70: {  	_ =	shalt  }
0x71: {  	_ =	shalt  }
0x72: {  	_ =	shalt  }
0x73: {  	_ =	shalt  }
0x74: {  	_ =	shalt  }
0x75: {  	_ =	shalt  }
0x76: {  	_ =	shalt  }
0x77: {  	_ =	shalt  }
0x78: {  	_ =	shalt  }
0x79: {  	_ =	shalt  }
0x7a: {  	_ =	shalt  }
0x7b: {  	_ =	shalt  }
0x7c: {  	_ =	shalt  }
0x7d: {  	_ =	shalt  }
0x7e: {  	_ =	shalt  }
0x7f: {  	_ =	shalt  }
0x80: {  	_ =	shalt  }
0x81: {  	_ =	shalt  }
0x82: {  	_ =	shalt  }
0x83: {  	_ =	shalt  }
0x84: {  	_ =	shalt  }
0x85: {  	_ =	shalt  }
0x86: {  	_ =	shalt  }
0x87: {  	_ =	shalt  }
.Lfunc_end0:
.L_simem_size_0:
called_computation.3_lowered:
.L_overlay_start_0:
0x88: {  	s2 =	sld [smem:$0x3FD9]  }
0x89: {  	s3 =	sld [smem:$0x3FFE];
	_ =	sdelay $0x1  }
0x8a: {  	s1 =	srdreg.scid  }
0x8b: {  	s0 =	sand.u32 $0x1, s1  }
0x8c: {  	s14 =	sshll.u32 s0, $0xA;
	s2 =	sadd.s32 s3, s2  }
0x8d: {  	s2 =	sadd.s32 s2, s14  }
0x8e: {  	[smem:$0x3F81] =	sst s2  }
0x8f: {  	_ = 	snop  }
0x90: {  	s2 =	sld [smem:$0x3FD0];
	_ =	sdelay $0x2  }
0x91: {  	s15 =	simm.s32 $0xA;
	s4 =	simm.s32 $0x10  }
0x92: {  	[smem:s4], [sflag:s15] =	dma.local [hbm:s2], $0x1  }
0x93: {  	_ =	swait.eq [sflag:s15], $0x1  }
0x94: {  	[sflag:s15] =	ssyncset.done $0x0  }
0x95: {  	[sflag:s15] =	ssyncadd.s32 $0xFFFFFFFF  }
0x96: {  	s16 =	sld [smem:$0x11];
	(tm) =	ssettm $0x1  }
0x97: {  	s17 =	sld [smem:$0x3FFB];
	_ =	sdelay $0x3  }
0x98: {  	_ =	strace s17  }
0x99: {  	s3 =	sld [smem:$0x3FFC];
	_ =	sdelay $0x3  }
0x9a: {  	_ =	strace s3  }
0x9b: {  	s3 =	sld [smem:$0x3FFD];
	_ =	sdelay $0x3  }
0x9c: {  	_ =	strace s3  }
0x9d: {  	_ =	strace $0x8FFFFFFF  }
0x9e: {  	s18 =	sld [smem:$0x3FDB];
	_ =	sdelay $0x1  }
0x9f: {  	s19 =	simm.s32 $_scs_section_size  }
0xa0: {  	s5 =	simm.s32 $_size__tile_overlayer_lowered;
	s6 =	simm.s32 $_tile_overlayer_lowered  }
0xa1: {  	s22 =	simm.s32 $0x1BFF;
	s21 =	sshll.u32 s6, $0x1;
	s3 =	sadd.s32 s19, s18  }
0xa2: {  	s7 =	simm.s32 $0x0;
	s20 =	sshll.u32 s5, $0x1;
	s5 =	sadd.s32 s21, s3  }
0xa3: {  	[timem:s7], [sflag:s22] =	dma.local [hbm:s5], s20  }
0xa4: {  	_ =	swait.ge [sflag:s22], s20  }
0xa5: {  	s4 =	ssub.s32 $0x0, s20;
	[sflag:s22] =	ssyncset.done $0x0  }
0xa6: {  	[sflag:s22] =	ssyncadd.s32 s4;
	_ =	sdelay $0x1  }
0xa7: {  	s23 =	simm.s32 $0x1B8B  }
0xa8: {  	_ =	swait.ge [sflag:s23], $0x1  }
0xa9: {  	[sflag:s23] =	ssyncset.done $0x0  }
0xaa: {  	s25 =	simm.s32 $0x1B8E;
	s24 =	sld [smem:$0x3FFE];
	[sflag:s23] =	ssyncadd.s32 $0xFFFFFFFF  }
0xab: {  	s26 =	simm.s32 $execute0_lowered;
	[smem:$0x3FD2] =	sst s25  }
0xac: {  	s5 =	sshll.u32 s26, $0x1;
	_ =	strace $0x8000004F;
	[dreg:$0x1] =	wrdreg $0xFFFFFFFF  }
0xad: {  	s28 =	simm.s32 $_size_execute0_lowered;
	s3 =	sadd.s32 s3, s5;
	[dreg:$0x0] =	wrdreg $0x0  }
0xae: {  	s5 =	sshll.u32 s28, $0x1;
	[dreg:$0x2] =	wrdreg s3  }
0xaf: {  	[dreg:$0x3] =	wrdreg s5  }
0xb0: {  	[dreg:$0x4] =	wrdreg $0xC0  }
0xb1: {  	_ =	task [dreg:s7], $0x5FFFF  }
0xb2: {  	[dreg:$0x1] =	wrdreg $0xFFFFFFFF  }
0xb3: {  	[dreg:$0x0] =	wrdreg $0x60  }
0xb4: {  	[dreg:$0x2] =	wrdreg s24  }
0xb5: {  	[dreg:$0x3] =	wrdreg s16  }
0xb6: {  	[dreg:$0x4] =	wrdreg $0x92000  }
0xb7: {  	[dreg:$0x5] =	wrdreg $0x9  }
0xb8: {  	_ =	task.clear_ibuf [dreg:s7], $0x6FFFF;
	_ =	strace $0x9000004F  }
0xb9: {  	s29 =	simm.s32 $0x9;
	_ =	strace $0x80000051  }
0xba: {  	_ =	swait.ge [sflag:s29], $0x1  }
0xbb: {  	[sflag:s29] =	ssyncadd.s32 $0xFFFFFFFF  }
0xbc: {  	_ =	strace $0x90000051  }
0xbd: {  	_ =	sfence  }
0xbe: {  	s30 =	sld [smem:$0x0];
	_ =	sdelay $0x2  }
0xbf: {  	s31 =	sshll.u32 s1, $0xD;
	s1 =	sshrl.u32 s1, $0x2  }
0xc0: {  	s3 =	sand.u32 $0x4000, s31;
	s1 =	sadd.s32 s1, s30  }
0xc1: {  	s0 =	sor.u32 s3, s0;
	s1 =	sshll.u32 s1, $0x11  }
0xc2: {  	s0 =	sor.u32 s1, s0  }
0xc3: {  	s0 =	sadd.s32 $0x8F2B, s0  }
0xc4: {  	[sflag:s0] =	ssyncadd.remote.s32 $0x1  }
0xc5: {  	_ =	sfence.sel $0xFFFF  }
0xc6: {  	[dreg:$0x0] =	wrdreg $0xFFFFFFFF;
	(pc) =	sbr.abs _section_cstart, $3  }
0xc7: {  	[dreg:$0x1] =	wrdreg $0xFFFFFFFF  }
0xc8: {  	_ =	task.clear_ibuf [dreg:s7], $0x2FFFF;
	_ =	strace $0x9FFFFFFF  }
0xc9: {  	(tm) =	ssettm $0x7FFFFFFF  }
tec
execute0_lowered:
.L_overlay_start_1:
0x0: {  	(tag) =	ssettag $0x1  }
0x1: {  	s0 =	rddreg [dreg:$0x0]  }
0x2: {  	s2 =	rddreg [dreg:$0x2];
	s4 =	simm.s32 $0x0;
	s1 =	srdreg.scid  }
0x3: {  	s3 =	stileid.u32;
	s19 =	simm.s32 $0x3;
	s20 =	simm.s32 $0x5200  }
0x4: {  	s21 =	simm.s32 $0x80;
	s22 =	simm.s32 $0x50;
	s23 =	simm.s32 $0x180  }
0x5: {  	s24 =	simm.s32 $0x2980;
	s25 =	simm.s32 $0x1;
	s26 =	simm.s32 $0x2  }
0x6: {  	s28 =	simm.s32 $0x0;
	s29 =	simm.s32 $0x0;
	[smem:$0x7FF] =	sst s4  }
0x7: {  	s1 =	sand.u32 $0x1, s1;
	s10 =	smul.u32 $0x14000, s3;
	s5 =	sadd.s32 $0x2C600, s0  }
0x8: {  	s6 =	sadd.s32 $0x53800, s0;
	s7 =	sadd.s32 $0x17600, s0;
	s11 =	smul.u32 $0x50000, s3  }
0x9: {  	s8 =	sadd.s32 $0xD800, s0;
	s9 =	smul.u32 $0x140000, s1;
	s12 =	ssub.s32 $0x2, s1  }
0xa: {  	_ =	strace $0x80000050;
	s1 =	sshll.u32 s1, $0x4;
	s31 =	sshrl.u32 s12, $0x1  }
0xb: {  	s11 =	sshrl.u32 s11, $0x2;
	s1 =	sor.u32 s3, s1;
	s10 =	sadd.s32 s10, s9  }
0xc: {  	s9 =	sadd.s32 $0x22800, s0;
	s17 =	ssub.s32 s12, s31;
	s10 =	sshrl.u32 s10, $0x3  }
0xd: {  	s15 =	smul.u32 $0x2710, s1;
	s0 =	sadd.s32 s10, s0;
	s10 =	sadd.s32 s11, s2  }
0xe: {  	s17 =	smax.u32 s17, $0x1;
	s11 =	sadd.s32 $0x4000, s10;
	s12 =	sadd.s32 $0x8000, s10  }
0xf: {  	v0 =	vimm.f32 $0.0e+00;
	s13 =	sadd.s32 $0xC000, s10;
	s14 =	sadd.s32 $0x10000, s10;
	s16 =	sadd.s32 $0x7AA00, s0  }
.LBB2_1:
0x10: {  	s0 =	rddreg [dreg:$0x1];
	s1 =	simm.s32 $0x5180  }
0x11: {  	[tilespmem:s1], [sflag:$0x3] =	stream.linear.gather [hbm4b:s0+s4], $0x80, $0x38;
	[tilespmem:$0x1D200] =	vst v63  }
0x12: {  	_ =	swait.ge [sflag:s19], $0x80  }
0x13: {  	[sflag:s19] =	ssyncset.done $0x0  }
0x14: {  	s0 =	simm.s32 $0x0;
	s1 =	simm.s32 $0x200;
	[sflag:s19] =	ssyncadd.s32 $0xFFFFFF80  }
.LBB2_2:
0x15: {  	p0 =	sne.s32 s1, $0xFE00;
	[tilespmem:s0+$0x5270] =	vst v0  }
0x16: {  	[tilespmem:s0+$0x5200] =	vst v0  }
0x17: {  	[tilespmem:s0+$0x5210] =	vst v0  }
.Ltmp0:
0x18: {  	[tilespmem:s0+$0x5220] =	vst v0;
	(pc) =	sbr.rel @p0 .LBB2_2-.Ltmp0, $4  }
0x19: {  	[tilespmem:s0+$0x5230] =	vst v0  }
0x1a: {  	[tilespmem:s0+$0x5240] =	vst v0  }
0x1b: {  	[tilespmem:s0+$0x5250] =	vst v0  }
0x1c: {  	[tilespmem:s0+$0x5260] =	vst v0;
	s0 =	sshra.s32 s1, $0x2;
	s1 =	sadd.s32 $0x200, s1  }
0x1d: {  	[tilespmem:s0+$0x5270] =	vst v0  }
0x1e: {  	[tilespmem:s0+$0x5200] =	vst v0  }
0x1f: {  	[tilespmem:s0+$0x5210] =	vst v0  }
0x20: {  	[tilespmem:s0+$0x5220] =	vst v0  }
0x21: {  	[tilespmem:s0+$0x5230] =	vst v0  }
0x22: {  	[tilespmem:s0+$0x5240] =	vst v0  }
0x23: {  	[tilespmem:s0+$0x5250] =	vst v0  }
0x24: {  	[tilespmem:s0+$0x5260] =	vst v0  }
0x25: {  	[spmem:s10] =	stream.linear.scatter [tilespmem:s20], [sflag:$0x3], $0x4000, $0x38;
	[tilespmem:$0x1D200] =	vst v63  }
0x26: {  	_ =	swait.ge [sflag:s19], $0x4000  }
0x27: {  	[sflag:s19] =	ssyncset.done $0x0  }
0x28: {  	[sflag:s19] =	ssyncadd.s32 $0xFFFFC000  }
0x29: {  	[spmem:s11] =	stream.linear.scatter [tilespmem:s20], [sflag:$0x3], $0x4000, $0x38;
	[tilespmem:$0x1D200] =	vst v63  }
0x2a: {  	_ =	swait.ge [sflag:s19], $0x4000  }
0x2b: {  	[sflag:s19] =	ssyncset.done $0x0  }
0x2c: {  	[sflag:s19] =	ssyncadd.s32 $0xFFFFC000  }
0x2d: {  	[spmem:s12] =	stream.linear.scatter [tilespmem:s20], [sflag:$0x3], $0x4000, $0x38;
	[tilespmem:$0x1D200] =	vst v63  }
0x2e: {  	_ =	swait.ge [sflag:s19], $0x4000  }
0x2f: {  	[sflag:s19] =	ssyncset.done $0x0  }
0x30: {  	[sflag:s19] =	ssyncadd.s32 $0xFFFFC000  }
0x31: {  	[spmem:s13] =	stream.linear.scatter [tilespmem:s20], [sflag:$0x3], $0x4000, $0x38;
	[tilespmem:$0x1D200] =	vst v63  }
0x32: {  	_ =	swait.ge [sflag:s19], $0x4000  }
0x33: {  	[sflag:s19] =	ssyncset.done $0x0  }
0x34: {  	[sflag:s19] =	ssyncadd.s32 $0xFFFFC000  }
0x35: {  	[spmem:s14] =	stream.linear.scatter [tilespmem:s20], [sflag:$0x3], $0x4000, $0x38;
	[tilespmem:$0x1D200] =	vst v63  }
0x36: {  	_ =	swait.ge [sflag:s19], $0x4000  }
0x37: {  	[sflag:s19] =	ssyncset.done $0x0  }
0x38: {  	[sflag:s19] =	ssyncadd.s32 $0xFFFFC000  }
0x39: {  	s30 =	simm.s32 $0x0;
	[bflag:$0x0] =	sbarrier.arrive $0xFFFF  }
.LBB2_4:
0x3a: {  	s0 =	smul.u32 $0x50, s30;
	_ =	sdelay $0x1  }
0x3b: {  	s0 =	sadd.s32 s15, s0  }
0x3c: {  	s0 =	sshrl.u32 s0, $0x3  }
0x3d: {  	s1 =	sadd.s32 s7, s0  }
0x3e: {  	[tilespmem:s29], [sflag:$0x3] =	stream.linear.gather [hbm4b:s1+s29], $0x50, $0x38;
	[tilespmem:$0x1D200] =	vst v63  }
0x3f: {  	_ =	swait.ge [sflag:s19], $0x50  }
0x40: {  	[sflag:s19] =	ssyncset.done $0x0  }
0x41: {  	s18 =	sadd.s32 s8, s0;
	[sflag:s19] =	ssyncadd.s32 $0xFFFFFFB0  }
0x42: {  	[tilespmem:s21], [sflag:$0x3] =	stream.linear.gather [hbm4b:s18+s29], $0x50, $0x38;
	[tilespmem:$0x1D200] =	vst v63  }
0x43: {  	_ =	swait.ge [sflag:s19], $0x50  }
0x44: {  	[sflag:s19] =	ssyncset.done $0x0  }
0x45: {  	s18 =	sadd.s32 s9, s0;
	s0 =	simm.s32 $0x100;
	[sflag:s19] =	ssyncadd.s32 $0xFFFFFFB0  }
0x46: {  	[tilespmem:s0], [sflag:$0x3] =	stream.linear.gather [hbm4b:s18+s29], $0x50, $0x38;
	[tilespmem:$0x1D200] =	vst v63  }
0x47: {  	_ =	swait.ge [sflag:s19], $0x50  }
0x48: {  	[sflag:s19] =	ssyncset.done $0x0  }
0x49: {  	[sflag:s19] =	ssyncadd.s32 $0xFFFFFFB0  }
0x4a: {  	[tilespmem:s23], [sflag:$0x1] =	stream.indirect.gather [hbm4b:s5+s22], $0x80, s29, s22, $0xb8;
	[tilespmem:$0x1D200] =	vst v63  }
0x4b: {  	_ = 	snop  }
0x4c: {  	[tilespmem:s24], [sflag:$0x2] =	stream.indirect.gather [hbm4b:s6+s22], $0x80, s21, s22, $0xb8;
	[tilespmem:$0x1D200] =	vst v63  }
0x4d: {  	_ =	swait.ge [sflag:s25], $0x2800  }
0x4e: {  	[sflag:s25] =	ssyncset.done $0x0  }
0x4f: {  	[sflag:s25] =	ssyncadd.s32 $0xFFFFD800  }
0x50: {  	_ =	swait.ge [sflag:s26], $0x2800  }
0x51: {  	[sflag:s26] =	ssyncset.done $0x0  }
0x52: {  	s31 =	simm.s32 $0x0;
	[sflag:s26] =	ssyncadd.s32 $0xFFFFD800  }
0x53: {  	v2 =	vld [tilespmem:s31+$0x2980]  }
0x54: {  	v3 =	vld [tilespmem:s31+$0x180]  }
0x55: {  	s1 =	simm.s32 $0x200;
	v1 =	vld.msk [tilespmem:s0+$0x0 ss:$0x0], $0xffff  }
.LBB2_5:
0x56: {  	p0 =	sne.s32 s1, $0x9E00;
	v4 =	vld [tilespmem:$0x5180];
	_ =	sdelay $0x4  }
0x57: {  	v2 =	vadd.f32 v2, v3;
	v3 =	vmul.f32 v4, v1;
	_ =	sdelay $0x1  }
0x58: {  	v2 =	vadd.f32 v3, v2;
	_ =	sdelay $0x1  }
0x59: {  	v3 =	vsub.f32 $0.0e+00, v2;
	_ =	sdelay $0x1  }
0x5a: {  	v3 =	vmul.f32 $1.442695020e+00, v3;
	_ =	sdelay $0x1  }
0x5b: {  	(erf) = vpow2.f32 v3;
	_ =	sdelay $0x8  }
0x5c: {  	v3 =	vpop (erf)  }
0x5d: {  	v3 =	vadd.f32 $1.000000000e+00, v3;
	_ =	sdelay $0x1  }
0x5e: {  	(erf) = vrcp.f32 v3;
	_ =	sdelay $0x8  }
0x5f: {  	v3 =	vpop (erf)  }
0x60: {  	v2 =	vmul.f32 v3, v2  }
0x61: {  	v3 =	vld [tilespmem:s31+$0x2990]  }
0x62: {  	[tilespmem:s31+$0x180] =	vst v2;
	v2 =	vld [tilespmem:s31+$0x190]  }
0x63: {  	v4 =	vld [tilespmem:$0x5190];
	_ =	sdelay $0x4  }
0x64: {  	v2 =	vadd.f32 v3, v2;
	v3 =	vmul.f32 v4, v1;
	_ =	sdelay $0x1  }
0x65: {  	v2 =	vadd.f32 v3, v2;
	_ =	sdelay $0x1  }
0x66: {  	v3 =	vsub.f32 $0.0e+00, v2;
	_ =	sdelay $0x1  }
0x67: {  	v3 =	vmul.f32 $1.442695020e+00, v3;
	_ =	sdelay $0x1  }
0x68: {  	(erf) = vpow2.f32 v3;
	_ =	sdelay $0x8  }
0x69: {  	v3 =	vpop (erf)  }
0x6a: {  	v3 =	vadd.f32 $1.000000000e+00, v3;
	_ =	sdelay $0x1  }
0x6b: {  	(erf) = vrcp.f32 v3;
	_ =	sdelay $0x8  }
0x6c: {  	v3 =	vpop (erf)  }
0x6d: {  	v2 =	vmul.f32 v3, v2  }
0x6e: {  	v3 =	vld [tilespmem:s31+$0x29A0]  }
0x6f: {  	[tilespmem:s31+$0x190] =	vst v2;
	v2 =	vld [tilespmem:s31+$0x1A0]  }
0x70: {  	v4 =	vld [tilespmem:$0x51A0];
	_ =	sdelay $0x4  }
0x71: {  	v2 =	vadd.f32 v3, v2;
	v3 =	vmul.f32 v4, v1;
	_ =	sdelay $0x1  }
0x72: {  	v2 =	vadd.f32 v3, v2;
	_ =	sdelay $0x1  }
0x73: {  	v3 =	vsub.f32 $0.0e+00, v2;
	_ =	sdelay $0x1  }
0x74: {  	v3 =	vmul.f32 $1.442695020e+00, v3;
	_ =	sdelay $0x1  }
0x75: {  	(erf) = vpow2.f32 v3;
	_ =	sdelay $0x8  }
0x76: {  	v3 =	vpop (erf)  }
0x77: {  	v3 =	vadd.f32 $1.000000000e+00, v3;
	_ =	sdelay $0x1  }
0x78: {  	(erf) = vrcp.f32 v3;
	_ =	sdelay $0x8  }
0x79: {  	v3 =	vpop (erf)  }
0x7a: {  	v2 =	vmul.f32 v3, v2  }
0x7b: {  	v3 =	vld [tilespmem:s31+$0x29B0]  }
0x7c: {  	[tilespmem:s31+$0x1A0] =	vst v2;
	v2 =	vld [tilespmem:s31+$0x1B0]  }
0x7d: {  	v4 =	vld [tilespmem:$0x51B0];
	_ =	sdelay $0x4  }
0x7e: {  	v2 =	vadd.f32 v3, v2;
	v3 =	vmul.f32 v4, v1;
	_ =	sdelay $0x1  }
0x7f: {  	v2 =	vadd.f32 v3, v2;
	_ =	sdelay $0x1  }
0x80: {  	v3 =	vsub.f32 $0.0e+00, v2;
	_ =	sdelay $0x1  }
0x81: {  	v3 =	vmul.f32 $1.442695020e+00, v3;
	_ =	sdelay $0x1  }
0x82: {  	(erf) = vpow2.f32 v3;
	_ =	sdelay $0x8  }
0x83: {  	v3 =	vpop (erf)  }
0x84: {  	v3 =	vadd.f32 $1.000000000e+00, v3;
	_ =	sdelay $0x1  }
0x85: {  	(erf) = vrcp.f32 v3;
	_ =	sdelay $0x8  }
0x86: {  	v3 =	vpop (erf)  }
0x87: {  	v2 =	vmul.f32 v3, v2  }
0x88: {  	v3 =	vld [tilespmem:s31+$0x29C0]  }
0x89: {  	[tilespmem:s31+$0x1B0] =	vst v2;
	v2 =	vld [tilespmem:s31+$0x1C0]  }
0x8a: {  	v4 =	vld [tilespmem:$0x51C0];
	_ =	sdelay $0x4  }
0x8b: {  	v2 =	vadd.f32 v3, v2;
	v3 =	vmul.f32 v4, v1;
	_ =	sdelay $0x1  }
0x8c: {  	v2 =	vadd.f32 v3, v2;
	_ =	sdelay $0x1  }
0x8d: {  	v3 =	vsub.f32 $0.0e+00, v2;
	_ =	sdelay $0x1  }
0x8e: {  	v3 =	vmul.f32 $1.442695020e+00, v3;
	_ =	sdelay $0x1  }
0x8f: {  	(erf) = vpow2.f32 v3;
	_ =	sdelay $0x8  }
0x90: {  	v3 =	vpop (erf)  }
0x91: {  	v3 =	vadd.f32 $1.000000000e+00, v3;
	_ =	sdelay $0x1  }
0x92: {  	(erf) = vrcp.f32 v3;
	_ =	sdelay $0x8  }
0x93: {  	v3 =	vpop (erf)  }
0x94: {  	v2 =	vmul.f32 v3, v2  }
0x95: {  	v3 =	vld [tilespmem:s31+$0x29D0]  }
0x96: {  	[tilespmem:s31+$0x1C0] =	vst v2;
	v2 =	vld [tilespmem:s31+$0x1D0]  }
0x97: {  	v4 =	vld [tilespmem:$0x51D0];
	_ =	sdelay $0x4  }
0x98: {  	v2 =	vadd.f32 v3, v2;
	v3 =	vmul.f32 v4, v1;
	_ =	sdelay $0x1  }
0x99: {  	v2 =	vadd.f32 v3, v2;
	_ =	sdelay $0x1  }
0x9a: {  	v3 =	vsub.f32 $0.0e+00, v2;
	_ =	sdelay $0x1  }
0x9b: {  	v3 =	vmul.f32 $1.442695020e+00, v3;
	_ =	sdelay $0x1  }
0x9c: {  	(erf) = vpow2.f32 v3;
	_ =	sdelay $0x8  }
0x9d: {  	v3 =	vpop (erf)  }
0x9e: {  	v3 =	vadd.f32 $1.000000000e+00, v3;
	_ =	sdelay $0x1  }
0x9f: {  	(erf) = vrcp.f32 v3;
	_ =	sdelay $0x8  }
0xa0: {  	v3 =	vpop (erf)  }
0xa1: {  	v2 =	vmul.f32 v3, v2  }
0xa2: {  	v3 =	vld [tilespmem:s31+$0x29E0]  }
0xa3: {  	[tilespmem:s31+$0x1D0] =	vst v2;
	v2 =	vld [tilespmem:s31+$0x1E0]  }
0xa4: {  	v4 =	vld [tilespmem:$0x51E0];
	_ =	sdelay $0x4  }
0xa5: {  	v2 =	vadd.f32 v3, v2;
	v3 =	vmul.f32 v4, v1;
	_ =	sdelay $0x1  }
0xa6: {  	v2 =	vadd.f32 v3, v2;
	_ =	sdelay $0x1  }
0xa7: {  	v3 =	vsub.f32 $0.0e+00, v2;
	_ =	sdelay $0x1  }
0xa8: {  	v3 =	vmul.f32 $1.442695020e+00, v3;
	_ =	sdelay $0x1  }
0xa9: {  	(erf) = vpow2.f32 v3;
	_ =	sdelay $0x8  }
0xaa: {  	v3 =	vpop (erf)  }
0xab: {  	v3 =	vadd.f32 $1.000000000e+00, v3;
	_ =	sdelay $0x1  }
0xac: {  	(erf) = vrcp.f32 v3;
	_ =	sdelay $0x8  }
0xad: {  	v3 =	vpop (erf)  }
0xae: {  	v2 =	vmul.f32 v3, v2  }
0xaf: {  	v3 =	vld [tilespmem:s31+$0x29F0]  }
0xb0: {  	[tilespmem:s31+$0x1E0] =	vst v2;
	v2 =	vld [tilespmem:s31+$0x1F0]  }
0xb1: {  	v4 =	vld [tilespmem:$0x51F0];
	_ =	sdelay $0x4  }
0xb2: {  	v2 =	vadd.f32 v3, v2;
	v1 =	vmul.f32 v4, v1;
	_ =	sdelay $0x1  }
0xb3: {  	v1 =	vadd.f32 v1, v2;
	_ =	sdelay $0x1  }
0xb4: {  	v2 =	vsub.f32 $0.0e+00, v1;
	_ =	sdelay $0x1  }
0xb5: {  	v2 =	vmul.f32 $1.442695020e+00, v2;
	_ =	sdelay $0x1  }
0xb6: {  	(erf) = vpow2.f32 v2;
	_ =	sdelay $0x8  }
0xb7: {  	v2 =	vpop (erf)  }
0xb8: {  	v2 =	vadd.f32 $1.000000000e+00, v2;
	_ =	sdelay $0x1  }
0xb9: {  	(erf) = vrcp.f32 v2;
	_ =	sdelay $0x8  }
.Ltmp1:
0xba: {  	v2 =	vpop (erf);
	(pc) =	sbr.rel @p0 .LBB2_5-.Ltmp1, $4  }
0xbb: {  	s18 =	sshra.s32 s1, $0x2;
	v1 =	vmul.f32 v2, v1  }
0xbc: {  	v2 =	vld [tilespmem:s18+$0x2980]  }
0xbd: {  	s0 =	sadd.s32 $0x1, s0;
	v3 =	vld [tilespmem:s18+$0x180];
	[tilespmem:s31+$0x1F0] =	vst v1;
	s31 =	smov.u32 s18  }
0xbe: {  	s1 =	sadd.s32 $0x200, s1;
	v1 =	vld.msk [tilespmem:s0+$0x0 ss:$0x0], $0xffff  }
0xbf: {  	v4 =	vld [tilespmem:$0x5180];
	_ =	sdelay $0x4  }
0xc0: {  	v2 =	vadd.f32 v2, v3;
	v3 =	vmul.f32 v4, v1;
	_ =	sdelay $0x1  }
0xc1: {  	v2 =	vadd.f32 v3, v2;
	_ =	sdelay $0x1  }
0xc2: {  	v3 =	vsub.f32 $0.0e+00, v2;
	_ =	sdelay $0x1  }
0xc3: {  	v3 =	vmul.f32 $1.442695020e+00, v3;
	_ =	sdelay $0x1  }
0xc4: {  	(erf) = vpow2.f32 v3;
	_ =	sdelay $0x8  }
0xc5: {  	v3 =	vpop (erf)  }
0xc6: {  	v3 =	vadd.f32 $1.000000000e+00, v3;
	_ =	sdelay $0x1  }
0xc7: {  	(erf) = vrcp.f32 v3;
	_ =	sdelay $0x8  }
0xc8: {  	v3 =	vpop (erf)  }
0xc9: {  	v2 =	vmul.f32 v3, v2  }
0xca: {  	v3 =	vld [tilespmem:s31+$0x2990]  }
0xcb: {  	[tilespmem:s31+$0x180] =	vst v2;
	v2 =	vld [tilespmem:s31+$0x190]  }
0xcc: {  	v57 =	vld [tilespmem:$0x5190];
	_ =	sdelay $0x4  }
0xcd: {  	v2 =	vadd.f32 v3, v2;
	v3 =	vmul.f32 v57, v1;
	_ =	sdelay $0x1  }
0xce: {  	v2 =	vadd.f32 v3, v2;
	_ =	sdelay $0x1  }
0xcf: {  	v3 =	vsub.f32 $0.0e+00, v2;
	_ =	sdelay $0x1  }
0xd0: {  	v3 =	vmul.f32 $1.442695020e+00, v3;
	_ =	sdelay $0x1  }
0xd1: {  	(erf) = vpow2.f32 v3;
	_ =	sdelay $0x8  }
0xd2: {  	v3 =	vpop (erf)  }
0xd3: {  	v3 =	vadd.f32 $1.000000000e+00, v3;
	_ =	sdelay $0x1  }
0xd4: {  	(erf) = vrcp.f32 v3;
	_ =	sdelay $0x8  }
0xd5: {  	v3 =	vpop (erf)  }
0xd6: {  	v2 =	vmul.f32 v3, v2  }
0xd7: {  	v3 =	vld [tilespmem:s31+$0x29A0]  }
0xd8: {  	[tilespmem:s31+$0x190] =	vst v2;
	v2 =	vld [tilespmem:s31+$0x1A0]  }
0xd9: {  	v58 =	vld [tilespmem:$0x51A0];
	_ =	sdelay $0x4  }
0xda: {  	v2 =	vadd.f32 v3, v2;
	v3 =	vmul.f32 v58, v1;
	_ =	sdelay $0x1  }
0xdb: {  	v2 =	vadd.f32 v3, v2;
	_ =	sdelay $0x1  }
0xdc: {  	v3 =	vsub.f32 $0.0e+00, v2;
	_ =	sdelay $0x1  }
0xdd: {  	v3 =	vmul.f32 $1.442695020e+00, v3;
	_ =	sdelay $0x1  }
0xde: {  	(erf) = vpow2.f32 v3;
	_ =	sdelay $0x8  }
0xdf: {  	v3 =	vpop (erf)  }
0xe0: {  	v3 =	vadd.f32 $1.000000000e+00, v3;
	_ =	sdelay $0x1  }
0xe1: {  	(erf) = vrcp.f32 v3;
	_ =	sdelay $0x8  }
0xe2: {  	v3 =	vpop (erf)  }
0xe3: {  	v2 =	vmul.f32 v3, v2  }
0xe4: {  	v3 =	vld [tilespmem:s31+$0x29B0]  }
0xe5: {  	[tilespmem:s31+$0x1A0] =	vst v2;
	v2 =	vld [tilespmem:s31+$0x1B0]  }
0xe6: {  	v59 =	vld [tilespmem:$0x51B0];
	_ =	sdelay $0x4  }
0xe7: {  	v2 =	vadd.f32 v3, v2;
	v3 =	vmul.f32 v59, v1;
	_ =	sdelay $0x1  }
0xe8: {  	v2 =	vadd.f32 v3, v2;
	_ =	sdelay $0x1  }
0xe9: {  	v3 =	vsub.f32 $0.0e+00, v2;
	_ =	sdelay $0x1  }
0xea: {  	v3 =	vmul.f32 $1.442695020e+00, v3;
	_ =	sdelay $0x1  }
0xeb: {  	(erf) = vpow2.f32 v3;
	_ =	sdelay $0x8  }
0xec: {  	v3 =	vpop (erf)  }
0xed: {  	v3 =	vadd.f32 $1.000000000e+00, v3;
	_ =	sdelay $0x1  }
0xee: {  	(erf) = vrcp.f32 v3;
	_ =	sdelay $0x8  }
0xef: {  	v3 =	vpop (erf)  }
0xf0: {  	v2 =	vmul.f32 v3, v2  }
0xf1: {  	v3 =	vld [tilespmem:s31+$0x29C0]  }
0xf2: {  	[tilespmem:s31+$0x1B0] =	vst v2;
	v2 =	vld [tilespmem:s31+$0x1C0]  }
0xf3: {  	v60 =	vld [tilespmem:$0x51C0];
	_ =	sdelay $0x4  }
0xf4: {  	v2 =	vadd.f32 v3, v2;
	v3 =	vmul.f32 v60, v1;
	_ =	sdelay $0x1  }
0xf5: {  	v2 =	vadd.f32 v3, v2;
	_ =	sdelay $0x1  }
0xf6: {  	v3 =	vsub.f32 $0.0e+00, v2;
	_ =	sdelay $0x1  }
0xf7: {  	v3 =	vmul.f32 $1.442695020e+00, v3;
	_ =	sdelay $0x1  }
0xf8: {  	(erf) = vpow2.f32 v3;
	_ =	sdelay $0x8  }
0xf9: {  	v3 =	vpop (erf)  }
0xfa: {  	v3 =	vadd.f32 $1.000000000e+00, v3;
	_ =	sdelay $0x1  }
0xfb: {  	(erf) = vrcp.f32 v3;
	_ =	sdelay $0x8  }
0xfc: {  	v3 =	vpop (erf)  }
0xfd: {  	v2 =	vmul.f32 v3, v2  }
0xfe: {  	v3 =	vld [tilespmem:s31+$0x29D0]  }
0xff: {  	[tilespmem:s31+$0x1C0] =	vst v2;
	v2 =	vld [tilespmem:s31+$0x1D0]  }
0x100: {  	v61 =	vld [tilespmem:$0x51D0];
	_ =	sdelay $0x4  }
0x101: {  	v2 =	vadd.f32 v3, v2;
	v3 =	vmul.f32 v61, v1;
	_ =	sdelay $0x1  }
0x102: {  	v2 =	vadd.f32 v3, v2;
	_ =	sdelay $0x1  }
0x103: {  	v3 =	vsub.f32 $0.0e+00, v2;
	_ =	sdelay $0x1  }
0x104: {  	v3 =	vmul.f32 $1.442695020e+00, v3;
	_ =	sdelay $0x1  }
0x105: {  	(erf) = vpow2.f32 v3;
	_ =	sdelay $0x8  }
0x106: {  	v3 =	vpop (erf)  }
0x107: {  	v3 =	vadd.f32 $1.000000000e+00, v3;
	_ =	sdelay $0x1  }
0x108: {  	(erf) = vrcp.f32 v3;
	_ =	sdelay $0x8  }
0x109: {  	v3 =	vpop (erf)  }
0x10a: {  	v2 =	vmul.f32 v3, v2  }
0x10b: {  	v3 =	vld [tilespmem:s31+$0x29E0]  }
0x10c: {  	[tilespmem:s31+$0x1D0] =	vst v2;
	v2 =	vld [tilespmem:s31+$0x1E0]  }
0x10d: {  	v62 =	vld [tilespmem:$0x51E0];
	_ =	sdelay $0x4  }
0x10e: {  	v2 =	vadd.f32 v3, v2;
	v3 =	vmul.f32 v62, v1;
	_ =	sdelay $0x1  }
0x10f: {  	v2 =	vadd.f32 v3, v2;
	_ =	sdelay $0x1  }
0x110: {  	v3 =	vsub.f32 $0.0e+00, v2;
	_ =	sdelay $0x1  }
0x111: {  	v3 =	vmul.f32 $1.442695020e+00, v3;
	_ =	sdelay $0x1  }
0x112: {  	(erf) = vpow2.f32 v3;
	_ =	sdelay $0x8  }
0x113: {  	v3 =	vpop (erf)  }
0x114: {  	v3 =	vadd.f32 $1.000000000e+00, v3;
	_ =	sdelay $0x1  }
0x115: {  	(erf) = vrcp.f32 v3;
	_ =	sdelay $0x8  }
0x116: {  	v3 =	vpop (erf)  }
0x117: {  	v2 =	vmul.f32 v3, v2  }
0x118: {  	v3 =	vld [tilespmem:s31+$0x29F0]  }
0x119: {  	[tilespmem:s31+$0x1E0] =	vst v2;
	v2 =	vld [tilespmem:s31+$0x1F0]  }
0x11a: {  	v63 =	vld [tilespmem:$0x51F0];
	_ =	sdelay $0x4  }
0x11b: {  	v2 =	vadd.f32 v3, v2;
	v1 =	vmul.f32 v63, v1;
	_ =	sdelay $0x1  }
0x11c: {  	v1 =	vadd.f32 v1, v2;
	_ =	sdelay $0x1  }
0x11d: {  	v2 =	vsub.f32 $0.0e+00, v1;
	_ =	sdelay $0x1  }
0x11e: {  	v2 =	vmul.f32 $1.442695020e+00, v2;
	_ =	sdelay $0x1  }
0x11f: {  	(erf) = vpow2.f32 v2;
	_ =	sdelay $0x8  }
0x120: {  	v2 =	vpop (erf)  }
0x121: {  	v2 =	vadd.f32 $1.000000000e+00, v2;
	_ =	sdelay $0x1  }
0x122: {  	(erf) = vrcp.f32 v2;
	_ =	sdelay $0x8  }
0x123: {  	v2 =	vpop (erf)  }
0x124: {  	s30 =	sadd.s32 $0x1, s30;
	v1 =	vmul.f32 v2, v1  }
0x125: {  	p0 =	sne.s32 s30, $0x7D  }
.Ltmp2:
0x126: {  	[tilespmem:s31+$0x1F0] =	vst v1;
	(pc) =	sbr.rel @p0 .LBB2_4-.Ltmp2, $4  }
0x127: {  	[spmem:s2] =	stream.indirect.scatter.add.f32 [tilespmem:s23], [sflag:$0x3], $0x80, s4, s22, $0xb8;
	[tilespmem:$0x1D200] =	vst v63  }
0x128: {  	_ =	swait.ge [sflag:s19], $0x2800  }
0x129: {  	[sflag:s19] =	ssyncset.done $0x0  }
0x12a: {  	[sflag:s19] =	ssyncadd.s32 $0xFFFFD800  }
0x12b: {  	s28 =	sadd.s32 $0x1, s28  }
0x12c: {  	s0 =	sshll.u32 s3, $0x6;
	[bflag:$0x0] =	sbarrier.arrive $0xFFFF;
	p0 =	sne.s32 s28, s17  }
.Ltmp3:
0x12d: {  	s1 =	sshrl.u32 s10, $0x3;
	s0 =	sor.u32 $0x1C03, s0;
	(pc) =	sbr.rel @p0 .LBB2_1-.Ltmp3, $4  }
0x12e: {  	[hbm:s16], [sflag:s0] =	dma.local [spmem:s1], $0x2800  }
0x12f: {  	_ =	swait.ge [sflag:s19], $0x2800  }
0x130: {  	[sflag:s19] =	ssyncset.done $0x0  }
0x131: {  	[sflag:s19] =	ssyncadd.s32 $0xFFFFD800  }
0x132: {  	_ =	sfence.sel $0x180000  }
0x133: {  	[bflag:$0x0] =	sbarrier.arrive $0xFFFF  }
0x134: {  	_ =	strace $0x90000050  }
0x135: {  	[bflag:$0x2] =	sbarrier.arrive $0xFFFF  }
0x136: {  	p0 =	sne.s32 s3, $0x0;
	s0 =	rddreg [dreg:$0x3]  }
0x137: {  	s0 =	sadd.s32 @!p0 $0x100000, s0  }
0x138: {  	[sflag:s0] =	ssyncadd.tile.s32 @!p0 $0x1;
	_ =	shalt  }
.Lfunc_end2:
_tile_overlayer_lowered:
.L_overlay_start_2:
0x139: {  	(tag) =	ssettag $0x2  }
0x13a: {  	s0 =	rddreg [dreg:$0x0];
	s2 =	stileid.u32  }
0x13b: {  	s1 =	rddreg [dreg:$0x1];
	p0 =	sne.s32 s2, $0x0  }
0x13c: {  	s3 =	rddreg [dreg:$0x2];
	[bflag:$0x3] =	sbarrier.arrive $0xFFFF;
	s2 =	simm.s32 @!p0 $0x1C03  }
0x13d: {  	[timem:s3], [sflag:s2] =	dma.local @!p0 [hbm:s0], s1  }
0x13e: {  	s0 =	simm.s32 @!p0 $0x3  }
0x13f: {  	_ =	swait.ge @!p0 [sflag:s0], s1  }
0x140: {  	s1 =	ssub.s32 @!p0 $0x0, s1;
	[sflag:s0] =	ssyncset.done @!p0 $0x0  }
0x141: {  	[sflag:s0] =	ssyncadd.s32 @!p0 s1  }
0x142: {  	[bflag:$0x3] =	sbarrier.arrive $0xFFFF  }
0x143: {  	_ =	shalt  }

// kernel: kernel.25.cloned.1.call-start
scs
__scs_entry_jumppad:
0x0: {  	(pc) =	sbr.rel $0x88, $3  }
0x1: {  	(tag) =	ssettag $0x0;
	lr =	simm.s32 $0x1  }
0x2: {  	[smem:$0x3F5A] =	sst lr;
	_ =	strace $0xD0000000  }
0x3: {  	_ = 	snop  }
0x4: {  	_ = 	snop  }
0x5: {  	_ = 	snop  }
0x6: {  	_ = 	snop  }
0x7: {  	_ = 	snop  }
__scs_overlays_trampoline_lowered:
0x8: {  	[smem:$0x3F69] =	sst s0  }
0x9: {  	[smem:$0x3F6A] =	sst s1  }
0xa: {  	[smem:$0x3F6B] =	sst s2  }
0xb: {  	[smem:$0x3F6C] =	sst s3  }
0xc: {  	[smem:$0x3F6D] =	sst s4  }
0xd: {  	[smem:$0x3F6E] =	sst s5  }
0xe: {  	[smem:$0x3F6F] =	sst s6  }
0xf: {  	[smem:$0x3F70] =	sst s7  }
0x10: {  	[smem:$0x3F71] =	sst s8  }
0x11: {  	[smem:$0x3F72] =	sst s9;
	s0 =	simm.s32 @!p0 $0x0  }
0x12: {  	s1 =	sld [smem:$0x3F58];
	s0 =	simm.s32 @p0 $0x1  }
0x13: {  	[smem:$0x3F73] =	sst s0;
	s0 =	simm.s32 @!p1 $0x0  }
0x14: {  	s2 =	sld [smem:$0x3F57];
	s0 =	simm.s32 @p1 $0x1  }
0x15: {  	[smem:$0x3F74] =	sst s0;
	s0 =	simm.s32 @!p2 $0x0  }
0x16: {  	s3 =	sld [smem:$0x3FDB];
	s0 =	simm.s32 @p2 $0x1  }
0x17: {  	s4 =	simm.s32 $0x1BF5;
	[smem:$0x3F76] =	sst s0  }
0x18: {  	s0 =	sld [smem:$0x3F59];
	_ =	swait.ge [sflag:s4], $0x0  }
0x19: {  	s7 =	sld [smem:$0x3F5A]  }
0x1a: {  	s8 =	sadd.s32 $0xFFFFE003, lr  }
0x1b: {  	s9 =	sadd.s32 $0xFFFFFEF7, lr;
	s5 =	simm.s32 $0xFFFFFFFF;
	p2 =	slt.u32 s8, $0xFFFFF086  }
0x1c: {  	p1 =	slt.u32 s9, $0xF7A;
	s5 =	simm.s32 @!p2 $0x0  }
0x1d: {  	s5 =	simm.s32 @p1 $0x1;
	p0 =	seq.s32 s7, s2  }
0x1e: {  	s7 =	smul.u32 @!p0 $0xF7A, s2;
	p2 =	seq.s32 @!p0 s5, $0x0  }
0x1f: {  	s9 =	smul.u32 $0xF7A, s1;
	s8 =	simm.s32 @!p0 $0x1BF5;
	p2 =	por !p2, p0  }
0x20: {  	[sflag:s8] =	ssyncset.s32 @!p0 $0xFFFFF086;
	s6 =	sadd.s32 @!p0 s3, s7;
	s7 =	simm.s32 @!p0 $0x108  }
0x21: {  	s3 =	sadd.s32 s3, s9;
	s6 =	sadd.s32 @!p0 $0x88, s6;
	s7 =	simm.s32 @p2 $0x1082  }
0x22: {  	[simem:s7], [sflag:s8] =	dma.local @!p0 [hbm:s6], $0xF7A  }
0x23: {  	s9 =	sor.u32 $0xD0000000, s2;
	s6 =	simm.s32 $0x108;
	_ =	swait.ge @!p0 [sflag:s8], $0x0  }
0x24: {  	s3 =	sadd.s32 $0x88, s3;
	s6 =	simm.s32 @!p1 $0x1082;
	[sflag:s4] =	ssyncset.s32 $0xFFFFF086  }
0x25: {  	[simem:s6], [sflag:s4] =	dma.local [hbm:s3], $0xF7A  }
0x26: {  	[smem:$0x3F5A] =	sst s1;
	(tag) =	ssettag s2;
	_ =	strace s9  }
0x27: {  	s1 =	sld [smem:$0x3F6A]  }
0x28: {  	s2 =	sld [smem:$0x3F6B]  }
0x29: {  	s4 =	sld [smem:$0x3F6D]  }
0x2a: {  	p0 =	seq.s32 s5, $0x0;
	s5 =	sld [smem:$0x3F6E]  }
0x2b: {  	s6 =	sld [smem:$0x3F6F]  }
0x2c: {  	s7 =	sld [smem:$0x3F70]  }
0x2d: {  	s3 =	simm.s32 $0x108;
	s8 =	sld [smem:$0x3F71]  }
0x2e: {  	s3 =	simm.s32 @!p0 $0x1082;
	s9 =	sld [smem:$0x3F72]  }
0x2f: {  	lr =	sadd.s32 s0, s3;
	s0 =	sld [smem:$0x3F69]  }
0x30: {  	s3 =	sld [smem:$0x3F6C]  }
0x31: {  	[smem:$0x3F75] =	sst s10  }
0x32: {  	s10 =	sld [smem:$0x3F73];
	_ =	sdelay $0x3  }
0x33: {  	p0 =	seq.s32 s10, $0x1;
	s10 =	sld [smem:$0x3F75];
	_ =	sdelay $0x3  }
0x34: {  	[smem:$0x3F75] =	sst s10  }
0x35: {  	s10 =	sld [smem:$0x3F74];
	_ =	sdelay $0x3  }
0x36: {  	p1 =	seq.s32 s10, $0x1;
	s10 =	sld [smem:$0x3F75];
	_ =	sdelay $0x3  }
0x37: {  	[smem:$0x3F75] =	sst s10  }
0x38: {  	s10 =	sld [smem:$0x3F76]  }
0x39: {  	_ = 	snop;
	(pc) =	sbr.ind lr, $3  }
0x3a: {  	_ = 	snop  }
0x3b: {  	_ = 	snop  }
0x3c: {  	p2 =	seq.s32 s10, $0x1;
	s10 =	sld [smem:$0x3F75]  }
0x3d: {  	_ =	shalt  }
0x3e: {  	_ =	shalt  }
0x3f: {  	_ =	shalt  }
0x40: {  	_ =	shalt  }
0x41: {  	_ =	shalt  }
0x42: {  	_ =	shalt  }
0x43: {  	_ =	shalt  }
0x44: {  	_ =	shalt  }
0x45: {  	_ =	shalt  }
0x46: {  	_ =	shalt  }
0x47: {  	_ =	shalt  }
0x48: {  	_ =	shalt  }
0x49: {  	_ =	shalt  }
0x4a: {  	_ =	shalt  }
0x4b: {  	_ =	shalt  }
0x4c: {  	_ =	shalt  }
0x4d: {  	_ =	shalt  }
0x4e: {  	_ =	shalt  }
0x4f: {  	_ =	shalt  }
0x50: {  	_ =	shalt  }
0x51: {  	_ =	shalt  }
0x52: {  	_ =	shalt  }
0x53: {  	_ =	shalt  }
0x54: {  	_ =	shalt  }
0x55: {  	_ =	shalt  }
0x56: {  	_ =	shalt  }
0x57: {  	_ =	shalt  }
0x58: {  	_ =	shalt  }
0x59: {  	_ =	shalt  }
0x5a: {  	_ =	shalt  }
0x5b: {  	_ =	shalt  }
0x5c: {  	_ =	shalt  }
0x5d: {  	_ =	shalt  }
0x5e: {  	_ =	shalt  }
0x5f: {  	_ =	shalt  }
0x60: {  	_ =	shalt  }
0x61: {  	_ =	shalt  }
0x62: {  	_ =	shalt  }
0x63: {  	_ =	shalt  }
0x64: {  	_ =	shalt  }
0x65: {  	_ =	shalt  }
0x66: {  	_ =	shalt  }
0x67: {  	_ =	shalt  }
0x68: {  	_ =	shalt  }
0x69: {  	_ =	shalt  }
0x6a: {  	_ =	shalt  }
0x6b: {  	_ =	shalt  }
0x6c: {  	_ =	shalt  }
0x6d: {  	_ =	shalt  }
0x6e: {  	_ =	shalt  }
0x6f: {  	_ =	shalt  }
0x70: {  	_ =	shalt  }
0x71: {  	_ =	shalt  }
0x72: {  	_ =	shalt  }
0x73: {  	_ =	shalt  }
0x74: {  	_ =	shalt  }
0x75: {  	_ =	shalt  }
0x76: {  	_ =	shalt  }
0x77: {  	_ =	shalt  }
0x78: {  	_ =	shalt  }
0x79: {  	_ =	shalt  }
0x7a: {  	_ =	shalt  }
0x7b: {  	_ =	shalt  }
0x7c: {  	_ =	shalt  }
0x7d: {  	_ =	shalt  }
0x7e: {  	_ =	shalt  }
0x7f: {  	_ =	shalt  }
0x80: {  	_ =	shalt  }
0x81: {  	_ =	shalt  }
0x82: {  	_ =	shalt  }
0x83: {  	_ =	shalt  }
0x84: {  	_ =	shalt  }
0x85: {  	_ =	shalt  }
0x86: {  	_ =	shalt  }
0x87: {  	_ =	shalt  }
.Lfunc_end0:
.L_simem_size_0:
called_computation.4_lowered:
.L_overlay_start_0:
0x88: {  	s2 =	sld [smem:$0x3FD9]  }
0x89: {  	s3 =	sld [smem:$0x3FFE];
	_ =	sdelay $0x1  }
0x8a: {  	s1 =	srdreg.scid  }
0x8b: {  	s0 =	sand.u32 $0x1, s1  }
0x8c: {  	s14 =	sshll.u32 s0, $0xA;
	s2 =	sadd.s32 s3, s2  }
0x8d: {  	s2 =	sadd.s32 s2, s14  }
0x8e: {  	[smem:$0x3F81] =	sst s2  }
0x8f: {  	_ = 	snop  }
0x90: {  	s2 =	sld [smem:$0x3FD0];
	_ =	sdelay $0x2  }
0x91: {  	s15 =	simm.s32 $0xA;
	s4 =	simm.s32 $0x10  }
0x92: {  	[smem:s4], [sflag:s15] =	dma.local [hbm:s2], $0x1  }
0x93: {  	_ =	swait.eq [sflag:s15], $0x1  }
0x94: {  	[sflag:s15] =	ssyncset.done $0x0  }
0x95: {  	[sflag:s15] =	ssyncadd.s32 $0xFFFFFFFF  }
0x96: {  	s16 =	sld [smem:$0x10];
	(tm) =	ssettm $0x1  }
0x97: {  	s17 =	sld [smem:$0x3FFB];
	_ =	sdelay $0x3  }
0x98: {  	_ =	strace s17  }
0x99: {  	s3 =	sld [smem:$0x3FFC];
	_ =	sdelay $0x3  }
0x9a: {  	_ =	strace s3  }
0x9b: {  	s3 =	sld [smem:$0x3FFD];
	_ =	sdelay $0x3  }
0x9c: {  	_ =	strace s3  }
0x9d: {  	_ =	strace $0x8FFFFFFF  }
0x9e: {  	s18 =	sld [smem:$0x3FDB];
	_ =	sdelay $0x1  }
0x9f: {  	s19 =	simm.s32 $_scs_section_size  }
0xa0: {  	s5 =	simm.s32 $_size__tile_overlayer_lowered;
	s6 =	simm.s32 $_tile_overlayer_lowered  }
0xa1: {  	s22 =	simm.s32 $0x1BFF;
	s21 =	sshll.u32 s6, $0x1;
	s3 =	sadd.s32 s19, s18  }
0xa2: {  	s7 =	simm.s32 $0x0;
	s20 =	sshll.u32 s5, $0x1;
	s5 =	sadd.s32 s21, s3  }
0xa3: {  	[timem:s7], [sflag:s22] =	dma.local [hbm:s5], s20  }
0xa4: {  	_ =	swait.ge [sflag:s22], s20  }
0xa5: {  	s4 =	ssub.s32 $0x0, s20;
	[sflag:s22] =	ssyncset.done $0x0  }
0xa6: {  	[sflag:s22] =	ssyncadd.s32 s4;
	_ =	sdelay $0x1  }
0xa7: {  	s23 =	simm.s32 $0x1B8B  }
0xa8: {  	_ =	swait.ge [sflag:s23], $0x1  }
0xa9: {  	[sflag:s23] =	ssyncset.done $0x0  }
0xaa: {  	s25 =	simm.s32 $0x1B8E;
	s24 =	sld [smem:$0x3FFE];
	[sflag:s23] =	ssyncadd.s32 $0xFFFFFFFF  }
0xab: {  	s26 =	simm.s32 $execute0_lowered;
	[smem:$0x3FD2] =	sst s25  }
0xac: {  	s5 =	sshll.u32 s26, $0x1;
	_ =	strace $0x80000052;
	[dreg:$0x1] =	wrdreg $0xFFFFFFFF  }
0xad: {  	s28 =	simm.s32 $_size_execute0_lowered;
	s3 =	sadd.s32 s3, s5;
	[dreg:$0x0] =	wrdreg $0x0  }
0xae: {  	s5 =	sshll.u32 s28, $0x1;
	[dreg:$0x2] =	wrdreg s3  }
0xaf: {  	[dreg:$0x3] =	wrdreg s5  }
0xb0: {  	[dreg:$0x4] =	wrdreg $0xC0  }
0xb1: {  	_ =	task [dreg:s7], $0x5FFFF  }
0xb2: {  	[dreg:$0x1] =	wrdreg $0xFFFFFFFF  }
0xb3: {  	[dreg:$0x0] =	wrdreg $0x60  }
0xb4: {  	[dreg:$0x2] =	wrdreg s24  }
0xb5: {  	[dreg:$0x3] =	wrdreg s16  }
0xb6: {  	[dreg:$0x4] =	wrdreg $0x92000  }
0xb7: {  	[dreg:$0x5] =	wrdreg $0x9  }
0xb8: {  	_ =	task.clear_ibuf [dreg:s7], $0x6FFFF;
	_ =	strace $0x90000052  }
0xb9: {  	s29 =	simm.s32 $0x9;
	_ =	strace $0x80000054  }
0xba: {  	_ =	swait.ge [sflag:s29], $0x1  }
0xbb: {  	[sflag:s29] =	ssyncadd.s32 $0xFFFFFFFF  }
0xbc: {  	_ =	strace $0x90000054  }
0xbd: {  	_ =	sfence  }
0xbe: {  	s30 =	sld [smem:$0x0];
	_ =	sdelay $0x2  }
0xbf: {  	s31 =	sshll.u32 s1, $0xD;
	s1 =	sshrl.u32 s1, $0x2  }
0xc0: {  	s3 =	sand.u32 $0x4000, s31;
	s1 =	sadd.s32 s1, s30  }
0xc1: {  	s0 =	sor.u32 s3, s0;
	s1 =	sshll.u32 s1, $0x11  }
0xc2: {  	s0 =	sor.u32 s1, s0  }
0xc3: {  	s0 =	sadd.s32 $0x8F2B, s0  }
0xc4: {  	[sflag:s0] =	ssyncadd.remote.s32 $0x1  }
0xc5: {  	_ =	sfence.sel $0xFFFF  }
0xc6: {  	[dreg:$0x0] =	wrdreg $0xFFFFFFFF;
	(pc) =	sbr.abs _section_cstart, $3  }
0xc7: {  	[dreg:$0x1] =	wrdreg $0xFFFFFFFF  }
0xc8: {  	_ =	task.clear_ibuf [dreg:s7], $0x2FFFF;
	_ =	strace $0x9FFFFFFF  }
0xc9: {  	(tm) =	ssettm $0x7FFFFFFF  }
tec
execute0_lowered:
.L_overlay_start_1:
0x0: {  	(tag) =	ssettag $0x1  }
0x1: {  	s0 =	rddreg [dreg:$0x0]  }
0x2: {  	s2 =	rddreg [dreg:$0x2];
	s4 =	simm.s32 $0x0;
	s1 =	srdreg.scid  }
0x3: {  	s3 =	stileid.u32;
	s19 =	simm.s32 $0x3;
	s20 =	simm.s32 $0x5200  }
0x4: {  	s21 =	simm.s32 $0x80;
	s22 =	simm.s32 $0x50;
	s23 =	simm.s32 $0x180  }
0x5: {  	s24 =	simm.s32 $0x2980;
	s25 =	simm.s32 $0x1;
	s26 =	simm.s32 $0x2  }
0x6: {  	s28 =	simm.s32 $0x0;
	s29 =	simm.s32 $0x0;
	[smem:$0x7FF] =	sst s4  }
0x7: {  	s1 =	sand.u32 $0x1, s1;
	s10 =	smul.u32 $0x14000, s3;
	s5 =	sadd.s32 $0x2C600, s0  }
0x8: {  	s6 =	sadd.s32 $0x53800, s0;
	s7 =	sadd.s32 $0x17600, s0;
	s11 =	smul.u32 $0x50000, s3  }
0x9: {  	s8 =	sadd.s32 $0xD800, s0;
	s9 =	smul.u32 $0x140000, s1;
	s12 =	ssub.s32 $0x2, s1  }
0xa: {  	_ =	strace $0x80000053;
	s1 =	sshll.u32 s1, $0x4;
	s31 =	sshrl.u32 s12, $0x1  }
0xb: {  	s11 =	sshrl.u32 s11, $0x2;
	s1 =	sor.u32 s3, s1;
	s10 =	sadd.s32 s10, s9  }
0xc: {  	s9 =	sadd.s32 $0x22800, s0;
	s17 =	ssub.s32 s12, s31;
	s10 =	sshrl.u32 s10, $0x3  }
0xd: {  	s15 =	smul.u32 $0x2710, s1;
	s0 =	sadd.s32 s10, s0;
	s10 =	sadd.s32 s11, s2  }
0xe: {  	s17 =	smax.u32 s17, $0x1;
	s11 =	sadd.s32 $0x4000, s10;
	s12 =	sadd.s32 $0x8000, s10  }
0xf: {  	v0 =	vimm.f32 $0.0e+00;
	s13 =	sadd.s32 $0xC000, s10;
	s14 =	sadd.s32 $0x10000, s10;
	s16 =	sadd.s32 $0xA1C00, s0  }
.LBB2_1:
0x10: {  	s0 =	rddreg [dreg:$0x1];
	s1 =	simm.s32 $0x5180  }
0x11: {  	[tilespmem:s1], [sflag:$0x3] =	stream.linear.gather [hbm4b:s0+s4], $0x80, $0x38;
	[tilespmem:$0x1D200] =	vst v63  }
0x12: {  	_ =	swait.ge [sflag:s19], $0x80  }
0x13: {  	[sflag:s19] =	ssyncset.done $0x0  }
0x14: {  	s0 =	simm.s32 $0x0;
	s1 =	simm.s32 $0x200;
	[sflag:s19] =	ssyncadd.s32 $0xFFFFFF80  }
.LBB2_2:
0x15: {  	p0 =	sne.s32 s1, $0xFE00;
	[tilespmem:s0+$0x5270] =	vst v0  }
0x16: {  	[tilespmem:s0+$0x5200] =	vst v0  }
0x17: {  	[tilespmem:s0+$0x5210] =	vst v0  }
.Ltmp0:
0x18: {  	[tilespmem:s0+$0x5220] =	vst v0;
	(pc) =	sbr.rel @p0 .LBB2_2-.Ltmp0, $4  }
0x19: {  	[tilespmem:s0+$0x5230] =	vst v0  }
0x1a: {  	[tilespmem:s0+$0x5240] =	vst v0  }
0x1b: {  	[tilespmem:s0+$0x5250] =	vst v0  }
0x1c: {  	[tilespmem:s0+$0x5260] =	vst v0;
	s0 =	sshra.s32 s1, $0x2;
	s1 =	sadd.s32 $0x200, s1  }
0x1d: {  	[tilespmem:s0+$0x5270] =	vst v0  }
0x1e: {  	[tilespmem:s0+$0x5200] =	vst v0  }
0x1f: {  	[tilespmem:s0+$0x5210] =	vst v0  }
0x20: {  	[tilespmem:s0+$0x5220] =	vst v0  }
0x21: {  	[tilespmem:s0+$0x5230] =	vst v0  }
0x22: {  	[tilespmem:s0+$0x5240] =	vst v0  }
0x23: {  	[tilespmem:s0+$0x5250] =	vst v0  }
0x24: {  	[tilespmem:s0+$0x5260] =	vst v0  }
0x25: {  	[spmem:s10] =	stream.linear.scatter [tilespmem:s20], [sflag:$0x3], $0x4000, $0x38;
	[tilespmem:$0x1D200] =	vst v63  }
0x26: {  	_ =	swait.ge [sflag:s19], $0x4000  }
0x27: {  	[sflag:s19] =	ssyncset.done $0x0  }
0x28: {  	[sflag:s19] =	ssyncadd.s32 $0xFFFFC000  }
0x29: {  	[spmem:s11] =	stream.linear.scatter [tilespmem:s20], [sflag:$0x3], $0x4000, $0x38;
	[tilespmem:$0x1D200] =	vst v63  }
0x2a: {  	_ =	swait.ge [sflag:s19], $0x4000  }
0x2b: {  	[sflag:s19] =	ssyncset.done $0x0  }
0x2c: {  	[sflag:s19] =	ssyncadd.s32 $0xFFFFC000  }
0x2d: {  	[spmem:s12] =	stream.linear.scatter [tilespmem:s20], [sflag:$0x3], $0x4000, $0x38;
	[tilespmem:$0x1D200] =	vst v63  }
0x2e: {  	_ =	swait.ge [sflag:s19], $0x4000  }
0x2f: {  	[sflag:s19] =	ssyncset.done $0x0  }
0x30: {  	[sflag:s19] =	ssyncadd.s32 $0xFFFFC000  }
0x31: {  	[spmem:s13] =	stream.linear.scatter [tilespmem:s20], [sflag:$0x3], $0x4000, $0x38;
	[tilespmem:$0x1D200] =	vst v63  }
0x32: {  	_ =	swait.ge [sflag:s19], $0x4000  }
0x33: {  	[sflag:s19] =	ssyncset.done $0x0  }
0x34: {  	[sflag:s19] =	ssyncadd.s32 $0xFFFFC000  }
0x35: {  	[spmem:s14] =	stream.linear.scatter [tilespmem:s20], [sflag:$0x3], $0x4000, $0x38;
	[tilespmem:$0x1D200] =	vst v63  }
0x36: {  	_ =	swait.ge [sflag:s19], $0x4000  }
0x37: {  	[sflag:s19] =	ssyncset.done $0x0  }
0x38: {  	[sflag:s19] =	ssyncadd.s32 $0xFFFFC000  }
0x39: {  	s30 =	simm.s32 $0x0;
	[bflag:$0x0] =	sbarrier.arrive $0xFFFF  }
.LBB2_4:
0x3a: {  	s0 =	smul.u32 $0x50, s30;
	_ =	sdelay $0x1  }
0x3b: {  	s0 =	sadd.s32 s15, s0  }
0x3c: {  	s0 =	sshrl.u32 s0, $0x3  }
0x3d: {  	s1 =	sadd.s32 s7, s0  }
0x3e: {  	[tilespmem:s29], [sflag:$0x3] =	stream.linear.gather [hbm4b:s1+s29], $0x50, $0x38;
	[tilespmem:$0x1D200] =	vst v63  }
0x3f: {  	_ =	swait.ge [sflag:s19], $0x50  }
0x40: {  	[sflag:s19] =	ssyncset.done $0x0  }
0x41: {  	s18 =	sadd.s32 s8, s0;
	[sflag:s19] =	ssyncadd.s32 $0xFFFFFFB0  }
0x42: {  	[tilespmem:s21], [sflag:$0x3] =	stream.linear.gather [hbm4b:s18+s29], $0x50, $0x38;
	[tilespmem:$0x1D200] =	vst v63  }
0x43: {  	_ =	swait.ge [sflag:s19], $0x50  }
0x44: {  	[sflag:s19] =	ssyncset.done $0x0  }
0x45: {  	s18 =	sadd.s32 s9, s0;
	s0 =	simm.s32 $0x100;
	[sflag:s19] =	ssyncadd.s32 $0xFFFFFFB0  }
0x46: {  	[tilespmem:s0], [sflag:$0x3] =	stream.linear.gather [hbm4b:s18+s29], $0x50, $0x38;
	[tilespmem:$0x1D200] =	vst v63  }
0x47: {  	_ =	swait.ge [sflag:s19], $0x50  }
0x48: {  	[sflag:s19] =	ssyncset.done $0x0  }
0x49: {  	[sflag:s19] =	ssyncadd.s32 $0xFFFFFFB0  }
0x4a: {  	[tilespmem:s23], [sflag:$0x1] =	stream.indirect.gather [hbm4b:s5+s22], $0x80, s29, s22, $0xb8;
	[tilespmem:$0x1D200] =	vst v63  }
0x4b: {  	_ = 	snop  }
0x4c: {  	[tilespmem:s24], [sflag:$0x2] =	stream.indirect.gather [hbm4b:s6+s22], $0x80, s21, s22, $0xb8;
	[tilespmem:$0x1D200] =	vst v63  }
0x4d: {  	_ =	swait.ge [sflag:s25], $0x2800  }
0x4e: {  	[sflag:s25] =	ssyncset.done $0x0  }
0x4f: {  	[sflag:s25] =	ssyncadd.s32 $0xFFFFD800  }
0x50: {  	_ =	swait.ge [sflag:s26], $0x2800  }
0x51: {  	[sflag:s26] =	ssyncset.done $0x0  }
0x52: {  	s31 =	simm.s32 $0x0;
	[sflag:s26] =	ssyncadd.s32 $0xFFFFD800  }
0x53: {  	v2 =	vld [tilespmem:s31+$0x2980]  }
0x54: {  	v3 =	vld [tilespmem:s31+$0x180]  }
0x55: {  	s1 =	simm.s32 $0x200;
	v1 =	vld.msk [tilespmem:s0+$0x0 ss:$0x0], $0xffff  }
.LBB2_5:
0x56: {  	p0 =	sne.s32 s1, $0x9E00;
	v4 =	vld [tilespmem:$0x5180];
	_ =	sdelay $0x4  }
0x57: {  	v2 =	vadd.f32 v2, v3;
	v3 =	vmul.f32 v4, v1;
	_ =	sdelay $0x1  }
0x58: {  	v2 =	vadd.f32 v3, v2;
	_ =	sdelay $0x1  }
0x59: {  	v3 =	vsub.f32 $0.0e+00, v2;
	_ =	sdelay $0x1  }
0x5a: {  	v3 =	vmul.f32 $1.442695020e+00, v3;
	_ =	sdelay $0x1  }
0x5b: {  	(erf) = vpow2.f32 v3;
	_ =	sdelay $0x8  }
0x5c: {  	v3 =	vpop (erf)  }
0x5d: {  	v3 =	vadd.f32 $1.000000000e+00, v3;
	_ =	sdelay $0x1  }
0x5e: {  	(erf) = vrcp.f32 v3;
	_ =	sdelay $0x8  }
0x5f: {  	v3 =	vpop (erf)  }
0x60: {  	v2 =	vmul.f32 v3, v2  }
0x61: {  	v3 =	vld [tilespmem:s31+$0x2990]  }
0x62: {  	[tilespmem:s31+$0x180] =	vst v2;
	v2 =	vld [tilespmem:s31+$0x190]  }
0x63: {  	v4 =	vld [tilespmem:$0x5190];
	_ =	sdelay $0x4  }
0x64: {  	v2 =	vadd.f32 v3, v2;
	v3 =	vmul.f32 v4, v1;
	_ =	sdelay $0x1  }
0x65: {  	v2 =	vadd.f32 v3, v2;
	_ =	sdelay $0x1  }
0x66: {  	v3 =	vsub.f32 $0.0e+00, v2;
	_ =	sdelay $0x1  }
0x67: {  	v3 =	vmul.f32 $1.442695020e+00, v3;
	_ =	sdelay $0x1  }
0x68: {  	(erf) = vpow2.f32 v3;
	_ =	sdelay $0x8  }
0x69: {  	v3 =	vpop (erf)  }
0x6a: {  	v3 =	vadd.f32 $1.000000000e+00, v3;
	_ =	sdelay $0x1  }
0x6b: {  	(erf) = vrcp.f32 v3;
	_ =	sdelay $0x8  }
0x6c: {  	v3 =	vpop (erf)  }
0x6d: {  	v2 =	vmul.f32 v3, v2  }
0x6e: {  	v3 =	vld [tilespmem:s31+$0x29A0]  }
0x6f: {  	[tilespmem:s31+$0x190] =	vst v2;
	v2 =	vld [tilespmem:s31+$0x1A0]  }
0x70: {  	v4 =	vld [tilespmem:$0x51A0];
	_ =	sdelay $0x4  }
0x71: {  	v2 =	vadd.f32 v3, v2;
	v3 =	vmul.f32 v4, v1;
	_ =	sdelay $0x1  }
0x72: {  	v2 =	vadd.f32 v3, v2;
	_ =	sdelay $0x1  }
0x73: {  	v3 =	vsub.f32 $0.0e+00, v2;
	_ =	sdelay $0x1  }
0x74: {  	v3 =	vmul.f32 $1.442695020e+00, v3;
	_ =	sdelay $0x1  }
0x75: {  	(erf) = vpow2.f32 v3;
	_ =	sdelay $0x8  }
0x76: {  	v3 =	vpop (erf)  }
0x77: {  	v3 =	vadd.f32 $1.000000000e+00, v3;
	_ =	sdelay $0x1  }
0x78: {  	(erf) = vrcp.f32 v3;
	_ =	sdelay $0x8  }
0x79: {  	v3 =	vpop (erf)  }
0x7a: {  	v2 =	vmul.f32 v3, v2  }
0x7b: {  	v3 =	vld [tilespmem:s31+$0x29B0]  }
0x7c: {  	[tilespmem:s31+$0x1A0] =	vst v2;
	v2 =	vld [tilespmem:s31+$0x1B0]  }
0x7d: {  	v4 =	vld [tilespmem:$0x51B0];
	_ =	sdelay $0x4  }
0x7e: {  	v2 =	vadd.f32 v3, v2;
	v3 =	vmul.f32 v4, v1;
	_ =	sdelay $0x1  }
0x7f: {  	v2 =	vadd.f32 v3, v2;
	_ =	sdelay $0x1  }
0x80: {  	v3 =	vsub.f32 $0.0e+00, v2;
	_ =	sdelay $0x1  }
0x81: {  	v3 =	vmul.f32 $1.442695020e+00, v3;
	_ =	sdelay $0x1  }
0x82: {  	(erf) = vpow2.f32 v3;
	_ =	sdelay $0x8  }
0x83: {  	v3 =	vpop (erf)  }
0x84: {  	v3 =	vadd.f32 $1.000000000e+00, v3;
	_ =	sdelay $0x1  }
0x85: {  	(erf) = vrcp.f32 v3;
	_ =	sdelay $0x8  }
0x86: {  	v3 =	vpop (erf)  }
0x87: {  	v2 =	vmul.f32 v3, v2  }
0x88: {  	v3 =	vld [tilespmem:s31+$0x29C0]  }
0x89: {  	[tilespmem:s31+$0x1B0] =	vst v2;
	v2 =	vld [tilespmem:s31+$0x1C0]  }
0x8a: {  	v4 =	vld [tilespmem:$0x51C0];
	_ =	sdelay $0x4  }
0x8b: {  	v2 =	vadd.f32 v3, v2;
	v3 =	vmul.f32 v4, v1;
	_ =	sdelay $0x1  }
0x8c: {  	v2 =	vadd.f32 v3, v2;
	_ =	sdelay $0x1  }
0x8d: {  	v3 =	vsub.f32 $0.0e+00, v2;
	_ =	sdelay $0x1  }
0x8e: {  	v3 =	vmul.f32 $1.442695020e+00, v3;
	_ =	sdelay $0x1  }
0x8f: {  	(erf) = vpow2.f32 v3;
	_ =	sdelay $0x8  }
0x90: {  	v3 =	vpop (erf)  }
0x91: {  	v3 =	vadd.f32 $1.000000000e+00, v3;
	_ =	sdelay $0x1  }
0x92: {  	(erf) = vrcp.f32 v3;
	_ =	sdelay $0x8  }
0x93: {  	v3 =	vpop (erf)  }
0x94: {  	v2 =	vmul.f32 v3, v2  }
0x95: {  	v3 =	vld [tilespmem:s31+$0x29D0]  }
0x96: {  	[tilespmem:s31+$0x1C0] =	vst v2;
	v2 =	vld [tilespmem:s31+$0x1D0]  }
0x97: {  	v4 =	vld [tilespmem:$0x51D0];
	_ =	sdelay $0x4  }
0x98: {  	v2 =	vadd.f32 v3, v2;
	v3 =	vmul.f32 v4, v1;
	_ =	sdelay $0x1  }
0x99: {  	v2 =	vadd.f32 v3, v2;
	_ =	sdelay $0x1  }
0x9a: {  	v3 =	vsub.f32 $0.0e+00, v2;
	_ =	sdelay $0x1  }
0x9b: {  	v3 =	vmul.f32 $1.442695020e+00, v3;
	_ =	sdelay $0x1  }
0x9c: {  	(erf) = vpow2.f32 v3;
	_ =	sdelay $0x8  }
0x9d: {  	v3 =	vpop (erf)  }
0x9e: {  	v3 =	vadd.f32 $1.000000000e+00, v3;
	_ =	sdelay $0x1  }
0x9f: {  	(erf) = vrcp.f32 v3;
	_ =	sdelay $0x8  }
0xa0: {  	v3 =	vpop (erf)  }
0xa1: {  	v2 =	vmul.f32 v3, v2  }
0xa2: {  	v3 =	vld [tilespmem:s31+$0x29E0]  }
0xa3: {  	[tilespmem:s31+$0x1D0] =	vst v2;
	v2 =	vld [tilespmem:s31+$0x1E0]  }
0xa4: {  	v4 =	vld [tilespmem:$0x51E0];
	_ =	sdelay $0x4  }
0xa5: {  	v2 =	vadd.f32 v3, v2;
	v3 =	vmul.f32 v4, v1;
	_ =	sdelay $0x1  }
0xa6: {  	v2 =	vadd.f32 v3, v2;
	_ =	sdelay $0x1  }
0xa7: {  	v3 =	vsub.f32 $0.0e+00, v2;
	_ =	sdelay $0x1  }
0xa8: {  	v3 =	vmul.f32 $1.442695020e+00, v3;
	_ =	sdelay $0x1  }
0xa9: {  	(erf) = vpow2.f32 v3;
	_ =	sdelay $0x8  }
0xaa: {  	v3 =	vpop (erf)  }
0xab: {  	v3 =	vadd.f32 $1.000000000e+00, v3;
	_ =	sdelay $0x1  }
0xac: {  	(erf) = vrcp.f32 v3;
	_ =	sdelay $0x8  }
0xad: {  	v3 =	vpop (erf)  }
0xae: {  	v2 =	vmul.f32 v3, v2  }
0xaf: {  	v3 =	vld [tilespmem:s31+$0x29F0]  }
0xb0: {  	[tilespmem:s31+$0x1E0] =	vst v2;
	v2 =	vld [tilespmem:s31+$0x1F0]  }
0xb1: {  	v4 =	vld [tilespmem:$0x51F0];
	_ =	sdelay $0x4  }
0xb2: {  	v2 =	vadd.f32 v3, v2;
	v1 =	vmul.f32 v4, v1;
	_ =	sdelay $0x1  }
0xb3: {  	v1 =	vadd.f32 v1, v2;
	_ =	sdelay $0x1  }
0xb4: {  	v2 =	vsub.f32 $0.0e+00, v1;
	_ =	sdelay $0x1  }
0xb5: {  	v2 =	vmul.f32 $1.442695020e+00, v2;
	_ =	sdelay $0x1  }
0xb6: {  	(erf) = vpow2.f32 v2;
	_ =	sdelay $0x8  }
0xb7: {  	v2 =	vpop (erf)  }
0xb8: {  	v2 =	vadd.f32 $1.000000000e+00, v2;
	_ =	sdelay $0x1  }
0xb9: {  	(erf) = vrcp.f32 v2;
	_ =	sdelay $0x8  }
.Ltmp1:
0xba: {  	v2 =	vpop (erf);
	(pc) =	sbr.rel @p0 .LBB2_5-.Ltmp1, $4  }
0xbb: {  	s18 =	sshra.s32 s1, $0x2;
	v1 =	vmul.f32 v2, v1  }
0xbc: {  	v2 =	vld [tilespmem:s18+$0x2980]  }
0xbd: {  	s0 =	sadd.s32 $0x1, s0;
	v3 =	vld [tilespmem:s18+$0x180];
	[tilespmem:s31+$0x1F0] =	vst v1;
	s31 =	smov.u32 s18  }
0xbe: {  	s1 =	sadd.s32 $0x200, s1;
	v1 =	vld.msk [tilespmem:s0+$0x0 ss:$0x0], $0xffff  }
0xbf: {  	v4 =	vld [tilespmem:$0x5180];
	_ =	sdelay $0x4  }
0xc0: {  	v2 =	vadd.f32 v2, v3;
	v3 =	vmul.f32 v4, v1;
	_ =	sdelay $0x1  }
0xc1: {  	v2 =	vadd.f32 v3, v2;
	_ =	sdelay $0x1  }
0xc2: {  	v3 =	vsub.f32 $0.0e+00, v2;
	_ =	sdelay $0x1  }
0xc3: {  	v3 =	vmul.f32 $1.442695020e+00, v3;
	_ =	sdelay $0x1  }
0xc4: {  	(erf) = vpow2.f32 v3;
	_ =	sdelay $0x8  }
0xc5: {  	v3 =	vpop (erf)  }
0xc6: {  	v3 =	vadd.f32 $1.000000000e+00, v3;
	_ =	sdelay $0x1  }
0xc7: {  	(erf) = vrcp.f32 v3;
	_ =	sdelay $0x8  }
0xc8: {  	v3 =	vpop (erf)  }
0xc9: {  	v2 =	vmul.f32 v3, v2  }
0xca: {  	v3 =	vld [tilespmem:s31+$0x2990]  }
0xcb: {  	[tilespmem:s31+$0x180] =	vst v2;
	v2 =	vld [tilespmem:s31+$0x190]  }
0xcc: {  	v57 =	vld [tilespmem:$0x5190];
	_ =	sdelay $0x4  }
0xcd: {  	v2 =	vadd.f32 v3, v2;
	v3 =	vmul.f32 v57, v1;
	_ =	sdelay $0x1  }
0xce: {  	v2 =	vadd.f32 v3, v2;
	_ =	sdelay $0x1  }
0xcf: {  	v3 =	vsub.f32 $0.0e+00, v2;
	_ =	sdelay $0x1  }
0xd0: {  	v3 =	vmul.f32 $1.442695020e+00, v3;
	_ =	sdelay $0x1  }
0xd1: {  	(erf) = vpow2.f32 v3;
	_ =	sdelay $0x8  }
0xd2: {  	v3 =	vpop (erf)  }
0xd3: {  	v3 =	vadd.f32 $1.000000000e+00, v3;
	_ =	sdelay $0x1  }
0xd4: {  	(erf) = vrcp.f32 v3;
	_ =	sdelay $0x8  }
0xd5: {  	v3 =	vpop (erf)  }
0xd6: {  	v2 =	vmul.f32 v3, v2  }
0xd7: {  	v3 =	vld [tilespmem:s31+$0x29A0]  }
0xd8: {  	[tilespmem:s31+$0x190] =	vst v2;
	v2 =	vld [tilespmem:s31+$0x1A0]  }
0xd9: {  	v58 =	vld [tilespmem:$0x51A0];
	_ =	sdelay $0x4  }
0xda: {  	v2 =	vadd.f32 v3, v2;
	v3 =	vmul.f32 v58, v1;
	_ =	sdelay $0x1  }
0xdb: {  	v2 =	vadd.f32 v3, v2;
	_ =	sdelay $0x1  }
0xdc: {  	v3 =	vsub.f32 $0.0e+00, v2;
	_ =	sdelay $0x1  }
0xdd: {  	v3 =	vmul.f32 $1.442695020e+00, v3;
	_ =	sdelay $0x1  }
0xde: {  	(erf) = vpow2.f32 v3;
	_ =	sdelay $0x8  }
0xdf: {  	v3 =	vpop (erf)  }
0xe0: {  	v3 =	vadd.f32 $1.000000000e+00, v3;
	_ =	sdelay $0x1  }
0xe1: {  	(erf) = vrcp.f32 v3;
	_ =	sdelay $0x8  }
0xe2: {  	v3 =	vpop (erf)  }
0xe3: {  	v2 =	vmul.f32 v3, v2  }
0xe4: {  	v3 =	vld [tilespmem:s31+$0x29B0]  }
0xe5: {  	[tilespmem:s31+$0x1A0] =	vst v2;
	v2 =	vld [tilespmem:s31+$0x1B0]  }
0xe6: {  	v59 =	vld [tilespmem:$0x51B0];
	_ =	sdelay $0x4  }
0xe7: {  	v2 =	vadd.f32 v3, v2;
	v3 =	vmul.f32 v59, v1;
	_ =	sdelay $0x1  }
0xe8: {  	v2 =	vadd.f32 v3, v2;
	_ =	sdelay $0x1  }
0xe9: {  	v3 =	vsub.f32 $0.0e+00, v2;
	_ =	sdelay $0x1  }
0xea: {  	v3 =	vmul.f32 $1.442695020e+00, v3;
	_ =	sdelay $0x1  }
0xeb: {  	(erf) = vpow2.f32 v3;
	_ =	sdelay $0x8  }
0xec: {  	v3 =	vpop (erf)  }
0xed: {  	v3 =	vadd.f32 $1.000000000e+00, v3;
	_ =	sdelay $0x1  }
0xee: {  	(erf) = vrcp.f32 v3;
	_ =	sdelay $0x8  }
0xef: {  	v3 =	vpop (erf)  }
0xf0: {  	v2 =	vmul.f32 v3, v2  }
0xf1: {  	v3 =	vld [tilespmem:s31+$0x29C0]  }
0xf2: {  	[tilespmem:s31+$0x1B0] =	vst v2;
	v2 =	vld [tilespmem:s31+$0x1C0]  }
0xf3: {  	v60 =	vld [tilespmem:$0x51C0];
	_ =	sdelay $0x4  }
0xf4: {  	v2 =	vadd.f32 v3, v2;
	v3 =	vmul.f32 v60, v1;
	_ =	sdelay $0x1  }
0xf5: {  	v2 =	vadd.f32 v3, v2;
	_ =	sdelay $0x1  }
0xf6: {  	v3 =	vsub.f32 $0.0e+00, v2;
	_ =	sdelay $0x1  }
0xf7: {  	v3 =	vmul.f32 $1.442695020e+00, v3;
	_ =	sdelay $0x1  }
0xf8: {  	(erf) = vpow2.f32 v3;
	_ =	sdelay $0x8  }
0xf9: {  	v3 =	vpop (erf)  }
0xfa: {  	v3 =	vadd.f32 $1.000000000e+00, v3;
	_ =	sdelay $0x1  }
0xfb: {  	(erf) = vrcp.f32 v3;
	_ =	sdelay $0x8  }
0xfc: {  	v3 =	vpop (erf)  }
0xfd: {  	v2 =	vmul.f32 v3, v2  }
0xfe: {  	v3 =	vld [tilespmem:s31+$0x29D0]  }
0xff: {  	[tilespmem:s31+$0x1C0] =	vst v2;
	v2 =	vld [tilespmem:s31+$0x1D0]  }
0x100: {  	v61 =	vld [tilespmem:$0x51D0];
	_ =	sdelay $0x4  }
0x101: {  	v2 =	vadd.f32 v3, v2;
	v3 =	vmul.f32 v61, v1;
	_ =	sdelay $0x1  }
0x102: {  	v2 =	vadd.f32 v3, v2;
	_ =	sdelay $0x1  }
0x103: {  	v3 =	vsub.f32 $0.0e+00, v2;
	_ =	sdelay $0x1  }
0x104: {  	v3 =	vmul.f32 $1.442695020e+00, v3;
	_ =	sdelay $0x1  }
0x105: {  	(erf) = vpow2.f32 v3;
	_ =	sdelay $0x8  }
0x106: {  	v3 =	vpop (erf)  }
0x107: {  	v3 =	vadd.f32 $1.000000000e+00, v3;
	_ =	sdelay $0x1  }
0x108: {  	(erf) = vrcp.f32 v3;
	_ =	sdelay $0x8  }
0x109: {  	v3 =	vpop (erf)  }
0x10a: {  	v2 =	vmul.f32 v3, v2  }
0x10b: {  	v3 =	vld [tilespmem:s31+$0x29E0]  }
0x10c: {  	[tilespmem:s31+$0x1D0] =	vst v2;
	v2 =	vld [tilespmem:s31+$0x1E0]  }
0x10d: {  	v62 =	vld [tilespmem:$0x51E0];
	_ =	sdelay $0x4  }
0x10e: {  	v2 =	vadd.f32 v3, v2;
	v3 =	vmul.f32 v62, v1;
	_ =	sdelay $0x1  }
0x10f: {  	v2 =	vadd.f32 v3, v2;
	_ =	sdelay $0x1  }
0x110: {  	v3 =	vsub.f32 $0.0e+00, v2;
	_ =	sdelay $0x1  }
0x111: {  	v3 =	vmul.f32 $1.442695020e+00, v3;
	_ =	sdelay $0x1  }
0x112: {  	(erf) = vpow2.f32 v3;
	_ =	sdelay $0x8  }
0x113: {  	v3 =	vpop (erf)  }
0x114: {  	v3 =	vadd.f32 $1.000000000e+00, v3;
	_ =	sdelay $0x1  }
0x115: {  	(erf) = vrcp.f32 v3;
	_ =	sdelay $0x8  }
0x116: {  	v3 =	vpop (erf)  }
0x117: {  	v2 =	vmul.f32 v3, v2  }
0x118: {  	v3 =	vld [tilespmem:s31+$0x29F0]  }
0x119: {  	[tilespmem:s31+$0x1E0] =	vst v2;
	v2 =	vld [tilespmem:s31+$0x1F0]  }
0x11a: {  	v63 =	vld [tilespmem:$0x51F0];
	_ =	sdelay $0x4  }
0x11b: {  	v2 =	vadd.f32 v3, v2;
	v1 =	vmul.f32 v63, v1;
	_ =	sdelay $0x1  }
0x11c: {  	v1 =	vadd.f32 v1, v2;
	_ =	sdelay $0x1  }
0x11d: {  	v2 =	vsub.f32 $0.0e+00, v1;
	_ =	sdelay $0x1  }
0x11e: {  	v2 =	vmul.f32 $1.442695020e+00, v2;
	_ =	sdelay $0x1  }
0x11f: {  	(erf) = vpow2.f32 v2;
	_ =	sdelay $0x8  }
0x120: {  	v2 =	vpop (erf)  }
0x121: {  	v2 =	vadd.f32 $1.000000000e+00, v2;
	_ =	sdelay $0x1  }
0x122: {  	(erf) = vrcp.f32 v2;
	_ =	sdelay $0x8  }
0x123: {  	v2 =	vpop (erf)  }
0x124: {  	s30 =	sadd.s32 $0x1, s30;
	v1 =	vmul.f32 v2, v1  }
0x125: {  	p0 =	sne.s32 s30, $0x7D  }
.Ltmp2:
0x126: {  	[tilespmem:s31+$0x1F0] =	vst v1;
	(pc) =	sbr.rel @p0 .LBB2_4-.Ltmp2, $4  }
0x127: {  	[spmem:s2] =	stream.indirect.scatter.add.f32 [tilespmem:s23], [sflag:$0x3], $0x80, s4, s22, $0xb8;
	[tilespmem:$0x1D200] =	vst v63  }
0x128: {  	_ =	swait.ge [sflag:s19], $0x2800  }
0x129: {  	[sflag:s19] =	ssyncset.done $0x0  }
0x12a: {  	[sflag:s19] =	ssyncadd.s32 $0xFFFFD800  }
0x12b: {  	s28 =	sadd.s32 $0x1, s28  }
0x12c: {  	s0 =	sshll.u32 s3, $0x6;
	[bflag:$0x0] =	sbarrier.arrive $0xFFFF;
	p0 =	sne.s32 s28, s17  }
.Ltmp3:
0x12d: {  	s1 =	sshrl.u32 s10, $0x3;
	s0 =	sor.u32 $0x1C03, s0;
	(pc) =	sbr.rel @p0 .LBB2_1-.Ltmp3, $4  }
0x12e: {  	[hbm:s16], [sflag:s0] =	dma.local [spmem:s1], $0x2800  }
0x12f: {  	_ =	swait.ge [sflag:s19], $0x2800  }
0x130: {  	[sflag:s19] =	ssyncset.done $0x0  }
0x131: {  	[sflag:s19] =	ssyncadd.s32 $0xFFFFD800  }
0x132: {  	_ =	sfence.sel $0x180000  }
0x133: {  	[bflag:$0x0] =	sbarrier.arrive $0xFFFF  }
0x134: {  	_ =	strace $0x90000053  }
0x135: {  	[bflag:$0x2] =	sbarrier.arrive $0xFFFF  }
0x136: {  	p0 =	sne.s32 s3, $0x0;
	s0 =	rddreg [dreg:$0x3]  }
0x137: {  	s0 =	sadd.s32 @!p0 $0x100000, s0  }
0x138: {  	[sflag:s0] =	ssyncadd.tile.s32 @!p0 $0x1;
	_ =	shalt  }
.Lfunc_end2:
_tile_overlayer_lowered:
.L_overlay_start_2:
0x139: {  	(tag) =	ssettag $0x2  }
0x13a: {  	s0 =	rddreg [dreg:$0x0];
	s2 =	stileid.u32  }
0x13b: {  	s1 =	rddreg [dreg:$0x1];
	p0 =	sne.s32 s2, $0x0  }
0x13c: {  	s3 =	rddreg [dreg:$0x2];
	[bflag:$0x3] =	sbarrier.arrive $0xFFFF;
	s2 =	simm.s32 @!p0 $0x1C03  }
0x13d: {  	[timem:s3], [sflag:s2] =	dma.local @!p0 [hbm:s0], s1  }
0x13e: {  	s0 =	simm.s32 @!p0 $0x3  }
0x13f: {  	_ =	swait.ge @!p0 [sflag:s0], s1  }
0x140: {  	s1 =	ssub.s32 @!p0 $0x0, s1;
	[sflag:s0] =	ssyncset.done @!p0 $0x0  }
0x141: {  	[sflag:s0] =	ssyncadd.s32 @!p0 s1  }
0x142: {  	[bflag:$0x3] =	sbarrier.arrive $0xFFFF  }
0x143: {  	_ =	shalt  }

</sc_bundles>
